<compile_context>
chip_gen: v7x
topology: tpu7x:2x2x1
jax: 0.10.2.dev20260603
libtpu: 0.0.44.dev20260713+nightly
codegen_flags: <defaults>
</compile_context>

<pallas_src>
import functools

import jax
import jax.numpy as jnp
from jax import lax
from jax.experimental import pallas as pl
from jax.experimental.pallas import tpu as pltpu
from jax.experimental.pallas import tpu_sc as plsc

N_NODES = 10000
D = 128
NC = 2
NS = 16
CHUNK = 128
CPW0 = 120
CPW1 = 40
E0 = NS * CPW0 * CHUNK
E1 = NS * CPW1 * CHUNK
E_PAD = E0 + E1
ACC_ROWS = 10112
ROWS_PER_TILE = ACC_ROWS // NS
PAD_DST = N_NODES

BM = 1000


def _seg_sum_sc(h, packed4):
    mesh = plsc.VectorSubcoreMesh(core_axis_name="c", subcore_axis_name="s")

    @functools.partial(
        pl.kernel,
        out_type=jax.ShapeDtypeStruct((NC, ACC_ROWS, D), jnp.float32),
        mesh=mesh,
        scratch_types=[
            pltpu.VMEM((CPW0, CHUNK), jnp.int32),
            pltpu.VMEM((CHUNK,), jnp.int32),
            pltpu.VMEM((CHUNK,), jnp.int32),
            pltpu.VMEM((CHUNK,), jnp.int32),
            pltpu.VMEM((CHUNK,), jnp.int32),
            pltpu.VMEM((CHUNK, D), jnp.float32),
            pltpu.VMEM((CHUNK, D), jnp.float32),
            pltpu.VMEM_SHARED((ACC_ROWS, D), jnp.float32),
            pltpu.SemaphoreType.DMA,
            pltpu.SemaphoreType.DMA,
        ],
    )
    def k(h_hbm, packed_hbm, out_hbm, packed_v, sbuf0, sbuf1, dbuf0, dbuf1,
          msg0, msg1, acc, sem0, sem1):
        cid = lax.axis_index("c")
        sid = lax.axis_index("s")
        nchunks = jnp.where(cid == 0, CPW0, CPW1)
        last = nchunks - 1

        pltpu.sync_copy(packed_hbm.at[cid].at[sid], packed_v)

        zero = jnp.zeros((16,), jnp.float32)

        def zrow(i, carry):
            for j in range(D // 16):
                msg0[i, pl.ds(j * 16, 16)] = zero
            return carry

        lax.fori_loop(0, CHUNK, zrow, 0)
        base = sid * ROWS_PER_TILE
        parts = []
        off = 0
        while off < ROWS_PER_TILE:
            ln = min(CHUNK, ROWS_PER_TILE - off)
            parts.append((off, ln))
            off += ln
        for off, ln in parts:
            pltpu.async_copy(msg0.at[pl.ds(0, ln)],
                             acc.at[pl.ds(base + off, ln)], sem0)
        for off, ln in parts:
            pltpu.make_async_copy(msg0.at[pl.ds(0, ln)],
                                  acc.at[pl.ds(base + off, ln)],
                                  sem0).wait()
        plsc.subcore_barrier()

        def unpack(c, sbuf, dbuf):
            for j in range(CHUNK // 16):
                v = packed_v[c, pl.ds(j * 16, 16)]
                sbuf[pl.ds(j * 16, 16)] = lax.bitwise_and(v, 0xFFFF)
                dbuf[pl.ds(j * 16, 16)] = lax.shift_right_logical(v, 16)

        unpack(0, sbuf0, dbuf0)
        pltpu.async_copy(h_hbm.at[sbuf0], msg0, sem0)
        unpack(jnp.minimum(1, last), sbuf1, dbuf1)
        pltpu.async_copy(h_hbm.at[sbuf1], msg1, sem1)

        def body(i, carry):
            c = i * 2
            pltpu.make_async_copy(h_hbm.at[sbuf0], msg0, sem0).wait()
            pltpu.sync_copy(msg0, acc.at[dbuf0], add=True)
            unpack(jnp.minimum(c + 2, last), sbuf0, dbuf0)
            pltpu.async_copy(h_hbm.at[sbuf0], msg0, sem0)
            pltpu.make_async_copy(h_hbm.at[sbuf1], msg1, sem1).wait()
            pltpu.sync_copy(msg1, acc.at[dbuf1], add=True)
            unpack(jnp.minimum(c + 3, last), sbuf1, dbuf1)
            pltpu.async_copy(h_hbm.at[sbuf1], msg1, sem1)
            return carry

        lax.fori_loop(0, nchunks // 2, body, 0)
        pltpu.make_async_copy(h_hbm.at[sbuf0], msg0, sem0).wait()
        pltpu.make_async_copy(h_hbm.at[sbuf1], msg1, sem1).wait()
        plsc.subcore_barrier()

        my_out = out_hbm.at[cid]
        msgs = (msg0, msg1)
        sems = (sem0, sem1)
        for q, (off, ln) in enumerate(parts):
            m = q % 2
            if q >= 2:
                poff, pln = parts[q - 2]
                pltpu.make_async_copy(
                    msgs[m].at[pl.ds(0, pln)],
                    my_out.at[pl.ds(base + poff, pln)], sems[m]).wait()
            pltpu.sync_copy(acc.at[pl.ds(base + off, ln)],
                            msgs[m].at[pl.ds(0, ln)])
            pltpu.async_copy(msgs[m].at[pl.ds(0, ln)],
                             my_out.at[pl.ds(base + off, ln)], sems[m])
        nparts = len(parts)
        for q in range(max(0, nparts - 2), nparts):
            off, ln = parts[q]
            pltpu.make_async_copy(msgs[q % 2].at[pl.ds(0, ln)],
                                  my_out.at[pl.ds(base + off, ln)],
                                  sems[q % 2]).wait()

    return k(h, packed4)


def _mm(x, W):
    M = x.shape[0]

    def kfn(x_ref, w_ref, o_ref):
        o_ref[...] = jnp.dot(x_ref[...], w_ref[...],
                             preferred_element_type=jnp.float32)

    return pl.pallas_call(
        kfn,
        grid=(M // BM,),
        in_specs=[pl.BlockSpec((BM, D), lambda i: (i, 0)),
                  pl.BlockSpec((D, D), lambda i: (0, 0))],
        out_specs=pl.BlockSpec((BM, D), lambda i: (i, 0)),
        out_shape=jax.ShapeDtypeStruct((M, D), jnp.float32),
    )(x, W)


def _comb_mm(acc, b2d, W):

    def kfn(a0_ref, a1_ref, b_ref, w_ref, o_ref):
        h = jnp.maximum(a0_ref[0] + a1_ref[0] + b_ref[...], 0.0)
        o_ref[...] = jnp.dot(h, w_ref[...],
                             preferred_element_type=jnp.float32)

    return pl.pallas_call(
        kfn,
        grid=(N_NODES // BM,),
        in_specs=[pl.BlockSpec((1, BM, D), lambda i: (0, i, 0)),
                  pl.BlockSpec((1, BM, D), lambda i: (1, i, 0)),
                  pl.BlockSpec((1, D), lambda i: (0, 0)),
                  pl.BlockSpec((D, D), lambda i: (0, 0))],
        out_specs=pl.BlockSpec((BM, D), lambda i: (i, 0)),
        out_shape=jax.ShapeDtypeStruct((N_NODES, D), jnp.float32),
    )(acc, acc, b2d, W)


def _comb(acc, b2d):

    def kfn(a0_ref, a1_ref, b_ref, o_ref):
        o_ref[...] = jnp.maximum(a0_ref[0] + a1_ref[0] + b_ref[...], 0.0)

    return pl.pallas_call(
        kfn,
        grid=(N_NODES // BM,),
        in_specs=[pl.BlockSpec((1, BM, D), lambda i: (0, i, 0)),
                  pl.BlockSpec((1, BM, D), lambda i: (1, i, 0)),
                  pl.BlockSpec((1, D), lambda i: (0, 0))],
        out_specs=pl.BlockSpec((BM, D), lambda i: (i, 0)),
        out_shape=jax.ShapeDtypeStruct((N_NODES, D), jnp.float32),
    )(acc, acc, b2d)


def kernel(x, edge_index, W1, b1, W2, b2):
    src = edge_index[0].astype(jnp.int32)
    dst = edge_index[1].astype(jnp.int32)
    n_edges = src.shape[0]
    pad = E_PAD - n_edges
    packed = jnp.bitwise_or(jnp.left_shift(dst, 16), src)
    packed = jnp.concatenate(
        [packed, jnp.full((pad,), PAD_DST << 16, jnp.int32)])
    p0 = packed[:E0].reshape(NS, CPW0, CHUNK)
    p1 = packed[E0:].reshape(NS, CPW1, CHUNK)
    p1 = jnp.pad(p1, ((0, 0), (0, CPW0 - CPW1), (0, 0)),
                 constant_values=PAD_DST << 16)
    packed4 = jnp.stack([p0, p1])
    b1r = b1.reshape(1, D)
    b2r = b2.reshape(1, D)

    h1 = _mm(x, W1)
    acc1 = _seg_sum_sc(h1, packed4)
    h2 = _comb_mm(acc1, b1r, W2)
    acc2 = _seg_sum_sc(h2, packed4)
    return _comb(acc2, b2r)

# --- scband reference (transcript-rebuilt; emitter-appended) ---
"""Pipeline reference for scband-gcnencoder-19928648254210 (READ-ONLY COPY).

The authoritative reference and input builder live on the scoring server;
editing this copy changes nothing except your own understanding.
"""

import jax, jax.numpy as jnp
import numpy as np

N_NODES = 10000
N_EDGES = 320000
D_IN = 128
D_HID = 128


def setup_inputs(seed: int = 0) -> dict:
    key = jax.random.key(seed)
    k1, k2, k3, k4 = jax.random.split(key, 4)
    x = jax.random.normal(k1, (N_NODES, D_IN), dtype=jnp.float32)
    edge_index = jax.random.randint(k2, (2, N_EDGES), 0, N_NODES).astype(jnp.int64)
    # GCNConv (normalize=False) params per layer: lin weight (no bias in lin) + separate bias
    W1 = jax.random.normal(k3, (D_IN, D_HID), dtype=jnp.float32) * (1.0 / np.sqrt(D_IN))
    b1 = jnp.zeros((D_HID,), dtype=jnp.float32)
    W2 = jax.random.normal(k4, (D_HID, D_HID), dtype=jnp.float32) * (1.0 / np.sqrt(D_HID))
    b2 = jnp.zeros((D_HID,), dtype=jnp.float32)
    return {"x": x, "edge_index": edge_index, "W1": W1, "b1": b1, "W2": W2, "b2": b2}


def _gcn_layer(h, edge_index, W, b):
    # GCNConv with normalize=False: linear transform, sum-aggregate messages from src to dst, add bias
    h = h @ W
    src = edge_index[0]
    dst = edge_index[1]
    msg = jnp.take(h, src, axis=0)
    agg = jax.ops.segment_sum(msg, dst, num_segments=h.shape[0])
    return agg + b


def reference(x, edge_index, W1, b1, W2, b2):
    # dropout p=0.0 -> identity
    h = _gcn_layer(x, edge_index, W1, b1)
    h = jax.nn.relu(h)
    h = _gcn_layer(h, edge_index, W2, b2)
    h = jax.nn.relu(h)
    return h

if __name__ == "__main__":
    import jax
    _d = setup_inputs()
    print(jax.jit(kernel)(*tuple(_d.values())))

</pallas_src>

<mosaic_0001>
#map = affine_map<(d0, d1) -> (0, 0)>
#map1 = affine_map<(d0, d1) -> (0, 0, 0, 0)>
#map2 = affine_map<(d0, d1) -> (0, 0, 0)>
module attributes {stable_mosaic.version = 14 : i64} {
  func.func @k(%arg0: i32, %arg1: i32, %arg2: memref<10000x128xf32, #tpu.memory_space<hbm>>, %arg3: memref<2x16x120x128xi32, #tpu.memory_space<hbm>>, %arg4: memref<2x10112x128xf32, #tpu.memory_space<hbm>>, %arg5: memref<120x128xi32, #tpu.memory_space<vmem>>, %arg6: memref<128xi32, #tpu.memory_space<vmem>>, %arg7: memref<128xi32, #tpu.memory_space<vmem>>, %arg8: memref<128xi32, #tpu.memory_space<vmem>>, %arg9: memref<128xi32, #tpu.memory_space<vmem>>, %arg10: memref<128x128xf32, #tpu.memory_space<vmem>>, %arg11: memref<128x128xf32, #tpu.memory_space<vmem>>, %arg12: memref<10112x128xf32, #tpu.memory_space<vmem_shared>>, %arg13: memref<!tpu.dma_semaphore, #tpu.memory_space<semaphore_mem>>, %arg14: memref<!tpu.dma_semaphore, #tpu.memory_space<semaphore_mem>>) attributes {dimension_semantics = [#tpu.dimension_semantics<core_parallel>, #tpu.dimension_semantics<subcore_parallel>], iteration_bounds = array<i64: 2, 16>, scalar_prefetch = 0 : i64, scratch_operands = 10 : i64, tpu.core_type = #tpu.core_type<sc_vector_subcore>, window_params = [{transform_indices = #map}, {transform_indices = #map1}, {transform_indices = #map2}]} {
    %eq3A = arith.constant 0 : i32
    %eq3A_0 = arith.cmpi eq, %arg0, %eq3A : i32
    %jit3A = arith.constant 120 : i32
    %jit3A_1 = arith.constant 40 : i32
    %select_n3A = arith.select %eq3A_0, %jit3A, %jit3A_1 : i32
    %sub3A = arith.constant 1 : i32
    %sub3A_2 = arith.subi %select_n3A, %sub3A : i32
    "tpu.region"() ({
      %run_scoped3A = tpu.sem_alloc : memref<!tpu.dma_semaphore, #tpu.memory_space<semaphore_mem>>
      %dma_start3A_672 = arith.constant 0 : i32
      %dma_start3A_673 = arith.constant 0 : i32
      %dma_start3A_674 = arith.constant 0 : i32
      %dma_start3A_675 = tpu.memref_slice %arg3[%arg0, %dma_start3A_672, %dma_start3A_673, %dma_start3A_674] : memref<2x16x120x128xi32, #tpu.memory_space<hbm>> -> memref<1x16x120x128xi32, #tpu.memory_space<hbm>>
      %dma_start3A_676 = tpu.memref_squeeze %dma_start3A_675 : memref<1x16x120x128xi32, #tpu.memory_space<hbm>> -> memref<16x120x128xi32, #tpu.memory_space<hbm>>
      %dma_start3A_677 = arith.constant 0 : i32
      %dma_start3A_678 = arith.constant 0 : i32
      %dma_start3A_679 = tpu.memref_slice %dma_start3A_676[%arg1, %dma_start3A_677, %dma_start3A_678] : memref<16x120x128xi32, #tpu.memory_space<hbm>> -> memref<1x120x128xi32, #tpu.memory_space<hbm>>
      %dma_start3A_680 = tpu.memref_squeeze %dma_start3A_679 : memref<1x120x128xi32, #tpu.memory_space<hbm>> -> memref<120x128xi32, #tpu.memory_space<hbm>>
      %dma_start3A_681 = arith.constant 0 : i32
      %dma_start3A_682 = arith.constant 0 : i32
      %dma_start3A_683 = arith.constant 0 : i32
      %dma_start3A_684 = tpu.memref_slice %arg3[%arg0, %dma_start3A_681, %dma_start3A_682, %dma_start3A_683] : memref<2x16x120x128xi32, #tpu.memory_space<hbm>> -> memref<1x16x120x128xi32, #tpu.memory_space<hbm>>
      %dma_start3A_685 = tpu.memref_squeeze %dma_start3A_684 : memref<1x16x120x128xi32, #tpu.memory_space<hbm>> -> memref<16x120x128xi32, #tpu.memory_space<hbm>>
      %dma_start3A_686 = arith.constant 0 : i32
      %dma_start3A_687 = arith.constant 0 : i32
      %dma_start3A_688 = tpu.memref_slice %dma_start3A_685[%arg1, %dma_start3A_686, %dma_start3A_687] : memref<16x120x128xi32, #tpu.memory_space<hbm>> -> memref<1x120x128xi32, #tpu.memory_space<hbm>>
      %dma_start3A_689 = tpu.memref_squeeze %dma_start3A_688 : memref<1x120x128xi32, #tpu.memory_space<hbm>> -> memref<120x128xi32, #tpu.memory_space<hbm>>
      tpu.enqueue_dma source(%dma_start3A_689 : memref<120x128xi32, #tpu.memory_space<hbm>>) target(%arg5 : memref<120x128xi32, #tpu.memory_space<vmem>>) target_semaphore(%run_scoped3A : memref<!tpu.dma_semaphore, #tpu.memory_space<semaphore_mem>>)
      %dma_wait3A_690 = arith.constant 0 : i32
      %dma_wait3A_691 = arith.constant 0 : i32
      %dma_wait3A_692 = arith.constant 0 : i32
      %dma_wait3A_693 = tpu.memref_slice %arg3[%arg0, %dma_wait3A_690, %dma_wait3A_691, %dma_wait3A_692] : memref<2x16x120x128xi32, #tpu.memory_space<hbm>> -> memref<1x16x120x128xi32, #tpu.memory_space<hbm>>
      %dma_wait3A_694 = tpu.memref_squeeze %dma_wait3A_693 : memref<1x16x120x128xi32, #tpu.memory_space<hbm>> -> memref<16x120x128xi32, #tpu.memory_space<hbm>>
      %dma_wait3A_695 = arith.constant 0 : i32
      %dma_wait3A_696 = arith.constant 0 : i32
      %dma_wait3A_697 = tpu.memref_slice %dma_wait3A_694[%arg1, %dma_wait3A_695, %dma_wait3A_696] : memref<16x120x128xi32, #tpu.memory_space<hbm>> -> memref<1x120x128xi32, #tpu.memory_space<hbm>>
      %dma_wait3A_698 = tpu.memref_squeeze %dma_wait3A_697 : memref<1x120x128xi32, #tpu.memory_space<hbm>> -> memref<120x128xi32, #tpu.memory_space<hbm>>
      %dma_wait3A_699 = arith.constant 0 : i32
      %dma_wait3A_700 = arith.constant 0 : i32
      %dma_wait3A_701 = arith.constant 0 : i32
      %dma_wait3A_702 = tpu.memref_slice %arg3[%arg0, %dma_wait3A_699, %dma_wait3A_700, %dma_wait3A_701] : memref<2x16x120x128xi32, #tpu.memory_space<hbm>> -> memref<1x16x120x128xi32, #tpu.memory_space<hbm>>
      %dma_wait3A_703 = tpu.memref_squeeze %dma_wait3A_702 : memref<1x16x120x128xi32, #tpu.memory_space<hbm>> -> memref<16x120x128xi32, #tpu.memory_space<hbm>>
      %dma_wait3A_704 = arith.constant 0 : i32
      %dma_wait3A_705 = arith.constant 0 : i32
      %dma_wait3A_706 = tpu.memref_slice %dma_wait3A_703[%arg1, %dma_wait3A_704, %dma_wait3A_705] : memref<16x120x128xi32, #tpu.memory_space<hbm>> -> memref<1x120x128xi32, #tpu.memory_space<hbm>>
      %dma_wait3A_707 = tpu.memref_squeeze %dma_wait3A_706 : memref<1x120x128xi32, #tpu.memory_space<hbm>> -> memref<120x128xi32, #tpu.memory_space<hbm>>
      tpu.wait_dma2 semaphore(%run_scoped3A : memref<!tpu.dma_semaphore, #tpu.memory_space<semaphore_mem>>) src(%dma_wait3A_707 : memref<120x128xi32, #tpu.memory_space<hbm>>) dst(%arg5 : memref<120x128xi32, #tpu.memory_space<vmem>>)
      tpu.yield
    }) : () -> ()
    %broadcast_in_dim3A = arith.constant 0.000000e+00 : f32
    %broadcast_in_dim3A_3 = vector.broadcast %broadcast_in_dim3A : f32 to vector<16xf32>
    %scan3A = arith.constant 0 : i32
    %scan3A_4 = arith.constant 0 : i32
    %scan3A_5 = arith.constant 128 : i32
    %scan3A_6 = arith.addi %scan3A_4, %scan3A_5 : i32
    %scan3A_7 = arith.constant 1 : i32
    scf.for %scan3A_672 = %scan3A_4 to %scan3A_6 step %scan3A_7  : i32 {
      %swap3A_673 = arith.index_cast %scan3A_672 : i32 to index
      %swap3A_674 = arith.constant 0 : index
      %swap3A_675 = tpu.vector_load %arg10[%swap3A_673, %swap3A_674] {strides = array<i32>} : memref<128x128xf32, #tpu.memory_space<vmem>>, vector<1x16xf32>,
      %swap3A_676 = vector.shape_cast %swap3A_675 : vector<1x16xf32> to vector<16xf32>
      %swap3A_677 = vector.shape_cast %broadcast_in_dim3A_3 : vector<16xf32> to vector<1x16xf32>
      tpu.vector_store %arg10[%swap3A_673, %swap3A_674], %swap3A_677 {strides = array<i32>} : memref<128x128xf32, #tpu.memory_space<vmem>>, vector<1x16xf32>,
      %swap3A_678 = arith.index_cast %scan3A_672 : i32 to index
      %swap3A_679 = arith.constant 16 : index
      %swap3A_680 = tpu.vector_load %arg10[%swap3A_678, %swap3A_679] {strides = array<i32>} : memref<128x128xf32, #tpu.memory_space<vmem>>, vector<1x16xf32>,
      %swap3A_681 = vector.shape_cast %swap3A_680 : vector<1x16xf32> to vector<16xf32>
      %swap3A_682 = vector.shape_cast %broadcast_in_dim3A_3 : vector<16xf32> to vector<1x16xf32>
      tpu.vector_store %arg10[%swap3A_678, %swap3A_679], %swap3A_682 {strides = array<i32>} : memref<128x128xf32, #tpu.memory_space<vmem>>, vector<1x16xf32>,
      %swap3A_683 = arith.index_cast %scan3A_672 : i32 to index
      %swap3A_684 = arith.constant 32 : index
      %swap3A_685 = tpu.vector_load %arg10[%swap3A_683, %swap3A_684] {strides = array<i32>} : memref<128x128xf32, #tpu.memory_space<vmem>>, vector<1x16xf32>,
      %swap3A_686 = vector.shape_cast %swap3A_685 : vector<1x16xf32> to vector<16xf32>
      %swap3A_687 = vector.shape_cast %broadcast_in_dim3A_3 : vector<16xf32> to vector<1x16xf32>
      tpu.vector_store %arg10[%swap3A_683, %swap3A_684], %swap3A_687 {strides = array<i32>} : memref<128x128xf32, #tpu.memory_space<vmem>>, vector<1x16xf32>,
      %swap3A_688 = arith.index_cast %scan3A_672 : i32 to index
      %swap3A_689 = arith.constant 48 : index
      %swap3A_690 = tpu.vector_load %arg10[%swap3A_688, %swap3A_689] {strides = array<i32>} : memref<128x128xf32, #tpu.memory_space<vmem>>, vector<1x16xf32>,
      %swap3A_691 = vector.shape_cast %swap3A_690 : vector<1x16xf32> to vector<16xf32>
      %swap3A_692 = vector.shape_cast %broadcast_in_dim3A_3 : vector<16xf32> to vector<1x16xf32>
      tpu.vector_store %arg10[%swap3A_688, %swap3A_689], %swap3A_692 {strides = array<i32>} : memref<128x128xf32, #tpu.memory_space<vmem>>, vector<1x16xf32>,
      %swap3A_693 = arith.index_cast %scan3A_672 : i32 to index
      %swap3A_694 = arith.constant 64 : index
      %swap3A_695 = tpu.vector_load %arg10[%swap3A_693, %swap3A_694] {strides = array<i32>} : memref<128x128xf32, #tpu.memory_space<vmem>>, vector<1x16xf32>,
      %swap3A_696 = vector.shape_cast %swap3A_695 : vector<1x16xf32> to vector<16xf32>
      %swap3A_697 = vector.shape_cast %broadcast_in_dim3A_3 : vector<16xf32> to vector<1x16xf32>
      tpu.vector_store %arg10[%swap3A_693, %swap3A_694], %swap3A_697 {strides = array<i32>} : memref<128x128xf32, #tpu.memory_space<vmem>>, vector<1x16xf32>,
      %swap3A_698 = arith.index_cast %scan3A_672 : i32 to index
      %swap3A_699 = arith.constant 80 : index
      %swap3A_700 = tpu.vector_load %arg10[%swap3A_698, %swap3A_699] {strides = array<i32>} : memref<128x128xf32, #tpu.memory_space<vmem>>, vector<1x16xf32>,
      %swap3A_701 = vector.shape_cast %swap3A_700 : vector<1x16xf32> to vector<16xf32>
      %swap3A_702 = vector.shape_cast %broadcast_in_dim3A_3 : vector<16xf32> to vector<1x16xf32>
      tpu.vector_store %arg10[%swap3A_698, %swap3A_699], %swap3A_702 {strides = array<i32>} : memref<128x128xf32, #tpu.memory_space<vmem>>, vector<1x16xf32>,
      %swap3A_703 = arith.index_cast %scan3A_672 : i32 to index
      %swap3A_704 = arith.constant 96 : index
      %swap3A_705 = tpu.vector_load %arg10[%swap3A_703, %swap3A_704] {strides = array<i32>} : memref<128x128xf32, #tpu.memory_space<vmem>>, vector<1x16xf32>,
      %swap3A_706 = vector.shape_cast %swap3A_705 : vector<1x16xf32> to vector<16xf32>
      %swap3A_707 = vector.shape_cast %broadcast_in_dim3A_3 : vector<16xf32> to vector<1x16xf32>
      tpu.vector_store %arg10[%swap3A_703, %swap3A_704], %swap3A_707 {strides = array<i32>} : memref<128x128xf32, #tpu.memory_space<vmem>>, vector<1x16xf32>,
      %swap3A_708 = arith.index_cast %scan3A_672 : i32 to index
      %swap3A_709 = arith.constant 112 : index
      %swap3A_710 = tpu.vector_load %arg10[%swap3A_708, %swap3A_709] {strides = array<i32>} : memref<128x128xf32, #tpu.memory_space<vmem>>, vector<1x16xf32>,
      %swap3A_711 = vector.shape_cast %swap3A_710 : vector<1x16xf32> to vector<16xf32>
      %swap3A_712 = vector.shape_cast %broadcast_in_dim3A_3 : vector<16xf32> to vector<1x16xf32>
      tpu.vector_store %arg10[%swap3A_708, %swap3A_709], %swap3A_712 {strides = array<i32>} : memref<128x128xf32, #tpu.memory_space<vmem>>, vector<1x16xf32>,
    }
    %scan3A_8 = arith.constant 128 : i32
    %mul3A = arith.constant 632 : i32
    %mul3A_9 = arith.muli %arg1, %mul3A : i32
    %add3A = arith.constant 0 : i32
    %add3A_10 = arith.addi %mul3A_9, %add3A : i32
    %dma_start3A = arith.constant 0 : i32
    %dma_start3A_11 = arith.constant 0 : i32
    %dma_start3A_12 = tpu.memref_slice %arg10[%dma_start3A, %dma_start3A_11] : memref<128x128xf32, #tpu.memory_space<vmem>> -> memref<128x128xf32, #tpu.memory_space<vmem>>
    %dma_start3A_13 = arith.constant 0 : i32
    %dma_start3A_14 = tpu.memref_slice %arg12[%add3A_10, %dma_start3A_13] : memref<10112x128xf32, #tpu.memory_space<vmem_shared>> -> memref<128x128xf32, #tpu.memory_space<vmem_shared>>
    %dma_start3A_15 = arith.constant 0 : i32
    %dma_start3A_16 = tpu.memref_slice %arg12[%add3A_10, %dma_start3A_15] : memref<10112x128xf32, #tpu.memory_space<vmem_shared>> -> memref<128x128xf32, #tpu.memory_space<vmem_shared>>
    %dma_start3A_17 = arith.constant 0 : i32
    %dma_start3A_18 = arith.constant 0 : i32
    %dma_start3A_19 = tpu.memref_slice %arg10[%dma_start3A_17, %dma_start3A_18] : memref<128x128xf32, #tpu.memory_space<vmem>> -> memref<128x128xf32, #tpu.memory_space<vmem>>
    tpu.enqueue_dma source(%dma_start3A_19 : memref<128x128xf32, #tpu.memory_space<vmem>>) target(%dma_start3A_16 : memref<128x128xf32, #tpu.memory_space<vmem_shared>>) target_semaphore(%arg13 : memref<!tpu.dma_semaphore, #tpu.memory_space<semaphore_mem>>)
    %add3A_20 = arith.constant 128 : i32
    %add3A_21 = arith.addi %mul3A_9, %add3A_20 : i32
    %dma_start3A_22 = arith.constant 0 : i32
    %dma_start3A_23 = arith.constant 0 : i32
    %dma_start3A_24 = tpu.memref_slice %arg10[%dma_start3A_22, %dma_start3A_23] : memref<128x128xf32, #tpu.memory_space<vmem>> -> memref<128x128xf32, #tpu.memory_space<vmem>>
    %dma_start3A_25 = arith.constant 0 : i32
    %dma_start3A_26 = tpu.memref_slice %arg12[%add3A_21, %dma_start3A_25] : memref<10112x128xf32, #tpu.memory_space<vmem_shared>> -> memref<128x128xf32, #tpu.memory_space<vmem_shared>>
    %dma_start3A_27 = arith.constant 0 : i32
    %dma_start3A_28 = tpu.memref_slice %arg12[%add3A_21, %dma_start3A_27] : memref<10112x128xf32, #tpu.memory_space<vmem_shared>> -> memref<128x128xf32, #tpu.memory_space<vmem_shared>>
    %dma_start3A_29 = arith.constant 0 : i32
    %dma_start3A_30 = arith.constant 0 : i32
    %dma_start3A_31 = tpu.memref_slice %arg10[%dma_start3A_29, %dma_start3A_30] : memref<128x128xf32, #tpu.memory_space<vmem>> -> memref<128x128xf32, #tpu.memory_space<vmem>>
    tpu.enqueue_dma source(%dma_start3A_31 : memref<128x128xf32, #tpu.memory_space<vmem>>) target(%dma_start3A_28 : memref<128x128xf32, #tpu.memory_space<vmem_shared>>) target_semaphore(%arg13 : memref<!tpu.dma_semaphore, #tpu.memory_space<semaphore_mem>>)
    %add3A_32 = arith.constant 256 : i32
    %add3A_33 = arith.addi %mul3A_9, %add3A_32 : i32
    %dma_start3A_34 = arith.constant 0 : i32
    %dma_start3A_35 = arith.constant 0 : i32
    %dma_start3A_36 = tpu.memref_slice %arg10[%dma_start3A_34, %dma_start3A_35] : memref<128x128xf32, #tpu.memory_space<vmem>> -> memref<128x128xf32, #tpu.memory_space<vmem>>
    %dma_start3A_37 = arith.constant 0 : i32
    %dma_start3A_38 = tpu.memref_slice %arg12[%add3A_33, %dma_start3A_37] : memref<10112x128xf32, #tpu.memory_space<vmem_shared>> -> memref<128x128xf32, #tpu.memory_space<vmem_shared>>
    %dma_start3A_39 = arith.constant 0 : i32
    %dma_start3A_40 = tpu.memref_slice %arg12[%add3A_33, %dma_start3A_39] : memref<10112x128xf32, #tpu.memory_space<vmem_shared>> -> memref<128x128xf32, #tpu.memory_space<vmem_shared>>
    %dma_start3A_41 = arith.constant 0 : i32
    %dma_start3A_42 = arith.constant 0 : i32
    %dma_start3A_43 = tpu.memref_slice %arg10[%dma_start3A_41, %dma_start3A_42] : memref<128x128xf32, #tpu.memory_space<vmem>> -> memref<128x128xf32, #tpu.memory_space<vmem>>
    tpu.enqueue_dma source(%dma_start3A_43 : memref<128x128xf32, #tpu.memory_space<vmem>>) target(%dma_start3A_40 : memref<128x128xf32, #tpu.memory_space<vmem_shared>>) target_semaphore(%arg13 : memref<!tpu.dma_semaphore, #tpu.memory_space<semaphore_mem>>)
    %add3A_44 = arith.constant 384 : i32
    %add3A_45 = arith.addi %mul3A_9, %add3A_44 : i32
    %dma_start3A_46 = arith.constant 0 : i32
    %dma_start3A_47 = arith.constant 0 : i32
    %dma_start3A_48 = tpu.memref_slice %arg10[%dma_start3A_46, %dma_start3A_47] : memref<128x128xf32, #tpu.memory_space<vmem>> -> memref<128x128xf32, #tpu.memory_space<vmem>>
    %dma_start3A_49 = arith.constant 0 : i32
    %dma_start3A_50 = tpu.memref_slice %arg12[%add3A_45, %dma_start3A_49] : memref<10112x128xf32, #tpu.memory_space<vmem_shared>> -> memref<128x128xf32, #tpu.memory_space<vmem_shared>>
    %dma_start3A_51 = arith.constant 0 : i32
    %dma_start3A_52 = tpu.memref_slice %arg12[%add3A_45, %dma_start3A_51] : memref<10112x128xf32, #tpu.memory_space<vmem_shared>> -> memref<128x128xf32, #tpu.memory_space<vmem_shared>>
    %dma_start3A_53 = arith.constant 0 : i32
    %dma_start3A_54 = arith.constant 0 : i32
    %dma_start3A_55 = tpu.memref_slice %arg10[%dma_start3A_53, %dma_start3A_54] : memref<128x128xf32, #tpu.memory_space<vmem>> -> memref<128x128xf32, #tpu.memory_space<vmem>>
    tpu.enqueue_dma source(%dma_start3A_55 : memref<128x128xf32, #tpu.memory_space<vmem>>) target(%dma_start3A_52 : memref<128x128xf32, #tpu.memory_space<vmem_shared>>) target_semaphore(%arg13 : memref<!tpu.dma_semaphore, #tpu.memory_space<semaphore_mem>>)
    %add3A_56 = arith.constant 512 : i32
    %add3A_57 = arith.addi %mul3A_9, %add3A_56 : i32
    %dma_start3A_58 = arith.constant 0 : i32
    %dma_start3A_59 = arith.constant 0 : i32
    %dma_start3A_60 = tpu.memref_slice %arg10[%dma_start3A_58, %dma_start3A_59] : memref<128x128xf32, #tpu.memory_space<vmem>> -> memref<120x128xf32, #tpu.memory_space<vmem>>
    %dma_start3A_61 = arith.constant 0 : i32
    %dma_start3A_62 = tpu.memref_slice %arg12[%add3A_57, %dma_start3A_61] : memref<10112x128xf32, #tpu.memory_space<vmem_shared>> -> memref<120x128xf32, #tpu.memory_space<vmem_shared>>
    %dma_start3A_63 = arith.constant 0 : i32
    %dma_start3A_64 = tpu.memref_slice %arg12[%add3A_57, %dma_start3A_63] : memref<10112x128xf32, #tpu.memory_space<vmem_shared>> -> memref<120x128xf32, #tpu.memory_space<vmem_shared>>
    %dma_start3A_65 = arith.constant 0 : i32
    %dma_start3A_66 = arith.constant 0 : i32
    %dma_start3A_67 = tpu.memref_slice %arg10[%dma_start3A_65, %dma_start3A_66] : memref<128x128xf32, #tpu.memory_space<vmem>> -> memref<120x128xf32, #tpu.memory_space<vmem>>
    tpu.enqueue_dma source(%dma_start3A_67 : memref<120x128xf32, #tpu.memory_space<vmem>>) target(%dma_start3A_64 : memref<120x128xf32, #tpu.memory_space<vmem_shared>>) target_semaphore(%arg13 : memref<!tpu.dma_semaphore, #tpu.memory_space<semaphore_mem>>)
    %add3A_68 = arith.constant 0 : i32
    %add3A_69 = arith.addi %mul3A_9, %add3A_68 : i32
    %dma_wait3A = arith.constant 0 : i32
    %dma_wait3A_70 = arith.constant 0 : i32
    %dma_wait3A_71 = tpu.memref_slice %arg10[%dma_wait3A, %dma_wait3A_70] : memref<128x128xf32, #tpu.memory_space<vmem>> -> memref<128x128xf32, #tpu.memory_space<vmem>>
    %dma_wait3A_72 = arith.constant 0 : i32
    %dma_wait3A_73 = tpu.memref_slice %arg12[%add3A_69, %dma_wait3A_72] : memref<10112x128xf32, #tpu.memory_space<vmem_shared>> -> memref<128x128xf32, #tpu.memory_space<vmem_shared>>
    %dma_wait3A_74 = arith.constant 0 : i32
    %dma_wait3A_75 = tpu.memref_slice %arg12[%add3A_69, %dma_wait3A_74] : memref<10112x128xf32, #tpu.memory_space<vmem_shared>> -> memref<128x128xf32, #tpu.memory_space<vmem_shared>>
    %dma_wait3A_76 = arith.constant 0 : i32
    %dma_wait3A_77 = arith.constant 0 : i32
    %dma_wait3A_78 = tpu.memref_slice %arg10[%dma_wait3A_76, %dma_wait3A_77] : memref<128x128xf32, #tpu.memory_space<vmem>> -> memref<128x128xf32, #tpu.memory_space<vmem>>
    tpu.wait_dma2 semaphore(%arg13 : memref<!tpu.dma_semaphore, #tpu.memory_space<semaphore_mem>>) src(%dma_wait3A_78 : memref<128x128xf32, #tpu.memory_space<vmem>>) dst(%dma_wait3A_75 : memref<128x128xf32, #tpu.memory_space<vmem_shared>>)
    %add3A_79 = arith.constant 128 : i32
    %add3A_80 = arith.addi %mul3A_9, %add3A_79 : i32
    %dma_wait3A_81 = arith.constant 0 : i32
    %dma_wait3A_82 = arith.constant 0 : i32
    %dma_wait3A_83 = tpu.memref_slice %arg10[%dma_wait3A_81, %dma_wait3A_82] : memref<128x128xf32, #tpu.memory_space<vmem>> -> memref<128x128xf32, #tpu.memory_space<vmem>>
    %dma_wait3A_84 = arith.constant 0 : i32
    %dma_wait3A_85 = tpu.memref_slice %arg12[%add3A_80, %dma_wait3A_84] : memref<10112x128xf32, #tpu.memory_space<vmem_shared>> -> memref<128x128xf32, #tpu.memory_space<vmem_shared>>
    %dma_wait3A_86 = arith.constant 0 : i32
    %dma_wait3A_87 = tpu.memref_slice %arg12[%add3A_80, %dma_wait3A_86] : memref<10112x128xf32, #tpu.memory_space<vmem_shared>> -> memref<128x128xf32, #tpu.memory_space<vmem_shared>>
    %dma_wait3A_88 = arith.constant 0 : i32
    %dma_wait3A_89 = arith.constant 0 : i32
    %dma_wait3A_90 = tpu.memref_slice %arg10[%dma_wait3A_88, %dma_wait3A_89] : memref<128x128xf32, #tpu.memory_space<vmem>> -> memref<128x128xf32, #tpu.memory_space<vmem>>
    tpu.wait_dma2 semaphore(%arg13 : memref<!tpu.dma_semaphore, #tpu.memory_space<semaphore_mem>>) src(%dma_wait3A_90 : memref<128x128xf32, #tpu.memory_space<vmem>>) dst(%dma_wait3A_87 : memref<128x128xf32, #tpu.memory_space<vmem_shared>>)
    %add3A_91 = arith.constant 256 : i32
    %add3A_92 = arith.addi %mul3A_9, %add3A_91 : i32
    %dma_wait3A_93 = arith.constant 0 : i32
    %dma_wait3A_94 = arith.constant 0 : i32
    %dma_wait3A_95 = tpu.memref_slice %arg10[%dma_wait3A_93, %dma_wait3A_94] : memref<128x128xf32, #tpu.memory_space<vmem>> -> memref<128x128xf32, #tpu.memory_space<vmem>>
    %dma_wait3A_96 = arith.constant 0 : i32
    %dma_wait3A_97 = tpu.memref_slice %arg12[%add3A_92, %dma_wait3A_96] : memref<10112x128xf32, #tpu.memory_space<vmem_shared>> -> memref<128x128xf32, #tpu.memory_space<vmem_shared>>
    %dma_wait3A_98 = arith.constant 0 : i32
    %dma_wait3A_99 = tpu.memref_slice %arg12[%add3A_92, %dma_wait3A_98] : memref<10112x128xf32, #tpu.memory_space<vmem_shared>> -> memref<128x128xf32, #tpu.memory_space<vmem_shared>>
    %dma_wait3A_100 = arith.constant 0 : i32
    %dma_wait3A_101 = arith.constant 0 : i32
    %dma_wait3A_102 = tpu.memref_slice %arg10[%dma_wait3A_100, %dma_wait3A_101] : memref<128x128xf32, #tpu.memory_space<vmem>> -> memref<128x128xf32, #tpu.memory_space<vmem>>
    tpu.wait_dma2 semaphore(%arg13 : memref<!tpu.dma_semaphore, #tpu.memory_space<semaphore_mem>>) src(%dma_wait3A_102 : memref<128x128xf32, #tpu.memory_space<vmem>>) dst(%dma_wait3A_99 : memref<128x128xf32, #tpu.memory_space<vmem_shared>>)
    %add3A_103 = arith.constant 384 : i32
    %add3A_104 = arith.addi %mul3A_9, %add3A_103 : i32
    %dma_wait3A_105 = arith.constant 0 : i32
    %dma_wait3A_106 = arith.constant 0 : i32
    %dma_wait3A_107 = tpu.memref_slice %arg10[%dma_wait3A_105, %dma_wait3A_106] : memref<128x128xf32, #tpu.memory_space<vmem>> -> memref<128x128xf32, #tpu.memory_space<vmem>>
    %dma_wait3A_108 = arith.constant 0 : i32
    %dma_wait3A_109 = tpu.memref_slice %arg12[%add3A_104, %dma_wait3A_108] : memref<10112x128xf32, #tpu.memory_space<vmem_shared>> -> memref<128x128xf32, #tpu.memory_space<vmem_shared>>
    %dma_wait3A_110 = arith.constant 0 : i32
    %dma_wait3A_111 = tpu.memref_slice %arg12[%add3A_104, %dma_wait3A_110] : memref<10112x128xf32, #tpu.memory_space<vmem_shared>> -> memref<128x128xf32, #tpu.memory_space<vmem_shared>>
    %dma_wait3A_112 = arith.constant 0 : i32
    %dma_wait3A_113 = arith.constant 0 : i32
    %dma_wait3A_114 = tpu.memref_slice %arg10[%dma_wait3A_112, %dma_wait3A_113] : memref<128x128xf32, #tpu.memory_space<vmem>> -> memref<128x128xf32, #tpu.memory_space<vmem>>
    tpu.wait_dma2 semaphore(%arg13 : memref<!tpu.dma_semaphore, #tpu.memory_space<semaphore_mem>>) src(%dma_wait3A_114 : memref<128x128xf32, #tpu.memory_space<vmem>>) dst(%dma_wait3A_111 : memref<128x128xf32, #tpu.memory_space<vmem_shared>>)
    %add3A_115 = arith.constant 512 : i32
    %add3A_116 = arith.addi %mul3A_9, %add3A_115 : i32
    %dma_wait3A_117 = arith.constant 0 : i32
    %dma_wait3A_118 = arith.constant 0 : i32
    %dma_wait3A_119 = tpu.memref_slice %arg10[%dma_wait3A_117, %dma_wait3A_118] : memref<128x128xf32, #tpu.memory_space<vmem>> -> memref<120x128xf32, #tpu.memory_space<vmem>>
    %dma_wait3A_120 = arith.constant 0 : i32
    %dma_wait3A_121 = tpu.memref_slice %arg12[%add3A_116, %dma_wait3A_120] : memref<10112x128xf32, #tpu.memory_space<vmem_shared>> -> memref<120x128xf32, #tpu.memory_space<vmem_shared>>
    %dma_wait3A_122 = arith.constant 0 : i32
    %dma_wait3A_123 = tpu.memref_slice %arg12[%add3A_116, %dma_wait3A_122] : memref<10112x128xf32, #tpu.memory_space<vmem_shared>> -> memref<120x128xf32, #tpu.memory_space<vmem_shared>>
    %dma_wait3A_124 = arith.constant 0 : i32
    %dma_wait3A_125 = arith.constant 0 : i32
    %dma_wait3A_126 = tpu.memref_slice %arg10[%dma_wait3A_124, %dma_wait3A_125] : memref<128x128xf32, #tpu.memory_space<vmem>> -> memref<120x128xf32, #tpu.memory_space<vmem>>
    tpu.wait_dma2 semaphore(%arg13 : memref<!tpu.dma_semaphore, #tpu.memory_space<semaphore_mem>>) src(%dma_wait3A_126 : memref<120x128xf32, #tpu.memory_space<vmem>>) dst(%dma_wait3A_123 : memref<120x128xf32, #tpu.memory_space<vmem_shared>>)
    %barrier3A = arith.constant 0 : index
    tpu.barrier barrier_id(%barrier3A)
    %get3A = arith.constant 0 : i32
    %get3A_127 = arith.index_cast %get3A : i32 to index
    %get3A_128 = arith.constant 0 : index
    %get3A_129 = tpu.vector_load %arg5[%get3A_127, %get3A_128] {strides = array<i32>} : memref<120x128xi32, #tpu.memory_space<vmem>>, vector<1x16xi32>,
    %get3A_130 = vector.shape_cast %get3A_129 : vector<1x16xi32> to vector<16xi32>
    %and3A = arith.constant 65535 : i32
    %and3A_131 = vector.broadcast %and3A : i32 to vector<16xi32>
    %and3A_132 = arith.andi %get3A_130, %and3A_131 : vector<16xi32>
    %swap3A = arith.constant 0 : index
    %swap3A_133 = tpu.vector_load %arg6[%swap3A] {strides = array<i32>} : memref<128xi32, #tpu.memory_space<vmem>>, vector<16xi32>,
    %swap3A_134 = vector.shape_cast %swap3A_133 : vector<16xi32> to vector<16xi32>
    %swap3A_135 = vector.shape_cast %and3A_132 : vector<16xi32> to vector<16xi32>
    tpu.vector_store %arg6[%swap3A], %swap3A_135 {strides = array<i32>} : memref<128xi32, #tpu.memory_space<vmem>>, vector<16xi32>,
    %shift_right_logical3A = arith.constant 16 : i32
    %shift_right_logical3A_136 = vector.broadcast %shift_right_logical3A : i32 to vector<16xi32>
    %shift_right_logical3A_137 = arith.shrui %get3A_130, %shift_right_logical3A_136 : vector<16xi32>
    %swap3A_138 = arith.constant 0 : index
    %swap3A_139 = tpu.vector_load %arg8[%swap3A_138] {strides = array<i32>} : memref<128xi32, #tpu.memory_space<vmem>>, vector<16xi32>,
    %swap3A_140 = vector.shape_cast %swap3A_139 : vector<16xi32> to vector<16xi32>
    %swap3A_141 = vector.shape_cast %shift_right_logical3A_137 : vector<16xi32> to vector<16xi32>
    tpu.vector_store %arg8[%swap3A_138], %swap3A_141 {strides = array<i32>} : memref<128xi32, #tpu.memory_space<vmem>>, vector<16xi32>,
    %get3A_142 = arith.constant 0 : i32
    %get3A_143 = arith.index_cast %get3A_142 : i32 to index
    %get3A_144 = arith.constant 16 : index
    %get3A_145 = tpu.vector_load %arg5[%get3A_143, %get3A_144] {strides = array<i32>} : memref<120x128xi32, #tpu.memory_space<vmem>>, vector<1x16xi32>,
    %get3A_146 = vector.shape_cast %get3A_145 : vector<1x16xi32> to vector<16xi32>
    %and3A_147 = arith.constant 65535 : i32
    %and3A_148 = vector.broadcast %and3A_147 : i32 to vector<16xi32>
    %and3A_149 = arith.andi %get3A_146, %and3A_148 : vector<16xi32>
    %swap3A_150 = arith.constant 16 : index
    %swap3A_151 = tpu.vector_load %arg6[%swap3A_150] {strides = array<i32>} : memref<128xi32, #tpu.memory_space<vmem>>, vector<16xi32>,
    %swap3A_152 = vector.shape_cast %swap3A_151 : vector<16xi32> to vector<16xi32>
    %swap3A_153 = vector.shape_cast %and3A_149 : vector<16xi32> to vector<16xi32>
    tpu.vector_store %arg6[%swap3A_150], %swap3A_153 {strides = array<i32>} : memref<128xi32, #tpu.memory_space<vmem>>, vector<16xi32>,
    %shift_right_logical3A_154 = arith.constant 16 : i32
    %shift_right_logical3A_155 = vector.broadcast %shift_right_logical3A_154 : i32 to vector<16xi32>
    %shift_right_logical3A_156 = arith.shrui %get3A_146, %shift_right_logical3A_155 : vector<16xi32>
    %swap3A_157 = arith.constant 16 : index
    %swap3A_158 = tpu.vector_load %arg8[%swap3A_157] {strides = array<i32>} : memref<128xi32, #tpu.memory_space<vmem>>, vector<16xi32>,
    %swap3A_159 = vector.shape_cast %swap3A_158 : vector<16xi32> to vector<16xi32>
    %swap3A_160 = vector.shape_cast %shift_right_logical3A_156 : vector<16xi32> to vector<16xi32>
    tpu.vector_store %arg8[%swap3A_157], %swap3A_160 {strides = array<i32>} : memref<128xi32, #tpu.memory_space<vmem>>, vector<16xi32>,
    %get3A_161 = arith.constant 0 : i32
    %get3A_162 = arith.index_cast %get3A_161 : i32 to index
    %get3A_163 = arith.constant 32 : index
    %get3A_164 = tpu.vector_load %arg5[%get3A_162, %get3A_163] {strides = array<i32>} : memref<120x128xi32, #tpu.memory_space<vmem>>, vector<1x16xi32>,
    %get3A_165 = vector.shape_cast %get3A_164 : vector<1x16xi32> to vector<16xi32>
    %and3A_166 = arith.constant 65535 : i32
    %and3A_167 = vector.broadcast %and3A_166 : i32 to vector<16xi32>
    %and3A_168 = arith.andi %get3A_165, %and3A_167 : vector<16xi32>
    %swap3A_169 = arith.constant 32 : index
    %swap3A_170 = tpu.vector_load %arg6[%swap3A_169] {strides = array<i32>} : memref<128xi32, #tpu.memory_space<vmem>>, vector<16xi32>,
    %swap3A_171 = vector.shape_cast %swap3A_170 : vector<16xi32> to vector<16xi32>
    %swap3A_172 = vector.shape_cast %and3A_168 : vector<16xi32> to vector<16xi32>
    tpu.vector_store %arg6[%swap3A_169], %swap3A_172 {strides = array<i32>} : memref<128xi32, #tpu.memory_space<vmem>>, vector<16xi32>,
    %shift_right_logical3A_173 = arith.constant 16 : i32
    %shift_right_logical3A_174 = vector.broadcast %shift_right_logical3A_173 : i32 to vector<16xi32>
    %shift_right_logical3A_175 = arith.shrui %get3A_165, %shift_right_logical3A_174 : vector<16xi32>
    %swap3A_176 = arith.constant 32 : index
    %swap3A_177 = tpu.vector_load %arg8[%swap3A_176] {strides = array<i32>} : memref<128xi32, #tpu.memory_space<vmem>>, vector<16xi32>,
    %swap3A_178 = vector.shape_cast %swap3A_177 : vector<16xi32> to vector<16xi32>
    %swap3A_179 = vector.shape_cast %shift_right_logical3A_175 : vector<16xi32> to vector<16xi32>
    tpu.vector_store %arg8[%swap3A_176], %swap3A_179 {strides = array<i32>} : memref<128xi32, #tpu.memory_space<vmem>>, vector<16xi32>,
    %get3A_180 = arith.constant 0 : i32
    %get3A_181 = arith.index_cast %get3A_180 : i32 to index
    %get3A_182 = arith.constant 48 : index
    %get3A_183 = tpu.vector_load %arg5[%get3A_181, %get3A_182] {strides = array<i32>} : memref<120x128xi32, #tpu.memory_space<vmem>>, vector<1x16xi32>,
    %get3A_184 = vector.shape_cast %get3A_183 : vector<1x16xi32> to vector<16xi32>
    %and3A_185 = arith.constant 65535 : i32
    %and3A_186 = vector.broadcast %and3A_185 : i32 to vector<16xi32>
    %and3A_187 = arith.andi %get3A_184, %and3A_186 : vector<16xi32>
    %swap3A_188 = arith.constant 48 : index
    %swap3A_189 = tpu.vector_load %arg6[%swap3A_188] {strides = array<i32>} : memref<128xi32, #tpu.memory_space<vmem>>, vector<16xi32>,
    %swap3A_190 = vector.shape_cast %swap3A_189 : vector<16xi32> to vector<16xi32>
    %swap3A_191 = vector.shape_cast %and3A_187 : vector<16xi32> to vector<16xi32>
    tpu.vector_store %arg6[%swap3A_188], %swap3A_191 {strides = array<i32>} : memref<128xi32, #tpu.memory_space<vmem>>, vector<16xi32>,
    %shift_right_logical3A_192 = arith.constant 16 : i32
    %shift_right_logical3A_193 = vector.broadcast %shift_right_logical3A_192 : i32 to vector<16xi32>
    %shift_right_logical3A_194 = arith.shrui %get3A_184, %shift_right_logical3A_193 : vector<16xi32>
    %swap3A_195 = arith.constant 48 : index
    %swap3A_196 = tpu.vector_load %arg8[%swap3A_195] {strides = array<i32>} : memref<128xi32, #tpu.memory_space<vmem>>, vector<16xi32>,
    %swap3A_197 = vector.shape_cast %swap3A_196 : vector<16xi32> to vector<16xi32>
    %swap3A_198 = vector.shape_cast %shift_right_logical3A_194 : vector<16xi32> to vector<16xi32>
    tpu.vector_store %arg8[%swap3A_195], %swap3A_198 {strides = array<i32>} : memref<128xi32, #tpu.memory_space<vmem>>, vector<16xi32>,
    %get3A_199 = arith.constant 0 : i32
    %get3A_200 = arith.index_cast %get3A_199 : i32 to index
    %get3A_201 = arith.constant 64 : index
    %get3A_202 = tpu.vector_load %arg5[%get3A_200, %get3A_201] {strides = array<i32>} : memref<120x128xi32, #tpu.memory_space<vmem>>, vector<1x16xi32>,
    %get3A_203 = vector.shape_cast %get3A_202 : vector<1x16xi32> to vector<16xi32>
    %and3A_204 = arith.constant 65535 : i32
    %and3A_205 = vector.broadcast %and3A_204 : i32 to vector<16xi32>
    %and3A_206 = arith.andi %get3A_203, %and3A_205 : vector<16xi32>
    %swap3A_207 = arith.constant 64 : index
    %swap3A_208 = tpu.vector_load %arg6[%swap3A_207] {strides = array<i32>} : memref<128xi32, #tpu.memory_space<vmem>>, vector<16xi32>,
    %swap3A_209 = vector.shape_cast %swap3A_208 : vector<16xi32> to vector<16xi32>
    %swap3A_210 = vector.shape_cast %and3A_206 : vector<16xi32> to vector<16xi32>
    tpu.vector_store %arg6[%swap3A_207], %swap3A_210 {strides = array<i32>} : memref<128xi32, #tpu.memory_space<vmem>>, vector<16xi32>,
    %shift_right_logical3A_211 = arith.constant 16 : i32
    %shift_right_logical3A_212 = vector.broadcast %shift_right_logical3A_211 : i32 to vector<16xi32>
    %shift_right_logical3A_213 = arith.shrui %get3A_203, %shift_right_logical3A_212 : vector<16xi32>
    %swap3A_214 = arith.constant 64 : index
    %swap3A_215 = tpu.vector_load %arg8[%swap3A_214] {strides = array<i32>} : memref<128xi32, #tpu.memory_space<vmem>>, vector<16xi32>,
    %swap3A_216 = vector.shape_cast %swap3A_215 : vector<16xi32> to vector<16xi32>
    %swap3A_217 = vector.shape_cast %shift_right_logical3A_213 : vector<16xi32> to vector<16xi32>
    tpu.vector_store %arg8[%swap3A_214], %swap3A_217 {strides = array<i32>} : memref<128xi32, #tpu.memory_space<vmem>>, vector<16xi32>,
    %get3A_218 = arith.constant 0 : i32
    %get3A_219 = arith.index_cast %get3A_218 : i32 to index
    %get3A_220 = arith.constant 80 : index
    %get3A_221 = tpu.vector_load %arg5[%get3A_219, %get3A_220] {strides = array<i32>} : memref<120x128xi32, #tpu.memory_space<vmem>>, vector<1x16xi32>,
    %get3A_222 = vector.shape_cast %get3A_221 : vector<1x16xi32> to vector<16xi32>
    %and3A_223 = arith.constant 65535 : i32
    %and3A_224 = vector.broadcast %and3A_223 : i32 to vector<16xi32>
    %and3A_225 = arith.andi %get3A_222, %and3A_224 : vector<16xi32>
    %swap3A_226 = arith.constant 80 : index
    %swap3A_227 = tpu.vector_load %arg6[%swap3A_226] {strides = array<i32>} : memref<128xi32, #tpu.memory_space<vmem>>, vector<16xi32>,
    %swap3A_228 = vector.shape_cast %swap3A_227 : vector<16xi32> to vector<16xi32>
    %swap3A_229 = vector.shape_cast %and3A_225 : vector<16xi32> to vector<16xi32>
    tpu.vector_store %arg6[%swap3A_226], %swap3A_229 {strides = array<i32>} : memref<128xi32, #tpu.memory_space<vmem>>, vector<16xi32>,
    %shift_right_logical3A_230 = arith.constant 16 : i32
    %shift_right_logical3A_231 = vector.broadcast %shift_right_logical3A_230 : i32 to vector<16xi32>
    %shift_right_logical3A_232 = arith.shrui %get3A_222, %shift_right_logical3A_231 : vector<16xi32>
    %swap3A_233 = arith.constant 80 : index
    %swap3A_234 = tpu.vector_load %arg8[%swap3A_233] {strides = array<i32>} : memref<128xi32, #tpu.memory_space<vmem>>, vector<16xi32>,
    %swap3A_235 = vector.shape_cast %swap3A_234 : vector<16xi32> to vector<16xi32>
    %swap3A_236 = vector.shape_cast %shift_right_logical3A_232 : vector<16xi32> to vector<16xi32>
    tpu.vector_store %arg8[%swap3A_233], %swap3A_236 {strides = array<i32>} : memref<128xi32, #tpu.memory_space<vmem>>, vector<16xi32>,
    %get3A_237 = arith.constant 0 : i32
    %get3A_238 = arith.index_cast %get3A_237 : i32 to index
    %get3A_239 = arith.constant 96 : index
    %get3A_240 = tpu.vector_load %arg5[%get3A_238, %get3A_239] {strides = array<i32>} : memref<120x128xi32, #tpu.memory_space<vmem>>, vector<1x16xi32>,
    %get3A_241 = vector.shape_cast %get3A_240 : vector<1x16xi32> to vector<16xi32>
    %and3A_242 = arith.constant 65535 : i32
    %and3A_243 = vector.broadcast %and3A_242 : i32 to vector<16xi32>
    %and3A_244 = arith.andi %get3A_241, %and3A_243 : vector<16xi32>
    %swap3A_245 = arith.constant 96 : index
    %swap3A_246 = tpu.vector_load %arg6[%swap3A_245] {strides = array<i32>} : memref<128xi32, #tpu.memory_space<vmem>>, vector<16xi32>,
    %swap3A_247 = vector.shape_cast %swap3A_246 : vector<16xi32> to vector<16xi32>
    %swap3A_248 = vector.shape_cast %and3A_244 : vector<16xi32> to vector<16xi32>
    tpu.vector_store %arg6[%swap3A_245], %swap3A_248 {strides = array<i32>} : memref<128xi32, #tpu.memory_space<vmem>>, vector<16xi32>,
    %shift_right_logical3A_249 = arith.constant 16 : i32
    %shift_right_logical3A_250 = vector.broadcast %shift_right_logical3A_249 : i32 to vector<16xi32>
    %shift_right_logical3A_251 = arith.shrui %get3A_241, %shift_right_logical3A_250 : vector<16xi32>
    %swap3A_252 = arith.constant 96 : index
    %swap3A_253 = tpu.vector_load %arg8[%swap3A_252] {strides = array<i32>} : memref<128xi32, #tpu.memory_space<vmem>>, vector<16xi32>,
    %swap3A_254 = vector.shape_cast %swap3A_253 : vector<16xi32> to vector<16xi32>
    %swap3A_255 = vector.shape_cast %shift_right_logical3A_251 : vector<16xi32> to vector<16xi32>
    tpu.vector_store %arg8[%swap3A_252], %swap3A_255 {strides = array<i32>} : memref<128xi32, #tpu.memory_space<vmem>>, vector<16xi32>,
    %get3A_256 = arith.constant 0 : i32
    %get3A_257 = arith.index_cast %get3A_256 : i32 to index
    %get3A_258 = arith.constant 112 : index
    %get3A_259 = tpu.vector_load %arg5[%get3A_257, %get3A_258] {strides = array<i32>} : memref<120x128xi32, #tpu.memory_space<vmem>>, vector<1x16xi32>,
    %get3A_260 = vector.shape_cast %get3A_259 : vector<1x16xi32> to vector<16xi32>
    %and3A_261 = arith.constant 65535 : i32
    %and3A_262 = vector.broadcast %and3A_261 : i32 to vector<16xi32>
    %and3A_263 = arith.andi %get3A_260, %and3A_262 : vector<16xi32>
    %swap3A_264 = arith.constant 112 : index
    %swap3A_265 = tpu.vector_load %arg6[%swap3A_264] {strides = array<i32>} : memref<128xi32, #tpu.memory_space<vmem>>, vector<16xi32>,
    %swap3A_266 = vector.shape_cast %swap3A_265 : vector<16xi32> to vector<16xi32>
    %swap3A_267 = vector.shape_cast %and3A_263 : vector<16xi32> to vector<16xi32>
    tpu.vector_store %arg6[%swap3A_264], %swap3A_267 {strides = array<i32>} : memref<128xi32, #tpu.memory_space<vmem>>, vector<16xi32>,
    %shift_right_logical3A_268 = arith.constant 16 : i32
    %shift_right_logical3A_269 = vector.broadcast %shift_right_logical3A_268 : i32 to vector<16xi32>
    %shift_right_logical3A_270 = arith.shrui %get3A_260, %shift_right_logical3A_269 : vector<16xi32>
    %swap3A_271 = arith.constant 112 : index
    %swap3A_272 = tpu.vector_load %arg8[%swap3A_271] {strides = array<i32>} : memref<128xi32, #tpu.memory_space<vmem>>, vector<16xi32>,
    %swap3A_273 = vector.shape_cast %swap3A_272 : vector<16xi32> to vector<16xi32>
    %swap3A_274 = vector.shape_cast %shift_right_logical3A_270 : vector<16xi32> to vector<16xi32>
    tpu.vector_store %arg8[%swap3A_271], %swap3A_274 {strides = array<i32>} : memref<128xi32, #tpu.memory_space<vmem>>, vector<16xi32>,
    %dma_start3A_275 = arith.constant 0 : i32
    %dma_start3A_276 = arith.constant 0 : i32
    %dma_start3A_277 = tpu.memref_slice %arg2[%dma_start3A_275, %dma_start3A_276] : memref<10000x128xf32, #tpu.memory_space<hbm>> -> memref<10000x128xf32, #tpu.memory_space<hbm>>
    tpu.enqueue_indirect_dma source(%dma_start3A_277 : memref<10000x128xf32, #tpu.memory_space<hbm>>) target(%arg10 : memref<128x128xf32, #tpu.memory_space<vmem>>) offsets(%arg6 : memref<128xi32, #tpu.memory_space<vmem>>) semaphore(%arg13 : memref<!tpu.dma_semaphore, #tpu.memory_space<semaphore_mem>>)
    %min3A = arith.constant 1 : i32
    %min3A_278 = arith.minsi %min3A, %sub3A_2 : i32
    %get3A_279 = arith.index_cast %min3A_278 : i32 to index
    %get3A_280 = arith.constant 0 : index
    %get3A_281 = tpu.vector_load %arg5[%get3A_279, %get3A_280] {strides = array<i32>} : memref<120x128xi32, #tpu.memory_space<vmem>>, vector<1x16xi32>,
    %get3A_282 = vector.shape_cast %get3A_281 : vector<1x16xi32> to vector<16xi32>
    %and3A_283 = arith.constant 65535 : i32
    %and3A_284 = vector.broadcast %and3A_283 : i32 to vector<16xi32>
    %and3A_285 = arith.andi %get3A_282, %and3A_284 : vector<16xi32>
    %swap3A_286 = arith.constant 0 : index
    %swap3A_287 = tpu.vector_load %arg7[%swap3A_286] {strides = array<i32>} : memref<128xi32, #tpu.memory_space<vmem>>, vector<16xi32>,
    %swap3A_288 = vector.shape_cast %swap3A_287 : vector<16xi32> to vector<16xi32>
    %swap3A_289 = vector.shape_cast %and3A_285 : vector<16xi32> to vector<16xi32>
    tpu.vector_store %arg7[%swap3A_286], %swap3A_289 {strides = array<i32>} : memref<128xi32, #tpu.memory_space<vmem>>, vector<16xi32>,
    %shift_right_logical3A_290 = arith.constant 16 : i32
    %shift_right_logical3A_291 = vector.broadcast %shift_right_logical3A_290 : i32 to vector<16xi32>
    %shift_right_logical3A_292 = arith.shrui %get3A_282, %shift_right_logical3A_291 : vector<16xi32>
    %swap3A_293 = arith.constant 0 : index
    %swap3A_294 = tpu.vector_load %arg9[%swap3A_293] {strides = array<i32>} : memref<128xi32, #tpu.memory_space<vmem>>, vector<16xi32>,
    %swap3A_295 = vector.shape_cast %swap3A_294 : vector<16xi32> to vector<16xi32>
    %swap3A_296 = vector.shape_cast %shift_right_logical3A_292 : vector<16xi32> to vector<16xi32>
    tpu.vector_store %arg9[%swap3A_293], %swap3A_296 {strides = array<i32>} : memref<128xi32, #tpu.memory_space<vmem>>, vector<16xi32>,
    %get3A_297 = arith.index_cast %min3A_278 : i32 to index
    %get3A_298 = arith.constant 16 : index
    %get3A_299 = tpu.vector_load %arg5[%get3A_297, %get3A_298] {strides = array<i32>} : memref<120x128xi32, #tpu.memory_space<vmem>>, vector<1x16xi32>,
    %get3A_300 = vector.shape_cast %get3A_299 : vector<1x16xi32> to vector<16xi32>
    %and3A_301 = arith.constant 65535 : i32
    %and3A_302 = vector.broadcast %and3A_301 : i32 to vector<16xi32>
    %and3A_303 = arith.andi %get3A_300, %and3A_302 : vector<16xi32>
    %swap3A_304 = arith.constant 16 : index
    %swap3A_305 = tpu.vector_load %arg7[%swap3A_304] {strides = array<i32>} : memref<128xi32, #tpu.memory_space<vmem>>, vector<16xi32>,
    %swap3A_306 = vector.shape_cast %swap3A_305 : vector<16xi32> to vector<16xi32>
    %swap3A_307 = vector.shape_cast %and3A_303 : vector<16xi32> to vector<16xi32>
    tpu.vector_store %arg7[%swap3A_304], %swap3A_307 {strides = array<i32>} : memref<128xi32, #tpu.memory_space<vmem>>, vector<16xi32>,
    %shift_right_logical3A_308 = arith.constant 16 : i32
    %shift_right_logical3A_309 = vector.broadcast %shift_right_logical3A_308 : i32 to vector<16xi32>
    %shift_right_logical3A_310 = arith.shrui %get3A_300, %shift_right_logical3A_309 : vector<16xi32>
    %swap3A_311 = arith.constant 16 : index
    %swap3A_312 = tpu.vector_load %arg9[%swap3A_311] {strides = array<i32>} : memref<128xi32, #tpu.memory_space<vmem>>, vector<16xi32>,
    %swap3A_313 = vector.shape_cast %swap3A_312 : vector<16xi32> to vector<16xi32>
    %swap3A_314 = vector.shape_cast %shift_right_logical3A_310 : vector<16xi32> to vector<16xi32>
    tpu.vector_store %arg9[%swap3A_311], %swap3A_314 {strides = array<i32>} : memref<128xi32, #tpu.memory_space<vmem>>, vector<16xi32>,
    %get3A_315 = arith.index_cast %min3A_278 : i32 to index
    %get3A_316 = arith.constant 32 : index
    %get3A_317 = tpu.vector_load %arg5[%get3A_315, %get3A_316] {strides = array<i32>} : memref<120x128xi32, #tpu.memory_space<vmem>>, vector<1x16xi32>,
    %get3A_318 = vector.shape_cast %get3A_317 : vector<1x16xi32> to vector<16xi32>
    %and3A_319 = arith.constant 65535 : i32
    %and3A_320 = vector.broadcast %and3A_319 : i32 to vector<16xi32>
    %and3A_321 = arith.andi %get3A_318, %and3A_320 : vector<16xi32>
    %swap3A_322 = arith.constant 32 : index
    %swap3A_323 = tpu.vector_load %arg7[%swap3A_322] {strides = array<i32>} : memref<128xi32, #tpu.memory_space<vmem>>, vector<16xi32>,
    %swap3A_324 = vector.shape_cast %swap3A_323 : vector<16xi32> to vector<16xi32>
    %swap3A_325 = vector.shape_cast %and3A_321 : vector<16xi32> to vector<16xi32>
    tpu.vector_store %arg7[%swap3A_322], %swap3A_325 {strides = array<i32>} : memref<128xi32, #tpu.memory_space<vmem>>, vector<16xi32>,
    %shift_right_logical3A_326 = arith.constant 16 : i32
    %shift_right_logical3A_327 = vector.broadcast %shift_right_logical3A_326 : i32 to vector<16xi32>
    %shift_right_logical3A_328 = arith.shrui %get3A_318, %shift_right_logical3A_327 : vector<16xi32>
    %swap3A_329 = arith.constant 32 : index
    %swap3A_330 = tpu.vector_load %arg9[%swap3A_329] {strides = array<i32>} : memref<128xi32, #tpu.memory_space<vmem>>, vector<16xi32>,
    %swap3A_331 = vector.shape_cast %swap3A_330 : vector<16xi32> to vector<16xi32>
    %swap3A_332 = vector.shape_cast %shift_right_logical3A_328 : vector<16xi32> to vector<16xi32>
    tpu.vector_store %arg9[%swap3A_329], %swap3A_332 {strides = array<i32>} : memref<128xi32, #tpu.memory_space<vmem>>, vector<16xi32>,
    %get3A_333 = arith.index_cast %min3A_278 : i32 to index
    %get3A_334 = arith.constant 48 : index
    %get3A_335 = tpu.vector_load %arg5[%get3A_333, %get3A_334] {strides = array<i32>} : memref<120x128xi32, #tpu.memory_space<vmem>>, vector<1x16xi32>,
    %get3A_336 = vector.shape_cast %get3A_335 : vector<1x16xi32> to vector<16xi32>
    %and3A_337 = arith.constant 65535 : i32
    %and3A_338 = vector.broadcast %and3A_337 : i32 to vector<16xi32>
    %and3A_339 = arith.andi %get3A_336, %and3A_338 : vector<16xi32>
    %swap3A_340 = arith.constant 48 : index
    %swap3A_341 = tpu.vector_load %arg7[%swap3A_340] {strides = array<i32>} : memref<128xi32, #tpu.memory_space<vmem>>, vector<16xi32>,
    %swap3A_342 = vector.shape_cast %swap3A_341 : vector<16xi32> to vector<16xi32>
    %swap3A_343 = vector.shape_cast %and3A_339 : vector<16xi32> to vector<16xi32>
    tpu.vector_store %arg7[%swap3A_340], %swap3A_343 {strides = array<i32>} : memref<128xi32, #tpu.memory_space<vmem>>, vector<16xi32>,
    %shift_right_logical3A_344 = arith.constant 16 : i32
    %shift_right_logical3A_345 = vector.broadcast %shift_right_logical3A_344 : i32 to vector<16xi32>
    %shift_right_logical3A_346 = arith.shrui %get3A_336, %shift_right_logical3A_345 : vector<16xi32>
    %swap3A_347 = arith.constant 48 : index
    %swap3A_348 = tpu.vector_load %arg9[%swap3A_347] {strides = array<i32>} : memref<128xi32, #tpu.memory_space<vmem>>, vector<16xi32>,
    %swap3A_349 = vector.shape_cast %swap3A_348 : vector<16xi32> to vector<16xi32>
    %swap3A_350 = vector.shape_cast %shift_right_logical3A_346 : vector<16xi32> to vector<16xi32>
    tpu.vector_store %arg9[%swap3A_347], %swap3A_350 {strides = array<i32>} : memref<128xi32, #tpu.memory_space<vmem>>, vector<16xi32>,
    %get3A_351 = arith.index_cast %min3A_278 : i32 to index
    %get3A_352 = arith.constant 64 : index
    %get3A_353 = tpu.vector_load %arg5[%get3A_351, %get3A_352] {strides = array<i32>} : memref<120x128xi32, #tpu.memory_space<vmem>>, vector<1x16xi32>,
    %get3A_354 = vector.shape_cast %get3A_353 : vector<1x16xi32> to vector<16xi32>
    %and3A_355 = arith.constant 65535 : i32
    %and3A_356 = vector.broadcast %and3A_355 : i32 to vector<16xi32>
    %and3A_357 = arith.andi %get3A_354, %and3A_356 : vector<16xi32>
    %swap3A_358 = arith.constant 64 : index
    %swap3A_359 = tpu.vector_load %arg7[%swap3A_358] {strides = array<i32>} : memref<128xi32, #tpu.memory_space<vmem>>, vector<16xi32>,
    %swap3A_360 = vector.shape_cast %swap3A_359 : vector<16xi32> to vector<16xi32>
    %swap3A_361 = vector.shape_cast %and3A_357 : vector<16xi32> to vector<16xi32>
    tpu.vector_store %arg7[%swap3A_358], %swap3A_361 {strides = array<i32>} : memref<128xi32, #tpu.memory_space<vmem>>, vector<16xi32>,
    %shift_right_logical3A_362 = arith.constant 16 : i32
    %shift_right_logical3A_363 = vector.broadcast %shift_right_logical3A_362 : i32 to vector<16xi32>
    %shift_right_logical3A_364 = arith.shrui %get3A_354, %shift_right_logical3A_363 : vector<16xi32>
    %swap3A_365 = arith.constant 64 : index
    %swap3A_366 = tpu.vector_load %arg9[%swap3A_365] {strides = array<i32>} : memref<128xi32, #tpu.memory_space<vmem>>, vector<16xi32>,
    %swap3A_367 = vector.shape_cast %swap3A_366 : vector<16xi32> to vector<16xi32>
    %swap3A_368 = vector.shape_cast %shift_right_logical3A_364 : vector<16xi32> to vector<16xi32>
    tpu.vector_store %arg9[%swap3A_365], %swap3A_368 {strides = array<i32>} : memref<128xi32, #tpu.memory_space<vmem>>, vector<16xi32>,
    %get3A_369 = arith.index_cast %min3A_278 : i32 to index
    %get3A_370 = arith.constant 80 : index
    %get3A_371 = tpu.vector_load %arg5[%get3A_369, %get3A_370] {strides = array<i32>} : memref<120x128xi32, #tpu.memory_space<vmem>>, vector<1x16xi32>,
    %get3A_372 = vector.shape_cast %get3A_371 : vector<1x16xi32> to vector<16xi32>
    %and3A_373 = arith.constant 65535 : i32
    %and3A_374 = vector.broadcast %and3A_373 : i32 to vector<16xi32>
    %and3A_375 = arith.andi %get3A_372, %and3A_374 : vector<16xi32>
    %swap3A_376 = arith.constant 80 : index
    %swap3A_377 = tpu.vector_load %arg7[%swap3A_376] {strides = array<i32>} : memref<128xi32, #tpu.memory_space<vmem>>, vector<16xi32>,
    %swap3A_378 = vector.shape_cast %swap3A_377 : vector<16xi32> to vector<16xi32>
    %swap3A_379 = vector.shape_cast %and3A_375 : vector<16xi32> to vector<16xi32>
    tpu.vector_store %arg7[%swap3A_376], %swap3A_379 {strides = array<i32>} : memref<128xi32, #tpu.memory_space<vmem>>, vector<16xi32>,
    %shift_right_logical3A_380 = arith.constant 16 : i32
    %shift_right_logical3A_381 = vector.broadcast %shift_right_logical3A_380 : i32 to vector<16xi32>
    %shift_right_logical3A_382 = arith.shrui %get3A_372, %shift_right_logical3A_381 : vector<16xi32>
    %swap3A_383 = arith.constant 80 : index
    %swap3A_384 = tpu.vector_load %arg9[%swap3A_383] {strides = array<i32>} : memref<128xi32, #tpu.memory_space<vmem>>, vector<16xi32>,
    %swap3A_385 = vector.shape_cast %swap3A_384 : vector<16xi32> to vector<16xi32>
    %swap3A_386 = vector.shape_cast %shift_right_logical3A_382 : vector<16xi32> to vector<16xi32>
    tpu.vector_store %arg9[%swap3A_383], %swap3A_386 {strides = array<i32>} : memref<128xi32, #tpu.memory_space<vmem>>, vector<16xi32>,
    %get3A_387 = arith.index_cast %min3A_278 : i32 to index
    %get3A_388 = arith.constant 96 : index
    %get3A_389 = tpu.vector_load %arg5[%get3A_387, %get3A_388] {strides = array<i32>} : memref<120x128xi32, #tpu.memory_space<vmem>>, vector<1x16xi32>,
    %get3A_390 = vector.shape_cast %get3A_389 : vector<1x16xi32> to vector<16xi32>
    %and3A_391 = arith.constant 65535 : i32
    %and3A_392 = vector.broadcast %and3A_391 : i32 to vector<16xi32>
    %and3A_393 = arith.andi %get3A_390, %and3A_392 : vector<16xi32>
    %swap3A_394 = arith.constant 96 : index
    %swap3A_395 = tpu.vector_load %arg7[%swap3A_394] {strides = array<i32>} : memref<128xi32, #tpu.memory_space<vmem>>, vector<16xi32>,
    %swap3A_396 = vector.shape_cast %swap3A_395 : vector<16xi32> to vector<16xi32>
    %swap3A_397 = vector.shape_cast %and3A_393 : vector<16xi32> to vector<16xi32>
    tpu.vector_store %arg7[%swap3A_394], %swap3A_397 {strides = array<i32>} : memref<128xi32, #tpu.memory_space<vmem>>, vector<16xi32>,
    %shift_right_logical3A_398 = arith.constant 16 : i32
    %shift_right_logical3A_399 = vector.broadcast %shift_right_logical3A_398 : i32 to vector<16xi32>
    %shift_right_logical3A_400 = arith.shrui %get3A_390, %shift_right_logical3A_399 : vector<16xi32>
    %swap3A_401 = arith.constant 96 : index
    %swap3A_402 = tpu.vector_load %arg9[%swap3A_401] {strides = array<i32>} : memref<128xi32, #tpu.memory_space<vmem>>, vector<16xi32>,
    %swap3A_403 = vector.shape_cast %swap3A_402 : vector<16xi32> to vector<16xi32>
    %swap3A_404 = vector.shape_cast %shift_right_logical3A_400 : vector<16xi32> to vector<16xi32>
    tpu.vector_store %arg9[%swap3A_401], %swap3A_404 {strides = array<i32>} : memref<128xi32, #tpu.memory_space<vmem>>, vector<16xi32>,
    %get3A_405 = arith.index_cast %min3A_278 : i32 to index
    %get3A_406 = arith.constant 112 : index
    %get3A_407 = tpu.vector_load %arg5[%get3A_405, %get3A_406] {strides = array<i32>} : memref<120x128xi32, #tpu.memory_space<vmem>>, vector<1x16xi32>,
    %get3A_408 = vector.shape_cast %get3A_407 : vector<1x16xi32> to vector<16xi32>
    %and3A_409 = arith.constant 65535 : i32
    %and3A_410 = vector.broadcast %and3A_409 : i32 to vector<16xi32>
    %and3A_411 = arith.andi %get3A_408, %and3A_410 : vector<16xi32>
    %swap3A_412 = arith.constant 112 : index
    %swap3A_413 = tpu.vector_load %arg7[%swap3A_412] {strides = array<i32>} : memref<128xi32, #tpu.memory_space<vmem>>, vector<16xi32>,
    %swap3A_414 = vector.shape_cast %swap3A_413 : vector<16xi32> to vector<16xi32>
    %swap3A_415 = vector.shape_cast %and3A_411 : vector<16xi32> to vector<16xi32>
    tpu.vector_store %arg7[%swap3A_412], %swap3A_415 {strides = array<i32>} : memref<128xi32, #tpu.memory_space<vmem>>, vector<16xi32>,
    %shift_right_logical3A_416 = arith.constant 16 : i32
    %shift_right_logical3A_417 = vector.broadcast %shift_right_logical3A_416 : i32 to vector<16xi32>
    %shift_right_logical3A_418 = arith.shrui %get3A_408, %shift_right_logical3A_417 : vector<16xi32>
    %swap3A_419 = arith.constant 112 : index
    %swap3A_420 = tpu.vector_load %arg9[%swap3A_419] {strides = array<i32>} : memref<128xi32, #tpu.memory_space<vmem>>, vector<16xi32>,
    %swap3A_421 = vector.shape_cast %swap3A_420 : vector<16xi32> to vector<16xi32>
    %swap3A_422 = vector.shape_cast %shift_right_logical3A_418 : vector<16xi32> to vector<16xi32>
    tpu.vector_store %arg9[%swap3A_419], %swap3A_422 {strides = array<i32>} : memref<128xi32, #tpu.memory_space<vmem>>, vector<16xi32>,
    %dma_start3A_423 = arith.constant 0 : i32
    %dma_start3A_424 = arith.constant 0 : i32
    %dma_start3A_425 = tpu.memref_slice %arg2[%dma_start3A_423, %dma_start3A_424] : memref<10000x128xf32, #tpu.memory_space<hbm>> -> memref<10000x128xf32, #tpu.memory_space<hbm>>
    tpu.enqueue_indirect_dma source(%dma_start3A_425 : memref<10000x128xf32, #tpu.memory_space<hbm>>) target(%arg11 : memref<128x128xf32, #tpu.memory_space<vmem>>) offsets(%arg7 : memref<128xi32, #tpu.memory_space<vmem>>) semaphore(%arg14 : memref<!tpu.dma_semaphore, #tpu.memory_space<semaphore_mem>>)
    %jit3A_426 = arith.constant 2 : i32
    %div3A = arith.divsi %select_n3A, %jit3A_426 : i32
    %sign3A = arith.constant 0 : i32
    %sign3A_427 = arith.cmpi sgt, %select_n3A, %sign3A : i32
    %sign3A_428 = arith.extui %sign3A_427 : i1 to i32
    %sign3A_429 = arith.constant 0 : i32
    %sign3A_430 = arith.cmpi slt, %select_n3A, %sign3A_429 : i32
    %sign3A_431 = arith.extui %sign3A_430 : i1 to i32
    %sign3A_432 = arith.subi %sign3A_428, %sign3A_431 : i32
    %sign3A_433 = arith.constant 0 : i32
    %sign3A_434 = arith.cmpi sgt, %jit3A_426, %sign3A_433 : i32
    %sign3A_435 = arith.extui %sign3A_434 : i1 to i32
    %sign3A_436 = arith.constant 0 : i32
    %sign3A_437 = arith.cmpi slt, %jit3A_426, %sign3A_436 : i32
    %sign3A_438 = arith.extui %sign3A_437 : i1 to i32
    %sign3A_439 = arith.subi %sign3A_435, %sign3A_438 : i32
    %ne3A = arith.cmpi ne, %sign3A_432, %sign3A_439 : i32
    %rem3A = arith.remsi %select_n3A, %jit3A_426 : i32
    %ne3A_440 = arith.constant 0 : i32
    %ne3A_441 = arith.cmpi ne, %rem3A, %ne3A_440 : i32
    %and3A_442 = arith.andi %ne3A, %ne3A_441 : i1
    %sub3A_443 = arith.constant 1 : i32
    %sub3A_444 = arith.subi %div3A, %sub3A_443 : i32
    %select_n3A_445 = arith.select %and3A_442, %sub3A_444, %div3A : i32
    %while3A = arith.constant 0 : i32
    %while3A_446 = arith.constant 0 : i32
    %while3A_447 = arith.subi %select_n3A_445, %while3A_446 : i32
    %while3A_448 = arith.addi %while3A_446, %while3A_447 : i32
    %while3A_449 = arith.constant 1 : i32
    %while3A_450 = arith.divsi %while3A_447, %while3A_449 : i32
    %while3A_451 = arith.muli %while3A_450, %while3A_449 : i32
    %while3A_452 = arith.addi %while3A_446, %while3A_451 : i32
    %while3A_453 = arith.constant 1 : i32
    scf.for %while3A_672 = %while3A_446 to %while3A_452 step %while3A_453  : i32 {
      %mul3A_673 = arith.constant 2 : i32
      %mul3A_674 = arith.muli %while3A_672, %mul3A_673 : i32
      %dma_wait3A_675 = arith.constant 0 : i32
      %dma_wait3A_676 = arith.constant 0 : i32
      %dma_wait3A_677 = tpu.memref_slice %arg2[%dma_wait3A_675, %dma_wait3A_676] : memref<10000x128xf32, #tpu.memory_space<hbm>> -> memref<10000x128xf32, #tpu.memory_space<hbm>>
      tpu.wait_indirect_dma semaphore(%arg13 : memref<!tpu.dma_semaphore, #tpu.memory_space<semaphore_mem>>) src(%dma_wait3A_677 : memref<10000x128xf32, #tpu.memory_space<hbm>>) dst(%arg10 : memref<128x128xf32, #tpu.memory_space<vmem>>)
      "tpu.region"() ({
        %run_scoped3A = tpu.sem_alloc : memref<!tpu.dma_semaphore, #tpu.memory_space<semaphore_mem>>
        %dma_start3A_981 = arith.constant 0 : i32
        %dma_start3A_982 = arith.constant 0 : i32
        %dma_start3A_983 = tpu.memref_slice %arg12[%dma_start3A_981, %dma_start3A_982] : memref<10112x128xf32, #tpu.memory_space<vmem_shared>> -> memref<10112x128xf32, #tpu.memory_space<vmem_shared>>
        tpu.enqueue_indirect_dma source(%arg10 : memref<128x128xf32, #tpu.memory_space<vmem>>) target(%dma_start3A_983 : memref<10112x128xf32, #tpu.memory_space<vmem_shared>>) offsets(%arg8 : memref<128xi32, #tpu.memory_space<vmem>>) semaphore(%run_scoped3A : memref<!tpu.dma_semaphore, #tpu.memory_space<semaphore_mem>>) {add = true}
        %dma_wait3A_984 = arith.constant 0 : i32
        %dma_wait3A_985 = arith.constant 0 : i32
        %dma_wait3A_986 = tpu.memref_slice %arg12[%dma_wait3A_984, %dma_wait3A_985] : memref<10112x128xf32, #tpu.memory_space<vmem_shared>> -> memref<10112x128xf32, #tpu.memory_space<vmem_shared>>
        tpu.wait_indirect_dma semaphore(%run_scoped3A : memref<!tpu.dma_semaphore, #tpu.memory_space<semaphore_mem>>) src(%arg10 : memref<128x128xf32, #tpu.memory_space<vmem>>) dst(%dma_wait3A_986 : memref<10112x128xf32, #tpu.memory_space<vmem_shared>>)
        tpu.yield
      }) : () -> ()
      %add3A_678 = arith.constant 2 : i32
      %add3A_679 = arith.addi %mul3A_674, %add3A_678 : i32
      %min3A_680 = arith.minsi %add3A_679, %sub3A_2 : i32
      %get3A_681 = arith.index_cast %min3A_680 : i32 to index
      %get3A_682 = arith.constant 0 : index
      %get3A_683 = tpu.vector_load %arg5[%get3A_681, %get3A_682] {strides = array<i32>} : memref<120x128xi32, #tpu.memory_space<vmem>>, vector<1x16xi32>,
      %get3A_684 = vector.shape_cast %get3A_683 : vector<1x16xi32> to vector<16xi32>
      %and3A_685 = arith.constant 65535 : i32
      %and3A_686 = vector.broadcast %and3A_685 : i32 to vector<16xi32>
      %and3A_687 = arith.andi %get3A_684, %and3A_686 : vector<16xi32>
      %swap3A_688 = arith.constant 0 : index
      %swap3A_689 = tpu.vector_load %arg6[%swap3A_688] {strides = array<i32>} : memref<128xi32, #tpu.memory_space<vmem>>, vector<16xi32>,
      %swap3A_690 = vector.shape_cast %swap3A_689 : vector<16xi32> to vector<16xi32>
      %swap3A_691 = vector.shape_cast %and3A_687 : vector<16xi32> to vector<16xi32>
      tpu.vector_store %arg6[%swap3A_688], %swap3A_691 {strides = array<i32>} : memref<128xi32, #tpu.memory_space<vmem>>, vector<16xi32>,
      %shift_right_logical3A_692 = arith.constant 16 : i32
      %shift_right_logical3A_693 = vector.broadcast %shift_right_logical3A_692 : i32 to vector<16xi32>
      %shift_right_logical3A_694 = arith.shrui %get3A_684, %shift_right_logical3A_693 : vector<16xi32>
      %swap3A_695 = arith.constant 0 : index
      %swap3A_696 = tpu.vector_load %arg8[%swap3A_695] {strides = array<i32>} : memref<128xi32, #tpu.memory_space<vmem>>, vector<16xi32>,
      %swap3A_697 = vector.shape_cast %swap3A_696 : vector<16xi32> to vector<16xi32>
      %swap3A_698 = vector.shape_cast %shift_right_logical3A_694 : vector<16xi32> to vector<16xi32>
      tpu.vector_store %arg8[%swap3A_695], %swap3A_698 {strides = array<i32>} : memref<128xi32, #tpu.memory_space<vmem>>, vector<16xi32>,
      %get3A_699 = arith.index_cast %min3A_680 : i32 to index
      %get3A_700 = arith.constant 16 : index
      %get3A_701 = tpu.vector_load %arg5[%get3A_699, %get3A_700] {strides = array<i32>} : memref<120x128xi32, #tpu.memory_space<vmem>>, vector<1x16xi32>,
      %get3A_702 = vector.shape_cast %get3A_701 : vector<1x16xi32> to vector<16xi32>
      %and3A_703 = arith.constant 65535 : i32
      %and3A_704 = vector.broadcast %and3A_703 : i32 to vector<16xi32>
      %and3A_705 = arith.andi %get3A_702, %and3A_704 : vector<16xi32>
      %swap3A_706 = arith.constant 16 : index
      %swap3A_707 = tpu.vector_load %arg6[%swap3A_706] {strides = array<i32>} : memref<128xi32, #tpu.memory_space<vmem>>, vector<16xi32>,
      %swap3A_708 = vector.shape_cast %swap3A_707 : vector<16xi32> to vector<16xi32>
      %swap3A_709 = vector.shape_cast %and3A_705 : vector<16xi32> to vector<16xi32>
      tpu.vector_store %arg6[%swap3A_706], %swap3A_709 {strides = array<i32>} : memref<128xi32, #tpu.memory_space<vmem>>, vector<16xi32>,
      %shift_right_logical3A_710 = arith.constant 16 : i32
      %shift_right_logical3A_711 = vector.broadcast %shift_right_logical3A_710 : i32 to vector<16xi32>
      %shift_right_logical3A_712 = arith.shrui %get3A_702, %shift_right_logical3A_711 : vector<16xi32>
      %swap3A_713 = arith.constant 16 : index
      %swap3A_714 = tpu.vector_load %arg8[%swap3A_713] {strides = array<i32>} : memref<128xi32, #tpu.memory_space<vmem>>, vector<16xi32>,
      %swap3A_715 = vector.shape_cast %swap3A_714 : vector<16xi32> to vector<16xi32>
      %swap3A_716 = vector.shape_cast %shift_right_logical3A_712 : vector<16xi32> to vector<16xi32>
      tpu.vector_store %arg8[%swap3A_713], %swap3A_716 {strides = array<i32>} : memref<128xi32, #tpu.memory_space<vmem>>, vector<16xi32>,
      %get3A_717 = arith.index_cast %min3A_680 : i32 to index
      %get3A_718 = arith.constant 32 : index
      %get3A_719 = tpu.vector_load %arg5[%get3A_717, %get3A_718] {strides = array<i32>} : memref<120x128xi32, #tpu.memory_space<vmem>>, vector<1x16xi32>,
      %get3A_720 = vector.shape_cast %get3A_719 : vector<1x16xi32> to vector<16xi32>
      %and3A_721 = arith.constant 65535 : i32
      %and3A_722 = vector.broadcast %and3A_721 : i32 to vector<16xi32>
      %and3A_723 = arith.andi %get3A_720, %and3A_722 : vector<16xi32>
      %swap3A_724 = arith.constant 32 : index
      %swap3A_725 = tpu.vector_load %arg6[%swap3A_724] {strides = array<i32>} : memref<128xi32, #tpu.memory_space<vmem>>, vector<16xi32>,
      %swap3A_726 = vector.shape_cast %swap3A_725 : vector<16xi32> to vector<16xi32>
      %swap3A_727 = vector.shape_cast %and3A_723 : vector<16xi32> to vector<16xi32>
      tpu.vector_store %arg6[%swap3A_724], %swap3A_727 {strides = array<i32>} : memref<128xi32, #tpu.memory_space<vmem>>, vector<16xi32>,
      %shift_right_logical3A_728 = arith.constant 16 : i32
      %shift_right_logical3A_729 = vector.broadcast %shift_right_logical3A_728 : i32 to vector<16xi32>
      %shift_right_logical3A_730 = arith.shrui %get3A_720, %shift_right_logical3A_729 : vector<16xi32>
      %swap3A_731 = arith.constant 32 : index
      %swap3A_732 = tpu.vector_load %arg8[%swap3A_731] {strides = array<i32>} : memref<128xi32, #tpu.memory_space<vmem>>, vector<16xi32>,
      %swap3A_733 = vector.shape_cast %swap3A_732 : vector<16xi32> to vector<16xi32>
      %swap3A_734 = vector.shape_cast %shift_right_logical3A_730 : vector<16xi32> to vector<16xi32>
      tpu.vector_store %arg8[%swap3A_731], %swap3A_734 {strides = array<i32>} : memref<128xi32, #tpu.memory_space<vmem>>, vector<16xi32>,
      %get3A_735 = arith.index_cast %min3A_680 : i32 to index
      %get3A_736 = arith.constant 48 : index
      %get3A_737 = tpu.vector_load %arg5[%get3A_735, %get3A_736] {strides = array<i32>} : memref<120x128xi32, #tpu.memory_space<vmem>>, vector<1x16xi32>,
      %get3A_738 = vector.shape_cast %get3A_737 : vector<1x16xi32> to vector<16xi32>
      %and3A_739 = arith.constant 65535 : i32
      %and3A_740 = vector.broadcast %and3A_739 : i32 to vector<16xi32>
      %and3A_741 = arith.andi %get3A_738, %and3A_740 : vector<16xi32>
      %swap3A_742 = arith.constant 48 : index
      %swap3A_743 = tpu.vector_load %arg6[%swap3A_742] {strides = array<i32>} : memref<128xi32, #tpu.memory_space<vmem>>, vector<16xi32>,
      %swap3A_744 = vector.shape_cast %swap3A_743 : vector<16xi32> to vector<16xi32>
      %swap3A_745 = vector.shape_cast %and3A_741 : vector<16xi32> to vector<16xi32>
      tpu.vector_store %arg6[%swap3A_742], %swap3A_745 {strides = array<i32>} : memref<128xi32, #tpu.memory_space<vmem>>, vector<16xi32>,
      %shift_right_logical3A_746 = arith.constant 16 : i32
      %shift_right_logical3A_747 = vector.broadcast %shift_right_logical3A_746 : i32 to vector<16xi32>
      %shift_right_logical3A_748 = arith.shrui %get3A_738, %shift_right_logical3A_747 : vector<16xi32>
      %swap3A_749 = arith.constant 48 : index
      %swap3A_750 = tpu.vector_load %arg8[%swap3A_749] {strides = array<i32>} : memref<128xi32, #tpu.memory_space<vmem>>, vector<16xi32>,
      %swap3A_751 = vector.shape_cast %swap3A_750 : vector<16xi32> to vector<16xi32>
      %swap3A_752 = vector.shape_cast %shift_right_logical3A_748 : vector<16xi32> to vector<16xi32>
      tpu.vector_store %arg8[%swap3A_749], %swap3A_752 {strides = array<i32>} : memref<128xi32, #tpu.memory_space<vmem>>, vector<16xi32>,
      %get3A_753 = arith.index_cast %min3A_680 : i32 to index
      %get3A_754 = arith.constant 64 : index
      %get3A_755 = tpu.vector_load %arg5[%get3A_753, %get3A_754] {strides = array<i32>} : memref<120x128xi32, #tpu.memory_space<vmem>>, vector<1x16xi32>,
      %get3A_756 = vector.shape_cast %get3A_755 : vector<1x16xi32> to vector<16xi32>
      %and3A_757 = arith.constant 65535 : i32
      %and3A_758 = vector.broadcast %and3A_757 : i32 to vector<16xi32>
      %and3A_759 = arith.andi %get3A_756, %and3A_758 : vector<16xi32>
      %swap3A_760 = arith.constant 64 : index
      %swap3A_761 = tpu.vector_load %arg6[%swap3A_760] {strides = array<i32>} : memref<128xi32, #tpu.memory_space<vmem>>, vector<16xi32>,
      %swap3A_762 = vector.shape_cast %swap3A_761 : vector<16xi32> to vector<16xi32>
      %swap3A_763 = vector.shape_cast %and3A_759 : vector<16xi32> to vector<16xi32>
      tpu.vector_store %arg6[%swap3A_760], %swap3A_763 {strides = array<i32>} : memref<128xi32, #tpu.memory_space<vmem>>, vector<16xi32>,
      %shift_right_logical3A_764 = arith.constant 16 : i32
      %shift_right_logical3A_765 = vector.broadcast %shift_right_logical3A_764 : i32 to vector<16xi32>
      %shift_right_logical3A_766 = arith.shrui %get3A_756, %shift_right_logical3A_765 : vector<16xi32>
      %swap3A_767 = arith.constant 64 : index
      %swap3A_768 = tpu.vector_load %arg8[%swap3A_767] {strides = array<i32>} : memref<128xi32, #tpu.memory_space<vmem>>, vector<16xi32>,
      %swap3A_769 = vector.shape_cast %swap3A_768 : vector<16xi32> to vector<16xi32>
      %swap3A_770 = vector.shape_cast %shift_right_logical3A_766 : vector<16xi32> to vector<16xi32>
      tpu.vector_store %arg8[%swap3A_767], %swap3A_770 {strides = array<i32>} : memref<128xi32, #tpu.memory_space<vmem>>, vector<16xi32>,
      %get3A_771 = arith.index_cast %min3A_680 : i32 to index
      %get3A_772 = arith.constant 80 : index
      %get3A_773 = tpu.vector_load %arg5[%get3A_771, %get3A_772] {strides = array<i32>} : memref<120x128xi32, #tpu.memory_space<vmem>>, vector<1x16xi32>,
      %get3A_774 = vector.shape_cast %get3A_773 : vector<1x16xi32> to vector<16xi32>
      %and3A_775 = arith.constant 65535 : i32
      %and3A_776 = vector.broadcast %and3A_775 : i32 to vector<16xi32>
      %and3A_777 = arith.andi %get3A_774, %and3A_776 : vector<16xi32>
      %swap3A_778 = arith.constant 80 : index
      %swap3A_779 = tpu.vector_load %arg6[%swap3A_778] {strides = array<i32>} : memref<128xi32, #tpu.memory_space<vmem>>, vector<16xi32>,
      %swap3A_780 = vector.shape_cast %swap3A_779 : vector<16xi32> to vector<16xi32>
      %swap3A_781 = vector.shape_cast %and3A_777 : vector<16xi32> to vector<16xi32>
      tpu.vector_store %arg6[%swap3A_778], %swap3A_781 {strides = array<i32>} : memref<128xi32, #tpu.memory_space<vmem>>, vector<16xi32>,
      %shift_right_logical3A_782 = arith.constant 16 : i32
      %shift_right_logical3A_783 = vector.broadcast %shift_right_logical3A_782 : i32 to vector<16xi32>
      %shift_right_logical3A_784 = arith.shrui %get3A_774, %shift_right_logical3A_783 : vector<16xi32>
      %swap3A_785 = arith.constant 80 : index
      %swap3A_786 = tpu.vector_load %arg8[%swap3A_785] {strides = array<i32>} : memref<128xi32, #tpu.memory_space<vmem>>, vector<16xi32>,
      %swap3A_787 = vector.shape_cast %swap3A_786 : vector<16xi32> to vector<16xi32>
      %swap3A_788 = vector.shape_cast %shift_right_logical3A_784 : vector<16xi32> to vector<16xi32>
      tpu.vector_store %arg8[%swap3A_785], %swap3A_788 {strides = array<i32>} : memref<128xi32, #tpu.memory_space<vmem>>, vector<16xi32>,
      %get3A_789 = arith.index_cast %min3A_680 : i32 to index
      %get3A_790 = arith.constant 96 : index
      %get3A_791 = tpu.vector_load %arg5[%get3A_789, %get3A_790] {strides = array<i32>} : memref<120x128xi32, #tpu.memory_space<vmem>>, vector<1x16xi32>,
      %get3A_792 = vector.shape_cast %get3A_791 : vector<1x16xi32> to vector<16xi32>
      %and3A_793 = arith.constant 65535 : i32
      %and3A_794 = vector.broadcast %and3A_793 : i32 to vector<16xi32>
      %and3A_795 = arith.andi %get3A_792, %and3A_794 : vector<16xi32>
      %swap3A_796 = arith.constant 96 : index
      %swap3A_797 = tpu.vector_load %arg6[%swap3A_796] {strides = array<i32>} : memref<128xi32, #tpu.memory_space<vmem>>, vector<16xi32>,
      %swap3A_798 = vector.shape_cast %swap3A_797 : vector<16xi32> to vector<16xi32>
      %swap3A_799 = vector.shape_cast %and3A_795 : vector<16xi32> to vector<16xi32>
      tpu.vector_store %arg6[%swap3A_796], %swap3A_799 {strides = array<i32>} : memref<128xi32, #tpu.memory_space<vmem>>, vector<16xi32>,
      %shift_right_logical3A_800 = arith.constant 16 : i32
      %shift_right_logical3A_801 = vector.broadcast %shift_right_logical3A_800 : i32 to vector<16xi32>
      %shift_right_logical3A_802 = arith.shrui %get3A_792, %shift_right_logical3A_801 : vector<16xi32>
      %swap3A_803 = arith.constant 96 : index
      %swap3A_804 = tpu.vector_load %arg8[%swap3A_803] {strides = array<i32>} : memref<128xi32, #tpu.memory_space<vmem>>, vector<16xi32>,
      %swap3A_805 = vector.shape_cast %swap3A_804 : vector<16xi32> to vector<16xi32>
      %swap3A_806 = vector.shape_cast %shift_right_logical3A_802 : vector<16xi32> to vector<16xi32>
      tpu.vector_store %arg8[%swap3A_803], %swap3A_806 {strides = array<i32>} : memref<128xi32, #tpu.memory_space<vmem>>, vector<16xi32>,
      %get3A_807 = arith.index_cast %min3A_680 : i32 to index
      %get3A_808 = arith.constant 112 : index
      %get3A_809 = tpu.vector_load %arg5[%get3A_807, %get3A_808] {strides = array<i32>} : memref<120x128xi32, #tpu.memory_space<vmem>>, vector<1x16xi32>,
      %get3A_810 = vector.shape_cast %get3A_809 : vector<1x16xi32> to vector<16xi32>
      %and3A_811 = arith.constant 65535 : i32
      %and3A_812 = vector.broadcast %and3A_811 : i32 to vector<16xi32>
      %and3A_813 = arith.andi %get3A_810, %and3A_812 : vector<16xi32>
      %swap3A_814 = arith.constant 112 : index
      %swap3A_815 = tpu.vector_load %arg6[%swap3A_814] {strides = array<i32>} : memref<128xi32, #tpu.memory_space<vmem>>, vector<16xi32>,
      %swap3A_816 = vector.shape_cast %swap3A_815 : vector<16xi32> to vector<16xi32>
      %swap3A_817 = vector.shape_cast %and3A_813 : vector<16xi32> to vector<16xi32>
      tpu.vector_store %arg6[%swap3A_814], %swap3A_817 {strides = array<i32>} : memref<128xi32, #tpu.memory_space<vmem>>, vector<16xi32>,
      %shift_right_logical3A_818 = arith.constant 16 : i32
      %shift_right_logical3A_819 = vector.broadcast %shift_right_logical3A_818 : i32 to vector<16xi32>
      %shift_right_logical3A_820 = arith.shrui %get3A_810, %shift_right_logical3A_819 : vector<16xi32>
      %swap3A_821 = arith.constant 112 : index
      %swap3A_822 = tpu.vector_load %arg8[%swap3A_821] {strides = array<i32>} : memref<128xi32, #tpu.memory_space<vmem>>, vector<16xi32>,
      %swap3A_823 = vector.shape_cast %swap3A_822 : vector<16xi32> to vector<16xi32>
      %swap3A_824 = vector.shape_cast %shift_right_logical3A_820 : vector<16xi32> to vector<16xi32>
      tpu.vector_store %arg8[%swap3A_821], %swap3A_824 {strides = array<i32>} : memref<128xi32, #tpu.memory_space<vmem>>, vector<16xi32>,
      %dma_start3A_825 = arith.constant 0 : i32
      %dma_start3A_826 = arith.constant 0 : i32
      %dma_start3A_827 = tpu.memref_slice %arg2[%dma_start3A_825, %dma_start3A_826] : memref<10000x128xf32, #tpu.memory_space<hbm>> -> memref<10000x128xf32, #tpu.memory_space<hbm>>
      tpu.enqueue_indirect_dma source(%dma_start3A_827 : memref<10000x128xf32, #tpu.memory_space<hbm>>) target(%arg10 : memref<128x128xf32, #tpu.memory_space<vmem>>) offsets(%arg6 : memref<128xi32, #tpu.memory_space<vmem>>) semaphore(%arg13 : memref<!tpu.dma_semaphore, #tpu.memory_space<semaphore_mem>>)
      %dma_wait3A_828 = arith.constant 0 : i32
      %dma_wait3A_829 = arith.constant 0 : i32
      %dma_wait3A_830 = tpu.memref_slice %arg2[%dma_wait3A_828, %dma_wait3A_829] : memref<10000x128xf32, #tpu.memory_space<hbm>> -> memref<10000x128xf32, #tpu.memory_space<hbm>>
      tpu.wait_indirect_dma semaphore(%arg14 : memref<!tpu.dma_semaphore, #tpu.memory_space<semaphore_mem>>) src(%dma_wait3A_830 : memref<10000x128xf32, #tpu.memory_space<hbm>>) dst(%arg11 : memref<128x128xf32, #tpu.memory_space<vmem>>)
      "tpu.region"() ({
        %run_scoped3A = tpu.sem_alloc : memref<!tpu.dma_semaphore, #tpu.memory_space<semaphore_mem>>
        %dma_start3A_981 = arith.constant 0 : i32
        %dma_start3A_982 = arith.constant 0 : i32
        %dma_start3A_983 = tpu.memref_slice %arg12[%dma_start3A_981, %dma_start3A_982] : memref<10112x128xf32, #tpu.memory_space<vmem_shared>> -> memref<10112x128xf32, #tpu.memory_space<vmem_shared>>
        tpu.enqueue_indirect_dma source(%arg11 : memref<128x128xf32, #tpu.memory_space<vmem>>) target(%dma_start3A_983 : memref<10112x128xf32, #tpu.memory_space<vmem_shared>>) offsets(%arg9 : memref<128xi32, #tpu.memory_space<vmem>>) semaphore(%run_scoped3A : memref<!tpu.dma_semaphore, #tpu.memory_space<semaphore_mem>>) {add = true}
        %dma_wait3A_984 = arith.constant 0 : i32
        %dma_wait3A_985 = arith.constant 0 : i32
        %dma_wait3A_986 = tpu.memref_slice %arg12[%dma_wait3A_984, %dma_wait3A_985] : memref<10112x128xf32, #tpu.memory_space<vmem_shared>> -> memref<10112x128xf32, #tpu.memory_space<vmem_shared>>
        tpu.wait_indirect_dma semaphore(%run_scoped3A : memref<!tpu.dma_semaphore, #tpu.memory_space<semaphore_mem>>) src(%arg11 : memref<128x128xf32, #tpu.memory_space<vmem>>) dst(%dma_wait3A_986 : memref<10112x128xf32, #tpu.memory_space<vmem_shared>>)
        tpu.yield
      }) : () -> ()
      %add3A_831 = arith.constant 3 : i32
      %add3A_832 = arith.addi %mul3A_674, %add3A_831 : i32
      %min3A_833 = arith.minsi %add3A_832, %sub3A_2 : i32
      %get3A_834 = arith.index_cast %min3A_833 : i32 to index
      %get3A_835 = arith.constant 0 : index
      %get3A_836 = tpu.vector_load %arg5[%get3A_834, %get3A_835] {strides = array<i32>} : memref<120x128xi32, #tpu.memory_space<vmem>>, vector<1x16xi32>,
      %get3A_837 = vector.shape_cast %get3A_836 : vector<1x16xi32> to vector<16xi32>
      %and3A_838 = arith.constant 65535 : i32
      %and3A_839 = vector.broadcast %and3A_838 : i32 to vector<16xi32>
      %and3A_840 = arith.andi %get3A_837, %and3A_839 : vector<16xi32>
      %swap3A_841 = arith.constant 0 : index
      %swap3A_842 = tpu.vector_load %arg7[%swap3A_841] {strides = array<i32>} : memref<128xi32, #tpu.memory_space<vmem>>, vector<16xi32>,
      %swap3A_843 = vector.shape_cast %swap3A_842 : vector<16xi32> to vector<16xi32>
      %swap3A_844 = vector.shape_cast %and3A_840 : vector<16xi32> to vector<16xi32>
      tpu.vector_store %arg7[%swap3A_841], %swap3A_844 {strides = array<i32>} : memref<128xi32, #tpu.memory_space<vmem>>, vector<16xi32>,
      %shift_right_logical3A_845 = arith.constant 16 : i32
      %shift_right_logical3A_846 = vector.broadcast %shift_right_logical3A_845 : i32 to vector<16xi32>
      %shift_right_logical3A_847 = arith.shrui %get3A_837, %shift_right_logical3A_846 : vector<16xi32>
      %swap3A_848 = arith.constant 0 : index
      %swap3A_849 = tpu.vector_load %arg9[%swap3A_848] {strides = array<i32>} : memref<128xi32, #tpu.memory_space<vmem>>, vector<16xi32>,
      %swap3A_850 = vector.shape_cast %swap3A_849 : vector<16xi32> to vector<16xi32>
      %swap3A_851 = vector.shape_cast %shift_right_logical3A_847 : vector<16xi32> to vector<16xi32>
      tpu.vector_store %arg9[%swap3A_848], %swap3A_851 {strides = array<i32>} : memref<128xi32, #tpu.memory_space<vmem>>, vector<16xi32>,
      %get3A_852 = arith.index_cast %min3A_833 : i32 to index
      %get3A_853 = arith.constant 16 : index
      %get3A_854 = tpu.vector_load %arg5[%get3A_852, %get3A_853] {strides = array<i32>} : memref<120x128xi32, #tpu.memory_space<vmem>>, vector<1x16xi32>,
      %get3A_855 = vector.shape_cast %get3A_854 : vector<1x16xi32> to vector<16xi32>
      %and3A_856 = arith.constant 65535 : i32
      %and3A_857 = vector.broadcast %and3A_856 : i32 to vector<16xi32>
      %and3A_858 = arith.andi %get3A_855, %and3A_857 : vector<16xi32>
      %swap3A_859 = arith.constant 16 : index
      %swap3A_860 = tpu.vector_load %arg7[%swap3A_859] {strides = array<i32>} : memref<128xi32, #tpu.memory_space<vmem>>, vector<16xi32>,
      %swap3A_861 = vector.shape_cast %swap3A_860 : vector<16xi32> to vector<16xi32>
      %swap3A_862 = vector.shape_cast %and3A_858 : vector<16xi32> to vector<16xi32>
      tpu.vector_store %arg7[%swap3A_859], %swap3A_862 {strides = array<i32>} : memref<128xi32, #tpu.memory_space<vmem>>, vector<16xi32>,
      %shift_right_logical3A_863 = arith.constant 16 : i32
      %shift_right_logical3A_864 = vector.broadcast %shift_right_logical3A_863 : i32 to vector<16xi32>
      %shift_right_logical3A_865 = arith.shrui %get3A_855, %shift_right_logical3A_864 : vector<16xi32>
      %swap3A_866 = arith.constant 16 : index
      %swap3A_867 = tpu.vector_load %arg9[%swap3A_866] {strides = array<i32>} : memref<128xi32, #tpu.memory_space<vmem>>, vector<16xi32>,
      %swap3A_868 = vector.shape_cast %swap3A_867 : vector<16xi32> to vector<16xi32>
      %swap3A_869 = vector.shape_cast %shift_right_logical3A_865 : vector<16xi32> to vector<16xi32>
      tpu.vector_store %arg9[%swap3A_866], %swap3A_869 {strides = array<i32>} : memref<128xi32, #tpu.memory_space<vmem>>, vector<16xi32>,
      %get3A_870 = arith.index_cast %min3A_833 : i32 to index
      %get3A_871 = arith.constant 32 : index
      %get3A_872 = tpu.vector_load %arg5[%get3A_870, %get3A_871] {strides = array<i32>} : memref<120x128xi32, #tpu.memory_space<vmem>>, vector<1x16xi32>,
      %get3A_873 = vector.shape_cast %get3A_872 : vector<1x16xi32> to vector<16xi32>
      %and3A_874 = arith.constant 65535 : i32
      %and3A_875 = vector.broadcast %and3A_874 : i32 to vector<16xi32>
      %and3A_876 = arith.andi %get3A_873, %and3A_875 : vector<16xi32>
      %swap3A_877 = arith.constant 32 : index
      %swap3A_878 = tpu.vector_load %arg7[%swap3A_877] {strides = array<i32>} : memref<128xi32, #tpu.memory_space<vmem>>, vector<16xi32>,
      %swap3A_879 = vector.shape_cast %swap3A_878 : vector<16xi32> to vector<16xi32>
      %swap3A_880 = vector.shape_cast %and3A_876 : vector<16xi32> to vector<16xi32>
      tpu.vector_store %arg7[%swap3A_877], %swap3A_880 {strides = array<i32>} : memref<128xi32, #tpu.memory_space<vmem>>, vector<16xi32>,
      %shift_right_logical3A_881 = arith.constant 16 : i32
      %shift_right_logical3A_882 = vector.broadcast %shift_right_logical3A_881 : i32 to vector<16xi32>
      %shift_right_logical3A_883 = arith.shrui %get3A_873, %shift_right_logical3A_882 : vector<16xi32>
      %swap3A_884 = arith.constant 32 : index
      %swap3A_885 = tpu.vector_load %arg9[%swap3A_884] {strides = array<i32>} : memref<128xi32, #tpu.memory_space<vmem>>, vector<16xi32>,
      %swap3A_886 = vector.shape_cast %swap3A_885 : vector<16xi32> to vector<16xi32>
      %swap3A_887 = vector.shape_cast %shift_right_logical3A_883 : vector<16xi32> to vector<16xi32>
      tpu.vector_store %arg9[%swap3A_884], %swap3A_887 {strides = array<i32>} : memref<128xi32, #tpu.memory_space<vmem>>, vector<16xi32>,
      %get3A_888 = arith.index_cast %min3A_833 : i32 to index
      %get3A_889 = arith.constant 48 : index
      %get3A_890 = tpu.vector_load %arg5[%get3A_888, %get3A_889] {strides = array<i32>} : memref<120x128xi32, #tpu.memory_space<vmem>>, vector<1x16xi32>,
      %get3A_891 = vector.shape_cast %get3A_890 : vector<1x16xi32> to vector<16xi32>
      %and3A_892 = arith.constant 65535 : i32
      %and3A_893 = vector.broadcast %and3A_892 : i32 to vector<16xi32>
      %and3A_894 = arith.andi %get3A_891, %and3A_893 : vector<16xi32>
      %swap3A_895 = arith.constant 48 : index
      %swap3A_896 = tpu.vector_load %arg7[%swap3A_895] {strides = array<i32>} : memref<128xi32, #tpu.memory_space<vmem>>, vector<16xi32>,
      %swap3A_897 = vector.shape_cast %swap3A_896 : vector<16xi32> to vector<16xi32>
      %swap3A_898 = vector.shape_cast %and3A_894 : vector<16xi32> to vector<16xi32>
      tpu.vector_store %arg7[%swap3A_895], %swap3A_898 {strides = array<i32>} : memref<128xi32, #tpu.memory_space<vmem>>, vector<16xi32>,
      %shift_right_logical3A_899 = arith.constant 16 : i32
      %shift_right_logical3A_900 = vector.broadcast %shift_right_logical3A_899 : i32 to vector<16xi32>
      %shift_right_logical3A_901 = arith.shrui %get3A_891, %shift_right_logical3A_900 : vector<16xi32>
      %swap3A_902 = arith.constant 48 : index
      %swap3A_903 = tpu.vector_load %arg9[%swap3A_902] {strides = array<i32>} : memref<128xi32, #tpu.memory_space<vmem>>, vector<16xi32>,
      %swap3A_904 = vector.shape_cast %swap3A_903 : vector<16xi32> to vector<16xi32>
      %swap3A_905 = vector.shape_cast %shift_right_logical3A_901 : vector<16xi32> to vector<16xi32>
      tpu.vector_store %arg9[%swap3A_902], %swap3A_905 {strides = array<i32>} : memref<128xi32, #tpu.memory_space<vmem>>, vector<16xi32>,
      %get3A_906 = arith.index_cast %min3A_833 : i32 to index
      %get3A_907 = arith.constant 64 : index
      %get3A_908 = tpu.vector_load %arg5[%get3A_906, %get3A_907] {strides = array<i32>} : memref<120x128xi32, #tpu.memory_space<vmem>>, vector<1x16xi32>,
      %get3A_909 = vector.shape_cast %get3A_908 : vector<1x16xi32> to vector<16xi32>
      %and3A_910 = arith.constant 65535 : i32
      %and3A_911 = vector.broadcast %and3A_910 : i32 to vector<16xi32>
      %and3A_912 = arith.andi %get3A_909, %and3A_911 : vector<16xi32>
      %swap3A_913 = arith.constant 64 : index
      %swap3A_914 = tpu.vector_load %arg7[%swap3A_913] {strides = array<i32>} : memref<128xi32, #tpu.memory_space<vmem>>, vector<16xi32>,
      %swap3A_915 = vector.shape_cast %swap3A_914 : vector<16xi32> to vector<16xi32>
      %swap3A_916 = vector.shape_cast %and3A_912 : vector<16xi32> to vector<16xi32>
      tpu.vector_store %arg7[%swap3A_913], %swap3A_916 {strides = array<i32>} : memref<128xi32, #tpu.memory_space<vmem>>, vector<16xi32>,
      %shift_right_logical3A_917 = arith.constant 16 : i32
      %shift_right_logical3A_918 = vector.broadcast %shift_right_logical3A_917 : i32 to vector<16xi32>
      %shift_right_logical3A_919 = arith.shrui %get3A_909, %shift_right_logical3A_918 : vector<16xi32>
      %swap3A_920 = arith.constant 64 : index
      %swap3A_921 = tpu.vector_load %arg9[%swap3A_920] {strides = array<i32>} : memref<128xi32, #tpu.memory_space<vmem>>, vector<16xi32>,
      %swap3A_922 = vector.shape_cast %swap3A_921 : vector<16xi32> to vector<16xi32>
      %swap3A_923 = vector.shape_cast %shift_right_logical3A_919 : vector<16xi32> to vector<16xi32>
      tpu.vector_store %arg9[%swap3A_920], %swap3A_923 {strides = array<i32>} : memref<128xi32, #tpu.memory_space<vmem>>, vector<16xi32>,
      %get3A_924 = arith.index_cast %min3A_833 : i32 to index
      %get3A_925 = arith.constant 80 : index
      %get3A_926 = tpu.vector_load %arg5[%get3A_924, %get3A_925] {strides = array<i32>} : memref<120x128xi32, #tpu.memory_space<vmem>>, vector<1x16xi32>,
      %get3A_927 = vector.shape_cast %get3A_926 : vector<1x16xi32> to vector<16xi32>
      %and3A_928 = arith.constant 65535 : i32
      %and3A_929 = vector.broadcast %and3A_928 : i32 to vector<16xi32>
      %and3A_930 = arith.andi %get3A_927, %and3A_929 : vector<16xi32>
      %swap3A_931 = arith.constant 80 : index
      %swap3A_932 = tpu.vector_load %arg7[%swap3A_931] {strides = array<i32>} : memref<128xi32, #tpu.memory_space<vmem>>, vector<16xi32>,
      %swap3A_933 = vector.shape_cast %swap3A_932 : vector<16xi32> to vector<16xi32>
      %swap3A_934 = vector.shape_cast %and3A_930 : vector<16xi32> to vector<16xi32>
      tpu.vector_store %arg7[%swap3A_931], %swap3A_934 {strides = array<i32>} : memref<128xi32, #tpu.memory_space<vmem>>, vector<16xi32>,
      %shift_right_logical3A_935 = arith.constant 16 : i32
      %shift_right_logical3A_936 = vector.broadcast %shift_right_logical3A_935 : i32 to vector<16xi32>
      %shift_right_logical3A_937 = arith.shrui %get3A_927, %shift_right_logical3A_936 : vector<16xi32>
      %swap3A_938 = arith.constant 80 : index
      %swap3A_939 = tpu.vector_load %arg9[%swap3A_938] {strides = array<i32>} : memref<128xi32, #tpu.memory_space<vmem>>, vector<16xi32>,
      %swap3A_940 = vector.shape_cast %swap3A_939 : vector<16xi32> to vector<16xi32>
      %swap3A_941 = vector.shape_cast %shift_right_logical3A_937 : vector<16xi32> to vector<16xi32>
      tpu.vector_store %arg9[%swap3A_938], %swap3A_941 {strides = array<i32>} : memref<128xi32, #tpu.memory_space<vmem>>, vector<16xi32>,
      %get3A_942 = arith.index_cast %min3A_833 : i32 to index
      %get3A_943 = arith.constant 96 : index
      %get3A_944 = tpu.vector_load %arg5[%get3A_942, %get3A_943] {strides = array<i32>} : memref<120x128xi32, #tpu.memory_space<vmem>>, vector<1x16xi32>,
      %get3A_945 = vector.shape_cast %get3A_944 : vector<1x16xi32> to vector<16xi32>
      %and3A_946 = arith.constant 65535 : i32
      %and3A_947 = vector.broadcast %and3A_946 : i32 to vector<16xi32>
      %and3A_948 = arith.andi %get3A_945, %and3A_947 : vector<16xi32>
      %swap3A_949 = arith.constant 96 : index
      %swap3A_950 = tpu.vector_load %arg7[%swap3A_949] {strides = array<i32>} : memref<128xi32, #tpu.memory_space<vmem>>, vector<16xi32>,
      %swap3A_951 = vector.shape_cast %swap3A_950 : vector<16xi32> to vector<16xi32>
      %swap3A_952 = vector.shape_cast %and3A_948 : vector<16xi32> to vector<16xi32>
      tpu.vector_store %arg7[%swap3A_949], %swap3A_952 {strides = array<i32>} : memref<128xi32, #tpu.memory_space<vmem>>, vector<16xi32>,
      %shift_right_logical3A_953 = arith.constant 16 : i32
      %shift_right_logical3A_954 = vector.broadcast %shift_right_logical3A_953 : i32 to vector<16xi32>
      %shift_right_logical3A_955 = arith.shrui %get3A_945, %shift_right_logical3A_954 : vector<16xi32>
      %swap3A_956 = arith.constant 96 : index
      %swap3A_957 = tpu.vector_load %arg9[%swap3A_956] {strides = array<i32>} : memref<128xi32, #tpu.memory_space<vmem>>, vector<16xi32>,
      %swap3A_958 = vector.shape_cast %swap3A_957 : vector<16xi32> to vector<16xi32>
      %swap3A_959 = vector.shape_cast %shift_right_logical3A_955 : vector<16xi32> to vector<16xi32>
      tpu.vector_store %arg9[%swap3A_956], %swap3A_959 {strides = array<i32>} : memref<128xi32, #tpu.memory_space<vmem>>, vector<16xi32>,
      %get3A_960 = arith.index_cast %min3A_833 : i32 to index
      %get3A_961 = arith.constant 112 : index
      %get3A_962 = tpu.vector_load %arg5[%get3A_960, %get3A_961] {strides = array<i32>} : memref<120x128xi32, #tpu.memory_space<vmem>>, vector<1x16xi32>,
      %get3A_963 = vector.shape_cast %get3A_962 : vector<1x16xi32> to vector<16xi32>
      %and3A_964 = arith.constant 65535 : i32
      %and3A_965 = vector.broadcast %and3A_964 : i32 to vector<16xi32>
      %and3A_966 = arith.andi %get3A_963, %and3A_965 : vector<16xi32>
      %swap3A_967 = arith.constant 112 : index
      %swap3A_968 = tpu.vector_load %arg7[%swap3A_967] {strides = array<i32>} : memref<128xi32, #tpu.memory_space<vmem>>, vector<16xi32>,
      %swap3A_969 = vector.shape_cast %swap3A_968 : vector<16xi32> to vector<16xi32>
      %swap3A_970 = vector.shape_cast %and3A_966 : vector<16xi32> to vector<16xi32>
      tpu.vector_store %arg7[%swap3A_967], %swap3A_970 {strides = array<i32>} : memref<128xi32, #tpu.memory_space<vmem>>, vector<16xi32>,
      %shift_right_logical3A_971 = arith.constant 16 : i32
      %shift_right_logical3A_972 = vector.broadcast %shift_right_logical3A_971 : i32 to vector<16xi32>
      %shift_right_logical3A_973 = arith.shrui %get3A_963, %shift_right_logical3A_972 : vector<16xi32>
      %swap3A_974 = arith.constant 112 : index
      %swap3A_975 = tpu.vector_load %arg9[%swap3A_974] {strides = array<i32>} : memref<128xi32, #tpu.memory_space<vmem>>, vector<16xi32>,
      %swap3A_976 = vector.shape_cast %swap3A_975 : vector<16xi32> to vector<16xi32>
      %swap3A_977 = vector.shape_cast %shift_right_logical3A_973 : vector<16xi32> to vector<16xi32>
      tpu.vector_store %arg9[%swap3A_974], %swap3A_977 {strides = array<i32>} : memref<128xi32, #tpu.memory_space<vmem>>, vector<16xi32>,
      %dma_start3A_978 = arith.constant 0 : i32
      %dma_start3A_979 = arith.constant 0 : i32
      %dma_start3A_980 = tpu.memref_slice %arg2[%dma_start3A_978, %dma_start3A_979] : memref<10000x128xf32, #tpu.memory_space<hbm>> -> memref<10000x128xf32, #tpu.memory_space<hbm>>
      tpu.enqueue_indirect_dma source(%dma_start3A_980 : memref<10000x128xf32, #tpu.memory_space<hbm>>) target(%arg11 : memref<128x128xf32, #tpu.memory_space<vmem>>) offsets(%arg7 : memref<128xi32, #tpu.memory_space<vmem>>) semaphore(%arg14 : memref<!tpu.dma_semaphore, #tpu.memory_space<semaphore_mem>>)
    }
    %while3A_454 = arith.constant 1 : i32
    scf.for %while3A_672 = %while3A_452 to %while3A_448 step %while3A_454  : i32 {
      %mul3A_673 = arith.constant 2 : i32
      %mul3A_674 = arith.muli %while3A_672, %mul3A_673 : i32
      %dma_wait3A_675 = arith.constant 0 : i32
      %dma_wait3A_676 = arith.constant 0 : i32
      %dma_wait3A_677 = tpu.memref_slice %arg2[%dma_wait3A_675, %dma_wait3A_676] : memref<10000x128xf32, #tpu.memory_space<hbm>> -> memref<10000x128xf32, #tpu.memory_space<hbm>>
      tpu.wait_indirect_dma semaphore(%arg13 : memref<!tpu.dma_semaphore, #tpu.memory_space<semaphore_mem>>) src(%dma_wait3A_677 : memref<10000x128xf32, #tpu.memory_space<hbm>>) dst(%arg10 : memref<128x128xf32, #tpu.memory_space<vmem>>)
      "tpu.region"() ({
        %run_scoped3A = tpu.sem_alloc : memref<!tpu.dma_semaphore, #tpu.memory_space<semaphore_mem>>
        %dma_start3A_981 = arith.constant 0 : i32
        %dma_start3A_982 = arith.constant 0 : i32
        %dma_start3A_983 = tpu.memref_slice %arg12[%dma_start3A_981, %dma_start3A_982] : memref<10112x128xf32, #tpu.memory_space<vmem_shared>> -> memref<10112x128xf32, #tpu.memory_space<vmem_shared>>
        tpu.enqueue_indirect_dma source(%arg10 : memref<128x128xf32, #tpu.memory_space<vmem>>) target(%dma_start3A_983 : memref<10112x128xf32, #tpu.memory_space<vmem_shared>>) offsets(%arg8 : memref<128xi32, #tpu.memory_space<vmem>>) semaphore(%run_scoped3A : memref<!tpu.dma_semaphore, #tpu.memory_space<semaphore_mem>>) {add = true}
        %dma_wait3A_984 = arith.constant 0 : i32
        %dma_wait3A_985 = arith.constant 0 : i32
        %dma_wait3A_986 = tpu.memref_slice %arg12[%dma_wait3A_984, %dma_wait3A_985] : memref<10112x128xf32, #tpu.memory_space<vmem_shared>> -> memref<10112x128xf32, #tpu.memory_space<vmem_shared>>
        tpu.wait_indirect_dma semaphore(%run_scoped3A : memref<!tpu.dma_semaphore, #tpu.memory_space<semaphore_mem>>) src(%arg10 : memref<128x128xf32, #tpu.memory_space<vmem>>) dst(%dma_wait3A_986 : memref<10112x128xf32, #tpu.memory_space<vmem_shared>>)
        tpu.yield
      }) : () -> ()
      %add3A_678 = arith.constant 2 : i32
      %add3A_679 = arith.addi %mul3A_674, %add3A_678 : i32
      %min3A_680 = arith.minsi %add3A_679, %sub3A_2 : i32
      %get3A_681 = arith.index_cast %min3A_680 : i32 to index
      %get3A_682 = arith.constant 0 : index
      %get3A_683 = tpu.vector_load %arg5[%get3A_681, %get3A_682] {strides = array<i32>} : memref<120x128xi32, #tpu.memory_space<vmem>>, vector<1x16xi32>,
      %get3A_684 = vector.shape_cast %get3A_683 : vector<1x16xi32> to vector<16xi32>
      %and3A_685 = arith.constant 65535 : i32
      %and3A_686 = vector.broadcast %and3A_685 : i32 to vector<16xi32>
      %and3A_687 = arith.andi %get3A_684, %and3A_686 : vector<16xi32>
      %swap3A_688 = arith.constant 0 : index
      %swap3A_689 = tpu.vector_load %arg6[%swap3A_688] {strides = array<i32>} : memref<128xi32, #tpu.memory_space<vmem>>, vector<16xi32>,
      %swap3A_690 = vector.shape_cast %swap3A_689 : vector<16xi32> to vector<16xi32>
      %swap3A_691 = vector.shape_cast %and3A_687 : vector<16xi32> to vector<16xi32>
      tpu.vector_store %arg6[%swap3A_688], %swap3A_691 {strides = array<i32>} : memref<128xi32, #tpu.memory_space<vmem>>, vector<16xi32>,
      %shift_right_logical3A_692 = arith.constant 16 : i32
      %shift_right_logical3A_693 = vector.broadcast %shift_right_logical3A_692 : i32 to vector<16xi32>
      %shift_right_logical3A_694 = arith.shrui %get3A_684, %shift_right_logical3A_693 : vector<16xi32>
      %swap3A_695 = arith.constant 0 : index
      %swap3A_696 = tpu.vector_load %arg8[%swap3A_695] {strides = array<i32>} : memref<128xi32, #tpu.memory_space<vmem>>, vector<16xi32>,
      %swap3A_697 = vector.shape_cast %swap3A_696 : vector<16xi32> to vector<16xi32>
      %swap3A_698 = vector.shape_cast %shift_right_logical3A_694 : vector<16xi32> to vector<16xi32>
      tpu.vector_store %arg8[%swap3A_695], %swap3A_698 {strides = array<i32>} : memref<128xi32, #tpu.memory_space<vmem>>, vector<16xi32>,
      %get3A_699 = arith.index_cast %min3A_680 : i32 to index
      %get3A_700 = arith.constant 16 : index
      %get3A_701 = tpu.vector_load %arg5[%get3A_699, %get3A_700] {strides = array<i32>} : memref<120x128xi32, #tpu.memory_space<vmem>>, vector<1x16xi32>,
      %get3A_702 = vector.shape_cast %get3A_701 : vector<1x16xi32> to vector<16xi32>
      %and3A_703 = arith.constant 65535 : i32
      %and3A_704 = vector.broadcast %and3A_703 : i32 to vector<16xi32>
      %and3A_705 = arith.andi %get3A_702, %and3A_704 : vector<16xi32>
      %swap3A_706 = arith.constant 16 : index
      %swap3A_707 = tpu.vector_load %arg6[%swap3A_706] {strides = array<i32>} : memref<128xi32, #tpu.memory_space<vmem>>, vector<16xi32>,
      %swap3A_708 = vector.shape_cast %swap3A_707 : vector<16xi32> to vector<16xi32>
      %swap3A_709 = vector.shape_cast %and3A_705 : vector<16xi32> to vector<16xi32>
      tpu.vector_store %arg6[%swap3A_706], %swap3A_709 {strides = array<i32>} : memref<128xi32, #tpu.memory_space<vmem>>, vector<16xi32>,
      %shift_right_logical3A_710 = arith.constant 16 : i32
      %shift_right_logical3A_711 = vector.broadcast %shift_right_logical3A_710 : i32 to vector<16xi32>
      %shift_right_logical3A_712 = arith.shrui %get3A_702, %shift_right_logical3A_711 : vector<16xi32>
      %swap3A_713 = arith.constant 16 : index
      %swap3A_714 = tpu.vector_load %arg8[%swap3A_713] {strides = array<i32>} : memref<128xi32, #tpu.memory_space<vmem>>, vector<16xi32>,
      %swap3A_715 = vector.shape_cast %swap3A_714 : vector<16xi32> to vector<16xi32>
      %swap3A_716 = vector.shape_cast %shift_right_logical3A_712 : vector<16xi32> to vector<16xi32>
      tpu.vector_store %arg8[%swap3A_713], %swap3A_716 {strides = array<i32>} : memref<128xi32, #tpu.memory_space<vmem>>, vector<16xi32>,
      %get3A_717 = arith.index_cast %min3A_680 : i32 to index
      %get3A_718 = arith.constant 32 : index
      %get3A_719 = tpu.vector_load %arg5[%get3A_717, %get3A_718] {strides = array<i32>} : memref<120x128xi32, #tpu.memory_space<vmem>>, vector<1x16xi32>,
      %get3A_720 = vector.shape_cast %get3A_719 : vector<1x16xi32> to vector<16xi32>
      %and3A_721 = arith.constant 65535 : i32
      %and3A_722 = vector.broadcast %and3A_721 : i32 to vector<16xi32>
      %and3A_723 = arith.andi %get3A_720, %and3A_722 : vector<16xi32>
      %swap3A_724 = arith.constant 32 : index
      %swap3A_725 = tpu.vector_load %arg6[%swap3A_724] {strides = array<i32>} : memref<128xi32, #tpu.memory_space<vmem>>, vector<16xi32>,
      %swap3A_726 = vector.shape_cast %swap3A_725 : vector<16xi32> to vector<16xi32>
      %swap3A_727 = vector.shape_cast %and3A_723 : vector<16xi32> to vector<16xi32>
      tpu.vector_store %arg6[%swap3A_724], %swap3A_727 {strides = array<i32>} : memref<128xi32, #tpu.memory_space<vmem>>, vector<16xi32>,
      %shift_right_logical3A_728 = arith.constant 16 : i32
      %shift_right_logical3A_729 = vector.broadcast %shift_right_logical3A_728 : i32 to vector<16xi32>
      %shift_right_logical3A_730 = arith.shrui %get3A_720, %shift_right_logical3A_729 : vector<16xi32>
      %swap3A_731 = arith.constant 32 : index
      %swap3A_732 = tpu.vector_load %arg8[%swap3A_731] {strides = array<i32>} : memref<128xi32, #tpu.memory_space<vmem>>, vector<16xi32>,
      %swap3A_733 = vector.shape_cast %swap3A_732 : vector<16xi32> to vector<16xi32>
      %swap3A_734 = vector.shape_cast %shift_right_logical3A_730 : vector<16xi32> to vector<16xi32>
      tpu.vector_store %arg8[%swap3A_731], %swap3A_734 {strides = array<i32>} : memref<128xi32, #tpu.memory_space<vmem>>, vector<16xi32>,
      %get3A_735 = arith.index_cast %min3A_680 : i32 to index
      %get3A_736 = arith.constant 48 : index
      %get3A_737 = tpu.vector_load %arg5[%get3A_735, %get3A_736] {strides = array<i32>} : memref<120x128xi32, #tpu.memory_space<vmem>>, vector<1x16xi32>,
      %get3A_738 = vector.shape_cast %get3A_737 : vector<1x16xi32> to vector<16xi32>
      %and3A_739 = arith.constant 65535 : i32
      %and3A_740 = vector.broadcast %and3A_739 : i32 to vector<16xi32>
      %and3A_741 = arith.andi %get3A_738, %and3A_740 : vector<16xi32>
      %swap3A_742 = arith.constant 48 : index
      %swap3A_743 = tpu.vector_load %arg6[%swap3A_742] {strides = array<i32>} : memref<128xi32, #tpu.memory_space<vmem>>, vector<16xi32>,
      %swap3A_744 = vector.shape_cast %swap3A_743 : vector<16xi32> to vector<16xi32>
      %swap3A_745 = vector.shape_cast %and3A_741 : vector<16xi32> to vector<16xi32>
      tpu.vector_store %arg6[%swap3A_742], %swap3A_745 {strides = array<i32>} : memref<128xi32, #tpu.memory_space<vmem>>, vector<16xi32>,
      %shift_right_logical3A_746 = arith.constant 16 : i32
      %shift_right_logical3A_747 = vector.broadcast %shift_right_logical3A_746 : i32 to vector<16xi32>
      %shift_right_logical3A_748 = arith.shrui %get3A_738, %shift_right_logical3A_747 : vector<16xi32>
      %swap3A_749 = arith.constant 48 : index
      %swap3A_750 = tpu.vector_load %arg8[%swap3A_749] {strides = array<i32>} : memref<128xi32, #tpu.memory_space<vmem>>, vector<16xi32>,
      %swap3A_751 = vector.shape_cast %swap3A_750 : vector<16xi32> to vector<16xi32>
      %swap3A_752 = vector.shape_cast %shift_right_logical3A_748 : vector<16xi32> to vector<16xi32>
      tpu.vector_store %arg8[%swap3A_749], %swap3A_752 {strides = array<i32>} : memref<128xi32, #tpu.memory_space<vmem>>, vector<16xi32>,
      %get3A_753 = arith.index_cast %min3A_680 : i32 to index
      %get3A_754 = arith.constant 64 : index
      %get3A_755 = tpu.vector_load %arg5[%get3A_753, %get3A_754] {strides = array<i32>} : memref<120x128xi32, #tpu.memory_space<vmem>>, vector<1x16xi32>,
      %get3A_756 = vector.shape_cast %get3A_755 : vector<1x16xi32> to vector<16xi32>
      %and3A_757 = arith.constant 65535 : i32
      %and3A_758 = vector.broadcast %and3A_757 : i32 to vector<16xi32>
      %and3A_759 = arith.andi %get3A_756, %and3A_758 : vector<16xi32>
      %swap3A_760 = arith.constant 64 : index
      %swap3A_761 = tpu.vector_load %arg6[%swap3A_760] {strides = array<i32>} : memref<128xi32, #tpu.memory_space<vmem>>, vector<16xi32>,
      %swap3A_762 = vector.shape_cast %swap3A_761 : vector<16xi32> to vector<16xi32>
      %swap3A_763 = vector.shape_cast %and3A_759 : vector<16xi32> to vector<16xi32>
      tpu.vector_store %arg6[%swap3A_760], %swap3A_763 {strides = array<i32>} : memref<128xi32, #tpu.memory_space<vmem>>, vector<16xi32>,
      %shift_right_logical3A_764 = arith.constant 16 : i32
      %shift_right_logical3A_765 = vector.broadcast %shift_right_logical3A_764 : i32 to vector<16xi32>
      %shift_right_logical3A_766 = arith.shrui %get3A_756, %shift_right_logical3A_765 : vector<16xi32>
      %swap3A_767 = arith.constant 64 : index
      %swap3A_768 = tpu.vector_load %arg8[%swap3A_767] {strides = array<i32>} : memref<128xi32, #tpu.memory_space<vmem>>, vector<16xi32>,
      %swap3A_769 = vector.shape_cast %swap3A_768 : vector<16xi32> to vector<16xi32>
      %swap3A_770 = vector.shape_cast %shift_right_logical3A_766 : vector<16xi32> to vector<16xi32>
      tpu.vector_store %arg8[%swap3A_767], %swap3A_770 {strides = array<i32>} : memref<128xi32, #tpu.memory_space<vmem>>, vector<16xi32>,
      %get3A_771 = arith.index_cast %min3A_680 : i32 to index
      %get3A_772 = arith.constant 80 : index
      %get3A_773 = tpu.vector_load %arg5[%get3A_771, %get3A_772] {strides = array<i32>} : memref<120x128xi32, #tpu.memory_space<vmem>>, vector<1x16xi32>,
      %get3A_774 = vector.shape_cast %get3A_773 : vector<1x16xi32> to vector<16xi32>
      %and3A_775 = arith.constant 65535 : i32
      %and3A_776 = vector.broadcast %and3A_775 : i32 to vector<16xi32>
      %and3A_777 = arith.andi %get3A_774, %and3A_776 : vector<16xi32>
      %swap3A_778 = arith.constant 80 : index
      %swap3A_779 = tpu.vector_load %arg6[%swap3A_778] {strides = array<i32>} : memref<128xi32, #tpu.memory_space<vmem>>, vector<16xi32>,
      %swap3A_780 = vector.shape_cast %swap3A_779 : vector<16xi32> to vector<16xi32>
      %swap3A_781 = vector.shape_cast %and3A_777 : vector<16xi32> to vector<16xi32>
      tpu.vector_store %arg6[%swap3A_778], %swap3A_781 {strides = array<i32>} : memref<128xi32, #tpu.memory_space<vmem>>, vector<16xi32>,
      %shift_right_logical3A_782 = arith.constant 16 : i32
      %shift_right_logical3A_783 = vector.broadcast %shift_right_logical3A_782 : i32 to vector<16xi32>
      %shift_right_logical3A_784 = arith.shrui %get3A_774, %shift_right_logical3A_783 : vector<16xi32>
      %swap3A_785 = arith.constant 80 : index
      %swap3A_786 = tpu.vector_load %arg8[%swap3A_785] {strides = array<i32>} : memref<128xi32, #tpu.memory_space<vmem>>, vector<16xi32>,
      %swap3A_787 = vector.shape_cast %swap3A_786 : vector<16xi32> to vector<16xi32>
      %swap3A_788 = vector.shape_cast %shift_right_logical3A_784 : vector<16xi32> to vector<16xi32>
      tpu.vector_store %arg8[%swap3A_785], %swap3A_788 {strides = array<i32>} : memref<128xi32, #tpu.memory_space<vmem>>, vector<16xi32>,
      %get3A_789 = arith.index_cast %min3A_680 : i32 to index
      %get3A_790 = arith.constant 96 : index
      %get3A_791 = tpu.vector_load %arg5[%get3A_789, %get3A_790] {strides = array<i32>} : memref<120x128xi32, #tpu.memory_space<vmem>>, vector<1x16xi32>,
      %get3A_792 = vector.shape_cast %get3A_791 : vector<1x16xi32> to vector<16xi32>
      %and3A_793 = arith.constant 65535 : i32
      %and3A_794 = vector.broadcast %and3A_793 : i32 to vector<16xi32>
      %and3A_795 = arith.andi %get3A_792, %and3A_794 : vector<16xi32>
      %swap3A_796 = arith.constant 96 : index
      %swap3A_797 = tpu.vector_load %arg6[%swap3A_796] {strides = array<i32>} : memref<128xi32, #tpu.memory_space<vmem>>, vector<16xi32>,
      %swap3A_798 = vector.shape_cast %swap3A_797 : vector<16xi32> to vector<16xi32>
      %swap3A_799 = vector.shape_cast %and3A_795 : vector<16xi32> to vector<16xi32>
      tpu.vector_store %arg6[%swap3A_796], %swap3A_799 {strides = array<i32>} : memref<128xi32, #tpu.memory_space<vmem>>, vector<16xi32>,
      %shift_right_logical3A_800 = arith.constant 16 : i32
      %shift_right_logical3A_801 = vector.broadcast %shift_right_logical3A_800 : i32 to vector<16xi32>
      %shift_right_logical3A_802 = arith.shrui %get3A_792, %shift_right_logical3A_801 : vector<16xi32>
      %swap3A_803 = arith.constant 96 : index
      %swap3A_804 = tpu.vector_load %arg8[%swap3A_803] {strides = array<i32>} : memref<128xi32, #tpu.memory_space<vmem>>, vector<16xi32>,
      %swap3A_805 = vector.shape_cast %swap3A_804 : vector<16xi32> to vector<16xi32>
      %swap3A_806 = vector.shape_cast %shift_right_logical3A_802 : vector<16xi32> to vector<16xi32>
      tpu.vector_store %arg8[%swap3A_803], %swap3A_806 {strides = array<i32>} : memref<128xi32, #tpu.memory_space<vmem>>, vector<16xi32>,
      %get3A_807 = arith.index_cast %min3A_680 : i32 to index
      %get3A_808 = arith.constant 112 : index
      %get3A_809 = tpu.vector_load %arg5[%get3A_807, %get3A_808] {strides = array<i32>} : memref<120x128xi32, #tpu.memory_space<vmem>>, vector<1x16xi32>,
      %get3A_810 = vector.shape_cast %get3A_809 : vector<1x16xi32> to vector<16xi32>
      %and3A_811 = arith.constant 65535 : i32
      %and3A_812 = vector.broadcast %and3A_811 : i32 to vector<16xi32>
      %and3A_813 = arith.andi %get3A_810, %and3A_812 : vector<16xi32>
      %swap3A_814 = arith.constant 112 : index
      %swap3A_815 = tpu.vector_load %arg6[%swap3A_814] {strides = array<i32>} : memref<128xi32, #tpu.memory_space<vmem>>, vector<16xi32>,
      %swap3A_816 = vector.shape_cast %swap3A_815 : vector<16xi32> to vector<16xi32>
      %swap3A_817 = vector.shape_cast %and3A_813 : vector<16xi32> to vector<16xi32>
      tpu.vector_store %arg6[%swap3A_814], %swap3A_817 {strides = array<i32>} : memref<128xi32, #tpu.memory_space<vmem>>, vector<16xi32>,
      %shift_right_logical3A_818 = arith.constant 16 : i32
      %shift_right_logical3A_819 = vector.broadcast %shift_right_logical3A_818 : i32 to vector<16xi32>
      %shift_right_logical3A_820 = arith.shrui %get3A_810, %shift_right_logical3A_819 : vector<16xi32>
      %swap3A_821 = arith.constant 112 : index
      %swap3A_822 = tpu.vector_load %arg8[%swap3A_821] {strides = array<i32>} : memref<128xi32, #tpu.memory_space<vmem>>, vector<16xi32>,
      %swap3A_823 = vector.shape_cast %swap3A_822 : vector<16xi32> to vector<16xi32>
      %swap3A_824 = vector.shape_cast %shift_right_logical3A_820 : vector<16xi32> to vector<16xi32>
      tpu.vector_store %arg8[%swap3A_821], %swap3A_824 {strides = array<i32>} : memref<128xi32, #tpu.memory_space<vmem>>, vector<16xi32>,
      %dma_start3A_825 = arith.constant 0 : i32
      %dma_start3A_826 = arith.constant 0 : i32
      %dma_start3A_827 = tpu.memref_slice %arg2[%dma_start3A_825, %dma_start3A_826] : memref<10000x128xf32, #tpu.memory_space<hbm>> -> memref<10000x128xf32, #tpu.memory_space<hbm>>
      tpu.enqueue_indirect_dma source(%dma_start3A_827 : memref<10000x128xf32, #tpu.memory_space<hbm>>) target(%arg10 : memref<128x128xf32, #tpu.memory_space<vmem>>) offsets(%arg6 : memref<128xi32, #tpu.memory_space<vmem>>) semaphore(%arg13 : memref<!tpu.dma_semaphore, #tpu.memory_space<semaphore_mem>>)
      %dma_wait3A_828 = arith.constant 0 : i32
      %dma_wait3A_829 = arith.constant 0 : i32
      %dma_wait3A_830 = tpu.memref_slice %arg2[%dma_wait3A_828, %dma_wait3A_829] : memref<10000x128xf32, #tpu.memory_space<hbm>> -> memref<10000x128xf32, #tpu.memory_space<hbm>>
      tpu.wait_indirect_dma semaphore(%arg14 : memref<!tpu.dma_semaphore, #tpu.memory_space<semaphore_mem>>) src(%dma_wait3A_830 : memref<10000x128xf32, #tpu.memory_space<hbm>>) dst(%arg11 : memref<128x128xf32, #tpu.memory_space<vmem>>)
      "tpu.region"() ({
        %run_scoped3A = tpu.sem_alloc : memref<!tpu.dma_semaphore, #tpu.memory_space<semaphore_mem>>
        %dma_start3A_981 = arith.constant 0 : i32
        %dma_start3A_982 = arith.constant 0 : i32
        %dma_start3A_983 = tpu.memref_slice %arg12[%dma_start3A_981, %dma_start3A_982] : memref<10112x128xf32, #tpu.memory_space<vmem_shared>> -> memref<10112x128xf32, #tpu.memory_space<vmem_shared>>
        tpu.enqueue_indirect_dma source(%arg11 : memref<128x128xf32, #tpu.memory_space<vmem>>) target(%dma_start3A_983 : memref<10112x128xf32, #tpu.memory_space<vmem_shared>>) offsets(%arg9 : memref<128xi32, #tpu.memory_space<vmem>>) semaphore(%run_scoped3A : memref<!tpu.dma_semaphore, #tpu.memory_space<semaphore_mem>>) {add = true}
        %dma_wait3A_984 = arith.constant 0 : i32
        %dma_wait3A_985 = arith.constant 0 : i32
        %dma_wait3A_986 = tpu.memref_slice %arg12[%dma_wait3A_984, %dma_wait3A_985] : memref<10112x128xf32, #tpu.memory_space<vmem_shared>> -> memref<10112x128xf32, #tpu.memory_space<vmem_shared>>
        tpu.wait_indirect_dma semaphore(%run_scoped3A : memref<!tpu.dma_semaphore, #tpu.memory_space<semaphore_mem>>) src(%arg11 : memref<128x128xf32, #tpu.memory_space<vmem>>) dst(%dma_wait3A_986 : memref<10112x128xf32, #tpu.memory_space<vmem_shared>>)
        tpu.yield
      }) : () -> ()
      %add3A_831 = arith.constant 3 : i32
      %add3A_832 = arith.addi %mul3A_674, %add3A_831 : i32
      %min3A_833 = arith.minsi %add3A_832, %sub3A_2 : i32
      %get3A_834 = arith.index_cast %min3A_833 : i32 to index
      %get3A_835 = arith.constant 0 : index
      %get3A_836 = tpu.vector_load %arg5[%get3A_834, %get3A_835] {strides = array<i32>} : memref<120x128xi32, #tpu.memory_space<vmem>>, vector<1x16xi32>,
      %get3A_837 = vector.shape_cast %get3A_836 : vector<1x16xi32> to vector<16xi32>
      %and3A_838 = arith.constant 65535 : i32
      %and3A_839 = vector.broadcast %and3A_838 : i32 to vector<16xi32>
      %and3A_840 = arith.andi %get3A_837, %and3A_839 : vector<16xi32>
      %swap3A_841 = arith.constant 0 : index
      %swap3A_842 = tpu.vector_load %arg7[%swap3A_841] {strides = array<i32>} : memref<128xi32, #tpu.memory_space<vmem>>, vector<16xi32>,
      %swap3A_843 = vector.shape_cast %swap3A_842 : vector<16xi32> to vector<16xi32>
      %swap3A_844 = vector.shape_cast %and3A_840 : vector<16xi32> to vector<16xi32>
      tpu.vector_store %arg7[%swap3A_841], %swap3A_844 {strides = array<i32>} : memref<128xi32, #tpu.memory_space<vmem>>, vector<16xi32>,
      %shift_right_logical3A_845 = arith.constant 16 : i32
      %shift_right_logical3A_846 = vector.broadcast %shift_right_logical3A_845 : i32 to vector<16xi32>
      %shift_right_logical3A_847 = arith.shrui %get3A_837, %shift_right_logical3A_846 : vector<16xi32>
      %swap3A_848 = arith.constant 0 : index
      %swap3A_849 = tpu.vector_load %arg9[%swap3A_848] {strides = array<i32>} : memref<128xi32, #tpu.memory_space<vmem>>, vector<16xi32>,
      %swap3A_850 = vector.shape_cast %swap3A_849 : vector<16xi32> to vector<16xi32>
      %swap3A_851 = vector.shape_cast %shift_right_logical3A_847 : vector<16xi32> to vector<16xi32>
      tpu.vector_store %arg9[%swap3A_848], %swap3A_851 {strides = array<i32>} : memref<128xi32, #tpu.memory_space<vmem>>, vector<16xi32>,
      %get3A_852 = arith.index_cast %min3A_833 : i32 to index
      %get3A_853 = arith.constant 16 : index
      %get3A_854 = tpu.vector_load %arg5[%get3A_852, %get3A_853] {strides = array<i32>} : memref<120x128xi32, #tpu.memory_space<vmem>>, vector<1x16xi32>,
      %get3A_855 = vector.shape_cast %get3A_854 : vector<1x16xi32> to vector<16xi32>
      %and3A_856 = arith.constant 65535 : i32
      %and3A_857 = vector.broadcast %and3A_856 : i32 to vector<16xi32>
      %and3A_858 = arith.andi %get3A_855, %and3A_857 : vector<16xi32>
      %swap3A_859 = arith.constant 16 : index
      %swap3A_860 = tpu.vector_load %arg7[%swap3A_859] {strides = array<i32>} : memref<128xi32, #tpu.memory_space<vmem>>, vector<16xi32>,
      %swap3A_861 = vector.shape_cast %swap3A_860 : vector<16xi32> to vector<16xi32>
      %swap3A_862 = vector.shape_cast %and3A_858 : vector<16xi32> to vector<16xi32>
      tpu.vector_store %arg7[%swap3A_859], %swap3A_862 {strides = array<i32>} : memref<128xi32, #tpu.memory_space<vmem>>, vector<16xi32>,
      %shift_right_logical3A_863 = arith.constant 16 : i32
      %shift_right_logical3A_864 = vector.broadcast %shift_right_logical3A_863 : i32 to vector<16xi32>
      %shift_right_logical3A_865 = arith.shrui %get3A_855, %shift_right_logical3A_864 : vector<16xi32>
      %swap3A_866 = arith.constant 16 : index
      %swap3A_867 = tpu.vector_load %arg9[%swap3A_866] {strides = array<i32>} : memref<128xi32, #tpu.memory_space<vmem>>, vector<16xi32>,
      %swap3A_868 = vector.shape_cast %swap3A_867 : vector<16xi32> to vector<16xi32>
      %swap3A_869 = vector.shape_cast %shift_right_logical3A_865 : vector<16xi32> to vector<16xi32>
      tpu.vector_store %arg9[%swap3A_866], %swap3A_869 {strides = array<i32>} : memref<128xi32, #tpu.memory_space<vmem>>, vector<16xi32>,
      %get3A_870 = arith.index_cast %min3A_833 : i32 to index
      %get3A_871 = arith.constant 32 : index
      %get3A_872 = tpu.vector_load %arg5[%get3A_870, %get3A_871] {strides = array<i32>} : memref<120x128xi32, #tpu.memory_space<vmem>>, vector<1x16xi32>,
      %get3A_873 = vector.shape_cast %get3A_872 : vector<1x16xi32> to vector<16xi32>
      %and3A_874 = arith.constant 65535 : i32
      %and3A_875 = vector.broadcast %and3A_874 : i32 to vector<16xi32>
      %and3A_876 = arith.andi %get3A_873, %and3A_875 : vector<16xi32>
      %swap3A_877 = arith.constant 32 : index
      %swap3A_878 = tpu.vector_load %arg7[%swap3A_877] {strides = array<i32>} : memref<128xi32, #tpu.memory_space<vmem>>, vector<16xi32>,
      %swap3A_879 = vector.shape_cast %swap3A_878 : vector<16xi32> to vector<16xi32>
      %swap3A_880 = vector.shape_cast %and3A_876 : vector<16xi32> to vector<16xi32>
      tpu.vector_store %arg7[%swap3A_877], %swap3A_880 {strides = array<i32>} : memref<128xi32, #tpu.memory_space<vmem>>, vector<16xi32>,
      %shift_right_logical3A_881 = arith.constant 16 : i32
      %shift_right_logical3A_882 = vector.broadcast %shift_right_logical3A_881 : i32 to vector<16xi32>
      %shift_right_logical3A_883 = arith.shrui %get3A_873, %shift_right_logical3A_882 : vector<16xi32>
      %swap3A_884 = arith.constant 32 : index
      %swap3A_885 = tpu.vector_load %arg9[%swap3A_884] {strides = array<i32>} : memref<128xi32, #tpu.memory_space<vmem>>, vector<16xi32>,
      %swap3A_886 = vector.shape_cast %swap3A_885 : vector<16xi32> to vector<16xi32>
      %swap3A_887 = vector.shape_cast %shift_right_logical3A_883 : vector<16xi32> to vector<16xi32>
      tpu.vector_store %arg9[%swap3A_884], %swap3A_887 {strides = array<i32>} : memref<128xi32, #tpu.memory_space<vmem>>, vector<16xi32>,
      %get3A_888 = arith.index_cast %min3A_833 : i32 to index
      %get3A_889 = arith.constant 48 : index
      %get3A_890 = tpu.vector_load %arg5[%get3A_888, %get3A_889] {strides = array<i32>} : memref<120x128xi32, #tpu.memory_space<vmem>>, vector<1x16xi32>,
      %get3A_891 = vector.shape_cast %get3A_890 : vector<1x16xi32> to vector<16xi32>
      %and3A_892 = arith.constant 65535 : i32
      %and3A_893 = vector.broadcast %and3A_892 : i32 to vector<16xi32>
      %and3A_894 = arith.andi %get3A_891, %and3A_893 : vector<16xi32>
      %swap3A_895 = arith.constant 48 : index
      %swap3A_896 = tpu.vector_load %arg7[%swap3A_895] {strides = array<i32>} : memref<128xi32, #tpu.memory_space<vmem>>, vector<16xi32>,
      %swap3A_897 = vector.shape_cast %swap3A_896 : vector<16xi32> to vector<16xi32>
      %swap3A_898 = vector.shape_cast %and3A_894 : vector<16xi32> to vector<16xi32>
      tpu.vector_store %arg7[%swap3A_895], %swap3A_898 {strides = array<i32>} : memref<128xi32, #tpu.memory_space<vmem>>, vector<16xi32>,
      %shift_right_logical3A_899 = arith.constant 16 : i32
      %shift_right_logical3A_900 = vector.broadcast %shift_right_logical3A_899 : i32 to vector<16xi32>
      %shift_right_logical3A_901 = arith.shrui %get3A_891, %shift_right_logical3A_900 : vector<16xi32>
      %swap3A_902 = arith.constant 48 : index
      %swap3A_903 = tpu.vector_load %arg9[%swap3A_902] {strides = array<i32>} : memref<128xi32, #tpu.memory_space<vmem>>, vector<16xi32>,
      %swap3A_904 = vector.shape_cast %swap3A_903 : vector<16xi32> to vector<16xi32>
      %swap3A_905 = vector.shape_cast %shift_right_logical3A_901 : vector<16xi32> to vector<16xi32>
      tpu.vector_store %arg9[%swap3A_902], %swap3A_905 {strides = array<i32>} : memref<128xi32, #tpu.memory_space<vmem>>, vector<16xi32>,
      %get3A_906 = arith.index_cast %min3A_833 : i32 to index
      %get3A_907 = arith.constant 64 : index
      %get3A_908 = tpu.vector_load %arg5[%get3A_906, %get3A_907] {strides = array<i32>} : memref<120x128xi32, #tpu.memory_space<vmem>>, vector<1x16xi32>,
      %get3A_909 = vector.shape_cast %get3A_908 : vector<1x16xi32> to vector<16xi32>
      %and3A_910 = arith.constant 65535 : i32
      %and3A_911 = vector.broadcast %and3A_910 : i32 to vector<16xi32>
      %and3A_912 = arith.andi %get3A_909, %and3A_911 : vector<16xi32>
      %swap3A_913 = arith.constant 64 : index
      %swap3A_914 = tpu.vector_load %arg7[%swap3A_913] {strides = array<i32>} : memref<128xi32, #tpu.memory_space<vmem>>, vector<16xi32>,
      %swap3A_915 = vector.shape_cast %swap3A_914 : vector<16xi32> to vector<16xi32>
      %swap3A_916 = vector.shape_cast %and3A_912 : vector<16xi32> to vector<16xi32>
      tpu.vector_store %arg7[%swap3A_913], %swap3A_916 {strides = array<i32>} : memref<128xi32, #tpu.memory_space<vmem>>, vector<16xi32>,
      %shift_right_logical3A_917 = arith.constant 16 : i32
      %shift_right_logical3A_918 = vector.broadcast %shift_right_logical3A_917 : i32 to vector<16xi32>
      %shift_right_logical3A_919 = arith.shrui %get3A_909, %shift_right_logical3A_918 : vector<16xi32>
      %swap3A_920 = arith.constant 64 : index
      %swap3A_921 = tpu.vector_load %arg9[%swap3A_920] {strides = array<i32>} : memref<128xi32, #tpu.memory_space<vmem>>, vector<16xi32>,
      %swap3A_922 = vector.shape_cast %swap3A_921 : vector<16xi32> to vector<16xi32>
      %swap3A_923 = vector.shape_cast %shift_right_logical3A_919 : vector<16xi32> to vector<16xi32>
      tpu.vector_store %arg9[%swap3A_920], %swap3A_923 {strides = array<i32>} : memref<128xi32, #tpu.memory_space<vmem>>, vector<16xi32>,
      %get3A_924 = arith.index_cast %min3A_833 : i32 to index
      %get3A_925 = arith.constant 80 : index
      %get3A_926 = tpu.vector_load %arg5[%get3A_924, %get3A_925] {strides = array<i32>} : memref<120x128xi32, #tpu.memory_space<vmem>>, vector<1x16xi32>,
      %get3A_927 = vector.shape_cast %get3A_926 : vector<1x16xi32> to vector<16xi32>
      %and3A_928 = arith.constant 65535 : i32
      %and3A_929 = vector.broadcast %and3A_928 : i32 to vector<16xi32>
      %and3A_930 = arith.andi %get3A_927, %and3A_929 : vector<16xi32>
      %swap3A_931 = arith.constant 80 : index
      %swap3A_932 = tpu.vector_load %arg7[%swap3A_931] {strides = array<i32>} : memref<128xi32, #tpu.memory_space<vmem>>, vector<16xi32>,
      %swap3A_933 = vector.shape_cast %swap3A_932 : vector<16xi32> to vector<16xi32>
      %swap3A_934 = vector.shape_cast %and3A_930 : vector<16xi32> to vector<16xi32>
      tpu.vector_store %arg7[%swap3A_931], %swap3A_934 {strides = array<i32>} : memref<128xi32, #tpu.memory_space<vmem>>, vector<16xi32>,
      %shift_right_logical3A_935 = arith.constant 16 : i32
      %shift_right_logical3A_936 = vector.broadcast %shift_right_logical3A_935 : i32 to vector<16xi32>
      %shift_right_logical3A_937 = arith.shrui %get3A_927, %shift_right_logical3A_936 : vector<16xi32>
      %swap3A_938 = arith.constant 80 : index
      %swap3A_939 = tpu.vector_load %arg9[%swap3A_938] {strides = array<i32>} : memref<128xi32, #tpu.memory_space<vmem>>, vector<16xi32>,
      %swap3A_940 = vector.shape_cast %swap3A_939 : vector<16xi32> to vector<16xi32>
      %swap3A_941 = vector.shape_cast %shift_right_logical3A_937 : vector<16xi32> to vector<16xi32>
      tpu.vector_store %arg9[%swap3A_938], %swap3A_941 {strides = array<i32>} : memref<128xi32, #tpu.memory_space<vmem>>, vector<16xi32>,
      %get3A_942 = arith.index_cast %min3A_833 : i32 to index
      %get3A_943 = arith.constant 96 : index
      %get3A_944 = tpu.vector_load %arg5[%get3A_942, %get3A_943] {strides = array<i32>} : memref<120x128xi32, #tpu.memory_space<vmem>>, vector<1x16xi32>,
      %get3A_945 = vector.shape_cast %get3A_944 : vector<1x16xi32> to vector<16xi32>
      %and3A_946 = arith.constant 65535 : i32
      %and3A_947 = vector.broadcast %and3A_946 : i32 to vector<16xi32>
      %and3A_948 = arith.andi %get3A_945, %and3A_947 : vector<16xi32>
      %swap3A_949 = arith.constant 96 : index
      %swap3A_950 = tpu.vector_load %arg7[%swap3A_949] {strides = array<i32>} : memref<128xi32, #tpu.memory_space<vmem>>, vector<16xi32>,
      %swap3A_951 = vector.shape_cast %swap3A_950 : vector<16xi32> to vector<16xi32>
      %swap3A_952 = vector.shape_cast %and3A_948 : vector<16xi32> to vector<16xi32>
      tpu.vector_store %arg7[%swap3A_949], %swap3A_952 {strides = array<i32>} : memref<128xi32, #tpu.memory_space<vmem>>, vector<16xi32>,
      %shift_right_logical3A_953 = arith.constant 16 : i32
      %shift_right_logical3A_954 = vector.broadcast %shift_right_logical3A_953 : i32 to vector<16xi32>
      %shift_right_logical3A_955 = arith.shrui %get3A_945, %shift_right_logical3A_954 : vector<16xi32>
      %swap3A_956 = arith.constant 96 : index
      %swap3A_957 = tpu.vector_load %arg9[%swap3A_956] {strides = array<i32>} : memref<128xi32, #tpu.memory_space<vmem>>, vector<16xi32>,
      %swap3A_958 = vector.shape_cast %swap3A_957 : vector<16xi32> to vector<16xi32>
      %swap3A_959 = vector.shape_cast %shift_right_logical3A_955 : vector<16xi32> to vector<16xi32>
      tpu.vector_store %arg9[%swap3A_956], %swap3A_959 {strides = array<i32>} : memref<128xi32, #tpu.memory_space<vmem>>, vector<16xi32>,
      %get3A_960 = arith.index_cast %min3A_833 : i32 to index
      %get3A_961 = arith.constant 112 : index
      %get3A_962 = tpu.vector_load %arg5[%get3A_960, %get3A_961] {strides = array<i32>} : memref<120x128xi32, #tpu.memory_space<vmem>>, vector<1x16xi32>,
      %get3A_963 = vector.shape_cast %get3A_962 : vector<1x16xi32> to vector<16xi32>
      %and3A_964 = arith.constant 65535 : i32
      %and3A_965 = vector.broadcast %and3A_964 : i32 to vector<16xi32>
      %and3A_966 = arith.andi %get3A_963, %and3A_965 : vector<16xi32>
      %swap3A_967 = arith.constant 112 : index
      %swap3A_968 = tpu.vector_load %arg7[%swap3A_967] {strides = array<i32>} : memref<128xi32, #tpu.memory_space<vmem>>, vector<16xi32>,
      %swap3A_969 = vector.shape_cast %swap3A_968 : vector<16xi32> to vector<16xi32>
      %swap3A_970 = vector.shape_cast %and3A_966 : vector<16xi32> to vector<16xi32>
      tpu.vector_store %arg7[%swap3A_967], %swap3A_970 {strides = array<i32>} : memref<128xi32, #tpu.memory_space<vmem>>, vector<16xi32>,
      %shift_right_logical3A_971 = arith.constant 16 : i32
      %shift_right_logical3A_972 = vector.broadcast %shift_right_logical3A_971 : i32 to vector<16xi32>
      %shift_right_logical3A_973 = arith.shrui %get3A_963, %shift_right_logical3A_972 : vector<16xi32>
      %swap3A_974 = arith.constant 112 : index
      %swap3A_975 = tpu.vector_load %arg9[%swap3A_974] {strides = array<i32>} : memref<128xi32, #tpu.memory_space<vmem>>, vector<16xi32>,
      %swap3A_976 = vector.shape_cast %swap3A_975 : vector<16xi32> to vector<16xi32>
      %swap3A_977 = vector.shape_cast %shift_right_logical3A_973 : vector<16xi32> to vector<16xi32>
      tpu.vector_store %arg9[%swap3A_974], %swap3A_977 {strides = array<i32>} : memref<128xi32, #tpu.memory_space<vmem>>, vector<16xi32>,
      %dma_start3A_978 = arith.constant 0 : i32
      %dma_start3A_979 = arith.constant 0 : i32
      %dma_start3A_980 = tpu.memref_slice %arg2[%dma_start3A_978, %dma_start3A_979] : memref<10000x128xf32, #tpu.memory_space<hbm>> -> memref<10000x128xf32, #tpu.memory_space<hbm>>
      tpu.enqueue_indirect_dma source(%dma_start3A_980 : memref<10000x128xf32, #tpu.memory_space<hbm>>) target(%arg11 : memref<128x128xf32, #tpu.memory_space<vmem>>) offsets(%arg7 : memref<128xi32, #tpu.memory_space<vmem>>) semaphore(%arg14 : memref<!tpu.dma_semaphore, #tpu.memory_space<semaphore_mem>>)
    }
    %dma_wait3A_455 = arith.constant 0 : i32
    %dma_wait3A_456 = arith.constant 0 : i32
    %dma_wait3A_457 = tpu.memref_slice %arg2[%dma_wait3A_455, %dma_wait3A_456] : memref<10000x128xf32, #tpu.memory_space<hbm>> -> memref<10000x128xf32, #tpu.memory_space<hbm>>
    tpu.wait_indirect_dma semaphore(%arg13 : memref<!tpu.dma_semaphore, #tpu.memory_space<semaphore_mem>>) src(%dma_wait3A_457 : memref<10000x128xf32, #tpu.memory_space<hbm>>) dst(%arg10 : memref<128x128xf32, #tpu.memory_space<vmem>>)
    %dma_wait3A_458 = arith.constant 0 : i32
    %dma_wait3A_459 = arith.constant 0 : i32
    %dma_wait3A_460 = tpu.memref_slice %arg2[%dma_wait3A_458, %dma_wait3A_459] : memref<10000x128xf32, #tpu.memory_space<hbm>> -> memref<10000x128xf32, #tpu.memory_space<hbm>>
    tpu.wait_indirect_dma semaphore(%arg14 : memref<!tpu.dma_semaphore, #tpu.memory_space<semaphore_mem>>) src(%dma_wait3A_460 : memref<10000x128xf32, #tpu.memory_space<hbm>>) dst(%arg11 : memref<128x128xf32, #tpu.memory_space<vmem>>)
    %barrier3A_461 = arith.constant 0 : index
    tpu.barrier barrier_id(%barrier3A_461)
    %add3A_462 = arith.constant 0 : i32
    %add3A_463 = arith.addi %mul3A_9, %add3A_462 : i32
    "tpu.region"() ({
      %run_scoped3A = tpu.sem_alloc : memref<!tpu.dma_semaphore, #tpu.memory_space<semaphore_mem>>
      %dma_start3A_672 = arith.constant 0 : i32
      %dma_start3A_673 = arith.constant 0 : i32
      %dma_start3A_674 = tpu.memref_slice %arg10[%dma_start3A_672, %dma_start3A_673] : memref<128x128xf32, #tpu.memory_space<vmem>> -> memref<128x128xf32, #tpu.memory_space<vmem>>
      %dma_start3A_675 = arith.constant 0 : i32
      %dma_start3A_676 = tpu.memref_slice %arg12[%add3A_463, %dma_start3A_675] : memref<10112x128xf32, #tpu.memory_space<vmem_shared>> -> memref<128x128xf32, #tpu.memory_space<vmem_shared>>
      %dma_start3A_677 = arith.constant 0 : i32
      %dma_start3A_678 = arith.constant 0 : i32
      %dma_start3A_679 = tpu.memref_slice %arg10[%dma_start3A_677, %dma_start3A_678] : memref<128x128xf32, #tpu.memory_space<vmem>> -> memref<128x128xf32, #tpu.memory_space<vmem>>
      %dma_start3A_680 = arith.constant 0 : i32
      %dma_start3A_681 = tpu.memref_slice %arg12[%add3A_463, %dma_start3A_680] : memref<10112x128xf32, #tpu.memory_space<vmem_shared>> -> memref<128x128xf32, #tpu.memory_space<vmem_shared>>
      tpu.enqueue_dma source(%dma_start3A_681 : memref<128x128xf32, #tpu.memory_space<vmem_shared>>) target(%dma_start3A_679 : memref<128x128xf32, #tpu.memory_space<vmem>>) target_semaphore(%run_scoped3A : memref<!tpu.dma_semaphore, #tpu.memory_space<semaphore_mem>>)
      %dma_wait3A_682 = arith.constant 0 : i32
      %dma_wait3A_683 = arith.constant 0 : i32
      %dma_wait3A_684 = tpu.memref_slice %arg10[%dma_wait3A_682, %dma_wait3A_683] : memref<128x128xf32, #tpu.memory_space<vmem>> -> memref<128x128xf32, #tpu.memory_space<vmem>>
      %dma_wait3A_685 = arith.constant 0 : i32
      %dma_wait3A_686 = tpu.memref_slice %arg12[%add3A_463, %dma_wait3A_685] : memref<10112x128xf32, #tpu.memory_space<vmem_shared>> -> memref<128x128xf32, #tpu.memory_space<vmem_shared>>
      %dma_wait3A_687 = arith.constant 0 : i32
      %dma_wait3A_688 = arith.constant 0 : i32
      %dma_wait3A_689 = tpu.memref_slice %arg10[%dma_wait3A_687, %dma_wait3A_688] : memref<128x128xf32, #tpu.memory_space<vmem>> -> memref<128x128xf32, #tpu.memory_space<vmem>>
      %dma_wait3A_690 = arith.constant 0 : i32
      %dma_wait3A_691 = tpu.memref_slice %arg12[%add3A_463, %dma_wait3A_690] : memref<10112x128xf32, #tpu.memory_space<vmem_shared>> -> memref<128x128xf32, #tpu.memory_space<vmem_shared>>
      tpu.wait_dma2 semaphore(%run_scoped3A : memref<!tpu.dma_semaphore, #tpu.memory_space<semaphore_mem>>) src(%dma_wait3A_691 : memref<128x128xf32, #tpu.memory_space<vmem_shared>>) dst(%dma_wait3A_689 : memref<128x128xf32, #tpu.memory_space<vmem>>)
      tpu.yield
    }) : () -> ()
    %add3A_464 = arith.constant 0 : i32
    %add3A_465 = arith.addi %mul3A_9, %add3A_464 : i32
    %dma_start3A_466 = arith.constant 0 : i32
    %dma_start3A_467 = arith.constant 0 : i32
    %dma_start3A_468 = tpu.memref_slice %arg10[%dma_start3A_466, %dma_start3A_467] : memref<128x128xf32, #tpu.memory_space<vmem>> -> memref<128x128xf32, #tpu.memory_space<vmem>>
    %dma_start3A_469 = arith.constant 0 : i32
    %dma_start3A_470 = arith.constant 0 : i32
    %dma_start3A_471 = tpu.memref_slice %arg4[%arg0, %dma_start3A_469, %dma_start3A_470] : memref<2x10112x128xf32, #tpu.memory_space<hbm>> -> memref<1x10112x128xf32, #tpu.memory_space<hbm>>
    %dma_start3A_472 = tpu.memref_squeeze %dma_start3A_471 : memref<1x10112x128xf32, #tpu.memory_space<hbm>> -> memref<10112x128xf32, #tpu.memory_space<hbm>>
    %dma_start3A_473 = arith.constant 0 : i32
    %dma_start3A_474 = tpu.memref_slice %dma_start3A_472[%add3A_465, %dma_start3A_473] : memref<10112x128xf32, #tpu.memory_space<hbm>> -> memref<128x128xf32, #tpu.memory_space<hbm>>
    %dma_start3A_475 = arith.constant 0 : i32
    %dma_start3A_476 = arith.constant 0 : i32
    %dma_start3A_477 = tpu.memref_slice %arg4[%arg0, %dma_start3A_475, %dma_start3A_476] : memref<2x10112x128xf32, #tpu.memory_space<hbm>> -> memref<1x10112x128xf32, #tpu.memory_space<hbm>>
    %dma_start3A_478 = tpu.memref_squeeze %dma_start3A_477 : memref<1x10112x128xf32, #tpu.memory_space<hbm>> -> memref<10112x128xf32, #tpu.memory_space<hbm>>
    %dma_start3A_479 = arith.constant 0 : i32
    %dma_start3A_480 = tpu.memref_slice %dma_start3A_478[%add3A_465, %dma_start3A_479] : memref<10112x128xf32, #tpu.memory_space<hbm>> -> memref<128x128xf32, #tpu.memory_space<hbm>>
    %dma_start3A_481 = arith.constant 0 : i32
    %dma_start3A_482 = arith.constant 0 : i32
    %dma_start3A_483 = tpu.memref_slice %arg10[%dma_start3A_481, %dma_start3A_482] : memref<128x128xf32, #tpu.memory_space<vmem>> -> memref<128x128xf32, #tpu.memory_space<vmem>>
    tpu.enqueue_dma source(%dma_start3A_483 : memref<128x128xf32, #tpu.memory_space<vmem>>) target(%dma_start3A_480 : memref<128x128xf32, #tpu.memory_space<hbm>>) target_semaphore(%arg13 : memref<!tpu.dma_semaphore, #tpu.memory_space<semaphore_mem>>)
    %add3A_484 = arith.constant 128 : i32
    %add3A_485 = arith.addi %mul3A_9, %add3A_484 : i32
    "tpu.region"() ({
      %run_scoped3A = tpu.sem_alloc : memref<!tpu.dma_semaphore, #tpu.memory_space<semaphore_mem>>
      %dma_start3A_672 = arith.constant 0 : i32
      %dma_start3A_673 = arith.constant 0 : i32
      %dma_start3A_674 = tpu.memref_slice %arg11[%dma_start3A_672, %dma_start3A_673] : memref<128x128xf32, #tpu.memory_space<vmem>> -> memref<128x128xf32, #tpu.memory_space<vmem>>
      %dma_start3A_675 = arith.constant 0 : i32
      %dma_start3A_676 = tpu.memref_slice %arg12[%add3A_485, %dma_start3A_675] : memref<10112x128xf32, #tpu.memory_space<vmem_shared>> -> memref<128x128xf32, #tpu.memory_space<vmem_shared>>
      %dma_start3A_677 = arith.constant 0 : i32
      %dma_start3A_678 = arith.constant 0 : i32
      %dma_start3A_679 = tpu.memref_slice %arg11[%dma_start3A_677, %dma_start3A_678] : memref<128x128xf32, #tpu.memory_space<vmem>> -> memref<128x128xf32, #tpu.memory_space<vmem>>
      %dma_start3A_680 = arith.constant 0 : i32
      %dma_start3A_681 = tpu.memref_slice %arg12[%add3A_485, %dma_start3A_680] : memref<10112x128xf32, #tpu.memory_space<vmem_shared>> -> memref<128x128xf32, #tpu.memory_space<vmem_shared>>
      tpu.enqueue_dma source(%dma_start3A_681 : memref<128x128xf32, #tpu.memory_space<vmem_shared>>) target(%dma_start3A_679 : memref<128x128xf32, #tpu.memory_space<vmem>>) target_semaphore(%run_scoped3A : memref<!tpu.dma_semaphore, #tpu.memory_space<semaphore_mem>>)
      %dma_wait3A_682 = arith.constant 0 : i32
      %dma_wait3A_683 = arith.constant 0 : i32
      %dma_wait3A_684 = tpu.memref_slice %arg11[%dma_wait3A_682, %dma_wait3A_683] : memref<128x128xf32, #tpu.memory_space<vmem>> -> memref<128x128xf32, #tpu.memory_space<vmem>>
      %dma_wait3A_685 = arith.constant 0 : i32
      %dma_wait3A_686 = tpu.memref_slice %arg12[%add3A_485, %dma_wait3A_685] : memref<10112x128xf32, #tpu.memory_space<vmem_shared>> -> memref<128x128xf32, #tpu.memory_space<vmem_shared>>
      %dma_wait3A_687 = arith.constant 0 : i32
      %dma_wait3A_688 = arith.constant 0 : i32
      %dma_wait3A_689 = tpu.memref_slice %arg11[%dma_wait3A_687, %dma_wait3A_688] : memref<128x128xf32, #tpu.memory_space<vmem>> -> memref<128x128xf32, #tpu.memory_space<vmem>>
      %dma_wait3A_690 = arith.constant 0 : i32
      %dma_wait3A_691 = tpu.memref_slice %arg12[%add3A_485, %dma_wait3A_690] : memref<10112x128xf32, #tpu.memory_space<vmem_shared>> -> memref<128x128xf32, #tpu.memory_space<vmem_shared>>
      tpu.wait_dma2 semaphore(%run_scoped3A : memref<!tpu.dma_semaphore, #tpu.memory_space<semaphore_mem>>) src(%dma_wait3A_691 : memref<128x128xf32, #tpu.memory_space<vmem_shared>>) dst(%dma_wait3A_689 : memref<128x128xf32, #tpu.memory_space<vmem>>)
      tpu.yield
    }) : () -> ()
    %add3A_486 = arith.constant 128 : i32
    %add3A_487 = arith.addi %mul3A_9, %add3A_486 : i32
    %dma_start3A_488 = arith.constant 0 : i32
    %dma_start3A_489 = arith.constant 0 : i32
    %dma_start3A_490 = tpu.memref_slice %arg11[%dma_start3A_488, %dma_start3A_489] : memref<128x128xf32, #tpu.memory_space<vmem>> -> memref<128x128xf32, #tpu.memory_space<vmem>>
    %dma_start3A_491 = arith.constant 0 : i32
    %dma_start3A_492 = arith.constant 0 : i32
    %dma_start3A_493 = tpu.memref_slice %arg4[%arg0, %dma_start3A_491, %dma_start3A_492] : memref<2x10112x128xf32, #tpu.memory_space<hbm>> -> memref<1x10112x128xf32, #tpu.memory_space<hbm>>
    %dma_start3A_494 = tpu.memref_squeeze %dma_start3A_493 : memref<1x10112x128xf32, #tpu.memory_space<hbm>> -> memref<10112x128xf32, #tpu.memory_space<hbm>>
    %dma_start3A_495 = arith.constant 0 : i32
    %dma_start3A_496 = tpu.memref_slice %dma_start3A_494[%add3A_487, %dma_start3A_495] : memref<10112x128xf32, #tpu.memory_space<hbm>> -> memref<128x128xf32, #tpu.memory_space<hbm>>
    %dma_start3A_497 = arith.constant 0 : i32
    %dma_start3A_498 = arith.constant 0 : i32
    %dma_start3A_499 = tpu.memref_slice %arg4[%arg0, %dma_start3A_497, %dma_start3A_498] : memref<2x10112x128xf32, #tpu.memory_space<hbm>> -> memref<1x10112x128xf32, #tpu.memory_space<hbm>>
    %dma_start3A_500 = tpu.memref_squeeze %dma_start3A_499 : memref<1x10112x128xf32, #tpu.memory_space<hbm>> -> memref<10112x128xf32, #tpu.memory_space<hbm>>
    %dma_start3A_501 = arith.constant 0 : i32
    %dma_start3A_502 = tpu.memref_slice %dma_start3A_500[%add3A_487, %dma_start3A_501] : memref<10112x128xf32, #tpu.memory_space<hbm>> -> memref<128x128xf32, #tpu.memory_space<hbm>>
    %dma_start3A_503 = arith.constant 0 : i32
    %dma_start3A_504 = arith.constant 0 : i32
    %dma_start3A_505 = tpu.memref_slice %arg11[%dma_start3A_503, %dma_start3A_504] : memref<128x128xf32, #tpu.memory_space<vmem>> -> memref<128x128xf32, #tpu.memory_space<vmem>>
    tpu.enqueue_dma source(%dma_start3A_505 : memref<128x128xf32, #tpu.memory_space<vmem>>) target(%dma_start3A_502 : memref<128x128xf32, #tpu.memory_space<hbm>>) target_semaphore(%arg14 : memref<!tpu.dma_semaphore, #tpu.memory_space<semaphore_mem>>)
    %add3A_506 = arith.constant 0 : i32
    %add3A_507 = arith.addi %mul3A_9, %add3A_506 : i32
    %dma_wait3A_508 = arith.constant 0 : i32
    %dma_wait3A_509 = arith.constant 0 : i32
    %dma_wait3A_510 = tpu.memref_slice %arg10[%dma_wait3A_508, %dma_wait3A_509] : memref<128x128xf32, #tpu.memory_space<vmem>> -> memref<128x128xf32, #tpu.memory_space<vmem>>
    %dma_wait3A_511 = arith.constant 0 : i32
    %dma_wait3A_512 = arith.constant 0 : i32
    %dma_wait3A_513 = tpu.memref_slice %arg4[%arg0, %dma_wait3A_511, %dma_wait3A_512] : memref<2x10112x128xf32, #tpu.memory_space<hbm>> -> memref<1x10112x128xf32, #tpu.memory_space<hbm>>
    %dma_wait3A_514 = tpu.memref_squeeze %dma_wait3A_513 : memref<1x10112x128xf32, #tpu.memory_space<hbm>> -> memref<10112x128xf32, #tpu.memory_space<hbm>>
    %dma_wait3A_515 = arith.constant 0 : i32
    %dma_wait3A_516 = tpu.memref_slice %dma_wait3A_514[%add3A_507, %dma_wait3A_515] : memref<10112x128xf32, #tpu.memory_space<hbm>> -> memref<128x128xf32, #tpu.memory_space<hbm>>
    %dma_wait3A_517 = arith.constant 0 : i32
    %dma_wait3A_518 = arith.constant 0 : i32
    %dma_wait3A_519 = tpu.memref_slice %arg4[%arg0, %dma_wait3A_517, %dma_wait3A_518] : memref<2x10112x128xf32, #tpu.memory_space<hbm>> -> memref<1x10112x128xf32, #tpu.memory_space<hbm>>
    %dma_wait3A_520 = tpu.memref_squeeze %dma_wait3A_519 : memref<1x10112x128xf32, #tpu.memory_space<hbm>> -> memref<10112x128xf32, #tpu.memory_space<hbm>>
    %dma_wait3A_521 = arith.constant 0 : i32
    %dma_wait3A_522 = tpu.memref_slice %dma_wait3A_520[%add3A_507, %dma_wait3A_521] : memref<10112x128xf32, #tpu.memory_space<hbm>> -> memref<128x128xf32, #tpu.memory_space<hbm>>
    %dma_wait3A_523 = arith.constant 0 : i32
    %dma_wait3A_524 = arith.constant 0 : i32
    %dma_wait3A_525 = tpu.memref_slice %arg10[%dma_wait3A_523, %dma_wait3A_524] : memref<128x128xf32, #tpu.memory_space<vmem>> -> memref<128x128xf32, #tpu.memory_space<vmem>>
    tpu.wait_dma2 semaphore(%arg13 : memref<!tpu.dma_semaphore, #tpu.memory_space<semaphore_mem>>) src(%dma_wait3A_525 : memref<128x128xf32, #tpu.memory_space<vmem>>) dst(%dma_wait3A_522 : memref<128x128xf32, #tpu.memory_space<hbm>>)
    %add3A_526 = arith.constant 256 : i32
    %add3A_527 = arith.addi %mul3A_9, %add3A_526 : i32
    "tpu.region"() ({
      %run_scoped3A = tpu.sem_alloc : memref<!tpu.dma_semaphore, #tpu.memory_space<semaphore_mem>>
      %dma_start3A_672 = arith.constant 0 : i32
      %dma_start3A_673 = arith.constant 0 : i32
      %dma_start3A_674 = tpu.memref_slice %arg10[%dma_start3A_672, %dma_start3A_673] : memref<128x128xf32, #tpu.memory_space<vmem>> -> memref<128x128xf32, #tpu.memory_space<vmem>>
      %dma_start3A_675 = arith.constant 0 : i32
      %dma_start3A_676 = tpu.memref_slice %arg12[%add3A_527, %dma_start3A_675] : memref<10112x128xf32, #tpu.memory_space<vmem_shared>> -> memref<128x128xf32, #tpu.memory_space<vmem_shared>>
      %dma_start3A_677 = arith.constant 0 : i32
      %dma_start3A_678 = arith.constant 0 : i32
      %dma_start3A_679 = tpu.memref_slice %arg10[%dma_start3A_677, %dma_start3A_678] : memref<128x128xf32, #tpu.memory_space<vmem>> -> memref<128x128xf32, #tpu.memory_space<vmem>>
      %dma_start3A_680 = arith.constant 0 : i32
      %dma_start3A_681 = tpu.memref_slice %arg12[%add3A_527, %dma_start3A_680] : memref<10112x128xf32, #tpu.memory_space<vmem_shared>> -> memref<128x128xf32, #tpu.memory_space<vmem_shared>>
      tpu.enqueue_dma source(%dma_start3A_681 : memref<128x128xf32, #tpu.memory_space<vmem_shared>>) target(%dma_start3A_679 : memref<128x128xf32, #tpu.memory_space<vmem>>) target_semaphore(%run_scoped3A : memref<!tpu.dma_semaphore, #tpu.memory_space<semaphore_mem>>)
      %dma_wait3A_682 = arith.constant 0 : i32
      %dma_wait3A_683 = arith.constant 0 : i32
      %dma_wait3A_684 = tpu.memref_slice %arg10[%dma_wait3A_682, %dma_wait3A_683] : memref<128x128xf32, #tpu.memory_space<vmem>> -> memref<128x128xf32, #tpu.memory_space<vmem>>
      %dma_wait3A_685 = arith.constant 0 : i32
      %dma_wait3A_686 = tpu.memref_slice %arg12[%add3A_527, %dma_wait3A_685] : memref<10112x128xf32, #tpu.memory_space<vmem_shared>> -> memref<128x128xf32, #tpu.memory_space<vmem_shared>>
      %dma_wait3A_687 = arith.constant 0 : i32
      %dma_wait3A_688 = arith.constant 0 : i32
      %dma_wait3A_689 = tpu.memref_slice %arg10[%dma_wait3A_687, %dma_wait3A_688] : memref<128x128xf32, #tpu.memory_space<vmem>> -> memref<128x128xf32, #tpu.memory_space<vmem>>
      %dma_wait3A_690 = arith.constant 0 : i32
      %dma_wait3A_691 = tpu.memref_slice %arg12[%add3A_527, %dma_wait3A_690] : memref<10112x128xf32, #tpu.memory_space<vmem_shared>> -> memref<128x128xf32, #tpu.memory_space<vmem_shared>>
      tpu.wait_dma2 semaphore(%run_scoped3A : memref<!tpu.dma_semaphore, #tpu.memory_space<semaphore_mem>>) src(%dma_wait3A_691 : memref<128x128xf32, #tpu.memory_space<vmem_shared>>) dst(%dma_wait3A_689 : memref<128x128xf32, #tpu.memory_space<vmem>>)
      tpu.yield
    }) : () -> ()
    %add3A_528 = arith.constant 256 : i32
    %add3A_529 = arith.addi %mul3A_9, %add3A_528 : i32
    %dma_start3A_530 = arith.constant 0 : i32
    %dma_start3A_531 = arith.constant 0 : i32
    %dma_start3A_532 = tpu.memref_slice %arg10[%dma_start3A_530, %dma_start3A_531] : memref<128x128xf32, #tpu.memory_space<vmem>> -> memref<128x128xf32, #tpu.memory_space<vmem>>
    %dma_start3A_533 = arith.constant 0 : i32
    %dma_start3A_534 = arith.constant 0 : i32
    %dma_start3A_535 = tpu.memref_slice %arg4[%arg0, %dma_start3A_533, %dma_start3A_534] : memref<2x10112x128xf32, #tpu.memory_space<hbm>> -> memref<1x10112x128xf32, #tpu.memory_space<hbm>>
    %dma_start3A_536 = tpu.memref_squeeze %dma_start3A_535 : memref<1x10112x128xf32, #tpu.memory_space<hbm>> -> memref<10112x128xf32, #tpu.memory_space<hbm>>
    %dma_start3A_537 = arith.constant 0 : i32
    %dma_start3A_538 = tpu.memref_slice %dma_start3A_536[%add3A_529, %dma_start3A_537] : memref<10112x128xf32, #tpu.memory_space<hbm>> -> memref<128x128xf32, #tpu.memory_space<hbm>>
    %dma_start3A_539 = arith.constant 0 : i32
    %dma_start3A_540 = arith.constant 0 : i32
    %dma_start3A_541 = tpu.memref_slice %arg4[%arg0, %dma_start3A_539, %dma_start3A_540] : memref<2x10112x128xf32, #tpu.memory_space<hbm>> -> memref<1x10112x128xf32, #tpu.memory_space<hbm>>
    %dma_start3A_542 = tpu.memref_squeeze %dma_start3A_541 : memref<1x10112x128xf32, #tpu.memory_space<hbm>> -> memref<10112x128xf32, #tpu.memory_space<hbm>>
    %dma_start3A_543 = arith.constant 0 : i32
    %dma_start3A_544 = tpu.memref_slice %dma_start3A_542[%add3A_529, %dma_start3A_543] : memref<10112x128xf32, #tpu.memory_space<hbm>> -> memref<128x128xf32, #tpu.memory_space<hbm>>
    %dma_start3A_545 = arith.constant 0 : i32
    %dma_start3A_546 = arith.constant 0 : i32
    %dma_start3A_547 = tpu.memref_slice %arg10[%dma_start3A_545, %dma_start3A_546] : memref<128x128xf32, #tpu.memory_space<vmem>> -> memref<128x128xf32, #tpu.memory_space<vmem>>
    tpu.enqueue_dma source(%dma_start3A_547 : memref<128x128xf32, #tpu.memory_space<vmem>>) target(%dma_start3A_544 : memref<128x128xf32, #tpu.memory_space<hbm>>) target_semaphore(%arg13 : memref<!tpu.dma_semaphore, #tpu.memory_space<semaphore_mem>>)
    %add3A_548 = arith.constant 128 : i32
    %add3A_549 = arith.addi %mul3A_9, %add3A_548 : i32
    %dma_wait3A_550 = arith.constant 0 : i32
    %dma_wait3A_551 = arith.constant 0 : i32
    %dma_wait3A_552 = tpu.memref_slice %arg11[%dma_wait3A_550, %dma_wait3A_551] : memref<128x128xf32, #tpu.memory_space<vmem>> -> memref<128x128xf32, #tpu.memory_space<vmem>>
    %dma_wait3A_553 = arith.constant 0 : i32
    %dma_wait3A_554 = arith.constant 0 : i32
    %dma_wait3A_555 = tpu.memref_slice %arg4[%arg0, %dma_wait3A_553, %dma_wait3A_554] : memref<2x10112x128xf32, #tpu.memory_space<hbm>> -> memref<1x10112x128xf32, #tpu.memory_space<hbm>>
    %dma_wait3A_556 = tpu.memref_squeeze %dma_wait3A_555 : memref<1x10112x128xf32, #tpu.memory_space<hbm>> -> memref<10112x128xf32, #tpu.memory_space<hbm>>
    %dma_wait3A_557 = arith.constant 0 : i32
    %dma_wait3A_558 = tpu.memref_slice %dma_wait3A_556[%add3A_549, %dma_wait3A_557] : memref<10112x128xf32, #tpu.memory_space<hbm>> -> memref<128x128xf32, #tpu.memory_space<hbm>>
    %dma_wait3A_559 = arith.constant 0 : i32
    %dma_wait3A_560 = arith.constant 0 : i32
    %dma_wait3A_561 = tpu.memref_slice %arg4[%arg0, %dma_wait3A_559, %dma_wait3A_560] : memref<2x10112x128xf32, #tpu.memory_space<hbm>> -> memref<1x10112x128xf32, #tpu.memory_space<hbm>>
    %dma_wait3A_562 = tpu.memref_squeeze %dma_wait3A_561 : memref<1x10112x128xf32, #tpu.memory_space<hbm>> -> memref<10112x128xf32, #tpu.memory_space<hbm>>
    %dma_wait3A_563 = arith.constant 0 : i32
    %dma_wait3A_564 = tpu.memref_slice %dma_wait3A_562[%add3A_549, %dma_wait3A_563] : memref<10112x128xf32, #tpu.memory_space<hbm>> -> memref<128x128xf32, #tpu.memory_space<hbm>>
    %dma_wait3A_565 = arith.constant 0 : i32
    %dma_wait3A_566 = arith.constant 0 : i32
    %dma_wait3A_567 = tpu.memref_slice %arg11[%dma_wait3A_565, %dma_wait3A_566] : memref<128x128xf32, #tpu.memory_space<vmem>> -> memref<128x128xf32, #tpu.memory_space<vmem>>
    tpu.wait_dma2 semaphore(%arg14 : memref<!tpu.dma_semaphore, #tpu.memory_space<semaphore_mem>>) src(%dma_wait3A_567 : memref<128x128xf32, #tpu.memory_space<vmem>>) dst(%dma_wait3A_564 : memref<128x128xf32, #tpu.memory_space<hbm>>)
    %add3A_568 = arith.constant 384 : i32
    %add3A_569 = arith.addi %mul3A_9, %add3A_568 : i32
    "tpu.region"() ({
      %run_scoped3A = tpu.sem_alloc : memref<!tpu.dma_semaphore, #tpu.memory_space<semaphore_mem>>
      %dma_start3A_672 = arith.constant 0 : i32
      %dma_start3A_673 = arith.constant 0 : i32
      %dma_start3A_674 = tpu.memref_slice %arg11[%dma_start3A_672, %dma_start3A_673] : memref<128x128xf32, #tpu.memory_space<vmem>> -> memref<128x128xf32, #tpu.memory_space<vmem>>
      %dma_start3A_675 = arith.constant 0 : i32
      %dma_start3A_676 = tpu.memref_slice %arg12[%add3A_569, %dma_start3A_675] : memref<10112x128xf32, #tpu.memory_space<vmem_shared>> -> memref<128x128xf32, #tpu.memory_space<vmem_shared>>
      %dma_start3A_677 = arith.constant 0 : i32
      %dma_start3A_678 = arith.constant 0 : i32
      %dma_start3A_679 = tpu.memref_slice %arg11[%dma_start3A_677, %dma_start3A_678] : memref<128x128xf32, #tpu.memory_space<vmem>> -> memref<128x128xf32, #tpu.memory_space<vmem>>
      %dma_start3A_680 = arith.constant 0 : i32
      %dma_start3A_681 = tpu.memref_slice %arg12[%add3A_569, %dma_start3A_680] : memref<10112x128xf32, #tpu.memory_space<vmem_shared>> -> memref<128x128xf32, #tpu.memory_space<vmem_shared>>
      tpu.enqueue_dma source(%dma_start3A_681 : memref<128x128xf32, #tpu.memory_space<vmem_shared>>) target(%dma_start3A_679 : memref<128x128xf32, #tpu.memory_space<vmem>>) target_semaphore(%run_scoped3A : memref<!tpu.dma_semaphore, #tpu.memory_space<semaphore_mem>>)
      %dma_wait3A_682 = arith.constant 0 : i32
      %dma_wait3A_683 = arith.constant 0 : i32
      %dma_wait3A_684 = tpu.memref_slice %arg11[%dma_wait3A_682, %dma_wait3A_683] : memref<128x128xf32, #tpu.memory_space<vmem>> -> memref<128x128xf32, #tpu.memory_space<vmem>>
      %dma_wait3A_685 = arith.constant 0 : i32
      %dma_wait3A_686 = tpu.memref_slice %arg12[%add3A_569, %dma_wait3A_685] : memref<10112x128xf32, #tpu.memory_space<vmem_shared>> -> memref<128x128xf32, #tpu.memory_space<vmem_shared>>
      %dma_wait3A_687 = arith.constant 0 : i32
      %dma_wait3A_688 = arith.constant 0 : i32
      %dma_wait3A_689 = tpu.memref_slice %arg11[%dma_wait3A_687, %dma_wait3A_688] : memref<128x128xf32, #tpu.memory_space<vmem>> -> memref<128x128xf32, #tpu.memory_space<vmem>>
      %dma_wait3A_690 = arith.constant 0 : i32
      %dma_wait3A_691 = tpu.memref_slice %arg12[%add3A_569, %dma_wait3A_690] : memref<10112x128xf32, #tpu.memory_space<vmem_shared>> -> memref<128x128xf32, #tpu.memory_space<vmem_shared>>
      tpu.wait_dma2 semaphore(%run_scoped3A : memref<!tpu.dma_semaphore, #tpu.memory_space<semaphore_mem>>) src(%dma_wait3A_691 : memref<128x128xf32, #tpu.memory_space<vmem_shared>>) dst(%dma_wait3A_689 : memref<128x128xf32, #tpu.memory_space<vmem>>)
      tpu.yield
    }) : () -> ()
    %add3A_570 = arith.constant 384 : i32
    %add3A_571 = arith.addi %mul3A_9, %add3A_570 : i32
    %dma_start3A_572 = arith.constant 0 : i32
    %dma_start3A_573 = arith.constant 0 : i32
    %dma_start3A_574 = tpu.memref_slice %arg11[%dma_start3A_572, %dma_start3A_573] : memref<128x128xf32, #tpu.memory_space<vmem>> -> memref<128x128xf32, #tpu.memory_space<vmem>>
    %dma_start3A_575 = arith.constant 0 : i32
    %dma_start3A_576 = arith.constant 0 : i32
    %dma_start3A_577 = tpu.memref_slice %arg4[%arg0, %dma_start3A_575, %dma_start3A_576] : memref<2x10112x128xf32, #tpu.memory_space<hbm>> -> memref<1x10112x128xf32, #tpu.memory_space<hbm>>
    %dma_start3A_578 = tpu.memref_squeeze %dma_start3A_577 : memref<1x10112x128xf32, #tpu.memory_space<hbm>> -> memref<10112x128xf32, #tpu.memory_space<hbm>>
    %dma_start3A_579 = arith.constant 0 : i32
    %dma_start3A_580 = tpu.memref_slice %dma_start3A_578[%add3A_571, %dma_start3A_579] : memref<10112x128xf32, #tpu.memory_space<hbm>> -> memref<128x128xf32, #tpu.memory_space<hbm>>
    %dma_start3A_581 = arith.constant 0 : i32
    %dma_start3A_582 = arith.constant 0 : i32
    %dma_start3A_583 = tpu.memref_slice %arg4[%arg0, %dma_start3A_581, %dma_start3A_582] : memref<2x10112x128xf32, #tpu.memory_space<hbm>> -> memref<1x10112x128xf32, #tpu.memory_space<hbm>>
    %dma_start3A_584 = tpu.memref_squeeze %dma_start3A_583 : memref<1x10112x128xf32, #tpu.memory_space<hbm>> -> memref<10112x128xf32, #tpu.memory_space<hbm>>
    %dma_start3A_585 = arith.constant 0 : i32
    %dma_start3A_586 = tpu.memref_slice %dma_start3A_584[%add3A_571, %dma_start3A_585] : memref<10112x128xf32, #tpu.memory_space<hbm>> -> memref<128x128xf32, #tpu.memory_space<hbm>>
    %dma_start3A_587 = arith.constant 0 : i32
    %dma_start3A_588 = arith.constant 0 : i32
    %dma_start3A_589 = tpu.memref_slice %arg11[%dma_start3A_587, %dma_start3A_588] : memref<128x128xf32, #tpu.memory_space<vmem>> -> memref<128x128xf32, #tpu.memory_space<vmem>>
    tpu.enqueue_dma source(%dma_start3A_589 : memref<128x128xf32, #tpu.memory_space<vmem>>) target(%dma_start3A_586 : memref<128x128xf32, #tpu.memory_space<hbm>>) target_semaphore(%arg14 : memref<!tpu.dma_semaphore, #tpu.memory_space<semaphore_mem>>)
    %add3A_590 = arith.constant 256 : i32
    %add3A_591 = arith.addi %mul3A_9, %add3A_590 : i32
    %dma_wait3A_592 = arith.constant 0 : i32
    %dma_wait3A_593 = arith.constant 0 : i32
    %dma_wait3A_594 = tpu.memref_slice %arg10[%dma_wait3A_592, %dma_wait3A_593] : memref<128x128xf32, #tpu.memory_space<vmem>> -> memref<128x128xf32, #tpu.memory_space<vmem>>
    %dma_wait3A_595 = arith.constant 0 : i32
    %dma_wait3A_596 = arith.constant 0 : i32
    %dma_wait3A_597 = tpu.memref_slice %arg4[%arg0, %dma_wait3A_595, %dma_wait3A_596] : memref<2x10112x128xf32, #tpu.memory_space<hbm>> -> memref<1x10112x128xf32, #tpu.memory_space<hbm>>
    %dma_wait3A_598 = tpu.memref_squeeze %dma_wait3A_597 : memref<1x10112x128xf32, #tpu.memory_space<hbm>> -> memref<10112x128xf32, #tpu.memory_space<hbm>>
    %dma_wait3A_599 = arith.constant 0 : i32
    %dma_wait3A_600 = tpu.memref_slice %dma_wait3A_598[%add3A_591, %dma_wait3A_599] : memref<10112x128xf32, #tpu.memory_space<hbm>> -> memref<128x128xf32, #tpu.memory_space<hbm>>
    %dma_wait3A_601 = arith.constant 0 : i32
    %dma_wait3A_602 = arith.constant 0 : i32
    %dma_wait3A_603 = tpu.memref_slice %arg4[%arg0, %dma_wait3A_601, %dma_wait3A_602] : memref<2x10112x128xf32, #tpu.memory_space<hbm>> -> memref<1x10112x128xf32, #tpu.memory_space<hbm>>
    %dma_wait3A_604 = tpu.memref_squeeze %dma_wait3A_603 : memref<1x10112x128xf32, #tpu.memory_space<hbm>> -> memref<10112x128xf32, #tpu.memory_space<hbm>>
    %dma_wait3A_605 = arith.constant 0 : i32
    %dma_wait3A_606 = tpu.memref_slice %dma_wait3A_604[%add3A_591, %dma_wait3A_605] : memref<10112x128xf32, #tpu.memory_space<hbm>> -> memref<128x128xf32, #tpu.memory_space<hbm>>
    %dma_wait3A_607 = arith.constant 0 : i32
    %dma_wait3A_608 = arith.constant 0 : i32
    %dma_wait3A_609 = tpu.memref_slice %arg10[%dma_wait3A_607, %dma_wait3A_608] : memref<128x128xf32, #tpu.memory_space<vmem>> -> memref<128x128xf32, #tpu.memory_space<vmem>>
    tpu.wait_dma2 semaphore(%arg13 : memref<!tpu.dma_semaphore, #tpu.memory_space<semaphore_mem>>) src(%dma_wait3A_609 : memref<128x128xf32, #tpu.memory_space<vmem>>) dst(%dma_wait3A_606 : memref<128x128xf32, #tpu.memory_space<hbm>>)
    %add3A_610 = arith.constant 512 : i32
    %add3A_611 = arith.addi %mul3A_9, %add3A_610 : i32
    "tpu.region"() ({
      %run_scoped3A = tpu.sem_alloc : memref<!tpu.dma_semaphore, #tpu.memory_space<semaphore_mem>>
      %dma_start3A_672 = arith.constant 0 : i32
      %dma_start3A_673 = arith.constant 0 : i32
      %dma_start3A_674 = tpu.memref_slice %arg10[%dma_start3A_672, %dma_start3A_673] : memref<128x128xf32, #tpu.memory_space<vmem>> -> memref<120x128xf32, #tpu.memory_space<vmem>>
      %dma_start3A_675 = arith.constant 0 : i32
      %dma_start3A_676 = tpu.memref_slice %arg12[%add3A_611, %dma_start3A_675] : memref<10112x128xf32, #tpu.memory_space<vmem_shared>> -> memref<120x128xf32, #tpu.memory_space<vmem_shared>>
      %dma_start3A_677 = arith.constant 0 : i32
      %dma_start3A_678 = arith.constant 0 : i32
      %dma_start3A_679 = tpu.memref_slice %arg10[%dma_start3A_677, %dma_start3A_678] : memref<128x128xf32, #tpu.memory_space<vmem>> -> memref<120x128xf32, #tpu.memory_space<vmem>>
      %dma_start3A_680 = arith.constant 0 : i32
      %dma_start3A_681 = tpu.memref_slice %arg12[%add3A_611, %dma_start3A_680] : memref<10112x128xf32, #tpu.memory_space<vmem_shared>> -> memref<120x128xf32, #tpu.memory_space<vmem_shared>>
      tpu.enqueue_dma source(%dma_start3A_681 : memref<120x128xf32, #tpu.memory_space<vmem_shared>>) target(%dma_start3A_679 : memref<120x128xf32, #tpu.memory_space<vmem>>) target_semaphore(%run_scoped3A : memref<!tpu.dma_semaphore, #tpu.memory_space<semaphore_mem>>)
      %dma_wait3A_682 = arith.constant 0 : i32
      %dma_wait3A_683 = arith.constant 0 : i32
      %dma_wait3A_684 = tpu.memref_slice %arg10[%dma_wait3A_682, %dma_wait3A_683] : memref<128x128xf32, #tpu.memory_space<vmem>> -> memref<120x128xf32, #tpu.memory_space<vmem>>
      %dma_wait3A_685 = arith.constant 0 : i32
      %dma_wait3A_686 = tpu.memref_slice %arg12[%add3A_611, %dma_wait3A_685] : memref<10112x128xf32, #tpu.memory_space<vmem_shared>> -> memref<120x128xf32, #tpu.memory_space<vmem_shared>>
      %dma_wait3A_687 = arith.constant 0 : i32
      %dma_wait3A_688 = arith.constant 0 : i32
      %dma_wait3A_689 = tpu.memref_slice %arg10[%dma_wait3A_687, %dma_wait3A_688] : memref<128x128xf32, #tpu.memory_space<vmem>> -> memref<120x128xf32, #tpu.memory_space<vmem>>
      %dma_wait3A_690 = arith.constant 0 : i32
      %dma_wait3A_691 = tpu.memref_slice %arg12[%add3A_611, %dma_wait3A_690] : memref<10112x128xf32, #tpu.memory_space<vmem_shared>> -> memref<120x128xf32, #tpu.memory_space<vmem_shared>>
      tpu.wait_dma2 semaphore(%run_scoped3A : memref<!tpu.dma_semaphore, #tpu.memory_space<semaphore_mem>>) src(%dma_wait3A_691 : memref<120x128xf32, #tpu.memory_space<vmem_shared>>) dst(%dma_wait3A_689 : memref<120x128xf32, #tpu.memory_space<vmem>>)
      tpu.yield
    }) : () -> ()
    %add3A_612 = arith.constant 512 : i32
    %add3A_613 = arith.addi %mul3A_9, %add3A_612 : i32
    %dma_start3A_614 = arith.constant 0 : i32
    %dma_start3A_615 = arith.constant 0 : i32
    %dma_start3A_616 = tpu.memref_slice %arg10[%dma_start3A_614, %dma_start3A_615] : memref<128x128xf32, #tpu.memory_space<vmem>> -> memref<120x128xf32, #tpu.memory_space<vmem>>
    %dma_start3A_617 = arith.constant 0 : i32
    %dma_start3A_618 = arith.constant 0 : i32
    %dma_start3A_619 = tpu.memref_slice %arg4[%arg0, %dma_start3A_617, %dma_start3A_618] : memref<2x10112x128xf32, #tpu.memory_space<hbm>> -> memref<1x10112x128xf32, #tpu.memory_space<hbm>>
    %dma_start3A_620 = tpu.memref_squeeze %dma_start3A_619 : memref<1x10112x128xf32, #tpu.memory_space<hbm>> -> memref<10112x128xf32, #tpu.memory_space<hbm>>
    %dma_start3A_621 = arith.constant 0 : i32
    %dma_start3A_622 = tpu.memref_slice %dma_start3A_620[%add3A_613, %dma_start3A_621] : memref<10112x128xf32, #tpu.memory_space<hbm>> -> memref<120x128xf32, #tpu.memory_space<hbm>>
    %dma_start3A_623 = arith.constant 0 : i32
    %dma_start3A_624 = arith.constant 0 : i32
    %dma_start3A_625 = tpu.memref_slice %arg4[%arg0, %dma_start3A_623, %dma_start3A_624] : memref<2x10112x128xf32, #tpu.memory_space<hbm>> -> memref<1x10112x128xf32, #tpu.memory_space<hbm>>
    %dma_start3A_626 = tpu.memref_squeeze %dma_start3A_625 : memref<1x10112x128xf32, #tpu.memory_space<hbm>> -> memref<10112x128xf32, #tpu.memory_space<hbm>>
    %dma_start3A_627 = arith.constant 0 : i32
    %dma_start3A_628 = tpu.memref_slice %dma_start3A_626[%add3A_613, %dma_start3A_627] : memref<10112x128xf32, #tpu.memory_space<hbm>> -> memref<120x128xf32, #tpu.memory_space<hbm>>
    %dma_start3A_629 = arith.constant 0 : i32
    %dma_start3A_630 = arith.constant 0 : i32
    %dma_start3A_631 = tpu.memref_slice %arg10[%dma_start3A_629, %dma_start3A_630] : memref<128x128xf32, #tpu.memory_space<vmem>> -> memref<120x128xf32, #tpu.memory_space<vmem>>
    tpu.enqueue_dma source(%dma_start3A_631 : memref<120x128xf32, #tpu.memory_space<vmem>>) target(%dma_start3A_628 : memref<120x128xf32, #tpu.memory_space<hbm>>) target_semaphore(%arg13 : memref<!tpu.dma_semaphore, #tpu.memory_space<semaphore_mem>>)
    %add3A_632 = arith.constant 384 : i32
    %add3A_633 = arith.addi %mul3A_9, %add3A_632 : i32
    %dma_wait3A_634 = arith.constant 0 : i32
    %dma_wait3A_635 = arith.constant 0 : i32
    %dma_wait3A_636 = tpu.memref_slice %arg11[%dma_wait3A_634, %dma_wait3A_635] : memref<128x128xf32, #tpu.memory_space<vmem>> -> memref<128x128xf32, #tpu.memory_space<vmem>>
    %dma_wait3A_637 = arith.constant 0 : i32
    %dma_wait3A_638 = arith.constant 0 : i32
    %dma_wait3A_639 = tpu.memref_slice %arg4[%arg0, %dma_wait3A_637, %dma_wait3A_638] : memref<2x10112x128xf32, #tpu.memory_space<hbm>> -> memref<1x10112x128xf32, #tpu.memory_space<hbm>>
    %dma_wait3A_640 = tpu.memref_squeeze %dma_wait3A_639 : memref<1x10112x128xf32, #tpu.memory_space<hbm>> -> memref<10112x128xf32, #tpu.memory_space<hbm>>
    %dma_wait3A_641 = arith.constant 0 : i32
    %dma_wait3A_642 = tpu.memref_slice %dma_wait3A_640[%add3A_633, %dma_wait3A_641] : memref<10112x128xf32, #tpu.memory_space<hbm>> -> memref<128x128xf32, #tpu.memory_space<hbm>>
    %dma_wait3A_643 = arith.constant 0 : i32
    %dma_wait3A_644 = arith.constant 0 : i32
    %dma_wait3A_645 = tpu.memref_slice %arg4[%arg0, %dma_wait3A_643, %dma_wait3A_644] : memref<2x10112x128xf32, #tpu.memory_space<hbm>> -> memref<1x10112x128xf32, #tpu.memory_space<hbm>>
    %dma_wait3A_646 = tpu.memref_squeeze %dma_wait3A_645 : memref<1x10112x128xf32, #tpu.memory_space<hbm>> -> memref<10112x128xf32, #tpu.memory_space<hbm>>
    %dma_wait3A_647 = arith.constant 0 : i32
    %dma_wait3A_648 = tpu.memref_slice %dma_wait3A_646[%add3A_633, %dma_wait3A_647] : memref<10112x128xf32, #tpu.memory_space<hbm>> -> memref<128x128xf32, #tpu.memory_space<hbm>>
    %dma_wait3A_649 = arith.constant 0 : i32
    %dma_wait3A_650 = arith.constant 0 : i32
    %dma_wait3A_651 = tpu.memref_slice %arg11[%dma_wait3A_649, %dma_wait3A_650] : memref<128x128xf32, #tpu.memory_space<vmem>> -> memref<128x128xf32, #tpu.memory_space<vmem>>
    tpu.wait_dma2 semaphore(%arg14 : memref<!tpu.dma_semaphore, #tpu.memory_space<semaphore_mem>>) src(%dma_wait3A_651 : memref<128x128xf32, #tpu.memory_space<vmem>>) dst(%dma_wait3A_648 : memref<128x128xf32, #tpu.memory_space<hbm>>)
    %add3A_652 = arith.constant 512 : i32
    %add3A_653 = arith.addi %mul3A_9, %add3A_652 : i32
    %dma_wait3A_654 = arith.constant 0 : i32
    %dma_wait3A_655 = arith.constant 0 : i32
    %dma_wait3A_656 = tpu.memref_slice %arg10[%dma_wait3A_654, %dma_wait3A_655] : memref<128x128xf32, #tpu.memory_space<vmem>> -> memref<120x128xf32, #tpu.memory_space<vmem>>
    %dma_wait3A_657 = arith.constant 0 : i32
    %dma_wait3A_658 = arith.constant 0 : i32
    %dma_wait3A_659 = tpu.memref_slice %arg4[%arg0, %dma_wait3A_657, %dma_wait3A_658] : memref<2x10112x128xf32, #tpu.memory_space<hbm>> -> memref<1x10112x128xf32, #tpu.memory_space<hbm>>
    %dma_wait3A_660 = tpu.memref_squeeze %dma_wait3A_659 : memref<1x10112x128xf32, #tpu.memory_space<hbm>> -> memref<10112x128xf32, #tpu.memory_space<hbm>>
    %dma_wait3A_661 = arith.constant 0 : i32
    %dma_wait3A_662 = tpu.memref_slice %dma_wait3A_660[%add3A_653, %dma_wait3A_661] : memref<10112x128xf32, #tpu.memory_space<hbm>> -> memref<120x128xf32, #tpu.memory_space<hbm>>
    %dma_wait3A_663 = arith.constant 0 : i32
    %dma_wait3A_664 = arith.constant 0 : i32
    %dma_wait3A_665 = tpu.memref_slice %arg4[%arg0, %dma_wait3A_663, %dma_wait3A_664] : memref<2x10112x128xf32, #tpu.memory_space<hbm>> -> memref<1x10112x128xf32, #tpu.memory_space<hbm>>
    %dma_wait3A_666 = tpu.memref_squeeze %dma_wait3A_665 : memref<1x10112x128xf32, #tpu.memory_space<hbm>> -> memref<10112x128xf32, #tpu.memory_space<hbm>>
    %dma_wait3A_667 = arith.constant 0 : i32
    %dma_wait3A_668 = tpu.memref_slice %dma_wait3A_666[%add3A_653, %dma_wait3A_667] : memref<10112x128xf32, #tpu.memory_space<hbm>> -> memref<120x128xf32, #tpu.memory_space<hbm>>
    %dma_wait3A_669 = arith.constant 0 : i32
    %dma_wait3A_670 = arith.constant 0 : i32
    %dma_wait3A_671 = tpu.memref_slice %arg10[%dma_wait3A_669, %dma_wait3A_670] : memref<128x128xf32, #tpu.memory_space<vmem>> -> memref<120x128xf32, #tpu.memory_space<vmem>>
    tpu.wait_dma2 semaphore(%arg13 : memref<!tpu.dma_semaphore, #tpu.memory_space<semaphore_mem>>) src(%dma_wait3A_671 : memref<120x128xf32, #tpu.memory_space<vmem>>) dst(%dma_wait3A_668 : memref<120x128xf32, #tpu.memory_space<hbm>>)
    return
  }
}

#map = affine_map<(d0, d1) -> (0, 0)>
#map1 = affine_map<(d0, d1) -> (0, 0, 0, 0)>
#map2 = affine_map<(d0, d1) -> (0, 0, 0)>
module attributes {stable_mosaic.version = 14 : i64} {
  func.func @k(%arg0: i32, %arg1: i32, %arg2: memref<10000x128xf32, #tpu.memory_space<hbm>>, %arg3: memref<2x16x120x128xi32, #tpu.memory_space<hbm>>, %arg4: memref<2x10112x128xf32, #tpu.memory_space<hbm>>, %arg5: memref<120x128xi32, #tpu.memory_space<vmem>>, %arg6: memref<128xi32, #tpu.memory_space<vmem>>, %arg7: memref<128xi32, #tpu.memory_space<vmem>>, %arg8: memref<128xi32, #tpu.memory_space<vmem>>, %arg9: memref<128xi32, #tpu.memory_space<vmem>>, %arg10: memref<128x128xf32, #tpu.memory_space<vmem>>, %arg11: memref<128x128xf32, #tpu.memory_space<vmem>>, %arg12: memref<10112x128xf32, #tpu.memory_space<vmem_shared>>, %arg13: memref<!tpu.dma_semaphore, #tpu.memory_space<semaphore_mem>>, %arg14: memref<!tpu.dma_semaphore, #tpu.memory_space<semaphore_mem>>) attributes {dimension_semantics = [#tpu.dimension_semantics<core_parallel>, #tpu.dimension_semantics<subcore_parallel>], iteration_bounds = array<i64: 2, 16>, scalar_prefetch = 0 : i64, scratch_operands = 10 : i64, tpu.core_type = #tpu.core_type<sc_vector_subcore>, window_params = [{transform_indices = #map}, {transform_indices = #map1}, {transform_indices = #map2}]} {
    %eq3A = arith.constant 0 : i32
    %eq3A_0 = arith.cmpi eq, %arg0, %eq3A : i32
    %jit3A = arith.constant 120 : i32
    %jit3A_1 = arith.constant 40 : i32
    %select_n3A = arith.select %eq3A_0, %jit3A, %jit3A_1 : i32
    %sub3A = arith.constant 1 : i32
    %sub3A_2 = arith.subi %select_n3A, %sub3A : i32
    "tpu.region"() ({
      %run_scoped3A = tpu.sem_alloc : memref<!tpu.dma_semaphore, #tpu.memory_space<semaphore_mem>>
      %dma_start3A_672 = arith.constant 0 : i32
      %dma_start3A_673 = arith.constant 0 : i32
      %dma_start3A_674 = arith.constant 0 : i32
      %dma_start3A_675 = tpu.memref_slice %arg3[%arg0, %dma_start3A_672, %dma_start3A_673, %dma_start3A_674] : memref<2x16x120x128xi32, #tpu.memory_space<hbm>> -> memref<1x16x120x128xi32, #tpu.memory_space<hbm>>
      %dma_start3A_676 = tpu.memref_squeeze %dma_start3A_675 : memref<1x16x120x128xi32, #tpu.memory_space<hbm>> -> memref<16x120x128xi32, #tpu.memory_space<hbm>>
      %dma_start3A_677 = arith.constant 0 : i32
      %dma_start3A_678 = arith.constant 0 : i32
      %dma_start3A_679 = tpu.memref_slice %dma_start3A_676[%arg1, %dma_start3A_677, %dma_start3A_678] : memref<16x120x128xi32, #tpu.memory_space<hbm>> -> memref<1x120x128xi32, #tpu.memory_space<hbm>>
      %dma_start3A_680 = tpu.memref_squeeze %dma_start3A_679 : memref<1x120x128xi32, #tpu.memory_space<hbm>> -> memref<120x128xi32, #tpu.memory_space<hbm>>
      %dma_start3A_681 = arith.constant 0 : i32
      %dma_start3A_682 = arith.constant 0 : i32
      %dma_start3A_683 = arith.constant 0 : i32
      %dma_start3A_684 = tpu.memref_slice %arg3[%arg0, %dma_start3A_681, %dma_start3A_682, %dma_start3A_683] : memref<2x16x120x128xi32, #tpu.memory_space<hbm>> -> memref<1x16x120x128xi32, #tpu.memory_space<hbm>>
      %dma_start3A_685 = tpu.memref_squeeze %dma_start3A_684 : memref<1x16x120x128xi32, #tpu.memory_space<hbm>> -> memref<16x120x128xi32, #tpu.memory_space<hbm>>
      %dma_start3A_686 = arith.constant 0 : i32
      %dma_start3A_687 = arith.constant 0 : i32
      %dma_start3A_688 = tpu.memref_slice %dma_start3A_685[%arg1, %dma_start3A_686, %dma_start3A_687] : memref<16x120x128xi32, #tpu.memory_space<hbm>> -> memref<1x120x128xi32, #tpu.memory_space<hbm>>
      %dma_start3A_689 = tpu.memref_squeeze %dma_start3A_688 : memref<1x120x128xi32, #tpu.memory_space<hbm>> -> memref<120x128xi32, #tpu.memory_space<hbm>>
      tpu.enqueue_dma source(%dma_start3A_689 : memref<120x128xi32, #tpu.memory_space<hbm>>) target(%arg5 : memref<120x128xi32, #tpu.memory_space<vmem>>) target_semaphore(%run_scoped3A : memref<!tpu.dma_semaphore, #tpu.memory_space<semaphore_mem>>)
      %dma_wait3A_690 = arith.constant 0 : i32
      %dma_wait3A_691 = arith.constant 0 : i32
      %dma_wait3A_692 = arith.constant 0 : i32
      %dma_wait3A_693 = tpu.memref_slice %arg3[%arg0, %dma_wait3A_690, %dma_wait3A_691, %dma_wait3A_692] : memref<2x16x120x128xi32, #tpu.memory_space<hbm>> -> memref<1x16x120x128xi32, #tpu.memory_space<hbm>>
      %dma_wait3A_694 = tpu.memref_squeeze %dma_wait3A_693 : memref<1x16x120x128xi32, #tpu.memory_space<hbm>> -> memref<16x120x128xi32, #tpu.memory_space<hbm>>
      %dma_wait3A_695 = arith.constant 0 : i32
      %dma_wait3A_696 = arith.constant 0 : i32
      %dma_wait3A_697 = tpu.memref_slice %dma_wait3A_694[%arg1, %dma_wait3A_695, %dma_wait3A_696] : memref<16x120x128xi32, #tpu.memory_space<hbm>> -> memref<1x120x128xi32, #tpu.memory_space<hbm>>
      %dma_wait3A_698 = tpu.memref_squeeze %dma_wait3A_697 : memref<1x120x128xi32, #tpu.memory_space<hbm>> -> memref<120x128xi32, #tpu.memory_space<hbm>>
      %dma_wait3A_699 = arith.constant 0 : i32
      %dma_wait3A_700 = arith.constant 0 : i32
      %dma_wait3A_701 = arith.constant 0 : i32
      %dma_wait3A_702 = tpu.memref_slice %arg3[%arg0, %dma_wait3A_699, %dma_wait3A_700, %dma_wait3A_701] : memref<2x16x120x128xi32, #tpu.memory_space<hbm>> -> memref<1x16x120x128xi32, #tpu.memory_space<hbm>>
      %dma_wait3A_703 = tpu.memref_squeeze %dma_wait3A_702 : memref<1x16x120x128xi32, #tpu.memory_space<hbm>> -> memref<16x120x128xi32, #tpu.memory_space<hbm>>
      %dma_wait3A_704 = arith.constant 0 : i32
      %dma_wait3A_705 = arith.constant 0 : i32
      %dma_wait3A_706 = tpu.memref_slice %dma_wait3A_703[%arg1, %dma_wait3A_704, %dma_wait3A_705] : memref<16x120x128xi32, #tpu.memory_space<hbm>> -> memref<1x120x128xi32, #tpu.memory_space<hbm>>
      %dma_wait3A_707 = tpu.memref_squeeze %dma_wait3A_706 : memref<1x120x128xi32, #tpu.memory_space<hbm>> -> memref<120x128xi32, #tpu.memory_space<hbm>>
      tpu.wait_dma2 semaphore(%run_scoped3A : memref<!tpu.dma_semaphore, #tpu.memory_space<semaphore_mem>>) src(%dma_wait3A_707 : memref<120x128xi32, #tpu.memory_space<hbm>>) dst(%arg5 : memref<120x128xi32, #tpu.memory_space<vmem>>)
      tpu.yield
    }) : () -> ()
    %broadcast_in_dim3A = arith.constant 0.000000e+00 : f32
    %broadcast_in_dim3A_3 = vector.broadcast %broadcast_in_dim3A : f32 to vector<16xf32>
    %scan3A = arith.constant 0 : i32
    %scan3A_4 = arith.constant 0 : i32
    %scan3A_5 = arith.constant 128 : i32
    %scan3A_6 = arith.addi %scan3A_4, %scan3A_5 : i32
    %scan3A_7 = arith.constant 1 : i32
    scf.for %scan3A_672 = %scan3A_4 to %scan3A_6 step %scan3A_7  : i32 {
      %swap3A_673 = arith.index_cast %scan3A_672 : i32 to index
      %swap3A_674 = arith.constant 0 : index
      %swap3A_675 = tpu.vector_load %arg10[%swap3A_673, %swap3A_674] {strides = array<i32>} : memref<128x128xf32, #tpu.memory_space<vmem>>, vector<1x16xf32>,
      %swap3A_676 = vector.shape_cast %swap3A_675 : vector<1x16xf32> to vector<16xf32>
      %swap3A_677 = vector.shape_cast %broadcast_in_dim3A_3 : vector<16xf32> to vector<1x16xf32>
      tpu.vector_store %arg10[%swap3A_673, %swap3A_674], %swap3A_677 {strides = array<i32>} : memref<128x128xf32, #tpu.memory_space<vmem>>, vector<1x16xf32>,
      %swap3A_678 = arith.index_cast %scan3A_672 : i32 to index
      %swap3A_679 = arith.constant 16 : index
      %swap3A_680 = tpu.vector_load %arg10[%swap3A_678, %swap3A_679] {strides = array<i32>} : memref<128x128xf32, #tpu.memory_space<vmem>>, vector<1x16xf32>,
      %swap3A_681 = vector.shape_cast %swap3A_680 : vector<1x16xf32> to vector<16xf32>
      %swap3A_682 = vector.shape_cast %broadcast_in_dim3A_3 : vector<16xf32> to vector<1x16xf32>
      tpu.vector_store %arg10[%swap3A_678, %swap3A_679], %swap3A_682 {strides = array<i32>} : memref<128x128xf32, #tpu.memory_space<vmem>>, vector<1x16xf32>,
      %swap3A_683 = arith.index_cast %scan3A_672 : i32 to index
      %swap3A_684 = arith.constant 32 : index
      %swap3A_685 = tpu.vector_load %arg10[%swap3A_683, %swap3A_684] {strides = array<i32>} : memref<128x128xf32, #tpu.memory_space<vmem>>, vector<1x16xf32>,
      %swap3A_686 = vector.shape_cast %swap3A_685 : vector<1x16xf32> to vector<16xf32>
      %swap3A_687 = vector.shape_cast %broadcast_in_dim3A_3 : vector<16xf32> to vector<1x16xf32>
      tpu.vector_store %arg10[%swap3A_683, %swap3A_684], %swap3A_687 {strides = array<i32>} : memref<128x128xf32, #tpu.memory_space<vmem>>, vector<1x16xf32>,
      %swap3A_688 = arith.index_cast %scan3A_672 : i32 to index
      %swap3A_689 = arith.constant 48 : index
      %swap3A_690 = tpu.vector_load %arg10[%swap3A_688, %swap3A_689] {strides = array<i32>} : memref<128x128xf32, #tpu.memory_space<vmem>>, vector<1x16xf32>,
      %swap3A_691 = vector.shape_cast %swap3A_690 : vector<1x16xf32> to vector<16xf32>
      %swap3A_692 = vector.shape_cast %broadcast_in_dim3A_3 : vector<16xf32> to vector<1x16xf32>
      tpu.vector_store %arg10[%swap3A_688, %swap3A_689], %swap3A_692 {strides = array<i32>} : memref<128x128xf32, #tpu.memory_space<vmem>>, vector<1x16xf32>,
      %swap3A_693 = arith.index_cast %scan3A_672 : i32 to index
      %swap3A_694 = arith.constant 64 : index
      %swap3A_695 = tpu.vector_load %arg10[%swap3A_693, %swap3A_694] {strides = array<i32>} : memref<128x128xf32, #tpu.memory_space<vmem>>, vector<1x16xf32>,
      %swap3A_696 = vector.shape_cast %swap3A_695 : vector<1x16xf32> to vector<16xf32>
      %swap3A_697 = vector.shape_cast %broadcast_in_dim3A_3 : vector<16xf32> to vector<1x16xf32>
      tpu.vector_store %arg10[%swap3A_693, %swap3A_694], %swap3A_697 {strides = array<i32>} : memref<128x128xf32, #tpu.memory_space<vmem>>, vector<1x16xf32>,
      %swap3A_698 = arith.index_cast %scan3A_672 : i32 to index
      %swap3A_699 = arith.constant 80 : index
      %swap3A_700 = tpu.vector_load %arg10[%swap3A_698, %swap3A_699] {strides = array<i32>} : memref<128x128xf32, #tpu.memory_space<vmem>>, vector<1x16xf32>,
      %swap3A_701 = vector.shape_cast %swap3A_700 : vector<1x16xf32> to vector<16xf32>
      %swap3A_702 = vector.shape_cast %broadcast_in_dim3A_3 : vector<16xf32> to vector<1x16xf32>
      tpu.vector_store %arg10[%swap3A_698, %swap3A_699], %swap3A_702 {strides = array<i32>} : memref<128x128xf32, #tpu.memory_space<vmem>>, vector<1x16xf32>,
      %swap3A_703 = arith.index_cast %scan3A_672 : i32 to index
      %swap3A_704 = arith.constant 96 : index
      %swap3A_705 = tpu.vector_load %arg10[%swap3A_703, %swap3A_704] {strides = array<i32>} : memref<128x128xf32, #tpu.memory_space<vmem>>, vector<1x16xf32>,
      %swap3A_706 = vector.shape_cast %swap3A_705 : vector<1x16xf32> to vector<16xf32>
      %swap3A_707 = vector.shape_cast %broadcast_in_dim3A_3 : vector<16xf32> to vector<1x16xf32>
      tpu.vector_store %arg10[%swap3A_703, %swap3A_704], %swap3A_707 {strides = array<i32>} : memref<128x128xf32, #tpu.memory_space<vmem>>, vector<1x16xf32>,
      %swap3A_708 = arith.index_cast %scan3A_672 : i32 to index
      %swap3A_709 = arith.constant 112 : index
      %swap3A_710 = tpu.vector_load %arg10[%swap3A_708, %swap3A_709] {strides = array<i32>} : memref<128x128xf32, #tpu.memory_space<vmem>>, vector<1x16xf32>,
      %swap3A_711 = vector.shape_cast %swap3A_710 : vector<1x16xf32> to vector<16xf32>
      %swap3A_712 = vector.shape_cast %broadcast_in_dim3A_3 : vector<16xf32> to vector<1x16xf32>
      tpu.vector_store %arg10[%swap3A_708, %swap3A_709], %swap3A_712 {strides = array<i32>} : memref<128x128xf32, #tpu.memory_space<vmem>>, vector<1x16xf32>,
    }
    %scan3A_8 = arith.constant 128 : i32
    %mul3A = arith.constant 632 : i32
    %mul3A_9 = arith.muli %arg1, %mul3A : i32
    %add3A = arith.constant 0 : i32
    %add3A_10 = arith.addi %mul3A_9, %add3A : i32
    %dma_start3A = arith.constant 0 : i32
    %dma_start3A_11 = arith.constant 0 : i32
    %dma_start3A_12 = tpu.memref_slice %arg10[%dma_start3A, %dma_start3A_11] : memref<128x128xf32, #tpu.memory_space<vmem>> -> memref<128x128xf32, #tpu.memory_space<vmem>>
    %dma_start3A_13 = arith.constant 0 : i32
    %dma_start3A_14 = tpu.memref_slice %arg12[%add3A_10, %dma_start3A_13] : memref<10112x128xf32, #tpu.memory_space<vmem_shared>> -> memref<128x128xf32, #tpu.memory_space<vmem_shared>>
    %dma_start3A_15 = arith.constant 0 : i32
    %dma_start3A_16 = tpu.memref_slice %arg12[%add3A_10, %dma_start3A_15] : memref<10112x128xf32, #tpu.memory_space<vmem_shared>> -> memref<128x128xf32, #tpu.memory_space<vmem_shared>>
    %dma_start3A_17 = arith.constant 0 : i32
    %dma_start3A_18 = arith.constant 0 : i32
    %dma_start3A_19 = tpu.memref_slice %arg10[%dma_start3A_17, %dma_start3A_18] : memref<128x128xf32, #tpu.memory_space<vmem>> -> memref<128x128xf32, #tpu.memory_space<vmem>>
    tpu.enqueue_dma source(%dma_start3A_19 : memref<128x128xf32, #tpu.memory_space<vmem>>) target(%dma_start3A_16 : memref<128x128xf32, #tpu.memory_space<vmem_shared>>) target_semaphore(%arg13 : memref<!tpu.dma_semaphore, #tpu.memory_space<semaphore_mem>>)
    %add3A_20 = arith.constant 128 : i32
    %add3A_21 = arith.addi %mul3A_9, %add3A_20 : i32
    %dma_start3A_22 = arith.constant 0 : i32
    %dma_start3A_23 = arith.constant 0 : i32
    %dma_start3A_24 = tpu.memref_slice %arg10[%dma_start3A_22, %dma_start3A_23] : memref<128x128xf32, #tpu.memory_space<vmem>> -> memref<128x128xf32, #tpu.memory_space<vmem>>
    %dma_start3A_25 = arith.constant 0 : i32
    %dma_start3A_26 = tpu.memref_slice %arg12[%add3A_21, %dma_start3A_25] : memref<10112x128xf32, #tpu.memory_space<vmem_shared>> -> memref<128x128xf32, #tpu.memory_space<vmem_shared>>
    %dma_start3A_27 = arith.constant 0 : i32
    %dma_start3A_28 = tpu.memref_slice %arg12[%add3A_21, %dma_start3A_27] : memref<10112x128xf32, #tpu.memory_space<vmem_shared>> -> memref<128x128xf32, #tpu.memory_space<vmem_shared>>
    %dma_start3A_29 = arith.constant 0 : i32
    %dma_start3A_30 = arith.constant 0 : i32
    %dma_start3A_31 = tpu.memref_slice %arg10[%dma_start3A_29, %dma_start3A_30] : memref<128x128xf32, #tpu.memory_space<vmem>> -> memref<128x128xf32, #tpu.memory_space<vmem>>
    tpu.enqueue_dma source(%dma_start3A_31 : memref<128x128xf32, #tpu.memory_space<vmem>>) target(%dma_start3A_28 : memref<128x128xf32, #tpu.memory_space<vmem_shared>>) target_semaphore(%arg13 : memref<!tpu.dma_semaphore, #tpu.memory_space<semaphore_mem>>)
    %add3A_32 = arith.constant 256 : i32
    %add3A_33 = arith.addi %mul3A_9, %add3A_32 : i32
    %dma_start3A_34 = arith.constant 0 : i32
    %dma_start3A_35 = arith.constant 0 : i32
    %dma_start3A_36 = tpu.memref_slice %arg10[%dma_start3A_34, %dma_start3A_35] : memref<128x128xf32, #tpu.memory_space<vmem>> -> memref<128x128xf32, #tpu.memory_space<vmem>>
    %dma_start3A_37 = arith.constant 0 : i32
    %dma_start3A_38 = tpu.memref_slice %arg12[%add3A_33, %dma_start3A_37] : memref<10112x128xf32, #tpu.memory_space<vmem_shared>> -> memref<128x128xf32, #tpu.memory_space<vmem_shared>>
    %dma_start3A_39 = arith.constant 0 : i32
    %dma_start3A_40 = tpu.memref_slice %arg12[%add3A_33, %dma_start3A_39] : memref<10112x128xf32, #tpu.memory_space<vmem_shared>> -> memref<128x128xf32, #tpu.memory_space<vmem_shared>>
    %dma_start3A_41 = arith.constant 0 : i32
    %dma_start3A_42 = arith.constant 0 : i32
    %dma_start3A_43 = tpu.memref_slice %arg10[%dma_start3A_41, %dma_start3A_42] : memref<128x128xf32, #tpu.memory_space<vmem>> -> memref<128x128xf32, #tpu.memory_space<vmem>>
    tpu.enqueue_dma source(%dma_start3A_43 : memref<128x128xf32, #tpu.memory_space<vmem>>) target(%dma_start3A_40 : memref<128x128xf32, #tpu.memory_space<vmem_shared>>) target_semaphore(%arg13 : memref<!tpu.dma_semaphore, #tpu.memory_space<semaphore_mem>>)
    %add3A_44 = arith.constant 384 : i32
    %add3A_45 = arith.addi %mul3A_9, %add3A_44 : i32
    %dma_start3A_46 = arith.constant 0 : i32
    %dma_start3A_47 = arith.constant 0 : i32
    %dma_start3A_48 = tpu.memref_slice %arg10[%dma_start3A_46, %dma_start3A_47] : memref<128x128xf32, #tpu.memory_space<vmem>> -> memref<128x128xf32, #tpu.memory_space<vmem>>
    %dma_start3A_49 = arith.constant 0 : i32
    %dma_start3A_50 = tpu.memref_slice %arg12[%add3A_45, %dma_start3A_49] : memref<10112x128xf32, #tpu.memory_space<vmem_shared>> -> memref<128x128xf32, #tpu.memory_space<vmem_shared>>
    %dma_start3A_51 = arith.constant 0 : i32
    %dma_start3A_52 = tpu.memref_slice %arg12[%add3A_45, %dma_start3A_51] : memref<10112x128xf32, #tpu.memory_space<vmem_shared>> -> memref<128x128xf32, #tpu.memory_space<vmem_shared>>
    %dma_start3A_53 = arith.constant 0 : i32
    %dma_start3A_54 = arith.constant 0 : i32
    %dma_start3A_55 = tpu.memref_slice %arg10[%dma_start3A_53, %dma_start3A_54] : memref<128x128xf32, #tpu.memory_space<vmem>> -> memref<128x128xf32, #tpu.memory_space<vmem>>
    tpu.enqueue_dma source(%dma_start3A_55 : memref<128x128xf32, #tpu.memory_space<vmem>>) target(%dma_start3A_52 : memref<128x128xf32, #tpu.memory_space<vmem_shared>>) target_semaphore(%arg13 : memref<!tpu.dma_semaphore, #tpu.memory_space<semaphore_mem>>)
    %add3A_56 = arith.constant 512 : i32
    %add3A_57 = arith.addi %mul3A_9, %add3A_56 : i32
    %dma_start3A_58 = arith.constant 0 : i32
    %dma_start3A_59 = arith.constant 0 : i32
    %dma_start3A_60 = tpu.memref_slice %arg10[%dma_start3A_58, %dma_start3A_59] : memref<128x128xf32, #tpu.memory_space<vmem>> -> memref<120x128xf32, #tpu.memory_space<vmem>>
    %dma_start3A_61 = arith.constant 0 : i32
    %dma_start3A_62 = tpu.memref_slice %arg12[%add3A_57, %dma_start3A_61] : memref<10112x128xf32, #tpu.memory_space<vmem_shared>> -> memref<120x128xf32, #tpu.memory_space<vmem_shared>>
    %dma_start3A_63 = arith.constant 0 : i32
    %dma_start3A_64 = tpu.memref_slice %arg12[%add3A_57, %dma_start3A_63] : memref<10112x128xf32, #tpu.memory_space<vmem_shared>> -> memref<120x128xf32, #tpu.memory_space<vmem_shared>>
    %dma_start3A_65 = arith.constant 0 : i32
    %dma_start3A_66 = arith.constant 0 : i32
    %dma_start3A_67 = tpu.memref_slice %arg10[%dma_start3A_65, %dma_start3A_66] : memref<128x128xf32, #tpu.memory_space<vmem>> -> memref<120x128xf32, #tpu.memory_space<vmem>>
    tpu.enqueue_dma source(%dma_start3A_67 : memref<120x128xf32, #tpu.memory_space<vmem>>) target(%dma_start3A_64 : memref<120x128xf32, #tpu.memory_space<vmem_shared>>) target_semaphore(%arg13 : memref<!tpu.dma_semaphore, #tpu.memory_space<semaphore_mem>>)
    %add3A_68 = arith.constant 0 : i32
    %add3A_69 = arith.addi %mul3A_9, %add3A_68 : i32
    %dma_wait3A = arith.constant 0 : i32
    %dma_wait3A_70 = arith.constant 0 : i32
    %dma_wait3A_71 = tpu.memref_slice %arg10[%dma_wait3A, %dma_wait3A_70] : memref<128x128xf32, #tpu.memory_space<vmem>> -> memref<128x128xf32, #tpu.memory_space<vmem>>
    %dma_wait3A_72 = arith.constant 0 : i32
    %dma_wait3A_73 = tpu.memref_slice %arg12[%add3A_69, %dma_wait3A_72] : memref<10112x128xf32, #tpu.memory_space<vmem_shared>> -> memref<128x128xf32, #tpu.memory_space<vmem_shared>>
    %dma_wait3A_74 = arith.constant 0 : i32
    %dma_wait3A_75 = tpu.memref_slice %arg12[%add3A_69, %dma_wait3A_74] : memref<10112x128xf32, #tpu.memory_space<vmem_shared>> -> memref<128x128xf32, #tpu.memory_space<vmem_shared>>
    %dma_wait3A_76 = arith.constant 0 : i32
    %dma_wait3A_77 = arith.constant 0 : i32
    %dma_wait3A_78 = tpu.memref_slice %arg10[%dma_wait3A_76, %dma_wait3A_77] : memref<128x128xf32, #tpu.memory_space<vmem>> -> memref<128x128xf32, #tpu.memory_space<vmem>>
    tpu.wait_dma2 semaphore(%arg13 : memref<!tpu.dma_semaphore, #tpu.memory_space<semaphore_mem>>) src(%dma_wait3A_78 : memref<128x128xf32, #tpu.memory_space<vmem>>) dst(%dma_wait3A_75 : memref<128x128xf32, #tpu.memory_space<vmem_shared>>)
    %add3A_79 = arith.constant 128 : i32
    %add3A_80 = arith.addi %mul3A_9, %add3A_79 : i32
    %dma_wait3A_81 = arith.constant 0 : i32
    %dma_wait3A_82 = arith.constant 0 : i32
    %dma_wait3A_83 = tpu.memref_slice %arg10[%dma_wait3A_81, %dma_wait3A_82] : memref<128x128xf32, #tpu.memory_space<vmem>> -> memref<128x128xf32, #tpu.memory_space<vmem>>
    %dma_wait3A_84 = arith.constant 0 : i32
    %dma_wait3A_85 = tpu.memref_slice %arg12[%add3A_80, %dma_wait3A_84] : memref<10112x128xf32, #tpu.memory_space<vmem_shared>> -> memref<128x128xf32, #tpu.memory_space<vmem_shared>>
    %dma_wait3A_86 = arith.constant 0 : i32
    %dma_wait3A_87 = tpu.memref_slice %arg12[%add3A_80, %dma_wait3A_86] : memref<10112x128xf32, #tpu.memory_space<vmem_shared>> -> memref<128x128xf32, #tpu.memory_space<vmem_shared>>
    %dma_wait3A_88 = arith.constant 0 : i32
    %dma_wait3A_89 = arith.constant 0 : i32
    %dma_wait3A_90 = tpu.memref_slice %arg10[%dma_wait3A_88, %dma_wait3A_89] : memref<128x128xf32, #tpu.memory_space<vmem>> -> memref<128x128xf32, #tpu.memory_space<vmem>>
    tpu.wait_dma2 semaphore(%arg13 : memref<!tpu.dma_semaphore, #tpu.memory_space<semaphore_mem>>) src(%dma_wait3A_90 : memref<128x128xf32, #tpu.memory_space<vmem>>) dst(%dma_wait3A_87 : memref<128x128xf32, #tpu.memory_space<vmem_shared>>)
    %add3A_91 = arith.constant 256 : i32
    %add3A_92 = arith.addi %mul3A_9, %add3A_91 : i32
    %dma_wait3A_93 = arith.constant 0 : i32
    %dma_wait3A_94 = arith.constant 0 : i32
    %dma_wait3A_95 = tpu.memref_slice %arg10[%dma_wait3A_93, %dma_wait3A_94] : memref<128x128xf32, #tpu.memory_space<vmem>> -> memref<128x128xf32, #tpu.memory_space<vmem>>
    %dma_wait3A_96 = arith.constant 0 : i32
    %dma_wait3A_97 = tpu.memref_slice %arg12[%add3A_92, %dma_wait3A_96] : memref<10112x128xf32, #tpu.memory_space<vmem_shared>> -> memref<128x128xf32, #tpu.memory_space<vmem_shared>>
    %dma_wait3A_98 = arith.constant 0 : i32
    %dma_wait3A_99 = tpu.memref_slice %arg12[%add3A_92, %dma_wait3A_98] : memref<10112x128xf32, #tpu.memory_space<vmem_shared>> -> memref<128x128xf32, #tpu.memory_space<vmem_shared>>
    %dma_wait3A_100 = arith.constant 0 : i32
    %dma_wait3A_101 = arith.constant 0 : i32
    %dma_wait3A_102 = tpu.memref_slice %arg10[%dma_wait3A_100, %dma_wait3A_101] : memref<128x128xf32, #tpu.memory_space<vmem>> -> memref<128x128xf32, #tpu.memory_space<vmem>>
    tpu.wait_dma2 semaphore(%arg13 : memref<!tpu.dma_semaphore, #tpu.memory_space<semaphore_mem>>) src(%dma_wait3A_102 : memref<128x128xf32, #tpu.memory_space<vmem>>) dst(%dma_wait3A_99 : memref<128x128xf32, #tpu.memory_space<vmem_shared>>)
    %add3A_103 = arith.constant 384 : i32
    %add3A_104 = arith.addi %mul3A_9, %add3A_103 : i32
    %dma_wait3A_105 = arith.constant 0 : i32
    %dma_wait3A_106 = arith.constant 0 : i32
    %dma_wait3A_107 = tpu.memref_slice %arg10[%dma_wait3A_105, %dma_wait3A_106] : memref<128x128xf32, #tpu.memory_space<vmem>> -> memref<128x128xf32, #tpu.memory_space<vmem>>
    %dma_wait3A_108 = arith.constant 0 : i32
    %dma_wait3A_109 = tpu.memref_slice %arg12[%add3A_104, %dma_wait3A_108] : memref<10112x128xf32, #tpu.memory_space<vmem_shared>> -> memref<128x128xf32, #tpu.memory_space<vmem_shared>>
    %dma_wait3A_110 = arith.constant 0 : i32
    %dma_wait3A_111 = tpu.memref_slice %arg12[%add3A_104, %dma_wait3A_110] : memref<10112x128xf32, #tpu.memory_space<vmem_shared>> -> memref<128x128xf32, #tpu.memory_space<vmem_shared>>
    %dma_wait3A_112 = arith.constant 0 : i32
    %dma_wait3A_113 = arith.constant 0 : i32
    %dma_wait3A_114 = tpu.memref_slice %arg10[%dma_wait3A_112, %dma_wait3A_113] : memref<128x128xf32, #tpu.memory_space<vmem>> -> memref<128x128xf32, #tpu.memory_space<vmem>>
    tpu.wait_dma2 semaphore(%arg13 : memref<!tpu.dma_semaphore, #tpu.memory_space<semaphore_mem>>) src(%dma_wait3A_114 : memref<128x128xf32, #tpu.memory_space<vmem>>) dst(%dma_wait3A_111 : memref<128x128xf32, #tpu.memory_space<vmem_shared>>)
    %add3A_115 = arith.constant 512 : i32
    %add3A_116 = arith.addi %mul3A_9, %add3A_115 : i32
    %dma_wait3A_117 = arith.constant 0 : i32
    %dma_wait3A_118 = arith.constant 0 : i32
    %dma_wait3A_119 = tpu.memref_slice %arg10[%dma_wait3A_117, %dma_wait3A_118] : memref<128x128xf32, #tpu.memory_space<vmem>> -> memref<120x128xf32, #tpu.memory_space<vmem>>
    %dma_wait3A_120 = arith.constant 0 : i32
    %dma_wait3A_121 = tpu.memref_slice %arg12[%add3A_116, %dma_wait3A_120] : memref<10112x128xf32, #tpu.memory_space<vmem_shared>> -> memref<120x128xf32, #tpu.memory_space<vmem_shared>>
    %dma_wait3A_122 = arith.constant 0 : i32
    %dma_wait3A_123 = tpu.memref_slice %arg12[%add3A_116, %dma_wait3A_122] : memref<10112x128xf32, #tpu.memory_space<vmem_shared>> -> memref<120x128xf32, #tpu.memory_space<vmem_shared>>
    %dma_wait3A_124 = arith.constant 0 : i32
    %dma_wait3A_125 = arith.constant 0 : i32
    %dma_wait3A_126 = tpu.memref_slice %arg10[%dma_wait3A_124, %dma_wait3A_125] : memref<128x128xf32, #tpu.memory_space<vmem>> -> memref<120x128xf32, #tpu.memory_space<vmem>>
    tpu.wait_dma2 semaphore(%arg13 : memref<!tpu.dma_semaphore, #tpu.memory_space<semaphore_mem>>) src(%dma_wait3A_126 : memref<120x128xf32, #tpu.memory_space<vmem>>) dst(%dma_wait3A_123 : memref<120x128xf32, #tpu.memory_space<vmem_shared>>)
    %barrier3A = arith.constant 0 : index
    tpu.barrier barrier_id(%barrier3A)
    %get3A = arith.constant 0 : i32
    %get3A_127 = arith.index_cast %get3A : i32 to index
    %get3A_128 = arith.constant 0 : index
    %get3A_129 = tpu.vector_load %arg5[%get3A_127, %get3A_128] {strides = array<i32>} : memref<120x128xi32, #tpu.memory_space<vmem>>, vector<1x16xi32>,
    %get3A_130 = vector.shape_cast %get3A_129 : vector<1x16xi32> to vector<16xi32>
    %and3A = arith.constant 65535 : i32
    %and3A_131 = vector.broadcast %and3A : i32 to vector<16xi32>
    %and3A_132 = arith.andi %get3A_130, %and3A_131 : vector<16xi32>
    %swap3A = arith.constant 0 : index
    %swap3A_133 = tpu.vector_load %arg6[%swap3A] {strides = array<i32>} : memref<128xi32, #tpu.memory_space<vmem>>, vector<16xi32>,
    %swap3A_134 = vector.shape_cast %swap3A_133 : vector<16xi32> to vector<16xi32>
    %swap3A_135 = vector.shape_cast %and3A_132 : vector<16xi32> to vector<16xi32>
    tpu.vector_store %arg6[%swap3A], %swap3A_135 {strides = array<i32>} : memref<128xi32, #tpu.memory_space<vmem>>, vector<16xi32>,
    %shift_right_logical3A = arith.constant 16 : i32
    %shift_right_logical3A_136 = vector.broadcast %shift_right_logical3A : i32 to vector<16xi32>
    %shift_right_logical3A_137 = arith.shrui %get3A_130, %shift_right_logical3A_136 : vector<16xi32>
    %swap3A_138 = arith.constant 0 : index
    %swap3A_139 = tpu.vector_load %arg8[%swap3A_138] {strides = array<i32>} : memref<128xi32, #tpu.memory_space<vmem>>, vector<16xi32>,
    %swap3A_140 = vector.shape_cast %swap3A_139 : vector<16xi32> to vector<16xi32>
    %swap3A_141 = vector.shape_cast %shift_right_logical3A_137 : vector<16xi32> to vector<16xi32>
    tpu.vector_store %arg8[%swap3A_138], %swap3A_141 {strides = array<i32>} : memref<128xi32, #tpu.memory_space<vmem>>, vector<16xi32>,
    %get3A_142 = arith.constant 0 : i32
    %get3A_143 = arith.index_cast %get3A_142 : i32 to index
    %get3A_144 = arith.constant 16 : index
    %get3A_145 = tpu.vector_load %arg5[%get3A_143, %get3A_144] {strides = array<i32>} : memref<120x128xi32, #tpu.memory_space<vmem>>, vector<1x16xi32>,
    %get3A_146 = vector.shape_cast %get3A_145 : vector<1x16xi32> to vector<16xi32>
    %and3A_147 = arith.constant 65535 : i32
    %and3A_148 = vector.broadcast %and3A_147 : i32 to vector<16xi32>
    %and3A_149 = arith.andi %get3A_146, %and3A_148 : vector<16xi32>
    %swap3A_150 = arith.constant 16 : index
    %swap3A_151 = tpu.vector_load %arg6[%swap3A_150] {strides = array<i32>} : memref<128xi32, #tpu.memory_space<vmem>>, vector<16xi32>,
    %swap3A_152 = vector.shape_cast %swap3A_151 : vector<16xi32> to vector<16xi32>
    %swap3A_153 = vector.shape_cast %and3A_149 : vector<16xi32> to vector<16xi32>
    tpu.vector_store %arg6[%swap3A_150], %swap3A_153 {strides = array<i32>} : memref<128xi32, #tpu.memory_space<vmem>>, vector<16xi32>,
    %shift_right_logical3A_154 = arith.constant 16 : i32
    %shift_right_logical3A_155 = vector.broadcast %shift_right_logical3A_154 : i32 to vector<16xi32>
    %shift_right_logical3A_156 = arith.shrui %get3A_146, %shift_right_logical3A_155 : vector<16xi32>
    %swap3A_157 = arith.constant 16 : index
    %swap3A_158 = tpu.vector_load %arg8[%swap3A_157] {strides = array<i32>} : memref<128xi32, #tpu.memory_space<vmem>>, vector<16xi32>,
    %swap3A_159 = vector.shape_cast %swap3A_158 : vector<16xi32> to vector<16xi32>
    %swap3A_160 = vector.shape_cast %shift_right_logical3A_156 : vector<16xi32> to vector<16xi32>
    tpu.vector_store %arg8[%swap3A_157], %swap3A_160 {strides = array<i32>} : memref<128xi32, #tpu.memory_space<vmem>>, vector<16xi32>,
    %get3A_161 = arith.constant 0 : i32
    %get3A_162 = arith.index_cast %get3A_161 : i32 to index
    %get3A_163 = arith.constant 32 : index
    %get3A_164 = tpu.vector_load %arg5[%get3A_162, %get3A_163] {strides = array<i32>} : memref<120x128xi32, #tpu.memory_space<vmem>>, vector<1x16xi32>,
    %get3A_165 = vector.shape_cast %get3A_164 : vector<1x16xi32> to vector<16xi32>
    %and3A_166 = arith.constant 65535 : i32
    %and3A_167 = vector.broadcast %and3A_166 : i32 to vector<16xi32>
    %and3A_168 = arith.andi %get3A_165, %and3A_167 : vector<16xi32>
    %swap3A_169 = arith.constant 32 : index
    %swap3A_170 = tpu.vector_load %arg6[%swap3A_169] {strides = array<i32>} : memref<128xi32, #tpu.memory_space<vmem>>, vector<16xi32>,
    %swap3A_171 = vector.shape_cast %swap3A_170 : vector<16xi32> to vector<16xi32>
    %swap3A_172 = vector.shape_cast %and3A_168 : vector<16xi32> to vector<16xi32>
    tpu.vector_store %arg6[%swap3A_169], %swap3A_172 {strides = array<i32>} : memref<128xi32, #tpu.memory_space<vmem>>, vector<16xi32>,
    %shift_right_logical3A_173 = arith.constant 16 : i32
    %shift_right_logical3A_174 = vector.broadcast %shift_right_logical3A_173 : i32 to vector<16xi32>
    %shift_right_logical3A_175 = arith.shrui %get3A_165, %shift_right_logical3A_174 : vector<16xi32>
    %swap3A_176 = arith.constant 32 : index
    %swap3A_177 = tpu.vector_load %arg8[%swap3A_176] {strides = array<i32>} : memref<128xi32, #tpu.memory_space<vmem>>, vector<16xi32>,
    %swap3A_178 = vector.shape_cast %swap3A_177 : vector<16xi32> to vector<16xi32>
    %swap3A_179 = vector.shape_cast %shift_right_logical3A_175 : vector<16xi32> to vector<16xi32>
    tpu.vector_store %arg8[%swap3A_176], %swap3A_179 {strides = array<i32>} : memref<128xi32, #tpu.memory_space<vmem>>, vector<16xi32>,
    %get3A_180 = arith.constant 0 : i32
    %get3A_181 = arith.index_cast %get3A_180 : i32 to index
    %get3A_182 = arith.constant 48 : index
    %get3A_183 = tpu.vector_load %arg5[%get3A_181, %get3A_182] {strides = array<i32>} : memref<120x128xi32, #tpu.memory_space<vmem>>, vector<1x16xi32>,
    %get3A_184 = vector.shape_cast %get3A_183 : vector<1x16xi32> to vector<16xi32>
    %and3A_185 = arith.constant 65535 : i32
    %and3A_186 = vector.broadcast %and3A_185 : i32 to vector<16xi32>
    %and3A_187 = arith.andi %get3A_184, %and3A_186 : vector<16xi32>
    %swap3A_188 = arith.constant 48 : index
    %swap3A_189 = tpu.vector_load %arg6[%swap3A_188] {strides = array<i32>} : memref<128xi32, #tpu.memory_space<vmem>>, vector<16xi32>,
    %swap3A_190 = vector.shape_cast %swap3A_189 : vector<16xi32> to vector<16xi32>
    %swap3A_191 = vector.shape_cast %and3A_187 : vector<16xi32> to vector<16xi32>
    tpu.vector_store %arg6[%swap3A_188], %swap3A_191 {strides = array<i32>} : memref<128xi32, #tpu.memory_space<vmem>>, vector<16xi32>,
    %shift_right_logical3A_192 = arith.constant 16 : i32
    %shift_right_logical3A_193 = vector.broadcast %shift_right_logical3A_192 : i32 to vector<16xi32>
    %shift_right_logical3A_194 = arith.shrui %get3A_184, %shift_right_logical3A_193 : vector<16xi32>
    %swap3A_195 = arith.constant 48 : index
    %swap3A_196 = tpu.vector_load %arg8[%swap3A_195] {strides = array<i32>} : memref<128xi32, #tpu.memory_space<vmem>>, vector<16xi32>,
    %swap3A_197 = vector.shape_cast %swap3A_196 : vector<16xi32> to vector<16xi32>
    %swap3A_198 = vector.shape_cast %shift_right_logical3A_194 : vector<16xi32> to vector<16xi32>
    tpu.vector_store %arg8[%swap3A_195], %swap3A_198 {strides = array<i32>} : memref<128xi32, #tpu.memory_space<vmem>>, vector<16xi32>,
    %get3A_199 = arith.constant 0 : i32
    %get3A_200 = arith.index_cast %get3A_199 : i32 to index
    %get3A_201 = arith.constant 64 : index
    %get3A_202 = tpu.vector_load %arg5[%get3A_200, %get3A_201] {strides = array<i32>} : memref<120x128xi32, #tpu.memory_space<vmem>>, vector<1x16xi32>,
    %get3A_203 = vector.shape_cast %get3A_202 : vector<1x16xi32> to vector<16xi32>
    %and3A_204 = arith.constant 65535 : i32
    %and3A_205 = vector.broadcast %and3A_204 : i32 to vector<16xi32>
    %and3A_206 = arith.andi %get3A_203, %and3A_205 : vector<16xi32>
    %swap3A_207 = arith.constant 64 : index
    %swap3A_208 = tpu.vector_load %arg6[%swap3A_207] {strides = array<i32>} : memref<128xi32, #tpu.memory_space<vmem>>, vector<16xi32>,
    %swap3A_209 = vector.shape_cast %swap3A_208 : vector<16xi32> to vector<16xi32>
    %swap3A_210 = vector.shape_cast %and3A_206 : vector<16xi32> to vector<16xi32>
    tpu.vector_store %arg6[%swap3A_207], %swap3A_210 {strides = array<i32>} : memref<128xi32, #tpu.memory_space<vmem>>, vector<16xi32>,
    %shift_right_logical3A_211 = arith.constant 16 : i32
    %shift_right_logical3A_212 = vector.broadcast %shift_right_logical3A_211 : i32 to vector<16xi32>
    %shift_right_logical3A_213 = arith.shrui %get3A_203, %shift_right_logical3A_212 : vector<16xi32>
    %swap3A_214 = arith.constant 64 : index
    %swap3A_215 = tpu.vector_load %arg8[%swap3A_214] {strides = array<i32>} : memref<128xi32, #tpu.memory_space<vmem>>, vector<16xi32>,
    %swap3A_216 = vector.shape_cast %swap3A_215 : vector<16xi32> to vector<16xi32>
    %swap3A_217 = vector.shape_cast %shift_right_logical3A_213 : vector<16xi32> to vector<16xi32>
    tpu.vector_store %arg8[%swap3A_214], %swap3A_217 {strides = array<i32>} : memref<128xi32, #tpu.memory_space<vmem>>, vector<16xi32>,
    %get3A_218 = arith.constant 0 : i32
    %get3A_219 = arith.index_cast %get3A_218 : i32 to index
    %get3A_220 = arith.constant 80 : index
    %get3A_221 = tpu.vector_load %arg5[%get3A_219, %get3A_220] {strides = array<i32>} : memref<120x128xi32, #tpu.memory_space<vmem>>, vector<1x16xi32>,
    %get3A_222 = vector.shape_cast %get3A_221 : vector<1x16xi32> to vector<16xi32>
    %and3A_223 = arith.constant 65535 : i32
    %and3A_224 = vector.broadcast %and3A_223 : i32 to vector<16xi32>
    %and3A_225 = arith.andi %get3A_222, %and3A_224 : vector<16xi32>
    %swap3A_226 = arith.constant 80 : index
    %swap3A_227 = tpu.vector_load %arg6[%swap3A_226] {strides = array<i32>} : memref<128xi32, #tpu.memory_space<vmem>>, vector<16xi32>,
    %swap3A_228 = vector.shape_cast %swap3A_227 : vector<16xi32> to vector<16xi32>
    %swap3A_229 = vector.shape_cast %and3A_225 : vector<16xi32> to vector<16xi32>
    tpu.vector_store %arg6[%swap3A_226], %swap3A_229 {strides = array<i32>} : memref<128xi32, #tpu.memory_space<vmem>>, vector<16xi32>,
    %shift_right_logical3A_230 = arith.constant 16 : i32
    %shift_right_logical3A_231 = vector.broadcast %shift_right_logical3A_230 : i32 to vector<16xi32>
    %shift_right_logical3A_232 = arith.shrui %get3A_222, %shift_right_logical3A_231 : vector<16xi32>
    %swap3A_233 = arith.constant 80 : index
    %swap3A_234 = tpu.vector_load %arg8[%swap3A_233] {strides = array<i32>} : memref<128xi32, #tpu.memory_space<vmem>>, vector<16xi32>,
    %swap3A_235 = vector.shape_cast %swap3A_234 : vector<16xi32> to vector<16xi32>
    %swap3A_236 = vector.shape_cast %shift_right_logical3A_232 : vector<16xi32> to vector<16xi32>
    tpu.vector_store %arg8[%swap3A_233], %swap3A_236 {strides = array<i32>} : memref<128xi32, #tpu.memory_space<vmem>>, vector<16xi32>,
    %get3A_237 = arith.constant 0 : i32
    %get3A_238 = arith.index_cast %get3A_237 : i32 to index
    %get3A_239 = arith.constant 96 : index
    %get3A_240 = tpu.vector_load %arg5[%get3A_238, %get3A_239] {strides = array<i32>} : memref<120x128xi32, #tpu.memory_space<vmem>>, vector<1x16xi32>,
    %get3A_241 = vector.shape_cast %get3A_240 : vector<1x16xi32> to vector<16xi32>
    %and3A_242 = arith.constant 65535 : i32
    %and3A_243 = vector.broadcast %and3A_242 : i32 to vector<16xi32>
    %and3A_244 = arith.andi %get3A_241, %and3A_243 : vector<16xi32>
    %swap3A_245 = arith.constant 96 : index
    %swap3A_246 = tpu.vector_load %arg6[%swap3A_245] {strides = array<i32>} : memref<128xi32, #tpu.memory_space<vmem>>, vector<16xi32>,
    %swap3A_247 = vector.shape_cast %swap3A_246 : vector<16xi32> to vector<16xi32>
    %swap3A_248 = vector.shape_cast %and3A_244 : vector<16xi32> to vector<16xi32>
    tpu.vector_store %arg6[%swap3A_245], %swap3A_248 {strides = array<i32>} : memref<128xi32, #tpu.memory_space<vmem>>, vector<16xi32>,
    %shift_right_logical3A_249 = arith.constant 16 : i32
    %shift_right_logical3A_250 = vector.broadcast %shift_right_logical3A_249 : i32 to vector<16xi32>
    %shift_right_logical3A_251 = arith.shrui %get3A_241, %shift_right_logical3A_250 : vector<16xi32>
    %swap3A_252 = arith.constant 96 : index
    %swap3A_253 = tpu.vector_load %arg8[%swap3A_252] {strides = array<i32>} : memref<128xi32, #tpu.memory_space<vmem>>, vector<16xi32>,
    %swap3A_254 = vector.shape_cast %swap3A_253 : vector<16xi32> to vector<16xi32>
    %swap3A_255 = vector.shape_cast %shift_right_logical3A_251 : vector<16xi32> to vector<16xi32>
    tpu.vector_store %arg8[%swap3A_252], %swap3A_255 {strides = array<i32>} : memref<128xi32, #tpu.memory_space<vmem>>, vector<16xi32>,
    %get3A_256 = arith.constant 0 : i32
    %get3A_257 = arith.index_cast %get3A_256 : i32 to index
    %get3A_258 = arith.constant 112 : index
    %get3A_259 = tpu.vector_load %arg5[%get3A_257, %get3A_258] {strides = array<i32>} : memref<120x128xi32, #tpu.memory_space<vmem>>, vector<1x16xi32>,
    %get3A_260 = vector.shape_cast %get3A_259 : vector<1x16xi32> to vector<16xi32>
    %and3A_261 = arith.constant 65535 : i32
    %and3A_262 = vector.broadcast %and3A_261 : i32 to vector<16xi32>
    %and3A_263 = arith.andi %get3A_260, %and3A_262 : vector<16xi32>
    %swap3A_264 = arith.constant 112 : index
    %swap3A_265 = tpu.vector_load %arg6[%swap3A_264] {strides = array<i32>} : memref<128xi32, #tpu.memory_space<vmem>>, vector<16xi32>,
    %swap3A_266 = vector.shape_cast %swap3A_265 : vector<16xi32> to vector<16xi32>
    %swap3A_267 = vector.shape_cast %and3A_263 : vector<16xi32> to vector<16xi32>
    tpu.vector_store %arg6[%swap3A_264], %swap3A_267 {strides = array<i32>} : memref<128xi32, #tpu.memory_space<vmem>>, vector<16xi32>,
    %shift_right_logical3A_268 = arith.constant 16 : i32
    %shift_right_logical3A_269 = vector.broadcast %shift_right_logical3A_268 : i32 to vector<16xi32>
    %shift_right_logical3A_270 = arith.shrui %get3A_260, %shift_right_logical3A_269 : vector<16xi32>
    %swap3A_271 = arith.constant 112 : index
    %swap3A_272 = tpu.vector_load %arg8[%swap3A_271] {strides = array<i32>} : memref<128xi32, #tpu.memory_space<vmem>>, vector<16xi32>,
    %swap3A_273 = vector.shape_cast %swap3A_272 : vector<16xi32> to vector<16xi32>
    %swap3A_274 = vector.shape_cast %shift_right_logical3A_270 : vector<16xi32> to vector<16xi32>
    tpu.vector_store %arg8[%swap3A_271], %swap3A_274 {strides = array<i32>} : memref<128xi32, #tpu.memory_space<vmem>>, vector<16xi32>,
    %dma_start3A_275 = arith.constant 0 : i32
    %dma_start3A_276 = arith.constant 0 : i32
    %dma_start3A_277 = tpu.memref_slice %arg2[%dma_start3A_275, %dma_start3A_276] : memref<10000x128xf32, #tpu.memory_space<hbm>> -> memref<10000x128xf32, #tpu.memory_space<hbm>>
    tpu.enqueue_indirect_dma source(%dma_start3A_277 : memref<10000x128xf32, #tpu.memory_space<hbm>>) target(%arg10 : memref<128x128xf32, #tpu.memory_space<vmem>>) offsets(%arg6 : memref<128xi32, #tpu.memory_space<vmem>>) semaphore(%arg13 : memref<!tpu.dma_semaphore, #tpu.memory_space<semaphore_mem>>)
    %min3A = arith.constant 1 : i32
    %min3A_278 = arith.minsi %min3A, %sub3A_2 : i32
    %get3A_279 = arith.index_cast %min3A_278 : i32 to index
    %get3A_280 = arith.constant 0 : index
    %get3A_281 = tpu.vector_load %arg5[%get3A_279, %get3A_280] {strides = array<i32>} : memref<120x128xi32, #tpu.memory_space<vmem>>, vector<1x16xi32>,
    %get3A_282 = vector.shape_cast %get3A_281 : vector<1x16xi32> to vector<16xi32>
    %and3A_283 = arith.constant 65535 : i32
    %and3A_284 = vector.broadcast %and3A_283 : i32 to vector<16xi32>
    %and3A_285 = arith.andi %get3A_282, %and3A_284 : vector<16xi32>
    %swap3A_286 = arith.constant 0 : index
    %swap3A_287 = tpu.vector_load %arg7[%swap3A_286] {strides = array<i32>} : memref<128xi32, #tpu.memory_space<vmem>>, vector<16xi32>,
    %swap3A_288 = vector.shape_cast %swap3A_287 : vector<16xi32> to vector<16xi32>
    %swap3A_289 = vector.shape_cast %and3A_285 : vector<16xi32> to vector<16xi32>
    tpu.vector_store %arg7[%swap3A_286], %swap3A_289 {strides = array<i32>} : memref<128xi32, #tpu.memory_space<vmem>>, vector<16xi32>,
    %shift_right_logical3A_290 = arith.constant 16 : i32
    %shift_right_logical3A_291 = vector.broadcast %shift_right_logical3A_290 : i32 to vector<16xi32>
    %shift_right_logical3A_292 = arith.shrui %get3A_282, %shift_right_logical3A_291 : vector<16xi32>
    %swap3A_293 = arith.constant 0 : index
    %swap3A_294 = tpu.vector_load %arg9[%swap3A_293] {strides = array<i32>} : memref<128xi32, #tpu.memory_space<vmem>>, vector<16xi32>,
    %swap3A_295 = vector.shape_cast %swap3A_294 : vector<16xi32> to vector<16xi32>
    %swap3A_296 = vector.shape_cast %shift_right_logical3A_292 : vector<16xi32> to vector<16xi32>
    tpu.vector_store %arg9[%swap3A_293], %swap3A_296 {strides = array<i32>} : memref<128xi32, #tpu.memory_space<vmem>>, vector<16xi32>,
    %get3A_297 = arith.index_cast %min3A_278 : i32 to index
    %get3A_298 = arith.constant 16 : index
    %get3A_299 = tpu.vector_load %arg5[%get3A_297, %get3A_298] {strides = array<i32>} : memref<120x128xi32, #tpu.memory_space<vmem>>, vector<1x16xi32>,
    %get3A_300 = vector.shape_cast %get3A_299 : vector<1x16xi32> to vector<16xi32>
    %and3A_301 = arith.constant 65535 : i32
    %and3A_302 = vector.broadcast %and3A_301 : i32 to vector<16xi32>
    %and3A_303 = arith.andi %get3A_300, %and3A_302 : vector<16xi32>
    %swap3A_304 = arith.constant 16 : index
    %swap3A_305 = tpu.vector_load %arg7[%swap3A_304] {strides = array<i32>} : memref<128xi32, #tpu.memory_space<vmem>>, vector<16xi32>,
    %swap3A_306 = vector.shape_cast %swap3A_305 : vector<16xi32> to vector<16xi32>
    %swap3A_307 = vector.shape_cast %and3A_303 : vector<16xi32> to vector<16xi32>
    tpu.vector_store %arg7[%swap3A_304], %swap3A_307 {strides = array<i32>} : memref<128xi32, #tpu.memory_space<vmem>>, vector<16xi32>,
    %shift_right_logical3A_308 = arith.constant 16 : i32
    %shift_right_logical3A_309 = vector.broadcast %shift_right_logical3A_308 : i32 to vector<16xi32>
    %shift_right_logical3A_310 = arith.shrui %get3A_300, %shift_right_logical3A_309 : vector<16xi32>
    %swap3A_311 = arith.constant 16 : index
    %swap3A_312 = tpu.vector_load %arg9[%swap3A_311] {strides = array<i32>} : memref<128xi32, #tpu.memory_space<vmem>>, vector<16xi32>,
    %swap3A_313 = vector.shape_cast %swap3A_312 : vector<16xi32> to vector<16xi32>
    %swap3A_314 = vector.shape_cast %shift_right_logical3A_310 : vector<16xi32> to vector<16xi32>
    tpu.vector_store %arg9[%swap3A_311], %swap3A_314 {strides = array<i32>} : memref<128xi32, #tpu.memory_space<vmem>>, vector<16xi32>,
    %get3A_315 = arith.index_cast %min3A_278 : i32 to index
    %get3A_316 = arith.constant 32 : index
    %get3A_317 = tpu.vector_load %arg5[%get3A_315, %get3A_316] {strides = array<i32>} : memref<120x128xi32, #tpu.memory_space<vmem>>, vector<1x16xi32>,
    %get3A_318 = vector.shape_cast %get3A_317 : vector<1x16xi32> to vector<16xi32>
    %and3A_319 = arith.constant 65535 : i32
    %and3A_320 = vector.broadcast %and3A_319 : i32 to vector<16xi32>
    %and3A_321 = arith.andi %get3A_318, %and3A_320 : vector<16xi32>
    %swap3A_322 = arith.constant 32 : index
    %swap3A_323 = tpu.vector_load %arg7[%swap3A_322] {strides = array<i32>} : memref<128xi32, #tpu.memory_space<vmem>>, vector<16xi32>,
    %swap3A_324 = vector.shape_cast %swap3A_323 : vector<16xi32> to vector<16xi32>
    %swap3A_325 = vector.shape_cast %and3A_321 : vector<16xi32> to vector<16xi32>
    tpu.vector_store %arg7[%swap3A_322], %swap3A_325 {strides = array<i32>} : memref<128xi32, #tpu.memory_space<vmem>>, vector<16xi32>,
    %shift_right_logical3A_326 = arith.constant 16 : i32
    %shift_right_logical3A_327 = vector.broadcast %shift_right_logical3A_326 : i32 to vector<16xi32>
    %shift_right_logical3A_328 = arith.shrui %get3A_318, %shift_right_logical3A_327 : vector<16xi32>
    %swap3A_329 = arith.constant 32 : index
    %swap3A_330 = tpu.vector_load %arg9[%swap3A_329] {strides = array<i32>} : memref<128xi32, #tpu.memory_space<vmem>>, vector<16xi32>,
    %swap3A_331 = vector.shape_cast %swap3A_330 : vector<16xi32> to vector<16xi32>
    %swap3A_332 = vector.shape_cast %shift_right_logical3A_328 : vector<16xi32> to vector<16xi32>
    tpu.vector_store %arg9[%swap3A_329], %swap3A_332 {strides = array<i32>} : memref<128xi32, #tpu.memory_space<vmem>>, vector<16xi32>,
    %get3A_333 = arith.index_cast %min3A_278 : i32 to index
    %get3A_334 = arith.constant 48 : index
    %get3A_335 = tpu.vector_load %arg5[%get3A_333, %get3A_334] {strides = array<i32>} : memref<120x128xi32, #tpu.memory_space<vmem>>, vector<1x16xi32>,
    %get3A_336 = vector.shape_cast %get3A_335 : vector<1x16xi32> to vector<16xi32>
    %and3A_337 = arith.constant 65535 : i32
    %and3A_338 = vector.broadcast %and3A_337 : i32 to vector<16xi32>
    %and3A_339 = arith.andi %get3A_336, %and3A_338 : vector<16xi32>
    %swap3A_340 = arith.constant 48 : index
    %swap3A_341 = tpu.vector_load %arg7[%swap3A_340] {strides = array<i32>} : memref<128xi32, #tpu.memory_space<vmem>>, vector<16xi32>,
    %swap3A_342 = vector.shape_cast %swap3A_341 : vector<16xi32> to vector<16xi32>
    %swap3A_343 = vector.shape_cast %and3A_339 : vector<16xi32> to vector<16xi32>
    tpu.vector_store %arg7[%swap3A_340], %swap3A_343 {strides = array<i32>} : memref<128xi32, #tpu.memory_space<vmem>>, vector<16xi32>,
    %shift_right_logical3A_344 = arith.constant 16 : i32
    %shift_right_logical3A_345 = vector.broadcast %shift_right_logical3A_344 : i32 to vector<16xi32>
    %shift_right_logical3A_346 = arith.shrui %get3A_336, %shift_right_logical3A_345 : vector<16xi32>
    %swap3A_347 = arith.constant 48 : index
    %swap3A_348 = tpu.vector_load %arg9[%swap3A_347] {strides = array<i32>} : memref<128xi32, #tpu.memory_space<vmem>>, vector<16xi32>,
    %swap3A_349 = vector.shape_cast %swap3A_348 : vector<16xi32> to vector<16xi32>
    %swap3A_350 = vector.shape_cast %shift_right_logical3A_346 : vector<16xi32> to vector<16xi32>
    tpu.vector_store %arg9[%swap3A_347], %swap3A_350 {strides = array<i32>} : memref<128xi32, #tpu.memory_space<vmem>>, vector<16xi32>,
    %get3A_351 = arith.index_cast %min3A_278 : i32 to index
    %get3A_352 = arith.constant 64 : index
    %get3A_353 = tpu.vector_load %arg5[%get3A_351, %get3A_352] {strides = array<i32>} : memref<120x128xi32, #tpu.memory_space<vmem>>, vector<1x16xi32>,
    %get3A_354 = vector.shape_cast %get3A_353 : vector<1x16xi32> to vector<16xi32>
    %and3A_355 = arith.constant 65535 : i32
    %and3A_356 = vector.broadcast %and3A_355 : i32 to vector<16xi32>
    %and3A_357 = arith.andi %get3A_354, %and3A_356 : vector<16xi32>
    %swap3A_358 = arith.constant 64 : index
    %swap3A_359 = tpu.vector_load %arg7[%swap3A_358] {strides = array<i32>} : memref<128xi32, #tpu.memory_space<vmem>>, vector<16xi32>,
    %swap3A_360 = vector.shape_cast %swap3A_359 : vector<16xi32> to vector<16xi32>
    %swap3A_361 = vector.shape_cast %and3A_357 : vector<16xi32> to vector<16xi32>
    tpu.vector_store %arg7[%swap3A_358], %swap3A_361 {strides = array<i32>} : memref<128xi32, #tpu.memory_space<vmem>>, vector<16xi32>,
    %shift_right_logical3A_362 = arith.constant 16 : i32
    %shift_right_logical3A_363 = vector.broadcast %shift_right_logical3A_362 : i32 to vector<16xi32>
    %shift_right_logical3A_364 = arith.shrui %get3A_354, %shift_right_logical3A_363 : vector<16xi32>
    %swap3A_365 = arith.constant 64 : index
    %swap3A_366 = tpu.vector_load %arg9[%swap3A_365] {strides = array<i32>} : memref<128xi32, #tpu.memory_space<vmem>>, vector<16xi32>,
    %swap3A_367 = vector.shape_cast %swap3A_366 : vector<16xi32> to vector<16xi32>
    %swap3A_368 = vector.shape_cast %shift_right_logical3A_364 : vector<16xi32> to vector<16xi32>
    tpu.vector_store %arg9[%swap3A_365], %swap3A_368 {strides = array<i32>} : memref<128xi32, #tpu.memory_space<vmem>>, vector<16xi32>,
    %get3A_369 = arith.index_cast %min3A_278 : i32 to index
    %get3A_370 = arith.constant 80 : index
    %get3A_371 = tpu.vector_load %arg5[%get3A_369, %get3A_370] {strides = array<i32>} : memref<120x128xi32, #tpu.memory_space<vmem>>, vector<1x16xi32>,
    %get3A_372 = vector.shape_cast %get3A_371 : vector<1x16xi32> to vector<16xi32>
    %and3A_373 = arith.constant 65535 : i32
    %and3A_374 = vector.broadcast %and3A_373 : i32 to vector<16xi32>
    %and3A_375 = arith.andi %get3A_372, %and3A_374 : vector<16xi32>
    %swap3A_376 = arith.constant 80 : index
    %swap3A_377 = tpu.vector_load %arg7[%swap3A_376] {strides = array<i32>} : memref<128xi32, #tpu.memory_space<vmem>>, vector<16xi32>,
    %swap3A_378 = vector.shape_cast %swap3A_377 : vector<16xi32> to vector<16xi32>
    %swap3A_379 = vector.shape_cast %and3A_375 : vector<16xi32> to vector<16xi32>
    tpu.vector_store %arg7[%swap3A_376], %swap3A_379 {strides = array<i32>} : memref<128xi32, #tpu.memory_space<vmem>>, vector<16xi32>,
    %shift_right_logical3A_380 = arith.constant 16 : i32
    %shift_right_logical3A_381 = vector.broadcast %shift_right_logical3A_380 : i32 to vector<16xi32>
    %shift_right_logical3A_382 = arith.shrui %get3A_372, %shift_right_logical3A_381 : vector<16xi32>
    %swap3A_383 = arith.constant 80 : index
    %swap3A_384 = tpu.vector_load %arg9[%swap3A_383] {strides = array<i32>} : memref<128xi32, #tpu.memory_space<vmem>>, vector<16xi32>,
    %swap3A_385 = vector.shape_cast %swap3A_384 : vector<16xi32> to vector<16xi32>
    %swap3A_386 = vector.shape_cast %shift_right_logical3A_382 : vector<16xi32> to vector<16xi32>
    tpu.vector_store %arg9[%swap3A_383], %swap3A_386 {strides = array<i32>} : memref<128xi32, #tpu.memory_space<vmem>>, vector<16xi32>,
    %get3A_387 = arith.index_cast %min3A_278 : i32 to index
    %get3A_388 = arith.constant 96 : index
    %get3A_389 = tpu.vector_load %arg5[%get3A_387, %get3A_388] {strides = array<i32>} : memref<120x128xi32, #tpu.memory_space<vmem>>, vector<1x16xi32>,
    %get3A_390 = vector.shape_cast %get3A_389 : vector<1x16xi32> to vector<16xi32>
    %and3A_391 = arith.constant 65535 : i32
    %and3A_392 = vector.broadcast %and3A_391 : i32 to vector<16xi32>
    %and3A_393 = arith.andi %get3A_390, %and3A_392 : vector<16xi32>
    %swap3A_394 = arith.constant 96 : index
    %swap3A_395 = tpu.vector_load %arg7[%swap3A_394] {strides = array<i32>} : memref<128xi32, #tpu.memory_space<vmem>>, vector<16xi32>,
    %swap3A_396 = vector.shape_cast %swap3A_395 : vector<16xi32> to vector<16xi32>
    %swap3A_397 = vector.shape_cast %and3A_393 : vector<16xi32> to vector<16xi32>
    tpu.vector_store %arg7[%swap3A_394], %swap3A_397 {strides = array<i32>} : memref<128xi32, #tpu.memory_space<vmem>>, vector<16xi32>,
    %shift_right_logical3A_398 = arith.constant 16 : i32
    %shift_right_logical3A_399 = vector.broadcast %shift_right_logical3A_398 : i32 to vector<16xi32>
    %shift_right_logical3A_400 = arith.shrui %get3A_390, %shift_right_logical3A_399 : vector<16xi32>
    %swap3A_401 = arith.constant 96 : index
    %swap3A_402 = tpu.vector_load %arg9[%swap3A_401] {strides = array<i32>} : memref<128xi32, #tpu.memory_space<vmem>>, vector<16xi32>,
    %swap3A_403 = vector.shape_cast %swap3A_402 : vector<16xi32> to vector<16xi32>
    %swap3A_404 = vector.shape_cast %shift_right_logical3A_400 : vector<16xi32> to vector<16xi32>
    tpu.vector_store %arg9[%swap3A_401], %swap3A_404 {strides = array<i32>} : memref<128xi32, #tpu.memory_space<vmem>>, vector<16xi32>,
    %get3A_405 = arith.index_cast %min3A_278 : i32 to index
    %get3A_406 = arith.constant 112 : index
    %get3A_407 = tpu.vector_load %arg5[%get3A_405, %get3A_406] {strides = array<i32>} : memref<120x128xi32, #tpu.memory_space<vmem>>, vector<1x16xi32>,
    %get3A_408 = vector.shape_cast %get3A_407 : vector<1x16xi32> to vector<16xi32>
    %and3A_409 = arith.constant 65535 : i32
    %and3A_410 = vector.broadcast %and3A_409 : i32 to vector<16xi32>
    %and3A_411 = arith.andi %get3A_408, %and3A_410 : vector<16xi32>
    %swap3A_412 = arith.constant 112 : index
    %swap3A_413 = tpu.vector_load %arg7[%swap3A_412] {strides = array<i32>} : memref<128xi32, #tpu.memory_space<vmem>>, vector<16xi32>,
    %swap3A_414 = vector.shape_cast %swap3A_413 : vector<16xi32> to vector<16xi32>
    %swap3A_415 = vector.shape_cast %and3A_411 : vector<16xi32> to vector<16xi32>
    tpu.vector_store %arg7[%swap3A_412], %swap3A_415 {strides = array<i32>} : memref<128xi32, #tpu.memory_space<vmem>>, vector<16xi32>,
    %shift_right_logical3A_416 = arith.constant 16 : i32
    %shift_right_logical3A_417 = vector.broadcast %shift_right_logical3A_416 : i32 to vector<16xi32>
    %shift_right_logical3A_418 = arith.shrui %get3A_408, %shift_right_logical3A_417 : vector<16xi32>
    %swap3A_419 = arith.constant 112 : index
    %swap3A_420 = tpu.vector_load %arg9[%swap3A_419] {strides = array<i32>} : memref<128xi32, #tpu.memory_space<vmem>>, vector<16xi32>,
    %swap3A_421 = vector.shape_cast %swap3A_420 : vector<16xi32> to vector<16xi32>
    %swap3A_422 = vector.shape_cast %shift_right_logical3A_418 : vector<16xi32> to vector<16xi32>
    tpu.vector_store %arg9[%swap3A_419], %swap3A_422 {strides = array<i32>} : memref<128xi32, #tpu.memory_space<vmem>>, vector<16xi32>,
    %dma_start3A_423 = arith.constant 0 : i32
    %dma_start3A_424 = arith.constant 0 : i32
    %dma_start3A_425 = tpu.memref_slice %arg2[%dma_start3A_423, %dma_start3A_424] : memref<10000x128xf32, #tpu.memory_space<hbm>> -> memref<10000x128xf32, #tpu.memory_space<hbm>>
    tpu.enqueue_indirect_dma source(%dma_start3A_425 : memref<10000x128xf32, #tpu.memory_space<hbm>>) target(%arg11 : memref<128x128xf32, #tpu.memory_space<vmem>>) offsets(%arg7 : memref<128xi32, #tpu.memory_space<vmem>>) semaphore(%arg14 : memref<!tpu.dma_semaphore, #tpu.memory_space<semaphore_mem>>)
    %jit3A_426 = arith.constant 2 : i32
    %div3A = arith.divsi %select_n3A, %jit3A_426 : i32
    %sign3A = arith.constant 0 : i32
    %sign3A_427 = arith.cmpi sgt, %select_n3A, %sign3A : i32
    %sign3A_428 = arith.extui %sign3A_427 : i1 to i32
    %sign3A_429 = arith.constant 0 : i32
    %sign3A_430 = arith.cmpi slt, %select_n3A, %sign3A_429 : i32
    %sign3A_431 = arith.extui %sign3A_430 : i1 to i32
    %sign3A_432 = arith.subi %sign3A_428, %sign3A_431 : i32
    %sign3A_433 = arith.constant 0 : i32
    %sign3A_434 = arith.cmpi sgt, %jit3A_426, %sign3A_433 : i32
    %sign3A_435 = arith.extui %sign3A_434 : i1 to i32
    %sign3A_436 = arith.constant 0 : i32
    %sign3A_437 = arith.cmpi slt, %jit3A_426, %sign3A_436 : i32
    %sign3A_438 = arith.extui %sign3A_437 : i1 to i32
    %sign3A_439 = arith.subi %sign3A_435, %sign3A_438 : i32
    %ne3A = arith.cmpi ne, %sign3A_432, %sign3A_439 : i32
    %rem3A = arith.remsi %select_n3A, %jit3A_426 : i32
    %ne3A_440 = arith.constant 0 : i32
    %ne3A_441 = arith.cmpi ne, %rem3A, %ne3A_440 : i32
    %and3A_442 = arith.andi %ne3A, %ne3A_441 : i1
    %sub3A_443 = arith.constant 1 : i32
    %sub3A_444 = arith.subi %div3A, %sub3A_443 : i32
    %select_n3A_445 = arith.select %and3A_442, %sub3A_444, %div3A : i32
    %while3A = arith.constant 0 : i32
    %while3A_446 = arith.constant 0 : i32
    %while3A_447 = arith.subi %select_n3A_445, %while3A_446 : i32
    %while3A_448 = arith.addi %while3A_446, %while3A_447 : i32
    %while3A_449 = arith.constant 1 : i32
    %while3A_450 = arith.divsi %while3A_447, %while3A_449 : i32
    %while3A_451 = arith.muli %while3A_450, %while3A_449 : i32
    %while3A_452 = arith.addi %while3A_446, %while3A_451 : i32
    %while3A_453 = arith.constant 1 : i32
    scf.for %while3A_672 = %while3A_446 to %while3A_452 step %while3A_453  : i32 {
      %mul3A_673 = arith.constant 2 : i32
      %mul3A_674 = arith.muli %while3A_672, %mul3A_673 : i32
      %dma_wait3A_675 = arith.constant 0 : i32
      %dma_wait3A_676 = arith.constant 0 : i32
      %dma_wait3A_677 = tpu.memref_slice %arg2[%dma_wait3A_675, %dma_wait3A_676] : memref<10000x128xf32, #tpu.memory_space<hbm>> -> memref<10000x128xf32, #tpu.memory_space<hbm>>
      tpu.wait_indirect_dma semaphore(%arg13 : memref<!tpu.dma_semaphore, #tpu.memory_space<semaphore_mem>>) src(%dma_wait3A_677 : memref<10000x128xf32, #tpu.memory_space<hbm>>) dst(%arg10 : memref<128x128xf32, #tpu.memory_space<vmem>>)
      "tpu.region"() ({
        %run_scoped3A = tpu.sem_alloc : memref<!tpu.dma_semaphore, #tpu.memory_space<semaphore_mem>>
        %dma_start3A_981 = arith.constant 0 : i32
        %dma_start3A_982 = arith.constant 0 : i32
        %dma_start3A_983 = tpu.memref_slice %arg12[%dma_start3A_981, %dma_start3A_982] : memref<10112x128xf32, #tpu.memory_space<vmem_shared>> -> memref<10112x128xf32, #tpu.memory_space<vmem_shared>>
        tpu.enqueue_indirect_dma source(%arg10 : memref<128x128xf32, #tpu.memory_space<vmem>>) target(%dma_start3A_983 : memref<10112x128xf32, #tpu.memory_space<vmem_shared>>) offsets(%arg8 : memref<128xi32, #tpu.memory_space<vmem>>) semaphore(%run_scoped3A : memref<!tpu.dma_semaphore, #tpu.memory_space<semaphore_mem>>) {add = true}
        %dma_wait3A_984 = arith.constant 0 : i32
        %dma_wait3A_985 = arith.constant 0 : i32
        %dma_wait3A_986 = tpu.memref_slice %arg12[%dma_wait3A_984, %dma_wait3A_985] : memref<10112x128xf32, #tpu.memory_space<vmem_shared>> -> memref<10112x128xf32, #tpu.memory_space<vmem_shared>>
        tpu.wait_indirect_dma semaphore(%run_scoped3A : memref<!tpu.dma_semaphore, #tpu.memory_space<semaphore_mem>>) src(%arg10 : memref<128x128xf32, #tpu.memory_space<vmem>>) dst(%dma_wait3A_986 : memref<10112x128xf32, #tpu.memory_space<vmem_shared>>)
        tpu.yield
      }) : () -> ()
      %add3A_678 = arith.constant 2 : i32
      %add3A_679 = arith.addi %mul3A_674, %add3A_678 : i32
      %min3A_680 = arith.minsi %add3A_679, %sub3A_2 : i32
      %get3A_681 = arith.index_cast %min3A_680 : i32 to index
      %get3A_682 = arith.constant 0 : index
      %get3A_683 = tpu.vector_load %arg5[%get3A_681, %get3A_682] {strides = array<i32>} : memref<120x128xi32, #tpu.memory_space<vmem>>, vector<1x16xi32>,
      %get3A_684 = vector.shape_cast %get3A_683 : vector<1x16xi32> to vector<16xi32>
      %and3A_685 = arith.constant 65535 : i32
      %and3A_686 = vector.broadcast %and3A_685 : i32 to vector<16xi32>
      %and3A_687 = arith.andi %get3A_684, %and3A_686 : vector<16xi32>
      %swap3A_688 = arith.constant 0 : index
      %swap3A_689 = tpu.vector_load %arg6[%swap3A_688] {strides = array<i32>} : memref<128xi32, #tpu.memory_space<vmem>>, vector<16xi32>,
      %swap3A_690 = vector.shape_cast %swap3A_689 : vector<16xi32> to vector<16xi32>
      %swap3A_691 = vector.shape_cast %and3A_687 : vector<16xi32> to vector<16xi32>
      tpu.vector_store %arg6[%swap3A_688], %swap3A_691 {strides = array<i32>} : memref<128xi32, #tpu.memory_space<vmem>>, vector<16xi32>,
      %shift_right_logical3A_692 = arith.constant 16 : i32
      %shift_right_logical3A_693 = vector.broadcast %shift_right_logical3A_692 : i32 to vector<16xi32>
      %shift_right_logical3A_694 = arith.shrui %get3A_684, %shift_right_logical3A_693 : vector<16xi32>
      %swap3A_695 = arith.constant 0 : index
      %swap3A_696 = tpu.vector_load %arg8[%swap3A_695] {strides = array<i32>} : memref<128xi32, #tpu.memory_space<vmem>>, vector<16xi32>,
      %swap3A_697 = vector.shape_cast %swap3A_696 : vector<16xi32> to vector<16xi32>
      %swap3A_698 = vector.shape_cast %shift_right_logical3A_694 : vector<16xi32> to vector<16xi32>
      tpu.vector_store %arg8[%swap3A_695], %swap3A_698 {strides = array<i32>} : memref<128xi32, #tpu.memory_space<vmem>>, vector<16xi32>,
      %get3A_699 = arith.index_cast %min3A_680 : i32 to index
      %get3A_700 = arith.constant 16 : index
      %get3A_701 = tpu.vector_load %arg5[%get3A_699, %get3A_700] {strides = array<i32>} : memref<120x128xi32, #tpu.memory_space<vmem>>, vector<1x16xi32>,
      %get3A_702 = vector.shape_cast %get3A_701 : vector<1x16xi32> to vector<16xi32>
      %and3A_703 = arith.constant 65535 : i32
      %and3A_704 = vector.broadcast %and3A_703 : i32 to vector<16xi32>
      %and3A_705 = arith.andi %get3A_702, %and3A_704 : vector<16xi32>
      %swap3A_706 = arith.constant 16 : index
      %swap3A_707 = tpu.vector_load %arg6[%swap3A_706] {strides = array<i32>} : memref<128xi32, #tpu.memory_space<vmem>>, vector<16xi32>,
      %swap3A_708 = vector.shape_cast %swap3A_707 : vector<16xi32> to vector<16xi32>
      %swap3A_709 = vector.shape_cast %and3A_705 : vector<16xi32> to vector<16xi32>
      tpu.vector_store %arg6[%swap3A_706], %swap3A_709 {strides = array<i32>} : memref<128xi32, #tpu.memory_space<vmem>>, vector<16xi32>,
      %shift_right_logical3A_710 = arith.constant 16 : i32
      %shift_right_logical3A_711 = vector.broadcast %shift_right_logical3A_710 : i32 to vector<16xi32>
      %shift_right_logical3A_712 = arith.shrui %get3A_702, %shift_right_logical3A_711 : vector<16xi32>
      %swap3A_713 = arith.constant 16 : index
      %swap3A_714 = tpu.vector_load %arg8[%swap3A_713] {strides = array<i32>} : memref<128xi32, #tpu.memory_space<vmem>>, vector<16xi32>,
      %swap3A_715 = vector.shape_cast %swap3A_714 : vector<16xi32> to vector<16xi32>
      %swap3A_716 = vector.shape_cast %shift_right_logical3A_712 : vector<16xi32> to vector<16xi32>
      tpu.vector_store %arg8[%swap3A_713], %swap3A_716 {strides = array<i32>} : memref<128xi32, #tpu.memory_space<vmem>>, vector<16xi32>,
      %get3A_717 = arith.index_cast %min3A_680 : i32 to index
      %get3A_718 = arith.constant 32 : index
      %get3A_719 = tpu.vector_load %arg5[%get3A_717, %get3A_718] {strides = array<i32>} : memref<120x128xi32, #tpu.memory_space<vmem>>, vector<1x16xi32>,
      %get3A_720 = vector.shape_cast %get3A_719 : vector<1x16xi32> to vector<16xi32>
      %and3A_721 = arith.constant 65535 : i32
      %and3A_722 = vector.broadcast %and3A_721 : i32 to vector<16xi32>
      %and3A_723 = arith.andi %get3A_720, %and3A_722 : vector<16xi32>
      %swap3A_724 = arith.constant 32 : index
      %swap3A_725 = tpu.vector_load %arg6[%swap3A_724] {strides = array<i32>} : memref<128xi32, #tpu.memory_space<vmem>>, vector<16xi32>,
      %swap3A_726 = vector.shape_cast %swap3A_725 : vector<16xi32> to vector<16xi32>
      %swap3A_727 = vector.shape_cast %and3A_723 : vector<16xi32> to vector<16xi32>
      tpu.vector_store %arg6[%swap3A_724], %swap3A_727 {strides = array<i32>} : memref<128xi32, #tpu.memory_space<vmem>>, vector<16xi32>,
      %shift_right_logical3A_728 = arith.constant 16 : i32
      %shift_right_logical3A_729 = vector.broadcast %shift_right_logical3A_728 : i32 to vector<16xi32>
      %shift_right_logical3A_730 = arith.shrui %get3A_720, %shift_right_logical3A_729 : vector<16xi32>
      %swap3A_731 = arith.constant 32 : index
      %swap3A_732 = tpu.vector_load %arg8[%swap3A_731] {strides = array<i32>} : memref<128xi32, #tpu.memory_space<vmem>>, vector<16xi32>,
      %swap3A_733 = vector.shape_cast %swap3A_732 : vector<16xi32> to vector<16xi32>
      %swap3A_734 = vector.shape_cast %shift_right_logical3A_730 : vector<16xi32> to vector<16xi32>
      tpu.vector_store %arg8[%swap3A_731], %swap3A_734 {strides = array<i32>} : memref<128xi32, #tpu.memory_space<vmem>>, vector<16xi32>,
      %get3A_735 = arith.index_cast %min3A_680 : i32 to index
      %get3A_736 = arith.constant 48 : index
      %get3A_737 = tpu.vector_load %arg5[%get3A_735, %get3A_736] {strides = array<i32>} : memref<120x128xi32, #tpu.memory_space<vmem>>, vector<1x16xi32>,
      %get3A_738 = vector.shape_cast %get3A_737 : vector<1x16xi32> to vector<16xi32>
      %and3A_739 = arith.constant 65535 : i32
      %and3A_740 = vector.broadcast %and3A_739 : i32 to vector<16xi32>
      %and3A_741 = arith.andi %get3A_738, %and3A_740 : vector<16xi32>
      %swap3A_742 = arith.constant 48 : index
      %swap3A_743 = tpu.vector_load %arg6[%swap3A_742] {strides = array<i32>} : memref<128xi32, #tpu.memory_space<vmem>>, vector<16xi32>,
      %swap3A_744 = vector.shape_cast %swap3A_743 : vector<16xi32> to vector<16xi32>
      %swap3A_745 = vector.shape_cast %and3A_741 : vector<16xi32> to vector<16xi32>
      tpu.vector_store %arg6[%swap3A_742], %swap3A_745 {strides = array<i32>} : memref<128xi32, #tpu.memory_space<vmem>>, vector<16xi32>,
      %shift_right_logical3A_746 = arith.constant 16 : i32
      %shift_right_logical3A_747 = vector.broadcast %shift_right_logical3A_746 : i32 to vector<16xi32>
      %shift_right_logical3A_748 = arith.shrui %get3A_738, %shift_right_logical3A_747 : vector<16xi32>
      %swap3A_749 = arith.constant 48 : index
      %swap3A_750 = tpu.vector_load %arg8[%swap3A_749] {strides = array<i32>} : memref<128xi32, #tpu.memory_space<vmem>>, vector<16xi32>,
      %swap3A_751 = vector.shape_cast %swap3A_750 : vector<16xi32> to vector<16xi32>
      %swap3A_752 = vector.shape_cast %shift_right_logical3A_748 : vector<16xi32> to vector<16xi32>
      tpu.vector_store %arg8[%swap3A_749], %swap3A_752 {strides = array<i32>} : memref<128xi32, #tpu.memory_space<vmem>>, vector<16xi32>,
      %get3A_753 = arith.index_cast %min3A_680 : i32 to index
      %get3A_754 = arith.constant 64 : index
      %get3A_755 = tpu.vector_load %arg5[%get3A_753, %get3A_754] {strides = array<i32>} : memref<120x128xi32, #tpu.memory_space<vmem>>, vector<1x16xi32>,
      %get3A_756 = vector.shape_cast %get3A_755 : vector<1x16xi32> to vector<16xi32>
      %and3A_757 = arith.constant 65535 : i32
      %and3A_758 = vector.broadcast %and3A_757 : i32 to vector<16xi32>
      %and3A_759 = arith.andi %get3A_756, %and3A_758 : vector<16xi32>
      %swap3A_760 = arith.constant 64 : index
      %swap3A_761 = tpu.vector_load %arg6[%swap3A_760] {strides = array<i32>} : memref<128xi32, #tpu.memory_space<vmem>>, vector<16xi32>,
      %swap3A_762 = vector.shape_cast %swap3A_761 : vector<16xi32> to vector<16xi32>
      %swap3A_763 = vector.shape_cast %and3A_759 : vector<16xi32> to vector<16xi32>
      tpu.vector_store %arg6[%swap3A_760], %swap3A_763 {strides = array<i32>} : memref<128xi32, #tpu.memory_space<vmem>>, vector<16xi32>,
      %shift_right_logical3A_764 = arith.constant 16 : i32
      %shift_right_logical3A_765 = vector.broadcast %shift_right_logical3A_764 : i32 to vector<16xi32>
      %shift_right_logical3A_766 = arith.shrui %get3A_756, %shift_right_logical3A_765 : vector<16xi32>
      %swap3A_767 = arith.constant 64 : index
      %swap3A_768 = tpu.vector_load %arg8[%swap3A_767] {strides = array<i32>} : memref<128xi32, #tpu.memory_space<vmem>>, vector<16xi32>,
      %swap3A_769 = vector.shape_cast %swap3A_768 : vector<16xi32> to vector<16xi32>
      %swap3A_770 = vector.shape_cast %shift_right_logical3A_766 : vector<16xi32> to vector<16xi32>
      tpu.vector_store %arg8[%swap3A_767], %swap3A_770 {strides = array<i32>} : memref<128xi32, #tpu.memory_space<vmem>>, vector<16xi32>,
      %get3A_771 = arith.index_cast %min3A_680 : i32 to index
      %get3A_772 = arith.constant 80 : index
      %get3A_773 = tpu.vector_load %arg5[%get3A_771, %get3A_772] {strides = array<i32>} : memref<120x128xi32, #tpu.memory_space<vmem>>, vector<1x16xi32>,
      %get3A_774 = vector.shape_cast %get3A_773 : vector<1x16xi32> to vector<16xi32>
      %and3A_775 = arith.constant 65535 : i32
      %and3A_776 = vector.broadcast %and3A_775 : i32 to vector<16xi32>
      %and3A_777 = arith.andi %get3A_774, %and3A_776 : vector<16xi32>
      %swap3A_778 = arith.constant 80 : index
      %swap3A_779 = tpu.vector_load %arg6[%swap3A_778] {strides = array<i32>} : memref<128xi32, #tpu.memory_space<vmem>>, vector<16xi32>,
      %swap3A_780 = vector.shape_cast %swap3A_779 : vector<16xi32> to vector<16xi32>
      %swap3A_781 = vector.shape_cast %and3A_777 : vector<16xi32> to vector<16xi32>
      tpu.vector_store %arg6[%swap3A_778], %swap3A_781 {strides = array<i32>} : memref<128xi32, #tpu.memory_space<vmem>>, vector<16xi32>,
      %shift_right_logical3A_782 = arith.constant 16 : i32
      %shift_right_logical3A_783 = vector.broadcast %shift_right_logical3A_782 : i32 to vector<16xi32>
      %shift_right_logical3A_784 = arith.shrui %get3A_774, %shift_right_logical3A_783 : vector<16xi32>
      %swap3A_785 = arith.constant 80 : index
      %swap3A_786 = tpu.vector_load %arg8[%swap3A_785] {strides = array<i32>} : memref<128xi32, #tpu.memory_space<vmem>>, vector<16xi32>,
      %swap3A_787 = vector.shape_cast %swap3A_786 : vector<16xi32> to vector<16xi32>
      %swap3A_788 = vector.shape_cast %shift_right_logical3A_784 : vector<16xi32> to vector<16xi32>
      tpu.vector_store %arg8[%swap3A_785], %swap3A_788 {strides = array<i32>} : memref<128xi32, #tpu.memory_space<vmem>>, vector<16xi32>,
      %get3A_789 = arith.index_cast %min3A_680 : i32 to index
      %get3A_790 = arith.constant 96 : index
      %get3A_791 = tpu.vector_load %arg5[%get3A_789, %get3A_790] {strides = array<i32>} : memref<120x128xi32, #tpu.memory_space<vmem>>, vector<1x16xi32>,
      %get3A_792 = vector.shape_cast %get3A_791 : vector<1x16xi32> to vector<16xi32>
      %and3A_793 = arith.constant 65535 : i32
      %and3A_794 = vector.broadcast %and3A_793 : i32 to vector<16xi32>
      %and3A_795 = arith.andi %get3A_792, %and3A_794 : vector<16xi32>
      %swap3A_796 = arith.constant 96 : index
      %swap3A_797 = tpu.vector_load %arg6[%swap3A_796] {strides = array<i32>} : memref<128xi32, #tpu.memory_space<vmem>>, vector<16xi32>,
      %swap3A_798 = vector.shape_cast %swap3A_797 : vector<16xi32> to vector<16xi32>
      %swap3A_799 = vector.shape_cast %and3A_795 : vector<16xi32> to vector<16xi32>
      tpu.vector_store %arg6[%swap3A_796], %swap3A_799 {strides = array<i32>} : memref<128xi32, #tpu.memory_space<vmem>>, vector<16xi32>,
      %shift_right_logical3A_800 = arith.constant 16 : i32
      %shift_right_logical3A_801 = vector.broadcast %shift_right_logical3A_800 : i32 to vector<16xi32>
      %shift_right_logical3A_802 = arith.shrui %get3A_792, %shift_right_logical3A_801 : vector<16xi32>
      %swap3A_803 = arith.constant 96 : index
      %swap3A_804 = tpu.vector_load %arg8[%swap3A_803] {strides = array<i32>} : memref<128xi32, #tpu.memory_space<vmem>>, vector<16xi32>,
      %swap3A_805 = vector.shape_cast %swap3A_804 : vector<16xi32> to vector<16xi32>
      %swap3A_806 = vector.shape_cast %shift_right_logical3A_802 : vector<16xi32> to vector<16xi32>
      tpu.vector_store %arg8[%swap3A_803], %swap3A_806 {strides = array<i32>} : memref<128xi32, #tpu.memory_space<vmem>>, vector<16xi32>,
      %get3A_807 = arith.index_cast %min3A_680 : i32 to index
      %get3A_808 = arith.constant 112 : index
      %get3A_809 = tpu.vector_load %arg5[%get3A_807, %get3A_808] {strides = array<i32>} : memref<120x128xi32, #tpu.memory_space<vmem>>, vector<1x16xi32>,
      %get3A_810 = vector.shape_cast %get3A_809 : vector<1x16xi32> to vector<16xi32>
      %and3A_811 = arith.constant 65535 : i32
      %and3A_812 = vector.broadcast %and3A_811 : i32 to vector<16xi32>
      %and3A_813 = arith.andi %get3A_810, %and3A_812 : vector<16xi32>
      %swap3A_814 = arith.constant 112 : index
      %swap3A_815 = tpu.vector_load %arg6[%swap3A_814] {strides = array<i32>} : memref<128xi32, #tpu.memory_space<vmem>>, vector<16xi32>,
      %swap3A_816 = vector.shape_cast %swap3A_815 : vector<16xi32> to vector<16xi32>
      %swap3A_817 = vector.shape_cast %and3A_813 : vector<16xi32> to vector<16xi32>
      tpu.vector_store %arg6[%swap3A_814], %swap3A_817 {strides = array<i32>} : memref<128xi32, #tpu.memory_space<vmem>>, vector<16xi32>,
      %shift_right_logical3A_818 = arith.constant 16 : i32
      %shift_right_logical3A_819 = vector.broadcast %shift_right_logical3A_818 : i32 to vector<16xi32>
      %shift_right_logical3A_820 = arith.shrui %get3A_810, %shift_right_logical3A_819 : vector<16xi32>
      %swap3A_821 = arith.constant 112 : index
      %swap3A_822 = tpu.vector_load %arg8[%swap3A_821] {strides = array<i32>} : memref<128xi32, #tpu.memory_space<vmem>>, vector<16xi32>,
      %swap3A_823 = vector.shape_cast %swap3A_822 : vector<16xi32> to vector<16xi32>
      %swap3A_824 = vector.shape_cast %shift_right_logical3A_820 : vector<16xi32> to vector<16xi32>
      tpu.vector_store %arg8[%swap3A_821], %swap3A_824 {strides = array<i32>} : memref<128xi32, #tpu.memory_space<vmem>>, vector<16xi32>,
      %dma_start3A_825 = arith.constant 0 : i32
      %dma_start3A_826 = arith.constant 0 : i32
      %dma_start3A_827 = tpu.memref_slice %arg2[%dma_start3A_825, %dma_start3A_826] : memref<10000x128xf32, #tpu.memory_space<hbm>> -> memref<10000x128xf32, #tpu.memory_space<hbm>>
      tpu.enqueue_indirect_dma source(%dma_start3A_827 : memref<10000x128xf32, #tpu.memory_space<hbm>>) target(%arg10 : memref<128x128xf32, #tpu.memory_space<vmem>>) offsets(%arg6 : memref<128xi32, #tpu.memory_space<vmem>>) semaphore(%arg13 : memref<!tpu.dma_semaphore, #tpu.memory_space<semaphore_mem>>)
      %dma_wait3A_828 = arith.constant 0 : i32
      %dma_wait3A_829 = arith.constant 0 : i32
      %dma_wait3A_830 = tpu.memref_slice %arg2[%dma_wait3A_828, %dma_wait3A_829] : memref<10000x128xf32, #tpu.memory_space<hbm>> -> memref<10000x128xf32, #tpu.memory_space<hbm>>
      tpu.wait_indirect_dma semaphore(%arg14 : memref<!tpu.dma_semaphore, #tpu.memory_space<semaphore_mem>>) src(%dma_wait3A_830 : memref<10000x128xf32, #tpu.memory_space<hbm>>) dst(%arg11 : memref<128x128xf32, #tpu.memory_space<vmem>>)
      "tpu.region"() ({
        %run_scoped3A = tpu.sem_alloc : memref<!tpu.dma_semaphore, #tpu.memory_space<semaphore_mem>>
        %dma_start3A_981 = arith.constant 0 : i32
        %dma_start3A_982 = arith.constant 0 : i32
        %dma_start3A_983 = tpu.memref_slice %arg12[%dma_start3A_981, %dma_start3A_982] : memref<10112x128xf32, #tpu.memory_space<vmem_shared>> -> memref<10112x128xf32, #tpu.memory_space<vmem_shared>>
        tpu.enqueue_indirect_dma source(%arg11 : memref<128x128xf32, #tpu.memory_space<vmem>>) target(%dma_start3A_983 : memref<10112x128xf32, #tpu.memory_space<vmem_shared>>) offsets(%arg9 : memref<128xi32, #tpu.memory_space<vmem>>) semaphore(%run_scoped3A : memref<!tpu.dma_semaphore, #tpu.memory_space<semaphore_mem>>) {add = true}
        %dma_wait3A_984 = arith.constant 0 : i32
        %dma_wait3A_985 = arith.constant 0 : i32
        %dma_wait3A_986 = tpu.memref_slice %arg12[%dma_wait3A_984, %dma_wait3A_985] : memref<10112x128xf32, #tpu.memory_space<vmem_shared>> -> memref<10112x128xf32, #tpu.memory_space<vmem_shared>>
        tpu.wait_indirect_dma semaphore(%run_scoped3A : memref<!tpu.dma_semaphore, #tpu.memory_space<semaphore_mem>>) src(%arg11 : memref<128x128xf32, #tpu.memory_space<vmem>>) dst(%dma_wait3A_986 : memref<10112x128xf32, #tpu.memory_space<vmem_shared>>)
        tpu.yield
      }) : () -> ()
      %add3A_831 = arith.constant 3 : i32
      %add3A_832 = arith.addi %mul3A_674, %add3A_831 : i32
      %min3A_833 = arith.minsi %add3A_832, %sub3A_2 : i32
      %get3A_834 = arith.index_cast %min3A_833 : i32 to index
      %get3A_835 = arith.constant 0 : index
      %get3A_836 = tpu.vector_load %arg5[%get3A_834, %get3A_835] {strides = array<i32>} : memref<120x128xi32, #tpu.memory_space<vmem>>, vector<1x16xi32>,
      %get3A_837 = vector.shape_cast %get3A_836 : vector<1x16xi32> to vector<16xi32>
      %and3A_838 = arith.constant 65535 : i32
      %and3A_839 = vector.broadcast %and3A_838 : i32 to vector<16xi32>
      %and3A_840 = arith.andi %get3A_837, %and3A_839 : vector<16xi32>
      %swap3A_841 = arith.constant 0 : index
      %swap3A_842 = tpu.vector_load %arg7[%swap3A_841] {strides = array<i32>} : memref<128xi32, #tpu.memory_space<vmem>>, vector<16xi32>,
      %swap3A_843 = vector.shape_cast %swap3A_842 : vector<16xi32> to vector<16xi32>
      %swap3A_844 = vector.shape_cast %and3A_840 : vector<16xi32> to vector<16xi32>
      tpu.vector_store %arg7[%swap3A_841], %swap3A_844 {strides = array<i32>} : memref<128xi32, #tpu.memory_space<vmem>>, vector<16xi32>,
      %shift_right_logical3A_845 = arith.constant 16 : i32
      %shift_right_logical3A_846 = vector.broadcast %shift_right_logical3A_845 : i32 to vector<16xi32>
      %shift_right_logical3A_847 = arith.shrui %get3A_837, %shift_right_logical3A_846 : vector<16xi32>
      %swap3A_848 = arith.constant 0 : index
      %swap3A_849 = tpu.vector_load %arg9[%swap3A_848] {strides = array<i32>} : memref<128xi32, #tpu.memory_space<vmem>>, vector<16xi32>,
      %swap3A_850 = vector.shape_cast %swap3A_849 : vector<16xi32> to vector<16xi32>
      %swap3A_851 = vector.shape_cast %shift_right_logical3A_847 : vector<16xi32> to vector<16xi32>
      tpu.vector_store %arg9[%swap3A_848], %swap3A_851 {strides = array<i32>} : memref<128xi32, #tpu.memory_space<vmem>>, vector<16xi32>,
      %get3A_852 = arith.index_cast %min3A_833 : i32 to index
      %get3A_853 = arith.constant 16 : index
      %get3A_854 = tpu.vector_load %arg5[%get3A_852, %get3A_853] {strides = array<i32>} : memref<120x128xi32, #tpu.memory_space<vmem>>, vector<1x16xi32>,
      %get3A_855 = vector.shape_cast %get3A_854 : vector<1x16xi32> to vector<16xi32>
      %and3A_856 = arith.constant 65535 : i32
      %and3A_857 = vector.broadcast %and3A_856 : i32 to vector<16xi32>
      %and3A_858 = arith.andi %get3A_855, %and3A_857 : vector<16xi32>
      %swap3A_859 = arith.constant 16 : index
      %swap3A_860 = tpu.vector_load %arg7[%swap3A_859] {strides = array<i32>} : memref<128xi32, #tpu.memory_space<vmem>>, vector<16xi32>,
      %swap3A_861 = vector.shape_cast %swap3A_860 : vector<16xi32> to vector<16xi32>
      %swap3A_862 = vector.shape_cast %and3A_858 : vector<16xi32> to vector<16xi32>
      tpu.vector_store %arg7[%swap3A_859], %swap3A_862 {strides = array<i32>} : memref<128xi32, #tpu.memory_space<vmem>>, vector<16xi32>,
      %shift_right_logical3A_863 = arith.constant 16 : i32
      %shift_right_logical3A_864 = vector.broadcast %shift_right_logical3A_863 : i32 to vector<16xi32>
      %shift_right_logical3A_865 = arith.shrui %get3A_855, %shift_right_logical3A_864 : vector<16xi32>
      %swap3A_866 = arith.constant 16 : index
      %swap3A_867 = tpu.vector_load %arg9[%swap3A_866] {strides = array<i32>} : memref<128xi32, #tpu.memory_space<vmem>>, vector<16xi32>,
      %swap3A_868 = vector.shape_cast %swap3A_867 : vector<16xi32> to vector<16xi32>
      %swap3A_869 = vector.shape_cast %shift_right_logical3A_865 : vector<16xi32> to vector<16xi32>
      tpu.vector_store %arg9[%swap3A_866], %swap3A_869 {strides = array<i32>} : memref<128xi32, #tpu.memory_space<vmem>>, vector<16xi32>,
      %get3A_870 = arith.index_cast %min3A_833 : i32 to index
      %get3A_871 = arith.constant 32 : index
      %get3A_872 = tpu.vector_load %arg5[%get3A_870, %get3A_871] {strides = array<i32>} : memref<120x128xi32, #tpu.memory_space<vmem>>, vector<1x16xi32>,
      %get3A_873 = vector.shape_cast %get3A_872 : vector<1x16xi32> to vector<16xi32>
      %and3A_874 = arith.constant 65535 : i32
      %and3A_875 = vector.broadcast %and3A_874 : i32 to vector<16xi32>
      %and3A_876 = arith.andi %get3A_873, %and3A_875 : vector<16xi32>
      %swap3A_877 = arith.constant 32 : index
      %swap3A_878 = tpu.vector_load %arg7[%swap3A_877] {strides = array<i32>} : memref<128xi32, #tpu.memory_space<vmem>>, vector<16xi32>,
      %swap3A_879 = vector.shape_cast %swap3A_878 : vector<16xi32> to vector<16xi32>
      %swap3A_880 = vector.shape_cast %and3A_876 : vector<16xi32> to vector<16xi32>
      tpu.vector_store %arg7[%swap3A_877], %swap3A_880 {strides = array<i32>} : memref<128xi32, #tpu.memory_space<vmem>>, vector<16xi32>,
      %shift_right_logical3A_881 = arith.constant 16 : i32
      %shift_right_logical3A_882 = vector.broadcast %shift_right_logical3A_881 : i32 to vector<16xi32>
      %shift_right_logical3A_883 = arith.shrui %get3A_873, %shift_right_logical3A_882 : vector<16xi32>
      %swap3A_884 = arith.constant 32 : index
      %swap3A_885 = tpu.vector_load %arg9[%swap3A_884] {strides = array<i32>} : memref<128xi32, #tpu.memory_space<vmem>>, vector<16xi32>,
      %swap3A_886 = vector.shape_cast %swap3A_885 : vector<16xi32> to vector<16xi32>
      %swap3A_887 = vector.shape_cast %shift_right_logical3A_883 : vector<16xi32> to vector<16xi32>
      tpu.vector_store %arg9[%swap3A_884], %swap3A_887 {strides = array<i32>} : memref<128xi32, #tpu.memory_space<vmem>>, vector<16xi32>,
      %get3A_888 = arith.index_cast %min3A_833 : i32 to index
      %get3A_889 = arith.constant 48 : index
      %get3A_890 = tpu.vector_load %arg5[%get3A_888, %get3A_889] {strides = array<i32>} : memref<120x128xi32, #tpu.memory_space<vmem>>, vector<1x16xi32>,
      %get3A_891 = vector.shape_cast %get3A_890 : vector<1x16xi32> to vector<16xi32>
      %and3A_892 = arith.constant 65535 : i32
      %and3A_893 = vector.broadcast %and3A_892 : i32 to vector<16xi32>
      %and3A_894 = arith.andi %get3A_891, %and3A_893 : vector<16xi32>
      %swap3A_895 = arith.constant 48 : index
      %swap3A_896 = tpu.vector_load %arg7[%swap3A_895] {strides = array<i32>} : memref<128xi32, #tpu.memory_space<vmem>>, vector<16xi32>,
      %swap3A_897 = vector.shape_cast %swap3A_896 : vector<16xi32> to vector<16xi32>
      %swap3A_898 = vector.shape_cast %and3A_894 : vector<16xi32> to vector<16xi32>
      tpu.vector_store %arg7[%swap3A_895], %swap3A_898 {strides = array<i32>} : memref<128xi32, #tpu.memory_space<vmem>>, vector<16xi32>,
      %shift_right_logical3A_899 = arith.constant 16 : i32
      %shift_right_logical3A_900 = vector.broadcast %shift_right_logical3A_899 : i32 to vector<16xi32>
      %shift_right_logical3A_901 = arith.shrui %get3A_891, %shift_right_logical3A_900 : vector<16xi32>
      %swap3A_902 = arith.constant 48 : index
      %swap3A_903 = tpu.vector_load %arg9[%swap3A_902] {strides = array<i32>} : memref<128xi32, #tpu.memory_space<vmem>>, vector<16xi32>,
      %swap3A_904 = vector.shape_cast %swap3A_903 : vector<16xi32> to vector<16xi32>
      %swap3A_905 = vector.shape_cast %shift_right_logical3A_901 : vector<16xi32> to vector<16xi32>
      tpu.vector_store %arg9[%swap3A_902], %swap3A_905 {strides = array<i32>} : memref<128xi32, #tpu.memory_space<vmem>>, vector<16xi32>,
      %get3A_906 = arith.index_cast %min3A_833 : i32 to index
      %get3A_907 = arith.constant 64 : index
      %get3A_908 = tpu.vector_load %arg5[%get3A_906, %get3A_907] {strides = array<i32>} : memref<120x128xi32, #tpu.memory_space<vmem>>, vector<1x16xi32>,
      %get3A_909 = vector.shape_cast %get3A_908 : vector<1x16xi32> to vector<16xi32>
      %and3A_910 = arith.constant 65535 : i32
      %and3A_911 = vector.broadcast %and3A_910 : i32 to vector<16xi32>
      %and3A_912 = arith.andi %get3A_909, %and3A_911 : vector<16xi32>
      %swap3A_913 = arith.constant 64 : index
      %swap3A_914 = tpu.vector_load %arg7[%swap3A_913] {strides = array<i32>} : memref<128xi32, #tpu.memory_space<vmem>>, vector<16xi32>,
      %swap3A_915 = vector.shape_cast %swap3A_914 : vector<16xi32> to vector<16xi32>
      %swap3A_916 = vector.shape_cast %and3A_912 : vector<16xi32> to vector<16xi32>
      tpu.vector_store %arg7[%swap3A_913], %swap3A_916 {strides = array<i32>} : memref<128xi32, #tpu.memory_space<vmem>>, vector<16xi32>,
      %shift_right_logical3A_917 = arith.constant 16 : i32
      %shift_right_logical3A_918 = vector.broadcast %shift_right_logical3A_917 : i32 to vector<16xi32>
      %shift_right_logical3A_919 = arith.shrui %get3A_909, %shift_right_logical3A_918 : vector<16xi32>
      %swap3A_920 = arith.constant 64 : index
      %swap3A_921 = tpu.vector_load %arg9[%swap3A_920] {strides = array<i32>} : memref<128xi32, #tpu.memory_space<vmem>>, vector<16xi32>,
      %swap3A_922 = vector.shape_cast %swap3A_921 : vector<16xi32> to vector<16xi32>
      %swap3A_923 = vector.shape_cast %shift_right_logical3A_919 : vector<16xi32> to vector<16xi32>
      tpu.vector_store %arg9[%swap3A_920], %swap3A_923 {strides = array<i32>} : memref<128xi32, #tpu.memory_space<vmem>>, vector<16xi32>,
      %get3A_924 = arith.index_cast %min3A_833 : i32 to index
      %get3A_925 = arith.constant 80 : index
      %get3A_926 = tpu.vector_load %arg5[%get3A_924, %get3A_925] {strides = array<i32>} : memref<120x128xi32, #tpu.memory_space<vmem>>, vector<1x16xi32>,
      %get3A_927 = vector.shape_cast %get3A_926 : vector<1x16xi32> to vector<16xi32>
      %and3A_928 = arith.constant 65535 : i32
      %and3A_929 = vector.broadcast %and3A_928 : i32 to vector<16xi32>
      %and3A_930 = arith.andi %get3A_927, %and3A_929 : vector<16xi32>
      %swap3A_931 = arith.constant 80 : index
      %swap3A_932 = tpu.vector_load %arg7[%swap3A_931] {strides = array<i32>} : memref<128xi32, #tpu.memory_space<vmem>>, vector<16xi32>,
      %swap3A_933 = vector.shape_cast %swap3A_932 : vector<16xi32> to vector<16xi32>
      %swap3A_934 = vector.shape_cast %and3A_930 : vector<16xi32> to vector<16xi32>
      tpu.vector_store %arg7[%swap3A_931], %swap3A_934 {strides = array<i32>} : memref<128xi32, #tpu.memory_space<vmem>>, vector<16xi32>,
      %shift_right_logical3A_935 = arith.constant 16 : i32
      %shift_right_logical3A_936 = vector.broadcast %shift_right_logical3A_935 : i32 to vector<16xi32>
      %shift_right_logical3A_937 = arith.shrui %get3A_927, %shift_right_logical3A_936 : vector<16xi32>
      %swap3A_938 = arith.constant 80 : index
      %swap3A_939 = tpu.vector_load %arg9[%swap3A_938] {strides = array<i32>} : memref<128xi32, #tpu.memory_space<vmem>>, vector<16xi32>,
      %swap3A_940 = vector.shape_cast %swap3A_939 : vector<16xi32> to vector<16xi32>
      %swap3A_941 = vector.shape_cast %shift_right_logical3A_937 : vector<16xi32> to vector<16xi32>
      tpu.vector_store %arg9[%swap3A_938], %swap3A_941 {strides = array<i32>} : memref<128xi32, #tpu.memory_space<vmem>>, vector<16xi32>,
      %get3A_942 = arith.index_cast %min3A_833 : i32 to index
      %get3A_943 = arith.constant 96 : index
      %get3A_944 = tpu.vector_load %arg5[%get3A_942, %get3A_943] {strides = array<i32>} : memref<120x128xi32, #tpu.memory_space<vmem>>, vector<1x16xi32>,
      %get3A_945 = vector.shape_cast %get3A_944 : vector<1x16xi32> to vector<16xi32>
      %and3A_946 = arith.constant 65535 : i32
      %and3A_947 = vector.broadcast %and3A_946 : i32 to vector<16xi32>
      %and3A_948 = arith.andi %get3A_945, %and3A_947 : vector<16xi32>
      %swap3A_949 = arith.constant 96 : index
      %swap3A_950 = tpu.vector_load %arg7[%swap3A_949] {strides = array<i32>} : memref<128xi32, #tpu.memory_space<vmem>>, vector<16xi32>,
      %swap3A_951 = vector.shape_cast %swap3A_950 : vector<16xi32> to vector<16xi32>
      %swap3A_952 = vector.shape_cast %and3A_948 : vector<16xi32> to vector<16xi32>
      tpu.vector_store %arg7[%swap3A_949], %swap3A_952 {strides = array<i32>} : memref<128xi32, #tpu.memory_space<vmem>>, vector<16xi32>,
      %shift_right_logical3A_953 = arith.constant 16 : i32
      %shift_right_logical3A_954 = vector.broadcast %shift_right_logical3A_953 : i32 to vector<16xi32>
      %shift_right_logical3A_955 = arith.shrui %get3A_945, %shift_right_logical3A_954 : vector<16xi32>
      %swap3A_956 = arith.constant 96 : index
      %swap3A_957 = tpu.vector_load %arg9[%swap3A_956] {strides = array<i32>} : memref<128xi32, #tpu.memory_space<vmem>>, vector<16xi32>,
      %swap3A_958 = vector.shape_cast %swap3A_957 : vector<16xi32> to vector<16xi32>
      %swap3A_959 = vector.shape_cast %shift_right_logical3A_955 : vector<16xi32> to vector<16xi32>
      tpu.vector_store %arg9[%swap3A_956], %swap3A_959 {strides = array<i32>} : memref<128xi32, #tpu.memory_space<vmem>>, vector<16xi32>,
      %get3A_960 = arith.index_cast %min3A_833 : i32 to index
      %get3A_961 = arith.constant 112 : index
      %get3A_962 = tpu.vector_load %arg5[%get3A_960, %get3A_961] {strides = array<i32>} : memref<120x128xi32, #tpu.memory_space<vmem>>, vector<1x16xi32>,
      %get3A_963 = vector.shape_cast %get3A_962 : vector<1x16xi32> to vector<16xi32>
      %and3A_964 = arith.constant 65535 : i32
      %and3A_965 = vector.broadcast %and3A_964 : i32 to vector<16xi32>
      %and3A_966 = arith.andi %get3A_963, %and3A_965 : vector<16xi32>
      %swap3A_967 = arith.constant 112 : index
      %swap3A_968 = tpu.vector_load %arg7[%swap3A_967] {strides = array<i32>} : memref<128xi32, #tpu.memory_space<vmem>>, vector<16xi32>,
      %swap3A_969 = vector.shape_cast %swap3A_968 : vector<16xi32> to vector<16xi32>
      %swap3A_970 = vector.shape_cast %and3A_966 : vector<16xi32> to vector<16xi32>
      tpu.vector_store %arg7[%swap3A_967], %swap3A_970 {strides = array<i32>} : memref<128xi32, #tpu.memory_space<vmem>>, vector<16xi32>,
      %shift_right_logical3A_971 = arith.constant 16 : i32
      %shift_right_logical3A_972 = vector.broadcast %shift_right_logical3A_971 : i32 to vector<16xi32>
      %shift_right_logical3A_973 = arith.shrui %get3A_963, %shift_right_logical3A_972 : vector<16xi32>
      %swap3A_974 = arith.constant 112 : index
      %swap3A_975 = tpu.vector_load %arg9[%swap3A_974] {strides = array<i32>} : memref<128xi32, #tpu.memory_space<vmem>>, vector<16xi32>,
      %swap3A_976 = vector.shape_cast %swap3A_975 : vector<16xi32> to vector<16xi32>
      %swap3A_977 = vector.shape_cast %shift_right_logical3A_973 : vector<16xi32> to vector<16xi32>
      tpu.vector_store %arg9[%swap3A_974], %swap3A_977 {strides = array<i32>} : memref<128xi32, #tpu.memory_space<vmem>>, vector<16xi32>,
      %dma_start3A_978 = arith.constant 0 : i32
      %dma_start3A_979 = arith.constant 0 : i32
      %dma_start3A_980 = tpu.memref_slice %arg2[%dma_start3A_978, %dma_start3A_979] : memref<10000x128xf32, #tpu.memory_space<hbm>> -> memref<10000x128xf32, #tpu.memory_space<hbm>>
      tpu.enqueue_indirect_dma source(%dma_start3A_980 : memref<10000x128xf32, #tpu.memory_space<hbm>>) target(%arg11 : memref<128x128xf32, #tpu.memory_space<vmem>>) offsets(%arg7 : memref<128xi32, #tpu.memory_space<vmem>>) semaphore(%arg14 : memref<!tpu.dma_semaphore, #tpu.memory_space<semaphore_mem>>)
    }
    %while3A_454 = arith.constant 1 : i32
    scf.for %while3A_672 = %while3A_452 to %while3A_448 step %while3A_454  : i32 {
      %mul3A_673 = arith.constant 2 : i32
      %mul3A_674 = arith.muli %while3A_672, %mul3A_673 : i32
      %dma_wait3A_675 = arith.constant 0 : i32
      %dma_wait3A_676 = arith.constant 0 : i32
      %dma_wait3A_677 = tpu.memref_slice %arg2[%dma_wait3A_675, %dma_wait3A_676] : memref<10000x128xf32, #tpu.memory_space<hbm>> -> memref<10000x128xf32, #tpu.memory_space<hbm>>
      tpu.wait_indirect_dma semaphore(%arg13 : memref<!tpu.dma_semaphore, #tpu.memory_space<semaphore_mem>>) src(%dma_wait3A_677 : memref<10000x128xf32, #tpu.memory_space<hbm>>) dst(%arg10 : memref<128x128xf32, #tpu.memory_space<vmem>>)
      "tpu.region"() ({
        %run_scoped3A = tpu.sem_alloc : memref<!tpu.dma_semaphore, #tpu.memory_space<semaphore_mem>>
        %dma_start3A_981 = arith.constant 0 : i32
        %dma_start3A_982 = arith.constant 0 : i32
        %dma_start3A_983 = tpu.memref_slice %arg12[%dma_start3A_981, %dma_start3A_982] : memref<10112x128xf32, #tpu.memory_space<vmem_shared>> -> memref<10112x128xf32, #tpu.memory_space<vmem_shared>>
        tpu.enqueue_indirect_dma source(%arg10 : memref<128x128xf32, #tpu.memory_space<vmem>>) target(%dma_start3A_983 : memref<10112x128xf32, #tpu.memory_space<vmem_shared>>) offsets(%arg8 : memref<128xi32, #tpu.memory_space<vmem>>) semaphore(%run_scoped3A : memref<!tpu.dma_semaphore, #tpu.memory_space<semaphore_mem>>) {add = true}
        %dma_wait3A_984 = arith.constant 0 : i32
        %dma_wait3A_985 = arith.constant 0 : i32
        %dma_wait3A_986 = tpu.memref_slice %arg12[%dma_wait3A_984, %dma_wait3A_985] : memref<10112x128xf32, #tpu.memory_space<vmem_shared>> -> memref<10112x128xf32, #tpu.memory_space<vmem_shared>>
        tpu.wait_indirect_dma semaphore(%run_scoped3A : memref<!tpu.dma_semaphore, #tpu.memory_space<semaphore_mem>>) src(%arg10 : memref<128x128xf32, #tpu.memory_space<vmem>>) dst(%dma_wait3A_986 : memref<10112x128xf32, #tpu.memory_space<vmem_shared>>)
        tpu.yield
      }) : () -> ()
      %add3A_678 = arith.constant 2 : i32
      %add3A_679 = arith.addi %mul3A_674, %add3A_678 : i32
      %min3A_680 = arith.minsi %add3A_679, %sub3A_2 : i32
      %get3A_681 = arith.index_cast %min3A_680 : i32 to index
      %get3A_682 = arith.constant 0 : index
      %get3A_683 = tpu.vector_load %arg5[%get3A_681, %get3A_682] {strides = array<i32>} : memref<120x128xi32, #tpu.memory_space<vmem>>, vector<1x16xi32>,
      %get3A_684 = vector.shape_cast %get3A_683 : vector<1x16xi32> to vector<16xi32>
      %and3A_685 = arith.constant 65535 : i32
      %and3A_686 = vector.broadcast %and3A_685 : i32 to vector<16xi32>
      %and3A_687 = arith.andi %get3A_684, %and3A_686 : vector<16xi32>
      %swap3A_688 = arith.constant 0 : index
      %swap3A_689 = tpu.vector_load %arg6[%swap3A_688] {strides = array<i32>} : memref<128xi32, #tpu.memory_space<vmem>>, vector<16xi32>,
      %swap3A_690 = vector.shape_cast %swap3A_689 : vector<16xi32> to vector<16xi32>
      %swap3A_691 = vector.shape_cast %and3A_687 : vector<16xi32> to vector<16xi32>
      tpu.vector_store %arg6[%swap3A_688], %swap3A_691 {strides = array<i32>} : memref<128xi32, #tpu.memory_space<vmem>>, vector<16xi32>,
      %shift_right_logical3A_692 = arith.constant 16 : i32
      %shift_right_logical3A_693 = vector.broadcast %shift_right_logical3A_692 : i32 to vector<16xi32>
      %shift_right_logical3A_694 = arith.shrui %get3A_684, %shift_right_logical3A_693 : vector<16xi32>
      %swap3A_695 = arith.constant 0 : index
      %swap3A_696 = tpu.vector_load %arg8[%swap3A_695] {strides = array<i32>} : memref<128xi32, #tpu.memory_space<vmem>>, vector<16xi32>,
      %swap3A_697 = vector.shape_cast %swap3A_696 : vector<16xi32> to vector<16xi32>
      %swap3A_698 = vector.shape_cast %shift_right_logical3A_694 : vector<16xi32> to vector<16xi32>
      tpu.vector_store %arg8[%swap3A_695], %swap3A_698 {strides = array<i32>} : memref<128xi32, #tpu.memory_space<vmem>>, vector<16xi32>,
      %get3A_699 = arith.index_cast %min3A_680 : i32 to index
      %get3A_700 = arith.constant 16 : index
      %get3A_701 = tpu.vector_load %arg5[%get3A_699, %get3A_700] {strides = array<i32>} : memref<120x128xi32, #tpu.memory_space<vmem>>, vector<1x16xi32>,
      %get3A_702 = vector.shape_cast %get3A_701 : vector<1x16xi32> to vector<16xi32>
      %and3A_703 = arith.constant 65535 : i32
      %and3A_704 = vector.broadcast %and3A_703 : i32 to vector<16xi32>
      %and3A_705 = arith.andi %get3A_702, %and3A_704 : vector<16xi32>
      %swap3A_706 = arith.constant 16 : index
      %swap3A_707 = tpu.vector_load %arg6[%swap3A_706] {strides = array<i32>} : memref<128xi32, #tpu.memory_space<vmem>>, vector<16xi32>,
      %swap3A_708 = vector.shape_cast %swap3A_707 : vector<16xi32> to vector<16xi32>
      %swap3A_709 = vector.shape_cast %and3A_705 : vector<16xi32> to vector<16xi32>
      tpu.vector_store %arg6[%swap3A_706], %swap3A_709 {strides = array<i32>} : memref<128xi32, #tpu.memory_space<vmem>>, vector<16xi32>,
      %shift_right_logical3A_710 = arith.constant 16 : i32
      %shift_right_logical3A_711 = vector.broadcast %shift_right_logical3A_710 : i32 to vector<16xi32>
      %shift_right_logical3A_712 = arith.shrui %get3A_702, %shift_right_logical3A_711 : vector<16xi32>
      %swap3A_713 = arith.constant 16 : index
      %swap3A_714 = tpu.vector_load %arg8[%swap3A_713] {strides = array<i32>} : memref<128xi32, #tpu.memory_space<vmem>>, vector<16xi32>,
      %swap3A_715 = vector.shape_cast %swap3A_714 : vector<16xi32> to vector<16xi32>
      %swap3A_716 = vector.shape_cast %shift_right_logical3A_712 : vector<16xi32> to vector<16xi32>
      tpu.vector_store %arg8[%swap3A_713], %swap3A_716 {strides = array<i32>} : memref<128xi32, #tpu.memory_space<vmem>>, vector<16xi32>,
      %get3A_717 = arith.index_cast %min3A_680 : i32 to index
      %get3A_718 = arith.constant 32 : index
      %get3A_719 = tpu.vector_load %arg5[%get3A_717, %get3A_718] {strides = array<i32>} : memref<120x128xi32, #tpu.memory_space<vmem>>, vector<1x16xi32>,
      %get3A_720 = vector.shape_cast %get3A_719 : vector<1x16xi32> to vector<16xi32>
      %and3A_721 = arith.constant 65535 : i32
      %and3A_722 = vector.broadcast %and3A_721 : i32 to vector<16xi32>
      %and3A_723 = arith.andi %get3A_720, %and3A_722 : vector<16xi32>
      %swap3A_724 = arith.constant 32 : index
      %swap3A_725 = tpu.vector_load %arg6[%swap3A_724] {strides = array<i32>} : memref<128xi32, #tpu.memory_space<vmem>>, vector<16xi32>,
      %swap3A_726 = vector.shape_cast %swap3A_725 : vector<16xi32> to vector<16xi32>
      %swap3A_727 = vector.shape_cast %and3A_723 : vector<16xi32> to vector<16xi32>
      tpu.vector_store %arg6[%swap3A_724], %swap3A_727 {strides = array<i32>} : memref<128xi32, #tpu.memory_space<vmem>>, vector<16xi32>,
      %shift_right_logical3A_728 = arith.constant 16 : i32
      %shift_right_logical3A_729 = vector.broadcast %shift_right_logical3A_728 : i32 to vector<16xi32>
      %shift_right_logical3A_730 = arith.shrui %get3A_720, %shift_right_logical3A_729 : vector<16xi32>
      %swap3A_731 = arith.constant 32 : index
      %swap3A_732 = tpu.vector_load %arg8[%swap3A_731] {strides = array<i32>} : memref<128xi32, #tpu.memory_space<vmem>>, vector<16xi32>,
      %swap3A_733 = vector.shape_cast %swap3A_732 : vector<16xi32> to vector<16xi32>
      %swap3A_734 = vector.shape_cast %shift_right_logical3A_730 : vector<16xi32> to vector<16xi32>
      tpu.vector_store %arg8[%swap3A_731], %swap3A_734 {strides = array<i32>} : memref<128xi32, #tpu.memory_space<vmem>>, vector<16xi32>,
      %get3A_735 = arith.index_cast %min3A_680 : i32 to index
      %get3A_736 = arith.constant 48 : index
      %get3A_737 = tpu.vector_load %arg5[%get3A_735, %get3A_736] {strides = array<i32>} : memref<120x128xi32, #tpu.memory_space<vmem>>, vector<1x16xi32>,
      %get3A_738 = vector.shape_cast %get3A_737 : vector<1x16xi32> to vector<16xi32>
      %and3A_739 = arith.constant 65535 : i32
      %and3A_740 = vector.broadcast %and3A_739 : i32 to vector<16xi32>
      %and3A_741 = arith.andi %get3A_738, %and3A_740 : vector<16xi32>
      %swap3A_742 = arith.constant 48 : index
      %swap3A_743 = tpu.vector_load %arg6[%swap3A_742] {strides = array<i32>} : memref<128xi32, #tpu.memory_space<vmem>>, vector<16xi32>,
      %swap3A_744 = vector.shape_cast %swap3A_743 : vector<16xi32> to vector<16xi32>
      %swap3A_745 = vector.shape_cast %and3A_741 : vector<16xi32> to vector<16xi32>
      tpu.vector_store %arg6[%swap3A_742], %swap3A_745 {strides = array<i32>} : memref<128xi32, #tpu.memory_space<vmem>>, vector<16xi32>,
      %shift_right_logical3A_746 = arith.constant 16 : i32
      %shift_right_logical3A_747 = vector.broadcast %shift_right_logical3A_746 : i32 to vector<16xi32>
      %shift_right_logical3A_748 = arith.shrui %get3A_738, %shift_right_logical3A_747 : vector<16xi32>
      %swap3A_749 = arith.constant 48 : index
      %swap3A_750 = tpu.vector_load %arg8[%swap3A_749] {strides = array<i32>} : memref<128xi32, #tpu.memory_space<vmem>>, vector<16xi32>,
      %swap3A_751 = vector.shape_cast %swap3A_750 : vector<16xi32> to vector<16xi32>
      %swap3A_752 = vector.shape_cast %shift_right_logical3A_748 : vector<16xi32> to vector<16xi32>
      tpu.vector_store %arg8[%swap3A_749], %swap3A_752 {strides = array<i32>} : memref<128xi32, #tpu.memory_space<vmem>>, vector<16xi32>,
      %get3A_753 = arith.index_cast %min3A_680 : i32 to index
      %get3A_754 = arith.constant 64 : index
      %get3A_755 = tpu.vector_load %arg5[%get3A_753, %get3A_754] {strides = array<i32>} : memref<120x128xi32, #tpu.memory_space<vmem>>, vector<1x16xi32>,
      %get3A_756 = vector.shape_cast %get3A_755 : vector<1x16xi32> to vector<16xi32>
      %and3A_757 = arith.constant 65535 : i32
      %and3A_758 = vector.broadcast %and3A_757 : i32 to vector<16xi32>
      %and3A_759 = arith.andi %get3A_756, %and3A_758 : vector<16xi32>
      %swap3A_760 = arith.constant 64 : index
      %swap3A_761 = tpu.vector_load %arg6[%swap3A_760] {strides = array<i32>} : memref<128xi32, #tpu.memory_space<vmem>>, vector<16xi32>,
      %swap3A_762 = vector.shape_cast %swap3A_761 : vector<16xi32> to vector<16xi32>
      %swap3A_763 = vector.shape_cast %and3A_759 : vector<16xi32> to vector<16xi32>
      tpu.vector_store %arg6[%swap3A_760], %swap3A_763 {strides = array<i32>} : memref<128xi32, #tpu.memory_space<vmem>>, vector<16xi32>,
      %shift_right_logical3A_764 = arith.constant 16 : i32
      %shift_right_logical3A_765 = vector.broadcast %shift_right_logical3A_764 : i32 to vector<16xi32>
      %shift_right_logical3A_766 = arith.shrui %get3A_756, %shift_right_logical3A_765 : vector<16xi32>
      %swap3A_767 = arith.constant 64 : index
      %swap3A_768 = tpu.vector_load %arg8[%swap3A_767] {strides = array<i32>} : memref<128xi32, #tpu.memory_space<vmem>>, vector<16xi32>,
      %swap3A_769 = vector.shape_cast %swap3A_768 : vector<16xi32> to vector<16xi32>
      %swap3A_770 = vector.shape_cast %shift_right_logical3A_766 : vector<16xi32> to vector<16xi32>
      tpu.vector_store %arg8[%swap3A_767], %swap3A_770 {strides = array<i32>} : memref<128xi32, #tpu.memory_space<vmem>>, vector<16xi32>,
      %get3A_771 = arith.index_cast %min3A_680 : i32 to index
      %get3A_772 = arith.constant 80 : index
      %get3A_773 = tpu.vector_load %arg5[%get3A_771, %get3A_772] {strides = array<i32>} : memref<120x128xi32, #tpu.memory_space<vmem>>, vector<1x16xi32>,
      %get3A_774 = vector.shape_cast %get3A_773 : vector<1x16xi32> to vector<16xi32>
      %and3A_775 = arith.constant 65535 : i32
      %and3A_776 = vector.broadcast %and3A_775 : i32 to vector<16xi32>
      %and3A_777 = arith.andi %get3A_774, %and3A_776 : vector<16xi32>
      %swap3A_778 = arith.constant 80 : index
      %swap3A_779 = tpu.vector_load %arg6[%swap3A_778] {strides = array<i32>} : memref<128xi32, #tpu.memory_space<vmem>>, vector<16xi32>,
      %swap3A_780 = vector.shape_cast %swap3A_779 : vector<16xi32> to vector<16xi32>
      %swap3A_781 = vector.shape_cast %and3A_777 : vector<16xi32> to vector<16xi32>
      tpu.vector_store %arg6[%swap3A_778], %swap3A_781 {strides = array<i32>} : memref<128xi32, #tpu.memory_space<vmem>>, vector<16xi32>,
      %shift_right_logical3A_782 = arith.constant 16 : i32
      %shift_right_logical3A_783 = vector.broadcast %shift_right_logical3A_782 : i32 to vector<16xi32>
      %shift_right_logical3A_784 = arith.shrui %get3A_774, %shift_right_logical3A_783 : vector<16xi32>
      %swap3A_785 = arith.constant 80 : index
      %swap3A_786 = tpu.vector_load %arg8[%swap3A_785] {strides = array<i32>} : memref<128xi32, #tpu.memory_space<vmem>>, vector<16xi32>,
      %swap3A_787 = vector.shape_cast %swap3A_786 : vector<16xi32> to vector<16xi32>
      %swap3A_788 = vector.shape_cast %shift_right_logical3A_784 : vector<16xi32> to vector<16xi32>
      tpu.vector_store %arg8[%swap3A_785], %swap3A_788 {strides = array<i32>} : memref<128xi32, #tpu.memory_space<vmem>>, vector<16xi32>,
      %get3A_789 = arith.index_cast %min3A_680 : i32 to index
      %get3A_790 = arith.constant 96 : index
      %get3A_791 = tpu.vector_load %arg5[%get3A_789, %get3A_790] {strides = array<i32>} : memref<120x128xi32, #tpu.memory_space<vmem>>, vector<1x16xi32>,
      %get3A_792 = vector.shape_cast %get3A_791 : vector<1x16xi32> to vector<16xi32>
      %and3A_793 = arith.constant 65535 : i32
      %and3A_794 = vector.broadcast %and3A_793 : i32 to vector<16xi32>
      %and3A_795 = arith.andi %get3A_792, %and3A_794 : vector<16xi32>
      %swap3A_796 = arith.constant 96 : index
      %swap3A_797 = tpu.vector_load %arg6[%swap3A_796] {strides = array<i32>} : memref<128xi32, #tpu.memory_space<vmem>>, vector<16xi32>,
      %swap3A_798 = vector.shape_cast %swap3A_797 : vector<16xi32> to vector<16xi32>
      %swap3A_799 = vector.shape_cast %and3A_795 : vector<16xi32> to vector<16xi32>
      tpu.vector_store %arg6[%swap3A_796], %swap3A_799 {strides = array<i32>} : memref<128xi32, #tpu.memory_space<vmem>>, vector<16xi32>,
      %shift_right_logical3A_800 = arith.constant 16 : i32
      %shift_right_logical3A_801 = vector.broadcast %shift_right_logical3A_800 : i32 to vector<16xi32>
      %shift_right_logical3A_802 = arith.shrui %get3A_792, %shift_right_logical3A_801 : vector<16xi32>
      %swap3A_803 = arith.constant 96 : index
      %swap3A_804 = tpu.vector_load %arg8[%swap3A_803] {strides = array<i32>} : memref<128xi32, #tpu.memory_space<vmem>>, vector<16xi32>,
      %swap3A_805 = vector.shape_cast %swap3A_804 : vector<16xi32> to vector<16xi32>
      %swap3A_806 = vector.shape_cast %shift_right_logical3A_802 : vector<16xi32> to vector<16xi32>
      tpu.vector_store %arg8[%swap3A_803], %swap3A_806 {strides = array<i32>} : memref<128xi32, #tpu.memory_space<vmem>>, vector<16xi32>,
      %get3A_807 = arith.index_cast %min3A_680 : i32 to index
      %get3A_808 = arith.constant 112 : index
      %get3A_809 = tpu.vector_load %arg5[%get3A_807, %get3A_808] {strides = array<i32>} : memref<120x128xi32, #tpu.memory_space<vmem>>, vector<1x16xi32>,
      %get3A_810 = vector.shape_cast %get3A_809 : vector<1x16xi32> to vector<16xi32>
      %and3A_811 = arith.constant 65535 : i32
      %and3A_812 = vector.broadcast %and3A_811 : i32 to vector<16xi32>
      %and3A_813 = arith.andi %get3A_810, %and3A_812 : vector<16xi32>
      %swap3A_814 = arith.constant 112 : index
      %swap3A_815 = tpu.vector_load %arg6[%swap3A_814] {strides = array<i32>} : memref<128xi32, #tpu.memory_space<vmem>>, vector<16xi32>,
      %swap3A_816 = vector.shape_cast %swap3A_815 : vector<16xi32> to vector<16xi32>
      %swap3A_817 = vector.shape_cast %and3A_813 : vector<16xi32> to vector<16xi32>
      tpu.vector_store %arg6[%swap3A_814], %swap3A_817 {strides = array<i32>} : memref<128xi32, #tpu.memory_space<vmem>>, vector<16xi32>,
      %shift_right_logical3A_818 = arith.constant 16 : i32
      %shift_right_logical3A_819 = vector.broadcast %shift_right_logical3A_818 : i32 to vector<16xi32>
      %shift_right_logical3A_820 = arith.shrui %get3A_810, %shift_right_logical3A_819 : vector<16xi32>
      %swap3A_821 = arith.constant 112 : index
      %swap3A_822 = tpu.vector_load %arg8[%swap3A_821] {strides = array<i32>} : memref<128xi32, #tpu.memory_space<vmem>>, vector<16xi32>,
      %swap3A_823 = vector.shape_cast %swap3A_822 : vector<16xi32> to vector<16xi32>
      %swap3A_824 = vector.shape_cast %shift_right_logical3A_820 : vector<16xi32> to vector<16xi32>
      tpu.vector_store %arg8[%swap3A_821], %swap3A_824 {strides = array<i32>} : memref<128xi32, #tpu.memory_space<vmem>>, vector<16xi32>,
      %dma_start3A_825 = arith.constant 0 : i32
      %dma_start3A_826 = arith.constant 0 : i32
      %dma_start3A_827 = tpu.memref_slice %arg2[%dma_start3A_825, %dma_start3A_826] : memref<10000x128xf32, #tpu.memory_space<hbm>> -> memref<10000x128xf32, #tpu.memory_space<hbm>>
      tpu.enqueue_indirect_dma source(%dma_start3A_827 : memref<10000x128xf32, #tpu.memory_space<hbm>>) target(%arg10 : memref<128x128xf32, #tpu.memory_space<vmem>>) offsets(%arg6 : memref<128xi32, #tpu.memory_space<vmem>>) semaphore(%arg13 : memref<!tpu.dma_semaphore, #tpu.memory_space<semaphore_mem>>)
      %dma_wait3A_828 = arith.constant 0 : i32
      %dma_wait3A_829 = arith.constant 0 : i32
      %dma_wait3A_830 = tpu.memref_slice %arg2[%dma_wait3A_828, %dma_wait3A_829] : memref<10000x128xf32, #tpu.memory_space<hbm>> -> memref<10000x128xf32, #tpu.memory_space<hbm>>
      tpu.wait_indirect_dma semaphore(%arg14 : memref<!tpu.dma_semaphore, #tpu.memory_space<semaphore_mem>>) src(%dma_wait3A_830 : memref<10000x128xf32, #tpu.memory_space<hbm>>) dst(%arg11 : memref<128x128xf32, #tpu.memory_space<vmem>>)
      "tpu.region"() ({
        %run_scoped3A = tpu.sem_alloc : memref<!tpu.dma_semaphore, #tpu.memory_space<semaphore_mem>>
        %dma_start3A_981 = arith.constant 0 : i32
        %dma_start3A_982 = arith.constant 0 : i32
        %dma_start3A_983 = tpu.memref_slice %arg12[%dma_start3A_981, %dma_start3A_982] : memref<10112x128xf32, #tpu.memory_space<vmem_shared>> -> memref<10112x128xf32, #tpu.memory_space<vmem_shared>>
        tpu.enqueue_indirect_dma source(%arg11 : memref<128x128xf32, #tpu.memory_space<vmem>>) target(%dma_start3A_983 : memref<10112x128xf32, #tpu.memory_space<vmem_shared>>) offsets(%arg9 : memref<128xi32, #tpu.memory_space<vmem>>) semaphore(%run_scoped3A : memref<!tpu.dma_semaphore, #tpu.memory_space<semaphore_mem>>) {add = true}
        %dma_wait3A_984 = arith.constant 0 : i32
        %dma_wait3A_985 = arith.constant 0 : i32
        %dma_wait3A_986 = tpu.memref_slice %arg12[%dma_wait3A_984, %dma_wait3A_985] : memref<10112x128xf32, #tpu.memory_space<vmem_shared>> -> memref<10112x128xf32, #tpu.memory_space<vmem_shared>>
        tpu.wait_indirect_dma semaphore(%run_scoped3A : memref<!tpu.dma_semaphore, #tpu.memory_space<semaphore_mem>>) src(%arg11 : memref<128x128xf32, #tpu.memory_space<vmem>>) dst(%dma_wait3A_986 : memref<10112x128xf32, #tpu.memory_space<vmem_shared>>)
        tpu.yield
      }) : () -> ()
      %add3A_831 = arith.constant 3 : i32
      %add3A_832 = arith.addi %mul3A_674, %add3A_831 : i32
      %min3A_833 = arith.minsi %add3A_832, %sub3A_2 : i32
      %get3A_834 = arith.index_cast %min3A_833 : i32 to index
      %get3A_835 = arith.constant 0 : index
      %get3A_836 = tpu.vector_load %arg5[%get3A_834, %get3A_835] {strides = array<i32>} : memref<120x128xi32, #tpu.memory_space<vmem>>, vector<1x16xi32>,
      %get3A_837 = vector.shape_cast %get3A_836 : vector<1x16xi32> to vector<16xi32>
      %and3A_838 = arith.constant 65535 : i32
      %and3A_839 = vector.broadcast %and3A_838 : i32 to vector<16xi32>
      %and3A_840 = arith.andi %get3A_837, %and3A_839 : vector<16xi32>
      %swap3A_841 = arith.constant 0 : index
      %swap3A_842 = tpu.vector_load %arg7[%swap3A_841] {strides = array<i32>} : memref<128xi32, #tpu.memory_space<vmem>>, vector<16xi32>,
      %swap3A_843 = vector.shape_cast %swap3A_842 : vector<16xi32> to vector<16xi32>
      %swap3A_844 = vector.shape_cast %and3A_840 : vector<16xi32> to vector<16xi32>
      tpu.vector_store %arg7[%swap3A_841], %swap3A_844 {strides = array<i32>} : memref<128xi32, #tpu.memory_space<vmem>>, vector<16xi32>,
      %shift_right_logical3A_845 = arith.constant 16 : i32
      %shift_right_logical3A_846 = vector.broadcast %shift_right_logical3A_845 : i32 to vector<16xi32>
      %shift_right_logical3A_847 = arith.shrui %get3A_837, %shift_right_logical3A_846 : vector<16xi32>
      %swap3A_848 = arith.constant 0 : index
      %swap3A_849 = tpu.vector_load %arg9[%swap3A_848] {strides = array<i32>} : memref<128xi32, #tpu.memory_space<vmem>>, vector<16xi32>,
      %swap3A_850 = vector.shape_cast %swap3A_849 : vector<16xi32> to vector<16xi32>
      %swap3A_851 = vector.shape_cast %shift_right_logical3A_847 : vector<16xi32> to vector<16xi32>
      tpu.vector_store %arg9[%swap3A_848], %swap3A_851 {strides = array<i32>} : memref<128xi32, #tpu.memory_space<vmem>>, vector<16xi32>,
      %get3A_852 = arith.index_cast %min3A_833 : i32 to index
      %get3A_853 = arith.constant 16 : index
      %get3A_854 = tpu.vector_load %arg5[%get3A_852, %get3A_853] {strides = array<i32>} : memref<120x128xi32, #tpu.memory_space<vmem>>, vector<1x16xi32>,
      %get3A_855 = vector.shape_cast %get3A_854 : vector<1x16xi32> to vector<16xi32>
      %and3A_856 = arith.constant 65535 : i32
      %and3A_857 = vector.broadcast %and3A_856 : i32 to vector<16xi32>
      %and3A_858 = arith.andi %get3A_855, %and3A_857 : vector<16xi32>
      %swap3A_859 = arith.constant 16 : index
      %swap3A_860 = tpu.vector_load %arg7[%swap3A_859] {strides = array<i32>} : memref<128xi32, #tpu.memory_space<vmem>>, vector<16xi32>,
      %swap3A_861 = vector.shape_cast %swap3A_860 : vector<16xi32> to vector<16xi32>
      %swap3A_862 = vector.shape_cast %and3A_858 : vector<16xi32> to vector<16xi32>
      tpu.vector_store %arg7[%swap3A_859], %swap3A_862 {strides = array<i32>} : memref<128xi32, #tpu.memory_space<vmem>>, vector<16xi32>,
      %shift_right_logical3A_863 = arith.constant 16 : i32
      %shift_right_logical3A_864 = vector.broadcast %shift_right_logical3A_863 : i32 to vector<16xi32>
      %shift_right_logical3A_865 = arith.shrui %get3A_855, %shift_right_logical3A_864 : vector<16xi32>
      %swap3A_866 = arith.constant 16 : index
      %swap3A_867 = tpu.vector_load %arg9[%swap3A_866] {strides = array<i32>} : memref<128xi32, #tpu.memory_space<vmem>>, vector<16xi32>,
      %swap3A_868 = vector.shape_cast %swap3A_867 : vector<16xi32> to vector<16xi32>
      %swap3A_869 = vector.shape_cast %shift_right_logical3A_865 : vector<16xi32> to vector<16xi32>
      tpu.vector_store %arg9[%swap3A_866], %swap3A_869 {strides = array<i32>} : memref<128xi32, #tpu.memory_space<vmem>>, vector<16xi32>,
      %get3A_870 = arith.index_cast %min3A_833 : i32 to index
      %get3A_871 = arith.constant 32 : index
      %get3A_872 = tpu.vector_load %arg5[%get3A_870, %get3A_871] {strides = array<i32>} : memref<120x128xi32, #tpu.memory_space<vmem>>, vector<1x16xi32>,
      %get3A_873 = vector.shape_cast %get3A_872 : vector<1x16xi32> to vector<16xi32>
      %and3A_874 = arith.constant 65535 : i32
      %and3A_875 = vector.broadcast %and3A_874 : i32 to vector<16xi32>
      %and3A_876 = arith.andi %get3A_873, %and3A_875 : vector<16xi32>
      %swap3A_877 = arith.constant 32 : index
      %swap3A_878 = tpu.vector_load %arg7[%swap3A_877] {strides = array<i32>} : memref<128xi32, #tpu.memory_space<vmem>>, vector<16xi32>,
      %swap3A_879 = vector.shape_cast %swap3A_878 : vector<16xi32> to vector<16xi32>
      %swap3A_880 = vector.shape_cast %and3A_876 : vector<16xi32> to vector<16xi32>
      tpu.vector_store %arg7[%swap3A_877], %swap3A_880 {strides = array<i32>} : memref<128xi32, #tpu.memory_space<vmem>>, vector<16xi32>,
      %shift_right_logical3A_881 = arith.constant 16 : i32
      %shift_right_logical3A_882 = vector.broadcast %shift_right_logical3A_881 : i32 to vector<16xi32>
      %shift_right_logical3A_883 = arith.shrui %get3A_873, %shift_right_logical3A_882 : vector<16xi32>
      %swap3A_884 = arith.constant 32 : index
      %swap3A_885 = tpu.vector_load %arg9[%swap3A_884] {strides = array<i32>} : memref<128xi32, #tpu.memory_space<vmem>>, vector<16xi32>,
      %swap3A_886 = vector.shape_cast %swap3A_885 : vector<16xi32> to vector<16xi32>
      %swap3A_887 = vector.shape_cast %shift_right_logical3A_883 : vector<16xi32> to vector<16xi32>
      tpu.vector_store %arg9[%swap3A_884], %swap3A_887 {strides = array<i32>} : memref<128xi32, #tpu.memory_space<vmem>>, vector<16xi32>,
      %get3A_888 = arith.index_cast %min3A_833 : i32 to index
      %get3A_889 = arith.constant 48 : index
      %get3A_890 = tpu.vector_load %arg5[%get3A_888, %get3A_889] {strides = array<i32>} : memref<120x128xi32, #tpu.memory_space<vmem>>, vector<1x16xi32>,
      %get3A_891 = vector.shape_cast %get3A_890 : vector<1x16xi32> to vector<16xi32>
      %and3A_892 = arith.constant 65535 : i32
      %and3A_893 = vector.broadcast %and3A_892 : i32 to vector<16xi32>
      %and3A_894 = arith.andi %get3A_891, %and3A_893 : vector<16xi32>
      %swap3A_895 = arith.constant 48 : index
      %swap3A_896 = tpu.vector_load %arg7[%swap3A_895] {strides = array<i32>} : memref<128xi32, #tpu.memory_space<vmem>>, vector<16xi32>,
      %swap3A_897 = vector.shape_cast %swap3A_896 : vector<16xi32> to vector<16xi32>
      %swap3A_898 = vector.shape_cast %and3A_894 : vector<16xi32> to vector<16xi32>
      tpu.vector_store %arg7[%swap3A_895], %swap3A_898 {strides = array<i32>} : memref<128xi32, #tpu.memory_space<vmem>>, vector<16xi32>,
      %shift_right_logical3A_899 = arith.constant 16 : i32
      %shift_right_logical3A_900 = vector.broadcast %shift_right_logical3A_899 : i32 to vector<16xi32>
      %shift_right_logical3A_901 = arith.shrui %get3A_891, %shift_right_logical3A_900 : vector<16xi32>
      %swap3A_902 = arith.constant 48 : index
      %swap3A_903 = tpu.vector_load %arg9[%swap3A_902] {strides = array<i32>} : memref<128xi32, #tpu.memory_space<vmem>>, vector<16xi32>,
      %swap3A_904 = vector.shape_cast %swap3A_903 : vector<16xi32> to vector<16xi32>
      %swap3A_905 = vector.shape_cast %shift_right_logical3A_901 : vector<16xi32> to vector<16xi32>
      tpu.vector_store %arg9[%swap3A_902], %swap3A_905 {strides = array<i32>} : memref<128xi32, #tpu.memory_space<vmem>>, vector<16xi32>,
      %get3A_906 = arith.index_cast %min3A_833 : i32 to index
      %get3A_907 = arith.constant 64 : index
      %get3A_908 = tpu.vector_load %arg5[%get3A_906, %get3A_907] {strides = array<i32>} : memref<120x128xi32, #tpu.memory_space<vmem>>, vector<1x16xi32>,
      %get3A_909 = vector.shape_cast %get3A_908 : vector<1x16xi32> to vector<16xi32>
      %and3A_910 = arith.constant 65535 : i32
      %and3A_911 = vector.broadcast %and3A_910 : i32 to vector<16xi32>
      %and3A_912 = arith.andi %get3A_909, %and3A_911 : vector<16xi32>
      %swap3A_913 = arith.constant 64 : index
      %swap3A_914 = tpu.vector_load %arg7[%swap3A_913] {strides = array<i32>} : memref<128xi32, #tpu.memory_space<vmem>>, vector<16xi32>,
      %swap3A_915 = vector.shape_cast %swap3A_914 : vector<16xi32> to vector<16xi32>
      %swap3A_916 = vector.shape_cast %and3A_912 : vector<16xi32> to vector<16xi32>
      tpu.vector_store %arg7[%swap3A_913], %swap3A_916 {strides = array<i32>} : memref<128xi32, #tpu.memory_space<vmem>>, vector<16xi32>,
      %shift_right_logical3A_917 = arith.constant 16 : i32
      %shift_right_logical3A_918 = vector.broadcast %shift_right_logical3A_917 : i32 to vector<16xi32>
      %shift_right_logical3A_919 = arith.shrui %get3A_909, %shift_right_logical3A_918 : vector<16xi32>
      %swap3A_920 = arith.constant 64 : index
      %swap3A_921 = tpu.vector_load %arg9[%swap3A_920] {strides = array<i32>} : memref<128xi32, #tpu.memory_space<vmem>>, vector<16xi32>,
      %swap3A_922 = vector.shape_cast %swap3A_921 : vector<16xi32> to vector<16xi32>
      %swap3A_923 = vector.shape_cast %shift_right_logical3A_919 : vector<16xi32> to vector<16xi32>
      tpu.vector_store %arg9[%swap3A_920], %swap3A_923 {strides = array<i32>} : memref<128xi32, #tpu.memory_space<vmem>>, vector<16xi32>,
      %get3A_924 = arith.index_cast %min3A_833 : i32 to index
      %get3A_925 = arith.constant 80 : index
      %get3A_926 = tpu.vector_load %arg5[%get3A_924, %get3A_925] {strides = array<i32>} : memref<120x128xi32, #tpu.memory_space<vmem>>, vector<1x16xi32>,
      %get3A_927 = vector.shape_cast %get3A_926 : vector<1x16xi32> to vector<16xi32>
      %and3A_928 = arith.constant 65535 : i32
      %and3A_929 = vector.broadcast %and3A_928 : i32 to vector<16xi32>
      %and3A_930 = arith.andi %get3A_927, %and3A_929 : vector<16xi32>
      %swap3A_931 = arith.constant 80 : index
      %swap3A_932 = tpu.vector_load %arg7[%swap3A_931] {strides = array<i32>} : memref<128xi32, #tpu.memory_space<vmem>>, vector<16xi32>,
      %swap3A_933 = vector.shape_cast %swap3A_932 : vector<16xi32> to vector<16xi32>
      %swap3A_934 = vector.shape_cast %and3A_930 : vector<16xi32> to vector<16xi32>
      tpu.vector_store %arg7[%swap3A_931], %swap3A_934 {strides = array<i32>} : memref<128xi32, #tpu.memory_space<vmem>>, vector<16xi32>,
      %shift_right_logical3A_935 = arith.constant 16 : i32
      %shift_right_logical3A_936 = vector.broadcast %shift_right_logical3A_935 : i32 to vector<16xi32>
      %shift_right_logical3A_937 = arith.shrui %get3A_927, %shift_right_logical3A_936 : vector<16xi32>
      %swap3A_938 = arith.constant 80 : index
      %swap3A_939 = tpu.vector_load %arg9[%swap3A_938] {strides = array<i32>} : memref<128xi32, #tpu.memory_space<vmem>>, vector<16xi32>,
      %swap3A_940 = vector.shape_cast %swap3A_939 : vector<16xi32> to vector<16xi32>
      %swap3A_941 = vector.shape_cast %shift_right_logical3A_937 : vector<16xi32> to vector<16xi32>
      tpu.vector_store %arg9[%swap3A_938], %swap3A_941 {strides = array<i32>} : memref<128xi32, #tpu.memory_space<vmem>>, vector<16xi32>,
      %get3A_942 = arith.index_cast %min3A_833 : i32 to index
      %get3A_943 = arith.constant 96 : index
      %get3A_944 = tpu.vector_load %arg5[%get3A_942, %get3A_943] {strides = array<i32>} : memref<120x128xi32, #tpu.memory_space<vmem>>, vector<1x16xi32>,
      %get3A_945 = vector.shape_cast %get3A_944 : vector<1x16xi32> to vector<16xi32>
      %and3A_946 = arith.constant 65535 : i32
      %and3A_947 = vector.broadcast %and3A_946 : i32 to vector<16xi32>
      %and3A_948 = arith.andi %get3A_945, %and3A_947 : vector<16xi32>
      %swap3A_949 = arith.constant 96 : index
      %swap3A_950 = tpu.vector_load %arg7[%swap3A_949] {strides = array<i32>} : memref<128xi32, #tpu.memory_space<vmem>>, vector<16xi32>,
      %swap3A_951 = vector.shape_cast %swap3A_950 : vector<16xi32> to vector<16xi32>
      %swap3A_952 = vector.shape_cast %and3A_948 : vector<16xi32> to vector<16xi32>
      tpu.vector_store %arg7[%swap3A_949], %swap3A_952 {strides = array<i32>} : memref<128xi32, #tpu.memory_space<vmem>>, vector<16xi32>,
      %shift_right_logical3A_953 = arith.constant 16 : i32
      %shift_right_logical3A_954 = vector.broadcast %shift_right_logical3A_953 : i32 to vector<16xi32>
      %shift_right_logical3A_955 = arith.shrui %get3A_945, %shift_right_logical3A_954 : vector<16xi32>
      %swap3A_956 = arith.constant 96 : index
      %swap3A_957 = tpu.vector_load %arg9[%swap3A_956] {strides = array<i32>} : memref<128xi32, #tpu.memory_space<vmem>>, vector<16xi32>,
      %swap3A_958 = vector.shape_cast %swap3A_957 : vector<16xi32> to vector<16xi32>
      %swap3A_959 = vector.shape_cast %shift_right_logical3A_955 : vector<16xi32> to vector<16xi32>
      tpu.vector_store %arg9[%swap3A_956], %swap3A_959 {strides = array<i32>} : memref<128xi32, #tpu.memory_space<vmem>>, vector<16xi32>,
      %get3A_960 = arith.index_cast %min3A_833 : i32 to index
      %get3A_961 = arith.constant 112 : index
      %get3A_962 = tpu.vector_load %arg5[%get3A_960, %get3A_961] {strides = array<i32>} : memref<120x128xi32, #tpu.memory_space<vmem>>, vector<1x16xi32>,
      %get3A_963 = vector.shape_cast %get3A_962 : vector<1x16xi32> to vector<16xi32>
      %and3A_964 = arith.constant 65535 : i32
      %and3A_965 = vector.broadcast %and3A_964 : i32 to vector<16xi32>
      %and3A_966 = arith.andi %get3A_963, %and3A_965 : vector<16xi32>
      %swap3A_967 = arith.constant 112 : index
      %swap3A_968 = tpu.vector_load %arg7[%swap3A_967] {strides = array<i32>} : memref<128xi32, #tpu.memory_space<vmem>>, vector<16xi32>,
      %swap3A_969 = vector.shape_cast %swap3A_968 : vector<16xi32> to vector<16xi32>
      %swap3A_970 = vector.shape_cast %and3A_966 : vector<16xi32> to vector<16xi32>
      tpu.vector_store %arg7[%swap3A_967], %swap3A_970 {strides = array<i32>} : memref<128xi32, #tpu.memory_space<vmem>>, vector<16xi32>,
      %shift_right_logical3A_971 = arith.constant 16 : i32
      %shift_right_logical3A_972 = vector.broadcast %shift_right_logical3A_971 : i32 to vector<16xi32>
      %shift_right_logical3A_973 = arith.shrui %get3A_963, %shift_right_logical3A_972 : vector<16xi32>
      %swap3A_974 = arith.constant 112 : index
      %swap3A_975 = tpu.vector_load %arg9[%swap3A_974] {strides = array<i32>} : memref<128xi32, #tpu.memory_space<vmem>>, vector<16xi32>,
      %swap3A_976 = vector.shape_cast %swap3A_975 : vector<16xi32> to vector<16xi32>
      %swap3A_977 = vector.shape_cast %shift_right_logical3A_973 : vector<16xi32> to vector<16xi32>
      tpu.vector_store %arg9[%swap3A_974], %swap3A_977 {strides = array<i32>} : memref<128xi32, #tpu.memory_space<vmem>>, vector<16xi32>,
      %dma_start3A_978 = arith.constant 0 : i32
      %dma_start3A_979 = arith.constant 0 : i32
      %dma_start3A_980 = tpu.memref_slice %arg2[%dma_start3A_978, %dma_start3A_979] : memref<10000x128xf32, #tpu.memory_space<hbm>> -> memref<10000x128xf32, #tpu.memory_space<hbm>>
      tpu.enqueue_indirect_dma source(%dma_start3A_980 : memref<10000x128xf32, #tpu.memory_space<hbm>>) target(%arg11 : memref<128x128xf32, #tpu.memory_space<vmem>>) offsets(%arg7 : memref<128xi32, #tpu.memory_space<vmem>>) semaphore(%arg14 : memref<!tpu.dma_semaphore, #tpu.memory_space<semaphore_mem>>)
    }
    %dma_wait3A_455 = arith.constant 0 : i32
    %dma_wait3A_456 = arith.constant 0 : i32
    %dma_wait3A_457 = tpu.memref_slice %arg2[%dma_wait3A_455, %dma_wait3A_456] : memref<10000x128xf32, #tpu.memory_space<hbm>> -> memref<10000x128xf32, #tpu.memory_space<hbm>>
    tpu.wait_indirect_dma semaphore(%arg13 : memref<!tpu.dma_semaphore, #tpu.memory_space<semaphore_mem>>) src(%dma_wait3A_457 : memref<10000x128xf32, #tpu.memory_space<hbm>>) dst(%arg10 : memref<128x128xf32, #tpu.memory_space<vmem>>)
    %dma_wait3A_458 = arith.constant 0 : i32
    %dma_wait3A_459 = arith.constant 0 : i32
    %dma_wait3A_460 = tpu.memref_slice %arg2[%dma_wait3A_458, %dma_wait3A_459] : memref<10000x128xf32, #tpu.memory_space<hbm>> -> memref<10000x128xf32, #tpu.memory_space<hbm>>
    tpu.wait_indirect_dma semaphore(%arg14 : memref<!tpu.dma_semaphore, #tpu.memory_space<semaphore_mem>>) src(%dma_wait3A_460 : memref<10000x128xf32, #tpu.memory_space<hbm>>) dst(%arg11 : memref<128x128xf32, #tpu.memory_space<vmem>>)
    %barrier3A_461 = arith.constant 0 : index
    tpu.barrier barrier_id(%barrier3A_461)
    %add3A_462 = arith.constant 0 : i32
    %add3A_463 = arith.addi %mul3A_9, %add3A_462 : i32
    "tpu.region"() ({
      %run_scoped3A = tpu.sem_alloc : memref<!tpu.dma_semaphore, #tpu.memory_space<semaphore_mem>>
      %dma_start3A_672 = arith.constant 0 : i32
      %dma_start3A_673 = arith.constant 0 : i32
      %dma_start3A_674 = tpu.memref_slice %arg10[%dma_start3A_672, %dma_start3A_673] : memref<128x128xf32, #tpu.memory_space<vmem>> -> memref<128x128xf32, #tpu.memory_space<vmem>>
      %dma_start3A_675 = arith.constant 0 : i32
      %dma_start3A_676 = tpu.memref_slice %arg12[%add3A_463, %dma_start3A_675] : memref<10112x128xf32, #tpu.memory_space<vmem_shared>> -> memref<128x128xf32, #tpu.memory_space<vmem_shared>>
      %dma_start3A_677 = arith.constant 0 : i32
      %dma_start3A_678 = arith.constant 0 : i32
      %dma_start3A_679 = tpu.memref_slice %arg10[%dma_start3A_677, %dma_start3A_678] : memref<128x128xf32, #tpu.memory_space<vmem>> -> memref<128x128xf32, #tpu.memory_space<vmem>>
      %dma_start3A_680 = arith.constant 0 : i32
      %dma_start3A_681 = tpu.memref_slice %arg12[%add3A_463, %dma_start3A_680] : memref<10112x128xf32, #tpu.memory_space<vmem_shared>> -> memref<128x128xf32, #tpu.memory_space<vmem_shared>>
      tpu.enqueue_dma source(%dma_start3A_681 : memref<128x128xf32, #tpu.memory_space<vmem_shared>>) target(%dma_start3A_679 : memref<128x128xf32, #tpu.memory_space<vmem>>) target_semaphore(%run_scoped3A : memref<!tpu.dma_semaphore, #tpu.memory_space<semaphore_mem>>)
      %dma_wait3A_682 = arith.constant 0 : i32
      %dma_wait3A_683 = arith.constant 0 : i32
      %dma_wait3A_684 = tpu.memref_slice %arg10[%dma_wait3A_682, %dma_wait3A_683] : memref<128x128xf32, #tpu.memory_space<vmem>> -> memref<128x128xf32, #tpu.memory_space<vmem>>
      %dma_wait3A_685 = arith.constant 0 : i32
      %dma_wait3A_686 = tpu.memref_slice %arg12[%add3A_463, %dma_wait3A_685] : memref<10112x128xf32, #tpu.memory_space<vmem_shared>> -> memref<128x128xf32, #tpu.memory_space<vmem_shared>>
      %dma_wait3A_687 = arith.constant 0 : i32
      %dma_wait3A_688 = arith.constant 0 : i32
      %dma_wait3A_689 = tpu.memref_slice %arg10[%dma_wait3A_687, %dma_wait3A_688] : memref<128x128xf32, #tpu.memory_space<vmem>> -> memref<128x128xf32, #tpu.memory_space<vmem>>
      %dma_wait3A_690 = arith.constant 0 : i32
      %dma_wait3A_691 = tpu.memref_slice %arg12[%add3A_463, %dma_wait3A_690] : memref<10112x128xf32, #tpu.memory_space<vmem_shared>> -> memref<128x128xf32, #tpu.memory_space<vmem_shared>>
      tpu.wait_dma2 semaphore(%run_scoped3A : memref<!tpu.dma_semaphore, #tpu.memory_space<semaphore_mem>>) src(%dma_wait3A_691 : memref<128x128xf32, #tpu.memory_space<vmem_shared>>) dst(%dma_wait3A_689 : memref<128x128xf32, #tpu.memory_space<vmem>>)
      tpu.yield
    }) : () -> ()
    %add3A_464 = arith.constant 0 : i32
    %add3A_465 = arith.addi %mul3A_9, %add3A_464 : i32
    %dma_start3A_466 = arith.constant 0 : i32
    %dma_start3A_467 = arith.constant 0 : i32
    %dma_start3A_468 = tpu.memref_slice %arg10[%dma_start3A_466, %dma_start3A_467] : memref<128x128xf32, #tpu.memory_space<vmem>> -> memref<128x128xf32, #tpu.memory_space<vmem>>
    %dma_start3A_469 = arith.constant 0 : i32
    %dma_start3A_470 = arith.constant 0 : i32
    %dma_start3A_471 = tpu.memref_slice %arg4[%arg0, %dma_start3A_469, %dma_start3A_470] : memref<2x10112x128xf32, #tpu.memory_space<hbm>> -> memref<1x10112x128xf32, #tpu.memory_space<hbm>>
    %dma_start3A_472 = tpu.memref_squeeze %dma_start3A_471 : memref<1x10112x128xf32, #tpu.memory_space<hbm>> -> memref<10112x128xf32, #tpu.memory_space<hbm>>
    %dma_start3A_473 = arith.constant 0 : i32
    %dma_start3A_474 = tpu.memref_slice %dma_start3A_472[%add3A_465, %dma_start3A_473] : memref<10112x128xf32, #tpu.memory_space<hbm>> -> memref<128x128xf32, #tpu.memory_space<hbm>>
    %dma_start3A_475 = arith.constant 0 : i32
    %dma_start3A_476 = arith.constant 0 : i32
    %dma_start3A_477 = tpu.memref_slice %arg4[%arg0, %dma_start3A_475, %dma_start3A_476] : memref<2x10112x128xf32, #tpu.memory_space<hbm>> -> memref<1x10112x128xf32, #tpu.memory_space<hbm>>
    %dma_start3A_478 = tpu.memref_squeeze %dma_start3A_477 : memref<1x10112x128xf32, #tpu.memory_space<hbm>> -> memref<10112x128xf32, #tpu.memory_space<hbm>>
    %dma_start3A_479 = arith.constant 0 : i32
    %dma_start3A_480 = tpu.memref_slice %dma_start3A_478[%add3A_465, %dma_start3A_479] : memref<10112x128xf32, #tpu.memory_space<hbm>> -> memref<128x128xf32, #tpu.memory_space<hbm>>
    %dma_start3A_481 = arith.constant 0 : i32
    %dma_start3A_482 = arith.constant 0 : i32
    %dma_start3A_483 = tpu.memref_slice %arg10[%dma_start3A_481, %dma_start3A_482] : memref<128x128xf32, #tpu.memory_space<vmem>> -> memref<128x128xf32, #tpu.memory_space<vmem>>
    tpu.enqueue_dma source(%dma_start3A_483 : memref<128x128xf32, #tpu.memory_space<vmem>>) target(%dma_start3A_480 : memref<128x128xf32, #tpu.memory_space<hbm>>) target_semaphore(%arg13 : memref<!tpu.dma_semaphore, #tpu.memory_space<semaphore_mem>>)
    %add3A_484 = arith.constant 128 : i32
    %add3A_485 = arith.addi %mul3A_9, %add3A_484 : i32
    "tpu.region"() ({
      %run_scoped3A = tpu.sem_alloc : memref<!tpu.dma_semaphore, #tpu.memory_space<semaphore_mem>>
      %dma_start3A_672 = arith.constant 0 : i32
      %dma_start3A_673 = arith.constant 0 : i32
      %dma_start3A_674 = tpu.memref_slice %arg11[%dma_start3A_672, %dma_start3A_673] : memref<128x128xf32, #tpu.memory_space<vmem>> -> memref<128x128xf32, #tpu.memory_space<vmem>>
      %dma_start3A_675 = arith.constant 0 : i32
      %dma_start3A_676 = tpu.memref_slice %arg12[%add3A_485, %dma_start3A_675] : memref<10112x128xf32, #tpu.memory_space<vmem_shared>> -> memref<128x128xf32, #tpu.memory_space<vmem_shared>>
      %dma_start3A_677 = arith.constant 0 : i32
      %dma_start3A_678 = arith.constant 0 : i32
      %dma_start3A_679 = tpu.memref_slice %arg11[%dma_start3A_677, %dma_start3A_678] : memref<128x128xf32, #tpu.memory_space<vmem>> -> memref<128x128xf32, #tpu.memory_space<vmem>>
      %dma_start3A_680 = arith.constant 0 : i32
      %dma_start3A_681 = tpu.memref_slice %arg12[%add3A_485, %dma_start3A_680] : memref<10112x128xf32, #tpu.memory_space<vmem_shared>> -> memref<128x128xf32, #tpu.memory_space<vmem_shared>>
      tpu.enqueue_dma source(%dma_start3A_681 : memref<128x128xf32, #tpu.memory_space<vmem_shared>>) target(%dma_start3A_679 : memref<128x128xf32, #tpu.memory_space<vmem>>) target_semaphore(%run_scoped3A : memref<!tpu.dma_semaphore, #tpu.memory_space<semaphore_mem>>)
      %dma_wait3A_682 = arith.constant 0 : i32
      %dma_wait3A_683 = arith.constant 0 : i32
      %dma_wait3A_684 = tpu.memref_slice %arg11[%dma_wait3A_682, %dma_wait3A_683] : memref<128x128xf32, #tpu.memory_space<vmem>> -> memref<128x128xf32, #tpu.memory_space<vmem>>
      %dma_wait3A_685 = arith.constant 0 : i32
      %dma_wait3A_686 = tpu.memref_slice %arg12[%add3A_485, %dma_wait3A_685] : memref<10112x128xf32, #tpu.memory_space<vmem_shared>> -> memref<128x128xf32, #tpu.memory_space<vmem_shared>>
      %dma_wait3A_687 = arith.constant 0 : i32
      %dma_wait3A_688 = arith.constant 0 : i32
      %dma_wait3A_689 = tpu.memref_slice %arg11[%dma_wait3A_687, %dma_wait3A_688] : memref<128x128xf32, #tpu.memory_space<vmem>> -> memref<128x128xf32, #tpu.memory_space<vmem>>
      %dma_wait3A_690 = arith.constant 0 : i32
      %dma_wait3A_691 = tpu.memref_slice %arg12[%add3A_485, %dma_wait3A_690] : memref<10112x128xf32, #tpu.memory_space<vmem_shared>> -> memref<128x128xf32, #tpu.memory_space<vmem_shared>>
      tpu.wait_dma2 semaphore(%run_scoped3A : memref<!tpu.dma_semaphore, #tpu.memory_space<semaphore_mem>>) src(%dma_wait3A_691 : memref<128x128xf32, #tpu.memory_space<vmem_shared>>) dst(%dma_wait3A_689 : memref<128x128xf32, #tpu.memory_space<vmem>>)
      tpu.yield
    }) : () -> ()
    %add3A_486 = arith.constant 128 : i32
    %add3A_487 = arith.addi %mul3A_9, %add3A_486 : i32
    %dma_start3A_488 = arith.constant 0 : i32
    %dma_start3A_489 = arith.constant 0 : i32
    %dma_start3A_490 = tpu.memref_slice %arg11[%dma_start3A_488, %dma_start3A_489] : memref<128x128xf32, #tpu.memory_space<vmem>> -> memref<128x128xf32, #tpu.memory_space<vmem>>
    %dma_start3A_491 = arith.constant 0 : i32
    %dma_start3A_492 = arith.constant 0 : i32
    %dma_start3A_493 = tpu.memref_slice %arg4[%arg0, %dma_start3A_491, %dma_start3A_492] : memref<2x10112x128xf32, #tpu.memory_space<hbm>> -> memref<1x10112x128xf32, #tpu.memory_space<hbm>>
    %dma_start3A_494 = tpu.memref_squeeze %dma_start3A_493 : memref<1x10112x128xf32, #tpu.memory_space<hbm>> -> memref<10112x128xf32, #tpu.memory_space<hbm>>
    %dma_start3A_495 = arith.constant 0 : i32
    %dma_start3A_496 = tpu.memref_slice %dma_start3A_494[%add3A_487, %dma_start3A_495] : memref<10112x128xf32, #tpu.memory_space<hbm>> -> memref<128x128xf32, #tpu.memory_space<hbm>>
    %dma_start3A_497 = arith.constant 0 : i32
    %dma_start3A_498 = arith.constant 0 : i32
    %dma_start3A_499 = tpu.memref_slice %arg4[%arg0, %dma_start3A_497, %dma_start3A_498] : memref<2x10112x128xf32, #tpu.memory_space<hbm>> -> memref<1x10112x128xf32, #tpu.memory_space<hbm>>
    %dma_start3A_500 = tpu.memref_squeeze %dma_start3A_499 : memref<1x10112x128xf32, #tpu.memory_space<hbm>> -> memref<10112x128xf32, #tpu.memory_space<hbm>>
    %dma_start3A_501 = arith.constant 0 : i32
    %dma_start3A_502 = tpu.memref_slice %dma_start3A_500[%add3A_487, %dma_start3A_501] : memref<10112x128xf32, #tpu.memory_space<hbm>> -> memref<128x128xf32, #tpu.memory_space<hbm>>
    %dma_start3A_503 = arith.constant 0 : i32
    %dma_start3A_504 = arith.constant 0 : i32
    %dma_start3A_505 = tpu.memref_slice %arg11[%dma_start3A_503, %dma_start3A_504] : memref<128x128xf32, #tpu.memory_space<vmem>> -> memref<128x128xf32, #tpu.memory_space<vmem>>
    tpu.enqueue_dma source(%dma_start3A_505 : memref<128x128xf32, #tpu.memory_space<vmem>>) target(%dma_start3A_502 : memref<128x128xf32, #tpu.memory_space<hbm>>) target_semaphore(%arg14 : memref<!tpu.dma_semaphore, #tpu.memory_space<semaphore_mem>>)
    %add3A_506 = arith.constant 0 : i32
    %add3A_507 = arith.addi %mul3A_9, %add3A_506 : i32
    %dma_wait3A_508 = arith.constant 0 : i32
    %dma_wait3A_509 = arith.constant 0 : i32
    %dma_wait3A_510 = tpu.memref_slice %arg10[%dma_wait3A_508, %dma_wait3A_509] : memref<128x128xf32, #tpu.memory_space<vmem>> -> memref<128x128xf32, #tpu.memory_space<vmem>>
    %dma_wait3A_511 = arith.constant 0 : i32
    %dma_wait3A_512 = arith.constant 0 : i32
    %dma_wait3A_513 = tpu.memref_slice %arg4[%arg0, %dma_wait3A_511, %dma_wait3A_512] : memref<2x10112x128xf32, #tpu.memory_space<hbm>> -> memref<1x10112x128xf32, #tpu.memory_space<hbm>>
    %dma_wait3A_514 = tpu.memref_squeeze %dma_wait3A_513 : memref<1x10112x128xf32, #tpu.memory_space<hbm>> -> memref<10112x128xf32, #tpu.memory_space<hbm>>
    %dma_wait3A_515 = arith.constant 0 : i32
    %dma_wait3A_516 = tpu.memref_slice %dma_wait3A_514[%add3A_507, %dma_wait3A_515] : memref<10112x128xf32, #tpu.memory_space<hbm>> -> memref<128x128xf32, #tpu.memory_space<hbm>>
    %dma_wait3A_517 = arith.constant 0 : i32
    %dma_wait3A_518 = arith.constant 0 : i32
    %dma_wait3A_519 = tpu.memref_slice %arg4[%arg0, %dma_wait3A_517, %dma_wait3A_518] : memref<2x10112x128xf32, #tpu.memory_space<hbm>> -> memref<1x10112x128xf32, #tpu.memory_space<hbm>>
    %dma_wait3A_520 = tpu.memref_squeeze %dma_wait3A_519 : memref<1x10112x128xf32, #tpu.memory_space<hbm>> -> memref<10112x128xf32, #tpu.memory_space<hbm>>
    %dma_wait3A_521 = arith.constant 0 : i32
    %dma_wait3A_522 = tpu.memref_slice %dma_wait3A_520[%add3A_507, %dma_wait3A_521] : memref<10112x128xf32, #tpu.memory_space<hbm>> -> memref<128x128xf32, #tpu.memory_space<hbm>>
    %dma_wait3A_523 = arith.constant 0 : i32
    %dma_wait3A_524 = arith.constant 0 : i32
    %dma_wait3A_525 = tpu.memref_slice %arg10[%dma_wait3A_523, %dma_wait3A_524] : memref<128x128xf32, #tpu.memory_space<vmem>> -> memref<128x128xf32, #tpu.memory_space<vmem>>
    tpu.wait_dma2 semaphore(%arg13 : memref<!tpu.dma_semaphore, #tpu.memory_space<semaphore_mem>>) src(%dma_wait3A_525 : memref<128x128xf32, #tpu.memory_space<vmem>>) dst(%dma_wait3A_522 : memref<128x128xf32, #tpu.memory_space<hbm>>)
    %add3A_526 = arith.constant 256 : i32
    %add3A_527 = arith.addi %mul3A_9, %add3A_526 : i32
    "tpu.region"() ({
      %run_scoped3A = tpu.sem_alloc : memref<!tpu.dma_semaphore, #tpu.memory_space<semaphore_mem>>
      %dma_start3A_672 = arith.constant 0 : i32
      %dma_start3A_673 = arith.constant 0 : i32
      %dma_start3A_674 = tpu.memref_slice %arg10[%dma_start3A_672, %dma_start3A_673] : memref<128x128xf32, #tpu.memory_space<vmem>> -> memref<128x128xf32, #tpu.memory_space<vmem>>
      %dma_start3A_675 = arith.constant 0 : i32
      %dma_start3A_676 = tpu.memref_slice %arg12[%add3A_527, %dma_start3A_675] : memref<10112x128xf32, #tpu.memory_space<vmem_shared>> -> memref<128x128xf32, #tpu.memory_space<vmem_shared>>
      %dma_start3A_677 = arith.constant 0 : i32
      %dma_start3A_678 = arith.constant 0 : i32
      %dma_start3A_679 = tpu.memref_slice %arg10[%dma_start3A_677, %dma_start3A_678] : memref<128x128xf32, #tpu.memory_space<vmem>> -> memref<128x128xf32, #tpu.memory_space<vmem>>
      %dma_start3A_680 = arith.constant 0 : i32
      %dma_start3A_681 = tpu.memref_slice %arg12[%add3A_527, %dma_start3A_680] : memref<10112x128xf32, #tpu.memory_space<vmem_shared>> -> memref<128x128xf32, #tpu.memory_space<vmem_shared>>
      tpu.enqueue_dma source(%dma_start3A_681 : memref<128x128xf32, #tpu.memory_space<vmem_shared>>) target(%dma_start3A_679 : memref<128x128xf32, #tpu.memory_space<vmem>>) target_semaphore(%run_scoped3A : memref<!tpu.dma_semaphore, #tpu.memory_space<semaphore_mem>>)
      %dma_wait3A_682 = arith.constant 0 : i32
      %dma_wait3A_683 = arith.constant 0 : i32
      %dma_wait3A_684 = tpu.memref_slice %arg10[%dma_wait3A_682, %dma_wait3A_683] : memref<128x128xf32, #tpu.memory_space<vmem>> -> memref<128x128xf32, #tpu.memory_space<vmem>>
      %dma_wait3A_685 = arith.constant 0 : i32
      %dma_wait3A_686 = tpu.memref_slice %arg12[%add3A_527, %dma_wait3A_685] : memref<10112x128xf32, #tpu.memory_space<vmem_shared>> -> memref<128x128xf32, #tpu.memory_space<vmem_shared>>
      %dma_wait3A_687 = arith.constant 0 : i32
      %dma_wait3A_688 = arith.constant 0 : i32
      %dma_wait3A_689 = tpu.memref_slice %arg10[%dma_wait3A_687, %dma_wait3A_688] : memref<128x128xf32, #tpu.memory_space<vmem>> -> memref<128x128xf32, #tpu.memory_space<vmem>>
      %dma_wait3A_690 = arith.constant 0 : i32
      %dma_wait3A_691 = tpu.memref_slice %arg12[%add3A_527, %dma_wait3A_690] : memref<10112x128xf32, #tpu.memory_space<vmem_shared>> -> memref<128x128xf32, #tpu.memory_space<vmem_shared>>
      tpu.wait_dma2 semaphore(%run_scoped3A : memref<!tpu.dma_semaphore, #tpu.memory_space<semaphore_mem>>) src(%dma_wait3A_691 : memref<128x128xf32, #tpu.memory_space<vmem_shared>>) dst(%dma_wait3A_689 : memref<128x128xf32, #tpu.memory_space<vmem>>)
      tpu.yield
    }) : () -> ()
    %add3A_528 = arith.constant 256 : i32
    %add3A_529 = arith.addi %mul3A_9, %add3A_528 : i32
    %dma_start3A_530 = arith.constant 0 : i32
    %dma_start3A_531 = arith.constant 0 : i32
    %dma_start3A_532 = tpu.memref_slice %arg10[%dma_start3A_530, %dma_start3A_531] : memref<128x128xf32, #tpu.memory_space<vmem>> -> memref<128x128xf32, #tpu.memory_space<vmem>>
    %dma_start3A_533 = arith.constant 0 : i32
    %dma_start3A_534 = arith.constant 0 : i32
    %dma_start3A_535 = tpu.memref_slice %arg4[%arg0, %dma_start3A_533, %dma_start3A_534] : memref<2x10112x128xf32, #tpu.memory_space<hbm>> -> memref<1x10112x128xf32, #tpu.memory_space<hbm>>
    %dma_start3A_536 = tpu.memref_squeeze %dma_start3A_535 : memref<1x10112x128xf32, #tpu.memory_space<hbm>> -> memref<10112x128xf32, #tpu.memory_space<hbm>>
    %dma_start3A_537 = arith.constant 0 : i32
    %dma_start3A_538 = tpu.memref_slice %dma_start3A_536[%add3A_529, %dma_start3A_537] : memref<10112x128xf32, #tpu.memory_space<hbm>> -> memref<128x128xf32, #tpu.memory_space<hbm>>
    %dma_start3A_539 = arith.constant 0 : i32
    %dma_start3A_540 = arith.constant 0 : i32
    %dma_start3A_541 = tpu.memref_slice %arg4[%arg0, %dma_start3A_539, %dma_start3A_540] : memref<2x10112x128xf32, #tpu.memory_space<hbm>> -> memref<1x10112x128xf32, #tpu.memory_space<hbm>>
    %dma_start3A_542 = tpu.memref_squeeze %dma_start3A_541 : memref<1x10112x128xf32, #tpu.memory_space<hbm>> -> memref<10112x128xf32, #tpu.memory_space<hbm>>
    %dma_start3A_543 = arith.constant 0 : i32
    %dma_start3A_544 = tpu.memref_slice %dma_start3A_542[%add3A_529, %dma_start3A_543] : memref<10112x128xf32, #tpu.memory_space<hbm>> -> memref<128x128xf32, #tpu.memory_space<hbm>>
    %dma_start3A_545 = arith.constant 0 : i32
    %dma_start3A_546 = arith.constant 0 : i32
    %dma_start3A_547 = tpu.memref_slice %arg10[%dma_start3A_545, %dma_start3A_546] : memref<128x128xf32, #tpu.memory_space<vmem>> -> memref<128x128xf32, #tpu.memory_space<vmem>>
    tpu.enqueue_dma source(%dma_start3A_547 : memref<128x128xf32, #tpu.memory_space<vmem>>) target(%dma_start3A_544 : memref<128x128xf32, #tpu.memory_space<hbm>>) target_semaphore(%arg13 : memref<!tpu.dma_semaphore, #tpu.memory_space<semaphore_mem>>)
    %add3A_548 = arith.constant 128 : i32
    %add3A_549 = arith.addi %mul3A_9, %add3A_548 : i32
    %dma_wait3A_550 = arith.constant 0 : i32
    %dma_wait3A_551 = arith.constant 0 : i32
    %dma_wait3A_552 = tpu.memref_slice %arg11[%dma_wait3A_550, %dma_wait3A_551] : memref<128x128xf32, #tpu.memory_space<vmem>> -> memref<128x128xf32, #tpu.memory_space<vmem>>
    %dma_wait3A_553 = arith.constant 0 : i32
    %dma_wait3A_554 = arith.constant 0 : i32
    %dma_wait3A_555 = tpu.memref_slice %arg4[%arg0, %dma_wait3A_553, %dma_wait3A_554] : memref<2x10112x128xf32, #tpu.memory_space<hbm>> -> memref<1x10112x128xf32, #tpu.memory_space<hbm>>
    %dma_wait3A_556 = tpu.memref_squeeze %dma_wait3A_555 : memref<1x10112x128xf32, #tpu.memory_space<hbm>> -> memref<10112x128xf32, #tpu.memory_space<hbm>>
    %dma_wait3A_557 = arith.constant 0 : i32
    %dma_wait3A_558 = tpu.memref_slice %dma_wait3A_556[%add3A_549, %dma_wait3A_557] : memref<10112x128xf32, #tpu.memory_space<hbm>> -> memref<128x128xf32, #tpu.memory_space<hbm>>
    %dma_wait3A_559 = arith.constant 0 : i32
    %dma_wait3A_560 = arith.constant 0 : i32
    %dma_wait3A_561 = tpu.memref_slice %arg4[%arg0, %dma_wait3A_559, %dma_wait3A_560] : memref<2x10112x128xf32, #tpu.memory_space<hbm>> -> memref<1x10112x128xf32, #tpu.memory_space<hbm>>
    %dma_wait3A_562 = tpu.memref_squeeze %dma_wait3A_561 : memref<1x10112x128xf32, #tpu.memory_space<hbm>> -> memref<10112x128xf32, #tpu.memory_space<hbm>>
    %dma_wait3A_563 = arith.constant 0 : i32
    %dma_wait3A_564 = tpu.memref_slice %dma_wait3A_562[%add3A_549, %dma_wait3A_563] : memref<10112x128xf32, #tpu.memory_space<hbm>> -> memref<128x128xf32, #tpu.memory_space<hbm>>
    %dma_wait3A_565 = arith.constant 0 : i32
    %dma_wait3A_566 = arith.constant 0 : i32
    %dma_wait3A_567 = tpu.memref_slice %arg11[%dma_wait3A_565, %dma_wait3A_566] : memref<128x128xf32, #tpu.memory_space<vmem>> -> memref<128x128xf32, #tpu.memory_space<vmem>>
    tpu.wait_dma2 semaphore(%arg14 : memref<!tpu.dma_semaphore, #tpu.memory_space<semaphore_mem>>) src(%dma_wait3A_567 : memref<128x128xf32, #tpu.memory_space<vmem>>) dst(%dma_wait3A_564 : memref<128x128xf32, #tpu.memory_space<hbm>>)
    %add3A_568 = arith.constant 384 : i32
    %add3A_569 = arith.addi %mul3A_9, %add3A_568 : i32
    "tpu.region"() ({
      %run_scoped3A = tpu.sem_alloc : memref<!tpu.dma_semaphore, #tpu.memory_space<semaphore_mem>>
      %dma_start3A_672 = arith.constant 0 : i32
      %dma_start3A_673 = arith.constant 0 : i32
      %dma_start3A_674 = tpu.memref_slice %arg11[%dma_start3A_672, %dma_start3A_673] : memref<128x128xf32, #tpu.memory_space<vmem>> -> memref<128x128xf32, #tpu.memory_space<vmem>>
      %dma_start3A_675 = arith.constant 0 : i32
      %dma_start3A_676 = tpu.memref_slice %arg12[%add3A_569, %dma_start3A_675] : memref<10112x128xf32, #tpu.memory_space<vmem_shared>> -> memref<128x128xf32, #tpu.memory_space<vmem_shared>>
      %dma_start3A_677 = arith.constant 0 : i32
      %dma_start3A_678 = arith.constant 0 : i32
      %dma_start3A_679 = tpu.memref_slice %arg11[%dma_start3A_677, %dma_start3A_678] : memref<128x128xf32, #tpu.memory_space<vmem>> -> memref<128x128xf32, #tpu.memory_space<vmem>>
      %dma_start3A_680 = arith.constant 0 : i32
      %dma_start3A_681 = tpu.memref_slice %arg12[%add3A_569, %dma_start3A_680] : memref<10112x128xf32, #tpu.memory_space<vmem_shared>> -> memref<128x128xf32, #tpu.memory_space<vmem_shared>>
      tpu.enqueue_dma source(%dma_start3A_681 : memref<128x128xf32, #tpu.memory_space<vmem_shared>>) target(%dma_start3A_679 : memref<128x128xf32, #tpu.memory_space<vmem>>) target_semaphore(%run_scoped3A : memref<!tpu.dma_semaphore, #tpu.memory_space<semaphore_mem>>)
      %dma_wait3A_682 = arith.constant 0 : i32
      %dma_wait3A_683 = arith.constant 0 : i32
      %dma_wait3A_684 = tpu.memref_slice %arg11[%dma_wait3A_682, %dma_wait3A_683] : memref<128x128xf32, #tpu.memory_space<vmem>> -> memref<128x128xf32, #tpu.memory_space<vmem>>
      %dma_wait3A_685 = arith.constant 0 : i32
      %dma_wait3A_686 = tpu.memref_slice %arg12[%add3A_569, %dma_wait3A_685] : memref<10112x128xf32, #tpu.memory_space<vmem_shared>> -> memref<128x128xf32, #tpu.memory_space<vmem_shared>>
      %dma_wait3A_687 = arith.constant 0 : i32
      %dma_wait3A_688 = arith.constant 0 : i32
      %dma_wait3A_689 = tpu.memref_slice %arg11[%dma_wait3A_687, %dma_wait3A_688] : memref<128x128xf32, #tpu.memory_space<vmem>> -> memref<128x128xf32, #tpu.memory_space<vmem>>
      %dma_wait3A_690 = arith.constant 0 : i32
      %dma_wait3A_691 = tpu.memref_slice %arg12[%add3A_569, %dma_wait3A_690] : memref<10112x128xf32, #tpu.memory_space<vmem_shared>> -> memref<128x128xf32, #tpu.memory_space<vmem_shared>>
      tpu.wait_dma2 semaphore(%run_scoped3A : memref<!tpu.dma_semaphore, #tpu.memory_space<semaphore_mem>>) src(%dma_wait3A_691 : memref<128x128xf32, #tpu.memory_space<vmem_shared>>) dst(%dma_wait3A_689 : memref<128x128xf32, #tpu.memory_space<vmem>>)
      tpu.yield
    }) : () -> ()
    %add3A_570 = arith.constant 384 : i32
    %add3A_571 = arith.addi %mul3A_9, %add3A_570 : i32
    %dma_start3A_572 = arith.constant 0 : i32
    %dma_start3A_573 = arith.constant 0 : i32
    %dma_start3A_574 = tpu.memref_slice %arg11[%dma_start3A_572, %dma_start3A_573] : memref<128x128xf32, #tpu.memory_space<vmem>> -> memref<128x128xf32, #tpu.memory_space<vmem>>
    %dma_start3A_575 = arith.constant 0 : i32
    %dma_start3A_576 = arith.constant 0 : i32
    %dma_start3A_577 = tpu.memref_slice %arg4[%arg0, %dma_start3A_575, %dma_start3A_576] : memref<2x10112x128xf32, #tpu.memory_space<hbm>> -> memref<1x10112x128xf32, #tpu.memory_space<hbm>>
    %dma_start3A_578 = tpu.memref_squeeze %dma_start3A_577 : memref<1x10112x128xf32, #tpu.memory_space<hbm>> -> memref<10112x128xf32, #tpu.memory_space<hbm>>
    %dma_start3A_579 = arith.constant 0 : i32
    %dma_start3A_580 = tpu.memref_slice %dma_start3A_578[%add3A_571, %dma_start3A_579] : memref<10112x128xf32, #tpu.memory_space<hbm>> -> memref<128x128xf32, #tpu.memory_space<hbm>>
    %dma_start3A_581 = arith.constant 0 : i32
    %dma_start3A_582 = arith.constant 0 : i32
    %dma_start3A_583 = tpu.memref_slice %arg4[%arg0, %dma_start3A_581, %dma_start3A_582] : memref<2x10112x128xf32, #tpu.memory_space<hbm>> -> memref<1x10112x128xf32, #tpu.memory_space<hbm>>
    %dma_start3A_584 = tpu.memref_squeeze %dma_start3A_583 : memref<1x10112x128xf32, #tpu.memory_space<hbm>> -> memref<10112x128xf32, #tpu.memory_space<hbm>>
    %dma_start3A_585 = arith.constant 0 : i32
    %dma_start3A_586 = tpu.memref_slice %dma_start3A_584[%add3A_571, %dma_start3A_585] : memref<10112x128xf32, #tpu.memory_space<hbm>> -> memref<128x128xf32, #tpu.memory_space<hbm>>
    %dma_start3A_587 = arith.constant 0 : i32
    %dma_start3A_588 = arith.constant 0 : i32
    %dma_start3A_589 = tpu.memref_slice %arg11[%dma_start3A_587, %dma_start3A_588] : memref<128x128xf32, #tpu.memory_space<vmem>> -> memref<128x128xf32, #tpu.memory_space<vmem>>
    tpu.enqueue_dma source(%dma_start3A_589 : memref<128x128xf32, #tpu.memory_space<vmem>>) target(%dma_start3A_586 : memref<128x128xf32, #tpu.memory_space<hbm>>) target_semaphore(%arg14 : memref<!tpu.dma_semaphore, #tpu.memory_space<semaphore_mem>>)
    %add3A_590 = arith.constant 256 : i32
    %add3A_591 = arith.addi %mul3A_9, %add3A_590 : i32
    %dma_wait3A_592 = arith.constant 0 : i32
    %dma_wait3A_593 = arith.constant 0 : i32
    %dma_wait3A_594 = tpu.memref_slice %arg10[%dma_wait3A_592, %dma_wait3A_593] : memref<128x128xf32, #tpu.memory_space<vmem>> -> memref<128x128xf32, #tpu.memory_space<vmem>>
    %dma_wait3A_595 = arith.constant 0 : i32
    %dma_wait3A_596 = arith.constant 0 : i32
    %dma_wait3A_597 = tpu.memref_slice %arg4[%arg0, %dma_wait3A_595, %dma_wait3A_596] : memref<2x10112x128xf32, #tpu.memory_space<hbm>> -> memref<1x10112x128xf32, #tpu.memory_space<hbm>>
    %dma_wait3A_598 = tpu.memref_squeeze %dma_wait3A_597 : memref<1x10112x128xf32, #tpu.memory_space<hbm>> -> memref<10112x128xf32, #tpu.memory_space<hbm>>
    %dma_wait3A_599 = arith.constant 0 : i32
    %dma_wait3A_600 = tpu.memref_slice %dma_wait3A_598[%add3A_591, %dma_wait3A_599] : memref<10112x128xf32, #tpu.memory_space<hbm>> -> memref<128x128xf32, #tpu.memory_space<hbm>>
    %dma_wait3A_601 = arith.constant 0 : i32
    %dma_wait3A_602 = arith.constant 0 : i32
    %dma_wait3A_603 = tpu.memref_slice %arg4[%arg0, %dma_wait3A_601, %dma_wait3A_602] : memref<2x10112x128xf32, #tpu.memory_space<hbm>> -> memref<1x10112x128xf32, #tpu.memory_space<hbm>>
    %dma_wait3A_604 = tpu.memref_squeeze %dma_wait3A_603 : memref<1x10112x128xf32, #tpu.memory_space<hbm>> -> memref<10112x128xf32, #tpu.memory_space<hbm>>
    %dma_wait3A_605 = arith.constant 0 : i32
    %dma_wait3A_606 = tpu.memref_slice %dma_wait3A_604[%add3A_591, %dma_wait3A_605] : memref<10112x128xf32, #tpu.memory_space<hbm>> -> memref<128x128xf32, #tpu.memory_space<hbm>>
    %dma_wait3A_607 = arith.constant 0 : i32
    %dma_wait3A_608 = arith.constant 0 : i32
    %dma_wait3A_609 = tpu.memref_slice %arg10[%dma_wait3A_607, %dma_wait3A_608] : memref<128x128xf32, #tpu.memory_space<vmem>> -> memref<128x128xf32, #tpu.memory_space<vmem>>
    tpu.wait_dma2 semaphore(%arg13 : memref<!tpu.dma_semaphore, #tpu.memory_space<semaphore_mem>>) src(%dma_wait3A_609 : memref<128x128xf32, #tpu.memory_space<vmem>>) dst(%dma_wait3A_606 : memref<128x128xf32, #tpu.memory_space<hbm>>)
    %add3A_610 = arith.constant 512 : i32
    %add3A_611 = arith.addi %mul3A_9, %add3A_610 : i32
    "tpu.region"() ({
      %run_scoped3A = tpu.sem_alloc : memref<!tpu.dma_semaphore, #tpu.memory_space<semaphore_mem>>
      %dma_start3A_672 = arith.constant 0 : i32
      %dma_start3A_673 = arith.constant 0 : i32
      %dma_start3A_674 = tpu.memref_slice %arg10[%dma_start3A_672, %dma_start3A_673] : memref<128x128xf32, #tpu.memory_space<vmem>> -> memref<120x128xf32, #tpu.memory_space<vmem>>
      %dma_start3A_675 = arith.constant 0 : i32
      %dma_start3A_676 = tpu.memref_slice %arg12[%add3A_611, %dma_start3A_675] : memref<10112x128xf32, #tpu.memory_space<vmem_shared>> -> memref<120x128xf32, #tpu.memory_space<vmem_shared>>
      %dma_start3A_677 = arith.constant 0 : i32
      %dma_start3A_678 = arith.constant 0 : i32
      %dma_start3A_679 = tpu.memref_slice %arg10[%dma_start3A_677, %dma_start3A_678] : memref<128x128xf32, #tpu.memory_space<vmem>> -> memref<120x128xf32, #tpu.memory_space<vmem>>
      %dma_start3A_680 = arith.constant 0 : i32
      %dma_start3A_681 = tpu.memref_slice %arg12[%add3A_611, %dma_start3A_680] : memref<10112x128xf32, #tpu.memory_space<vmem_shared>> -> memref<120x128xf32, #tpu.memory_space<vmem_shared>>
      tpu.enqueue_dma source(%dma_start3A_681 : memref<120x128xf32, #tpu.memory_space<vmem_shared>>) target(%dma_start3A_679 : memref<120x128xf32, #tpu.memory_space<vmem>>) target_semaphore(%run_scoped3A : memref<!tpu.dma_semaphore, #tpu.memory_space<semaphore_mem>>)
      %dma_wait3A_682 = arith.constant 0 : i32
      %dma_wait3A_683 = arith.constant 0 : i32
      %dma_wait3A_684 = tpu.memref_slice %arg10[%dma_wait3A_682, %dma_wait3A_683] : memref<128x128xf32, #tpu.memory_space<vmem>> -> memref<120x128xf32, #tpu.memory_space<vmem>>
      %dma_wait3A_685 = arith.constant 0 : i32
      %dma_wait3A_686 = tpu.memref_slice %arg12[%add3A_611, %dma_wait3A_685] : memref<10112x128xf32, #tpu.memory_space<vmem_shared>> -> memref<120x128xf32, #tpu.memory_space<vmem_shared>>
      %dma_wait3A_687 = arith.constant 0 : i32
      %dma_wait3A_688 = arith.constant 0 : i32
      %dma_wait3A_689 = tpu.memref_slice %arg10[%dma_wait3A_687, %dma_wait3A_688] : memref<128x128xf32, #tpu.memory_space<vmem>> -> memref<120x128xf32, #tpu.memory_space<vmem>>
      %dma_wait3A_690 = arith.constant 0 : i32
      %dma_wait3A_691 = tpu.memref_slice %arg12[%add3A_611, %dma_wait3A_690] : memref<10112x128xf32, #tpu.memory_space<vmem_shared>> -> memref<120x128xf32, #tpu.memory_space<vmem_shared>>
      tpu.wait_dma2 semaphore(%run_scoped3A : memref<!tpu.dma_semaphore, #tpu.memory_space<semaphore_mem>>) src(%dma_wait3A_691 : memref<120x128xf32, #tpu.memory_space<vmem_shared>>) dst(%dma_wait3A_689 : memref<120x128xf32, #tpu.memory_space<vmem>>)
      tpu.yield
    }) : () -> ()
    %add3A_612 = arith.constant 512 : i32
    %add3A_613 = arith.addi %mul3A_9, %add3A_612 : i32
    %dma_start3A_614 = arith.constant 0 : i32
    %dma_start3A_615 = arith.constant 0 : i32
    %dma_start3A_616 = tpu.memref_slice %arg10[%dma_start3A_614, %dma_start3A_615] : memref<128x128xf32, #tpu.memory_space<vmem>> -> memref<120x128xf32, #tpu.memory_space<vmem>>
    %dma_start3A_617 = arith.constant 0 : i32
    %dma_start3A_618 = arith.constant 0 : i32
    %dma_start3A_619 = tpu.memref_slice %arg4[%arg0, %dma_start3A_617, %dma_start3A_618] : memref<2x10112x128xf32, #tpu.memory_space<hbm>> -> memref<1x10112x128xf32, #tpu.memory_space<hbm>>
    %dma_start3A_620 = tpu.memref_squeeze %dma_start3A_619 : memref<1x10112x128xf32, #tpu.memory_space<hbm>> -> memref<10112x128xf32, #tpu.memory_space<hbm>>
    %dma_start3A_621 = arith.constant 0 : i32
    %dma_start3A_622 = tpu.memref_slice %dma_start3A_620[%add3A_613, %dma_start3A_621] : memref<10112x128xf32, #tpu.memory_space<hbm>> -> memref<120x128xf32, #tpu.memory_space<hbm>>
    %dma_start3A_623 = arith.constant 0 : i32
    %dma_start3A_624 = arith.constant 0 : i32
    %dma_start3A_625 = tpu.memref_slice %arg4[%arg0, %dma_start3A_623, %dma_start3A_624] : memref<2x10112x128xf32, #tpu.memory_space<hbm>> -> memref<1x10112x128xf32, #tpu.memory_space<hbm>>
    %dma_start3A_626 = tpu.memref_squeeze %dma_start3A_625 : memref<1x10112x128xf32, #tpu.memory_space<hbm>> -> memref<10112x128xf32, #tpu.memory_space<hbm>>
    %dma_start3A_627 = arith.constant 0 : i32
    %dma_start3A_628 = tpu.memref_slice %dma_start3A_626[%add3A_613, %dma_start3A_627] : memref<10112x128xf32, #tpu.memory_space<hbm>> -> memref<120x128xf32, #tpu.memory_space<hbm>>
    %dma_start3A_629 = arith.constant 0 : i32
    %dma_start3A_630 = arith.constant 0 : i32
    %dma_start3A_631 = tpu.memref_slice %arg10[%dma_start3A_629, %dma_start3A_630] : memref<128x128xf32, #tpu.memory_space<vmem>> -> memref<120x128xf32, #tpu.memory_space<vmem>>
    tpu.enqueue_dma source(%dma_start3A_631 : memref<120x128xf32, #tpu.memory_space<vmem>>) target(%dma_start3A_628 : memref<120x128xf32, #tpu.memory_space<hbm>>) target_semaphore(%arg13 : memref<!tpu.dma_semaphore, #tpu.memory_space<semaphore_mem>>)
    %add3A_632 = arith.constant 384 : i32
    %add3A_633 = arith.addi %mul3A_9, %add3A_632 : i32
    %dma_wait3A_634 = arith.constant 0 : i32
    %dma_wait3A_635 = arith.constant 0 : i32
    %dma_wait3A_636 = tpu.memref_slice %arg11[%dma_wait3A_634, %dma_wait3A_635] : memref<128x128xf32, #tpu.memory_space<vmem>> -> memref<128x128xf32, #tpu.memory_space<vmem>>
    %dma_wait3A_637 = arith.constant 0 : i32
    %dma_wait3A_638 = arith.constant 0 : i32
    %dma_wait3A_639 = tpu.memref_slice %arg4[%arg0, %dma_wait3A_637, %dma_wait3A_638] : memref<2x10112x128xf32, #tpu.memory_space<hbm>> -> memref<1x10112x128xf32, #tpu.memory_space<hbm>>
    %dma_wait3A_640 = tpu.memref_squeeze %dma_wait3A_639 : memref<1x10112x128xf32, #tpu.memory_space<hbm>> -> memref<10112x128xf32, #tpu.memory_space<hbm>>
    %dma_wait3A_641 = arith.constant 0 : i32
    %dma_wait3A_642 = tpu.memref_slice %dma_wait3A_640[%add3A_633, %dma_wait3A_641] : memref<10112x128xf32, #tpu.memory_space<hbm>> -> memref<128x128xf32, #tpu.memory_space<hbm>>
    %dma_wait3A_643 = arith.constant 0 : i32
    %dma_wait3A_644 = arith.constant 0 : i32
    %dma_wait3A_645 = tpu.memref_slice %arg4[%arg0, %dma_wait3A_643, %dma_wait3A_644] : memref<2x10112x128xf32, #tpu.memory_space<hbm>> -> memref<1x10112x128xf32, #tpu.memory_space<hbm>>
    %dma_wait3A_646 = tpu.memref_squeeze %dma_wait3A_645 : memref<1x10112x128xf32, #tpu.memory_space<hbm>> -> memref<10112x128xf32, #tpu.memory_space<hbm>>
    %dma_wait3A_647 = arith.constant 0 : i32
    %dma_wait3A_648 = tpu.memref_slice %dma_wait3A_646[%add3A_633, %dma_wait3A_647] : memref<10112x128xf32, #tpu.memory_space<hbm>> -> memref<128x128xf32, #tpu.memory_space<hbm>>
    %dma_wait3A_649 = arith.constant 0 : i32
    %dma_wait3A_650 = arith.constant 0 : i32
    %dma_wait3A_651 = tpu.memref_slice %arg11[%dma_wait3A_649, %dma_wait3A_650] : memref<128x128xf32, #tpu.memory_space<vmem>> -> memref<128x128xf32, #tpu.memory_space<vmem>>
    tpu.wait_dma2 semaphore(%arg14 : memref<!tpu.dma_semaphore, #tpu.memory_space<semaphore_mem>>) src(%dma_wait3A_651 : memref<128x128xf32, #tpu.memory_space<vmem>>) dst(%dma_wait3A_648 : memref<128x128xf32, #tpu.memory_space<hbm>>)
    %add3A_652 = arith.constant 512 : i32
    %add3A_653 = arith.addi %mul3A_9, %add3A_652 : i32
    %dma_wait3A_654 = arith.constant 0 : i32
    %dma_wait3A_655 = arith.constant 0 : i32
    %dma_wait3A_656 = tpu.memref_slice %arg10[%dma_wait3A_654, %dma_wait3A_655] : memref<128x128xf32, #tpu.memory_space<vmem>> -> memref<120x128xf32, #tpu.memory_space<vmem>>
    %dma_wait3A_657 = arith.constant 0 : i32
    %dma_wait3A_658 = arith.constant 0 : i32
    %dma_wait3A_659 = tpu.memref_slice %arg4[%arg0, %dma_wait3A_657, %dma_wait3A_658] : memref<2x10112x128xf32, #tpu.memory_space<hbm>> -> memref<1x10112x128xf32, #tpu.memory_space<hbm>>
    %dma_wait3A_660 = tpu.memref_squeeze %dma_wait3A_659 : memref<1x10112x128xf32, #tpu.memory_space<hbm>> -> memref<10112x128xf32, #tpu.memory_space<hbm>>
    %dma_wait3A_661 = arith.constant 0 : i32
    %dma_wait3A_662 = tpu.memref_slice %dma_wait3A_660[%add3A_653, %dma_wait3A_661] : memref<10112x128xf32, #tpu.memory_space<hbm>> -> memref<120x128xf32, #tpu.memory_space<hbm>>
    %dma_wait3A_663 = arith.constant 0 : i32
    %dma_wait3A_664 = arith.constant 0 : i32
    %dma_wait3A_665 = tpu.memref_slice %arg4[%arg0, %dma_wait3A_663, %dma_wait3A_664] : memref<2x10112x128xf32, #tpu.memory_space<hbm>> -> memref<1x10112x128xf32, #tpu.memory_space<hbm>>
    %dma_wait3A_666 = tpu.memref_squeeze %dma_wait3A_665 : memref<1x10112x128xf32, #tpu.memory_space<hbm>> -> memref<10112x128xf32, #tpu.memory_space<hbm>>
    %dma_wait3A_667 = arith.constant 0 : i32
    %dma_wait3A_668 = tpu.memref_slice %dma_wait3A_666[%add3A_653, %dma_wait3A_667] : memref<10112x128xf32, #tpu.memory_space<hbm>> -> memref<120x128xf32, #tpu.memory_space<hbm>>
    %dma_wait3A_669 = arith.constant 0 : i32
    %dma_wait3A_670 = arith.constant 0 : i32
    %dma_wait3A_671 = tpu.memref_slice %arg10[%dma_wait3A_669, %dma_wait3A_670] : memref<128x128xf32, #tpu.memory_space<vmem>> -> memref<120x128xf32, #tpu.memory_space<vmem>>
    tpu.wait_dma2 semaphore(%arg13 : memref<!tpu.dma_semaphore, #tpu.memory_space<semaphore_mem>>) src(%dma_wait3A_671 : memref<120x128xf32, #tpu.memory_space<vmem>>) dst(%dma_wait3A_668 : memref<120x128xf32, #tpu.memory_space<hbm>>)
    return
  }
}

module attributes {stable_mosaic.version = 14 : i64} {
  func.func @kfn(%arg0: i32, %arg1: memref<1000x128xf32, #tpu.memory_space<vmem>>, %arg2: memref<128x128xf32, #tpu.memory_space<vmem>>, %arg3: memref<1000x128xf32, #tpu.memory_space<vmem>>) attributes {dimension_semantics = [#tpu.dimension_semantics<arbitrary>], iteration_bounds = array<i64: 10>, scalar_prefetch = 0 : i64, scratch_operands = 0 : i64, tpu.core_type = #tpu.core_type<tc>, window_params = [{transform_indices = @transform_0, window_bounds = array<i64: 1000, 128>}, {pipeline_mode = #tpu.pipeline_mode<synchronous>, transform_indices = @transform_1, window_bounds = array<i64: 128, 128>}, {transform_indices = @transform_2, window_bounds = array<i64: 1000, 128>}]} {
    %get3A = arith.constant 0 : index
    %get3A_0 = arith.constant 0 : index
    %get3A_1 = vector.load %arg1[%get3A, %get3A_0] : memref<1000x128xf32, #tpu.memory_space<vmem>>, vector<1000x128xf32>
    %get3A_2 = arith.constant 0 : index
    %get3A_3 = arith.constant 0 : index
    %get3A_4 = vector.load %arg2[%get3A_2, %get3A_3] : memref<128x128xf32, #tpu.memory_space<vmem>>, vector<128x128xf32>
    %dot_general3A = arith.constant dense<0.000000e+00> : vector<1000x128xf32>
    %dot_general3A_5 = tpu.matmul %get3A_1, %get3A_4, %dot_general3A {dimension_numbers = #tpu.dot_dimension_numbers<[1], [0], [0], [1], [0, 0, 1, 1], [], []>, transpose_lhs_hint = false} : vector<1000x128xf32>, vector<128x128xf32>, vector<1000x128xf32> -> vector<1000x128xf32>
    %swap3A = arith.constant 0 : index
    %swap3A_6 = arith.constant 0 : index
    %swap3A_7 = vector.load %arg3[%swap3A, %swap3A_6] : memref<1000x128xf32, #tpu.memory_space<vmem>>, vector<1000x128xf32>
    tpu.vector_store %arg3[%swap3A, %swap3A_6], %dot_general3A_5 {strides = array<i32>} : memref<1000x128xf32, #tpu.memory_space<vmem>>, vector<1000x128xf32>,
    return
  }
  func.func @transform_0(%arg0: i32) -> (i32, i32) {
    %c0_i32 = arith.constant 0 : i32
    %c0_i32_0 = arith.constant 0 : i32
    return %arg0, %c0_i32 : i32, i32
  }
  func.func @transform_1(%arg0: i32) -> (i32, i32) {
    %c0_i32 = arith.constant 0 : i32
    %c0_i32_0 = arith.constant 0 : i32
    %c0_i32_1 = arith.constant 0 : i32
    return %c0_i32, %c0_i32_0 : i32, i32
  }
  func.func @transform_2(%arg0: i32) -> (i32, i32) {
    %c0_i32 = arith.constant 0 : i32
    %c0_i32_0 = arith.constant 0 : i32
    return %arg0, %c0_i32 : i32, i32
  }
}

module attributes {stable_mosaic.version = 14 : i64} {
  func.func @kfn(%arg0: i32, %arg1: memref<1x1000x128xf32, #tpu.memory_space<vmem>>, %arg2: memref<1x1000x128xf32, #tpu.memory_space<vmem>>, %arg3: memref<1x128xf32, #tpu.memory_space<vmem>>, %arg4: memref<128x128xf32, #tpu.memory_space<vmem>>, %arg5: memref<1000x128xf32, #tpu.memory_space<vmem>>) attributes {dimension_semantics = [#tpu.dimension_semantics<arbitrary>], iteration_bounds = array<i64: 10>, scalar_prefetch = 0 : i64, scratch_operands = 0 : i64, tpu.core_type = #tpu.core_type<tc>, window_params = [{transform_indices = @transform_0, window_bounds = array<i64: 1, 1000, 128>}, {transform_indices = @transform_1, window_bounds = array<i64: 1, 1000, 128>}, {pipeline_mode = #tpu.pipeline_mode<synchronous>, transform_indices = @transform_2, window_bounds = array<i64: 1, 128>}, {pipeline_mode = #tpu.pipeline_mode<synchronous>, transform_indices = @transform_3, window_bounds = array<i64: 128, 128>}, {transform_indices = @transform_4, window_bounds = array<i64: 1000, 128>}]} {
    %get3A = arith.constant 0 : index
    %get3A_0 = arith.constant 0 : index
    %get3A_1 = arith.constant 0 : index
    %get3A_2 = vector.load %arg1[%get3A, %get3A_0, %get3A_1] : memref<1x1000x128xf32, #tpu.memory_space<vmem>>, vector<1x1000x128xf32>
    %get3A_3 = vector.shape_cast %get3A_2 : vector<1x1000x128xf32> to vector<1000x128xf32>
    %get3A_4 = arith.constant 0 : index
    %get3A_5 = arith.constant 0 : index
    %get3A_6 = arith.constant 0 : index
    %get3A_7 = vector.load %arg2[%get3A_4, %get3A_5, %get3A_6] : memref<1x1000x128xf32, #tpu.memory_space<vmem>>, vector<1x1000x128xf32>
    %get3A_8 = vector.shape_cast %get3A_7 : vector<1x1000x128xf32> to vector<1000x128xf32>
    %add3A = arith.addf %get3A_3, %get3A_8 : vector<1000x128xf32>
    %get3A_9 = arith.constant 0 : index
    %get3A_10 = arith.constant 0 : index
    %get3A_11 = vector.load %arg3[%get3A_9, %get3A_10] : memref<1x128xf32, #tpu.memory_space<vmem>>, vector<1x128xf32>
    %add3A_12 = vector.broadcast %get3A_11 : vector<1x128xf32> to vector<1000x128xf32>
    %add3A_13 = arith.addf %add3A, %add3A_12 : vector<1000x128xf32>
    %max3A = arith.constant 0.000000e+00 : f32
    %max3A_14 = vector.broadcast %max3A : f32 to vector<1000x128xf32>
    %max3A_15 = arith.maximumf %add3A_13, %max3A_14 : vector<1000x128xf32>
    %get3A_16 = arith.constant 0 : index
    %get3A_17 = arith.constant 0 : index
    %get3A_18 = vector.load %arg4[%get3A_16, %get3A_17] : memref<128x128xf32, #tpu.memory_space<vmem>>, vector<128x128xf32>
    %dot_general3A = arith.constant dense<0.000000e+00> : vector<1000x128xf32>
    %dot_general3A_19 = tpu.matmul %max3A_15, %get3A_18, %dot_general3A {dimension_numbers = #tpu.dot_dimension_numbers<[1], [0], [0], [1], [0, 0, 1, 1], [], []>, transpose_lhs_hint = false} : vector<1000x128xf32>, vector<128x128xf32>, vector<1000x128xf32> -> vector<1000x128xf32>
    %swap3A = arith.constant 0 : index
    %swap3A_20 = arith.constant 0 : index
    %swap3A_21 = vector.load %arg5[%swap3A, %swap3A_20] : memref<1000x128xf32, #tpu.memory_space<vmem>>, vector<1000x128xf32>
    tpu.vector_store %arg5[%swap3A, %swap3A_20], %dot_general3A_19 {strides = array<i32>} : memref<1000x128xf32, #tpu.memory_space<vmem>>, vector<1000x128xf32>,
    return
  }
  func.func @transform_0(%arg0: i32) -> (i32, i32, i32) {
    %c0_i32 = arith.constant 0 : i32
    %c0_i32_0 = arith.constant 0 : i32
    %c0_i32_1 = arith.constant 0 : i32
    return %c0_i32, %arg0, %c0_i32_0 : i32, i32, i32
  }
  func.func @transform_1(%arg0: i32) -> (i32, i32, i32) {
    %c1_i32 = arith.constant 1 : i32
    %c0_i32 = arith.constant 0 : i32
    %c0_i32_0 = arith.constant 0 : i32
    return %c1_i32, %arg0, %c0_i32 : i32, i32, i32
  }
  func.func @transform_2(%arg0: i32) -> (i32, i32) {
    %c0_i32 = arith.constant 0 : i32
    %c0_i32_0 = arith.constant 0 : i32
    %c0_i32_1 = arith.constant 0 : i32
    return %c0_i32, %c0_i32_0 : i32, i32
  }
  func.func @transform_3(%arg0: i32) -> (i32, i32) {
    %c0_i32 = arith.constant 0 : i32
    %c0_i32_0 = arith.constant 0 : i32
    %c0_i32_1 = arith.constant 0 : i32
    return %c0_i32, %c0_i32_0 : i32, i32
  }
  func.func @transform_4(%arg0: i32) -> (i32, i32) {
    %c0_i32 = arith.constant 0 : i32
    %c0_i32_0 = arith.constant 0 : i32
    return %arg0, %c0_i32 : i32, i32
  }
}

module attributes {stable_mosaic.version = 14 : i64} {
  func.func @kfn(%arg0: i32, %arg1: memref<1x1000x128xf32, #tpu.memory_space<vmem>>, %arg2: memref<1x1000x128xf32, #tpu.memory_space<vmem>>, %arg3: memref<1x128xf32, #tpu.memory_space<vmem>>, %arg4: memref<1000x128xf32, #tpu.memory_space<vmem>>) attributes {dimension_semantics = [#tpu.dimension_semantics<arbitrary>], iteration_bounds = array<i64: 10>, scalar_prefetch = 0 : i64, scratch_operands = 0 : i64, tpu.core_type = #tpu.core_type<tc>, window_params = [{transform_indices = @transform_0, window_bounds = array<i64: 1, 1000, 128>}, {transform_indices = @transform_1, window_bounds = array<i64: 1, 1000, 128>}, {pipeline_mode = #tpu.pipeline_mode<synchronous>, transform_indices = @transform_2, window_bounds = array<i64: 1, 128>}, {transform_indices = @transform_3, window_bounds = array<i64: 1000, 128>}]} {
    %get3A = arith.constant 0 : index
    %get3A_0 = arith.constant 0 : index
    %get3A_1 = arith.constant 0 : index
    %get3A_2 = vector.load %arg1[%get3A, %get3A_0, %get3A_1] : memref<1x1000x128xf32, #tpu.memory_space<vmem>>, vector<1x1000x128xf32>
    %get3A_3 = vector.shape_cast %get3A_2 : vector<1x1000x128xf32> to vector<1000x128xf32>
    %get3A_4 = arith.constant 0 : index
    %get3A_5 = arith.constant 0 : index
    %get3A_6 = arith.constant 0 : index
    %get3A_7 = vector.load %arg2[%get3A_4, %get3A_5, %get3A_6] : memref<1x1000x128xf32, #tpu.memory_space<vmem>>, vector<1x1000x128xf32>
    %get3A_8 = vector.shape_cast %get3A_7 : vector<1x1000x128xf32> to vector<1000x128xf32>
    %add3A = arith.addf %get3A_3, %get3A_8 : vector<1000x128xf32>
    %get3A_9 = arith.constant 0 : index
    %get3A_10 = arith.constant 0 : index
    %get3A_11 = vector.load %arg3[%get3A_9, %get3A_10] : memref<1x128xf32, #tpu.memory_space<vmem>>, vector<1x128xf32>
    %add3A_12 = vector.broadcast %get3A_11 : vector<1x128xf32> to vector<1000x128xf32>
    %add3A_13 = arith.addf %add3A, %add3A_12 : vector<1000x128xf32>
    %max3A = arith.constant 0.000000e+00 : f32
    %max3A_14 = vector.broadcast %max3A : f32 to vector<1000x128xf32>
    %max3A_15 = arith.maximumf %add3A_13, %max3A_14 : vector<1000x128xf32>
    %swap3A = arith.constant 0 : index
    %swap3A_16 = arith.constant 0 : index
    %swap3A_17 = vector.load %arg4[%swap3A, %swap3A_16] : memref<1000x128xf32, #tpu.memory_space<vmem>>, vector<1000x128xf32>
    tpu.vector_store %arg4[%swap3A, %swap3A_16], %max3A_15 {strides = array<i32>} : memref<1000x128xf32, #tpu.memory_space<vmem>>, vector<1000x128xf32>,
    return
  }
  func.func @transform_0(%arg0: i32) -> (i32, i32, i32) {
    %c0_i32 = arith.constant 0 : i32
    %c0_i32_0 = arith.constant 0 : i32
    %c0_i32_1 = arith.constant 0 : i32
    return %c0_i32, %arg0, %c0_i32_0 : i32, i32, i32
  }
  func.func @transform_1(%arg0: i32) -> (i32, i32, i32) {
    %c1_i32 = arith.constant 1 : i32
    %c0_i32 = arith.constant 0 : i32
    %c0_i32_0 = arith.constant 0 : i32
    return %c1_i32, %arg0, %c0_i32 : i32, i32, i32
  }
  func.func @transform_2(%arg0: i32) -> (i32, i32) {
    %c0_i32 = arith.constant 0 : i32
    %c0_i32_0 = arith.constant 0 : i32
    %c0_i32_1 = arith.constant 0 : i32
    return %c0_i32, %c0_i32_0 : i32, i32
  }
  func.func @transform_3(%arg0: i32) -> (i32, i32) {
    %c0_i32 = arith.constant 0 : i32
    %c0_i32_0 = arith.constant 0 : i32
    return %arg0, %c0_i32 : i32, i32
  }
}

</mosaic_0001>

<sc_bundles>
// kernel: kernel.10.cloned.1.call-start
scs
__scs_entry_jumppad:
0x0: {  	(pc) =	sbr.rel $0x88, $3  }
0x1: {  	(tag) =	ssettag $0x0;
	lr =	simm.s32 $0x1  }
0x2: {  	[smem:$0x3F9B] =	sst lr;
	_ =	strace $0xD0000000  }
0x3: {  	_ = 	snop  }
0x4: {  	_ = 	snop  }
0x5: {  	_ = 	snop  }
0x6: {  	_ = 	snop  }
0x7: {  	_ = 	snop  }
__scs_overlays_trampoline_lowered:
0x8: {  	[smem:$0x3FAA] =	sst s0  }
0x9: {  	[smem:$0x3FAB] =	sst s1  }
0xa: {  	[smem:$0x3FAC] =	sst s2  }
0xb: {  	[smem:$0x3FAD] =	sst s3  }
0xc: {  	[smem:$0x3FAE] =	sst s4  }
0xd: {  	[smem:$0x3FAF] =	sst s5  }
0xe: {  	[smem:$0x3FB0] =	sst s6  }
0xf: {  	[smem:$0x3FB1] =	sst s7  }
0x10: {  	[smem:$0x3FB2] =	sst s8  }
0x11: {  	[smem:$0x3FB3] =	sst s9;
	s0 =	simm.s32 @!p0 $0x0  }
0x12: {  	s1 =	sld [smem:$0x3F99];
	s0 =	simm.s32 @p0 $0x1  }
0x13: {  	[smem:$0x3FB4] =	sst s0;
	s0 =	simm.s32 @!p1 $0x0  }
0x14: {  	s2 =	sld [smem:$0x3F98];
	s0 =	simm.s32 @p1 $0x1  }
0x15: {  	[smem:$0x3FB5] =	sst s0;
	s0 =	simm.s32 @!p2 $0x0  }
0x16: {  	s3 =	sld [smem:$0x3FDB];
	s0 =	simm.s32 @p2 $0x1  }
0x17: {  	s4 =	simm.s32 $0x1BF5;
	[smem:$0x3FB7] =	sst s0  }
0x18: {  	s0 =	sld [smem:$0x3F9A];
	_ =	swait.ge [sflag:s4], $0x0  }
0x19: {  	s7 =	sld [smem:$0x3F9B]  }
0x1a: {  	s8 =	sadd.s32 $0xFFFFE003, lr  }
0x1b: {  	s9 =	sadd.s32 $0xFFFFFEF7, lr;
	s5 =	simm.s32 $0xFFFFFFFF;
	p2 =	slt.u32 s8, $0xFFFFF086  }
0x1c: {  	p1 =	slt.u32 s9, $0xF7A;
	s5 =	simm.s32 @!p2 $0x0  }
0x1d: {  	s5 =	simm.s32 @p1 $0x1;
	p0 =	seq.s32 s7, s2  }
0x1e: {  	s7 =	smul.u32 @!p0 $0xF7A, s2;
	p2 =	seq.s32 @!p0 s5, $0x0  }
0x1f: {  	s9 =	smul.u32 $0xF7A, s1;
	s8 =	simm.s32 @!p0 $0x1BF5;
	p2 =	por !p2, p0  }
0x20: {  	[sflag:s8] =	ssyncset.s32 @!p0 $0xFFFFF086;
	s6 =	sadd.s32 @!p0 s3, s7;
	s7 =	simm.s32 @!p0 $0x108  }
0x21: {  	s3 =	sadd.s32 s3, s9;
	s6 =	sadd.s32 @!p0 $0x88, s6;
	s7 =	simm.s32 @p2 $0x1082  }
0x22: {  	[simem:s7], [sflag:s8] =	dma.local @!p0 [hbm:s6], $0xF7A  }
0x23: {  	s9 =	sor.u32 $0xD0000000, s2;
	s6 =	simm.s32 $0x108;
	_ =	swait.ge @!p0 [sflag:s8], $0x0  }
0x24: {  	s3 =	sadd.s32 $0x88, s3;
	s6 =	simm.s32 @!p1 $0x1082;
	[sflag:s4] =	ssyncset.s32 $0xFFFFF086  }
0x25: {  	[simem:s6], [sflag:s4] =	dma.local [hbm:s3], $0xF7A  }
0x26: {  	[smem:$0x3F9B] =	sst s1;
	(tag) =	ssettag s2;
	_ =	strace s9  }
0x27: {  	s1 =	sld [smem:$0x3FAB]  }
0x28: {  	s2 =	sld [smem:$0x3FAC]  }
0x29: {  	s4 =	sld [smem:$0x3FAE]  }
0x2a: {  	p0 =	seq.s32 s5, $0x0;
	s5 =	sld [smem:$0x3FAF]  }
0x2b: {  	s6 =	sld [smem:$0x3FB0]  }
0x2c: {  	s7 =	sld [smem:$0x3FB1]  }
0x2d: {  	s3 =	simm.s32 $0x108;
	s8 =	sld [smem:$0x3FB2]  }
0x2e: {  	s3 =	simm.s32 @!p0 $0x1082;
	s9 =	sld [smem:$0x3FB3]  }
0x2f: {  	lr =	sadd.s32 s0, s3;
	s0 =	sld [smem:$0x3FAA]  }
0x30: {  	s3 =	sld [smem:$0x3FAD]  }
0x31: {  	[smem:$0x3FB6] =	sst s10  }
0x32: {  	s10 =	sld [smem:$0x3FB4];
	_ =	sdelay $0x3  }
0x33: {  	p0 =	seq.s32 s10, $0x1;
	s10 =	sld [smem:$0x3FB6];
	_ =	sdelay $0x3  }
0x34: {  	[smem:$0x3FB6] =	sst s10  }
0x35: {  	s10 =	sld [smem:$0x3FB5];
	_ =	sdelay $0x3  }
0x36: {  	p1 =	seq.s32 s10, $0x1;
	s10 =	sld [smem:$0x3FB6];
	_ =	sdelay $0x3  }
0x37: {  	[smem:$0x3FB6] =	sst s10  }
0x38: {  	s10 =	sld [smem:$0x3FB7]  }
0x39: {  	_ = 	snop;
	(pc) =	sbr.ind lr, $3  }
0x3a: {  	_ = 	snop  }
0x3b: {  	_ = 	snop  }
0x3c: {  	p2 =	seq.s32 s10, $0x1;
	s10 =	sld [smem:$0x3FB6]  }
0x3d: {  	_ =	shalt  }
0x3e: {  	_ =	shalt  }
0x3f: {  	_ =	shalt  }
0x40: {  	_ =	shalt  }
0x41: {  	_ =	shalt  }
0x42: {  	_ =	shalt  }
0x43: {  	_ =	shalt  }
0x44: {  	_ =	shalt  }
0x45: {  	_ =	shalt  }
0x46: {  	_ =	shalt  }
0x47: {  	_ =	shalt  }
0x48: {  	_ =	shalt  }
0x49: {  	_ =	shalt  }
0x4a: {  	_ =	shalt  }
0x4b: {  	_ =	shalt  }
0x4c: {  	_ =	shalt  }
0x4d: {  	_ =	shalt  }
0x4e: {  	_ =	shalt  }
0x4f: {  	_ =	shalt  }
0x50: {  	_ =	shalt  }
0x51: {  	_ =	shalt  }
0x52: {  	_ =	shalt  }
0x53: {  	_ =	shalt  }
0x54: {  	_ =	shalt  }
0x55: {  	_ =	shalt  }
0x56: {  	_ =	shalt  }
0x57: {  	_ =	shalt  }
0x58: {  	_ =	shalt  }
0x59: {  	_ =	shalt  }
0x5a: {  	_ =	shalt  }
0x5b: {  	_ =	shalt  }
0x5c: {  	_ =	shalt  }
0x5d: {  	_ =	shalt  }
0x5e: {  	_ =	shalt  }
0x5f: {  	_ =	shalt  }
0x60: {  	_ =	shalt  }
0x61: {  	_ =	shalt  }
0x62: {  	_ =	shalt  }
0x63: {  	_ =	shalt  }
0x64: {  	_ =	shalt  }
0x65: {  	_ =	shalt  }
0x66: {  	_ =	shalt  }
0x67: {  	_ =	shalt  }
0x68: {  	_ =	shalt  }
0x69: {  	_ =	shalt  }
0x6a: {  	_ =	shalt  }
0x6b: {  	_ =	shalt  }
0x6c: {  	_ =	shalt  }
0x6d: {  	_ =	shalt  }
0x6e: {  	_ =	shalt  }
0x6f: {  	_ =	shalt  }
0x70: {  	_ =	shalt  }
0x71: {  	_ =	shalt  }
0x72: {  	_ =	shalt  }
0x73: {  	_ =	shalt  }
0x74: {  	_ =	shalt  }
0x75: {  	_ =	shalt  }
0x76: {  	_ =	shalt  }
0x77: {  	_ =	shalt  }
0x78: {  	_ =	shalt  }
0x79: {  	_ =	shalt  }
0x7a: {  	_ =	shalt  }
0x7b: {  	_ =	shalt  }
0x7c: {  	_ =	shalt  }
0x7d: {  	_ =	shalt  }
0x7e: {  	_ =	shalt  }
0x7f: {  	_ =	shalt  }
0x80: {  	_ =	shalt  }
0x81: {  	_ =	shalt  }
0x82: {  	_ =	shalt  }
0x83: {  	_ =	shalt  }
0x84: {  	_ =	shalt  }
0x85: {  	_ =	shalt  }
0x86: {  	_ =	shalt  }
0x87: {  	_ =	shalt  }
.Lfunc_end0:
.L_simem_size_0:
called_computation.1_lowered:
.L_overlay_start_0:
0x88: {  	s2 =	sld [smem:$0x3FD9]  }
0x89: {  	s3 =	sld [smem:$0x3FFE];
	_ =	sdelay $0x1  }
0x8a: {  	s1 =	srdreg.scid  }
0x8b: {  	s0 =	sand.u32 $0x1, s1  }
0x8c: {  	s17 =	sshll.u32 s0, $0xA;
	s2 =	sadd.s32 s3, s2  }
0x8d: {  	s2 =	sadd.s32 s2, s17  }
0x8e: {  	[smem:$0x3FC2] =	sst s2  }
0x8f: {  	_ = 	snop  }
0x90: {  	s2 =	sld [smem:$0x3FD0];
	(tm) =	ssettm $0x1  }
0x91: {  	s18 =	sld [smem:$0x3FFB];
	_ =	sdelay $0x3  }
0x92: {  	_ =	strace s18  }
0x93: {  	s3 =	sld [smem:$0x3FFC];
	_ =	sdelay $0x3  }
0x94: {  	_ =	strace s3  }
0x95: {  	s3 =	sld [smem:$0x3FFD];
	_ =	sdelay $0x3  }
0x96: {  	_ =	strace s3  }
0x97: {  	_ =	strace $0x8FFFFFFF  }
0x98: {  	s19 =	sld [smem:$0x3FDB];
	_ =	sdelay $0x1  }
0x99: {  	s4 =	simm.s32 $_scs_section_size  }
0x9a: {  	s5 =	simm.s32 $_size__tile_overlayer_lowered;
	s6 =	simm.s32 $_tile_overlayer_lowered  }
0x9b: {  	s22 =	simm.s32 $0x1BFF;
	s21 =	sshll.u32 s6, $0x1;
	s3 =	sadd.s32 s4, s19  }
0x9c: {  	s7 =	simm.s32 $0x0;
	s20 =	sshll.u32 s5, $0x1;
	s5 =	sadd.s32 s21, s3  }
0x9d: {  	[timem:s7], [sflag:s22] =	dma.local [hbm:s5], s20  }
0x9e: {  	_ =	swait.ge [sflag:s22], s20  }
0x9f: {  	s4 =	ssub.s32 $0x0, s20;
	[sflag:s22] =	ssyncset.done $0x0  }
0xa0: {  	[sflag:s22] =	ssyncadd.s32 s4;
	_ =	sdelay $0x1  }
0xa1: {  	s23 =	simm.s32 $0x1B8B  }
0xa2: {  	_ =	swait.ge [sflag:s23], $0x1  }
0xa3: {  	[sflag:s23] =	ssyncset.done $0x0  }
0xa4: {  	s25 =	simm.s32 $0x1B8E;
	s24 =	sld [smem:$0x3FFE];
	[sflag:s23] =	ssyncadd.s32 $0xFFFFFFFF  }
0xa5: {  	s26 =	simm.s32 $execute0_lowered;
	[smem:$0x3FD2] =	sst s25  }
0xa6: {  	s5 =	sshll.u32 s26, $0x1;
	_ =	strace $0x80000049;
	[dreg:$0x1] =	wrdreg $0xFFFFFFFF  }
0xa7: {  	s28 =	simm.s32 $_size_execute0_lowered;
	s3 =	sadd.s32 s3, s5;
	[dreg:$0x0] =	wrdreg $0x0  }
0xa8: {  	s5 =	sshll.u32 s28, $0x1;
	[dreg:$0x2] =	wrdreg s3  }
0xa9: {  	[dreg:$0x3] =	wrdreg s5  }
0xaa: {  	[dreg:$0x4] =	wrdreg $0xC0  }
0xab: {  	_ =	task [dreg:s7], $0x5FFFF  }
0xac: {  	[dreg:$0x1] =	wrdreg $0xFFFFFFFF  }
0xad: {  	[dreg:$0x0] =	wrdreg $0x60  }
0xae: {  	[dreg:$0x2] =	wrdreg s2  }
0xaf: {  	[dreg:$0x3] =	wrdreg s24  }
0xb0: {  	[dreg:$0x4] =	wrdreg $0xBE000  }
0xb1: {  	[dreg:$0x5] =	wrdreg $0x9  }
0xb2: {  	_ =	task.clear_ibuf [dreg:s7], $0x6FFFF;
	_ =	strace $0x90000049  }
0xb3: {  	s29 =	simm.s32 $0x9;
	_ =	strace $0x8000004B  }
0xb4: {  	_ =	swait.ge [sflag:s29], $0x1  }
0xb5: {  	[sflag:s29] =	ssyncadd.s32 $0xFFFFFFFF  }
0xb6: {  	_ =	strace $0x9000004B  }
0xb7: {  	_ =	sfence  }
0xb8: {  	s30 =	sld [smem:$0x0];
	_ =	sdelay $0x2  }
0xb9: {  	s31 =	sshll.u32 s1, $0xD;
	s1 =	sshrl.u32 s1, $0x2  }
0xba: {  	s3 =	sand.u32 $0x4000, s31;
	s1 =	sadd.s32 s1, s30  }
0xbb: {  	s0 =	sor.u32 s3, s0;
	s1 =	sshll.u32 s1, $0x11  }
0xbc: {  	s0 =	sor.u32 s1, s0  }
0xbd: {  	s0 =	sadd.s32 $0x8F2B, s0  }
0xbe: {  	[sflag:s0] =	ssyncadd.remote.s32 $0x1  }
0xbf: {  	_ =	sfence.sel $0xFFFF  }
0xc0: {  	[dreg:$0x0] =	wrdreg $0xFFFFFFFF;
	(pc) =	sbr.abs _section_cstart, $3  }
0xc1: {  	[dreg:$0x1] =	wrdreg $0xFFFFFFFF  }
0xc2: {  	_ =	task.clear_ibuf [dreg:s7], $0x2FFFF;
	_ =	strace $0x9FFFFFFF  }
0xc3: {  	(tm) =	ssettm $0x7FFFFFFF  }
tec
execute0_lowered:
.L_overlay_start_1:
0x0: {  	(tag) =	ssettag $0x1  }
0x1: {  	s1 =	rddreg [dreg:$0x0]  }
0x2: {  	s0 =	rddreg [dreg:$0x1];
	s18 =	stileid.u32  }
0x3: {  	s3 =	srdreg.scid;
	s22 =	smul.u32 $0x780, s18  }
0x4: {  	s2 =	rddreg [dreg:$0x2];
	s9 =	smul.u32 $0x278, s18  }
0x5: {  	s19 =	simm.s32 $0x3C80;
	s28 =	simm.s32 $0x2;
	s10 =	smul.u32 $0x4F000, s18  }
0x6: {  	s29 =	simm.s32 $0x3D80;
	s4 =	sand.u32 $0x1, s3;
	s31 =	smul.u32 $0x2780, s18  }
0x7: {  	s30 =	simm.s32 $0x0;
	s3 =	simm.s32 $0x0;
	s5 =	smul.u32 $0x7800, s4  }
0x8: {  	s18 =	simm.s32 $0x3C00;
	[smem:$0x7FF] =	sst s3;
	s6 =	smul.u32 $0x27800, s4  }
0x9: {  	s21 =	ssub.s32 $0x2, s4;
	p0 =	seq.s32 s4, $0x0;
	s4 =	simm.s32 $0x78  }
0xa: {  	_ =	strace $0x8000004A;
	s8 =	sshrl.u32 s21, $0x1;
	s4 =	simm.s32 @!p0 $0x28  }
0xb: {  	s14 =	sadd.s32 $0x80, s9;
	s23 =	sshrl.u32 s10, $0x2;
	s15 =	sadd.s32 $0x100, s9  }
0xc: {  	s16 =	sadd.s32 $0x180, s9;
	s17 =	sadd.s32 $0x200, s9;
	s7 =	sadd.s32 s5, s0  }
0xd: {  	s0 =	sadd.s32 s6, s0;
	s5 =	ssub.s32 s21, s8;
	s13 =	sadd.s32 $0xFFFFFFFF, s4  }
0xe: {  	s24 =	sshll.u32 s14, $0x7;
	s25 =	sshll.u32 s15, $0x7;
	s26 =	sshll.u32 s16, $0x7  }
0xf: {  	s11 =	sshll.u32 s17, $0x7;
	s12 =	sshrl.u32 s4, $0x1;
	s21 =	sshll.u32 s14, $0x4  }
0x10: {  	s14 =	simm.s32 $0x3;
	s6 =	sadd.s32 s22, s7;
	s7 =	sadd.s32 s23, s2  }
0x11: {  	s8 =	sadd.s32 s24, s2;
	s9 =	sadd.s32 s25, s2;
	s10 =	sadd.s32 s26, s2  }
0x12: {  	s11 =	sadd.s32 s11, s2;
	s0 =	sadd.s32 $0x10E00, s0;
	s22 =	sshll.u32 s15, $0x4  }
0x13: {  	s23 =	sshll.u32 s16, $0x4;
	s24 =	sshll.u32 s17, $0x4;
	s15 =	simm.s32 $0x3E00  }
0x14: {  	s16 =	simm.s32 $0x1;
	s17 =	simm.s32 $0x80;
	s25 =	simm.s32 $0x7E00  }
0x15: {  	s26 =	simm.s32 $0x3D00;
	s6 =	sadd.s32 $0x1E00, s6;
	s20 =	sadd.s32 s31, s0  }
0x16: {  	s21 =	sadd.s32 s21, s0;
	s22 =	sadd.s32 s22, s0;
	s23 =	sadd.s32 s23, s0  }
0x17: {  	v0 =	vimm.f32 $0.0e+00;
	s24 =	sadd.s32 s24, s0;
	[dreg:$0x4] =	wrdreg s6;
	s6 =	smax.u32 s5, $0x1  }
.LBB2_1:
0x18: {  	s0 =	rddreg [dreg:$0x4]  }
0x19: {  	[tilespmem:s3], [sflag:$0x3] =	stream.linear.gather [hbm4b:s0+s3], $0x3C00, $0x38;
	[tilespmem:$0x1FA00] =	vst v63  }
0x1a: {  	_ =	swait.ge [sflag:s14], $0x3C00  }
0x1b: {  	[sflag:s14] =	ssyncset.done $0x0  }
0x1c: {  	s4 =	simm.s32 $0x200;
	s0 =	simm.s32 $0x0;
	[sflag:s14] =	ssyncadd.s32 $0xFFFFC400  }
.LBB2_2:
0x1d: {  	p0 =	sne.s32 s4, $0xFE00;
	[tilespmem:s0+$0x3E70] =	vst v0  }
0x1e: {  	[tilespmem:s0+$0x3E00] =	vst v0  }
0x1f: {  	[tilespmem:s0+$0x3E10] =	vst v0  }
.Ltmp0:
0x20: {  	[tilespmem:s0+$0x3E20] =	vst v0;
	(pc) =	sbr.rel @p0 .LBB2_2-.Ltmp0, $4  }
0x21: {  	[tilespmem:s0+$0x3E30] =	vst v0  }
0x22: {  	[tilespmem:s0+$0x3E40] =	vst v0  }
0x23: {  	[tilespmem:s0+$0x3E50] =	vst v0  }
0x24: {  	[tilespmem:s0+$0x3E60] =	vst v0;
	s0 =	sshra.s32 s4, $0x2;
	s4 =	sadd.s32 $0x200, s4  }
0x25: {  	[tilespmem:s0+$0x3E70] =	vst v0  }
0x26: {  	[tilespmem:s0+$0x3E00] =	vst v0  }
0x27: {  	[tilespmem:s0+$0x3E10] =	vst v0  }
0x28: {  	[tilespmem:s0+$0x3E20] =	vst v0  }
0x29: {  	[tilespmem:s0+$0x3E30] =	vst v0  }
0x2a: {  	[tilespmem:s0+$0x3E40] =	vst v0  }
0x2b: {  	[tilespmem:s0+$0x3E50] =	vst v0  }
0x2c: {  	[tilespmem:s0+$0x3E60] =	vst v0  }
0x2d: {  	[spmem:s7] =	stream.linear.scatter [tilespmem:s15], [sflag:$0x1], $0x4000, $0x38;
	[tilespmem:$0x1FA00] =	vst v63  }
0x2e: {  	_ = 	snop  }
0x2f: {  	[spmem:s8] =	stream.linear.scatter [tilespmem:s15], [sflag:$0x1], $0x4000, $0x38;
	[tilespmem:$0x1FA00] =	vst v63  }
0x30: {  	_ = 	snop  }
0x31: {  	[spmem:s9] =	stream.linear.scatter [tilespmem:s15], [sflag:$0x1], $0x4000, $0x38;
	[tilespmem:$0x1FA00] =	vst v63  }
0x32: {  	_ = 	snop  }
0x33: {  	[spmem:s10] =	stream.linear.scatter [tilespmem:s15], [sflag:$0x1], $0x4000, $0x38;
	[tilespmem:$0x1FA00] =	vst v63  }
0x34: {  	_ = 	snop  }
0x35: {  	[spmem:s11] =	stream.linear.scatter [tilespmem:s15], [sflag:$0x1], $0x3C00, $0x38;
	[tilespmem:$0x1FA00] =	vst v63  }
0x36: {  	_ =	swait.ge [sflag:s16], $0x4000  }
0x37: {  	[sflag:s16] =	ssyncset.done $0x0  }
0x38: {  	[sflag:s16] =	ssyncadd.s32 $0xFFFFC000  }
0x39: {  	_ =	swait.ge [sflag:s16], $0x4000  }
0x3a: {  	[sflag:s16] =	ssyncset.done $0x0  }
0x3b: {  	[sflag:s16] =	ssyncadd.s32 $0xFFFFC000  }
0x3c: {  	_ =	swait.ge [sflag:s16], $0x4000  }
0x3d: {  	[sflag:s16] =	ssyncset.done $0x0  }
0x3e: {  	[sflag:s16] =	ssyncadd.s32 $0xFFFFC000  }
0x3f: {  	_ =	swait.ge [sflag:s16], $0x4000  }
0x40: {  	[sflag:s16] =	ssyncset.done $0x0  }
0x41: {  	[sflag:s16] =	ssyncadd.s32 $0xFFFFC000  }
0x42: {  	_ =	swait.ge [sflag:s16], $0x3C00  }
0x43: {  	[sflag:s16] =	ssyncset.done $0x0  }
0x44: {  	[sflag:s16] =	ssyncadd.s32 $0xFFFFC400  }
0x45: {  	[bflag:$0x0] =	sbarrier.arrive $0xFFFF  }
0x46: {  	v1 =	vld [tilespmem:$0x0];
	_ =	sdelay $0x1  }
0x47: {  	v2 =	vld [tilespmem:$0x10];
	_ =	sdelay $0x1  }
0x48: {  	v3 =	vld [tilespmem:$0x20]  }
0x49: {  	v4 =	vand.u32 $0xFFFF, v1  }
0x4a: {  	v59 =	vld [tilespmem:$0x30];
	v1 =	vshrl.u32 v1, $0x10;
	[tilespmem:$0x3C00] =	vst v4  }
0x4b: {  	[tilespmem:$0x3D00] =	vst v1;
	v1 =	vand.u32 $0xFFFF, v2  }
0x4c: {  	[tilespmem:$0x3C10] =	vst v1;
	v1 =	vshrl.u32 v2, $0x10;
	v2 =	vld [tilespmem:$0x40]  }
0x4d: {  	[tilespmem:$0x3D10] =	vst v1;
	v1 =	vand.u32 $0xFFFF, v3  }
0x4e: {  	[tilespmem:$0x3C20] =	vst v1;
	v1 =	vshrl.u32 v3, $0x10;
	v3 =	vld [tilespmem:$0x50]  }
0x4f: {  	[tilespmem:$0x3D20] =	vst v1;
	v1 =	vand.u32 $0xFFFF, v59  }
0x50: {  	v60 =	vld [tilespmem:$0x60];
	[tilespmem:$0x3C30] =	vst v1;
	v1 =	vshrl.u32 v59, $0x10  }
0x51: {  	[tilespmem:$0x3D30] =	vst v1;
	v1 =	vand.u32 $0xFFFF, v2  }
0x52: {  	[tilespmem:$0x3C40] =	vst v1;
	v1 =	vshrl.u32 v2, $0x10;
	v2 =	vld [tilespmem:$0x70]  }
0x53: {  	[tilespmem:$0x3D40] =	vst v1;
	v1 =	vand.u32 $0xFFFF, v3  }
0x54: {  	[tilespmem:$0x3C50] =	vst v1;
	v1 =	vshrl.u32 v3, $0x10  }
0x55: {  	[tilespmem:$0x3D50] =	vst v1;
	v1 =	vand.u32 $0xFFFF, v60  }
0x56: {  	[tilespmem:$0x3C60] =	vst v1;
	v1 =	vshrl.u32 v60, $0x10  }
0x57: {  	[tilespmem:$0x3D60] =	vst v1;
	v1 =	vand.u32 $0xFFFF, v2  }
0x58: {  	[tilespmem:$0x3C70] =	vst v1;
	v1 =	vshrl.u32 v2, $0x10  }
0x59: {  	[tilespmem:$0x3D70] =	vst v1  }
0x5a: {  	[tilespmem:s15], [sflag:$0x1] =	stream.indirect.gather [hbm4b:s1+s17], $0x80, s18, s17, $0xb8;
	[tilespmem:$0x1FA00] =	vst v63  }
0x5b: {  	v1 =	vld [tilespmem:$0x80];
	_ =	sdelay $0x1  }
0x5c: {  	v2 =	vld [tilespmem:$0x90];
	_ =	sdelay $0x1  }
0x5d: {  	v3 =	vld [tilespmem:$0xA0]  }
0x5e: {  	v61 =	vand.u32 $0xFFFF, v1  }
0x5f: {  	v62 =	vld [tilespmem:$0xB0];
	v1 =	vshrl.u32 v1, $0x10;
	[tilespmem:$0x3C80] =	vst v61  }
0x60: {  	[tilespmem:$0x3D80] =	vst v1;
	v1 =	vand.u32 $0xFFFF, v2  }
0x61: {  	[tilespmem:$0x3C90] =	vst v1;
	v1 =	vshrl.u32 v2, $0x10;
	v2 =	vld [tilespmem:$0xC0]  }
0x62: {  	[tilespmem:$0x3D90] =	vst v1;
	v1 =	vand.u32 $0xFFFF, v3  }
0x63: {  	[tilespmem:$0x3CA0] =	vst v1;
	v1 =	vshrl.u32 v3, $0x10;
	v3 =	vld [tilespmem:$0xD0]  }
0x64: {  	[tilespmem:$0x3DA0] =	vst v1;
	v1 =	vand.u32 $0xFFFF, v62  }
0x65: {  	v63 =	vld [tilespmem:$0xE0];
	[tilespmem:$0x3CB0] =	vst v1;
	v1 =	vshrl.u32 v62, $0x10  }
0x66: {  	[tilespmem:$0x3DB0] =	vst v1;
	v1 =	vand.u32 $0xFFFF, v2  }
0x67: {  	[tilespmem:$0x3CC0] =	vst v1;
	v1 =	vshrl.u32 v2, $0x10;
	v2 =	vld [tilespmem:$0xF0]  }
0x68: {  	[tilespmem:$0x3DC0] =	vst v1;
	v1 =	vand.u32 $0xFFFF, v3  }
0x69: {  	[tilespmem:$0x3CD0] =	vst v1;
	v1 =	vshrl.u32 v3, $0x10  }
0x6a: {  	[tilespmem:$0x3DD0] =	vst v1;
	v1 =	vand.u32 $0xFFFF, v63  }
0x6b: {  	[tilespmem:$0x3CE0] =	vst v1;
	v1 =	vshrl.u32 v63, $0x10  }
0x6c: {  	[tilespmem:$0x3DE0] =	vst v1;
	v1 =	vand.u32 $0xFFFF, v2  }
0x6d: {  	[tilespmem:$0x3CF0] =	vst v1;
	v1 =	vshrl.u32 v2, $0x10  }
0x6e: {  	[tilespmem:$0x3DF0] =	vst v1  }
0x6f: {  	[tilespmem:s25], [sflag:$0x2] =	stream.indirect.gather [hbm4b:s1+s17], $0x80, s19, s17, $0xb8;
	[tilespmem:$0x1FA00] =	vst v63  }
0x70: {  	_ =	swait.ge [sflag:s16], $0x4000  }
0x71: {  	s31 =	simm.s32 $0x2;
	[sflag:s16] =	ssyncset.done $0x0  }
0x72: {  	p0 =	sgt.s32 s13, $0x2;
	s0 =	smov.u32 s13;
	[sflag:s16] =	ssyncadd.s32 $0xFFFFC000  }
0x73: {  	[spmem:s2] =	stream.indirect.scatter.add.f32 [tilespmem:s15], [sflag:$0x3], $0x80, s26, s17, $0xb8;
	[tilespmem:$0x1FA00] =	vst v63  }
0x74: {  	s0 =	smov.u32 @p0 s31;
	_ =	swait.ge [sflag:s14], $0x4000  }
0x75: {  	s0 =	sshll.u32 s0, $0x9;
	[sflag:s14] =	ssyncset.done $0x0  }
0x76: {  	s0 =	sshra.s32 s0, $0x2;
	[sflag:s14] =	ssyncadd.s32 $0xFFFFC000  }
0x77: {  	v1 =	vld [tilespmem:s0+$0x0];
	_ =	sdelay $0x4  }
0x78: {  	v2 =	vand.u32 $0xFFFF, v1  }
0x79: {  	v1 =	vshrl.u32 v1, $0x10;
	[tilespmem:$0x3C00] =	vst v2  }
0x7a: {  	[tilespmem:$0x3D00] =	vst v1  }
0x7b: {  	v1 =	vld [tilespmem:s0+$0x10];
	_ =	sdelay $0x4  }
0x7c: {  	v2 =	vand.u32 $0xFFFF, v1  }
0x7d: {  	v1 =	vshrl.u32 v1, $0x10;
	[tilespmem:$0x3C10] =	vst v2  }
0x7e: {  	[tilespmem:$0x3D10] =	vst v1  }
0x7f: {  	v1 =	vld [tilespmem:s0+$0x20];
	_ =	sdelay $0x4  }
0x80: {  	v2 =	vand.u32 $0xFFFF, v1  }
0x81: {  	v1 =	vshrl.u32 v1, $0x10;
	[tilespmem:$0x3C20] =	vst v2  }
0x82: {  	[tilespmem:$0x3D20] =	vst v1  }
0x83: {  	v1 =	vld [tilespmem:s0+$0x30];
	_ =	sdelay $0x4  }
0x84: {  	v2 =	vand.u32 $0xFFFF, v1  }
0x85: {  	v1 =	vshrl.u32 v1, $0x10;
	[tilespmem:$0x3C30] =	vst v2  }
0x86: {  	[tilespmem:$0x3D30] =	vst v1  }
0x87: {  	v1 =	vld [tilespmem:s0+$0x40];
	_ =	sdelay $0x4  }
0x88: {  	v2 =	vand.u32 $0xFFFF, v1  }
0x89: {  	v1 =	vshrl.u32 v1, $0x10;
	[tilespmem:$0x3C40] =	vst v2  }
0x8a: {  	[tilespmem:$0x3D40] =	vst v1  }
0x8b: {  	v1 =	vld [tilespmem:s0+$0x50];
	_ =	sdelay $0x4  }
0x8c: {  	v2 =	vand.u32 $0xFFFF, v1  }
0x8d: {  	v1 =	vshrl.u32 v1, $0x10;
	[tilespmem:$0x3C50] =	vst v2  }
0x8e: {  	[tilespmem:$0x3D50] =	vst v1  }
0x8f: {  	v1 =	vld [tilespmem:s0+$0x60];
	_ =	sdelay $0x4  }
0x90: {  	v2 =	vand.u32 $0xFFFF, v1  }
0x91: {  	v1 =	vshrl.u32 v1, $0x10;
	[tilespmem:$0x3C60] =	vst v2  }
0x92: {  	[tilespmem:$0x3D60] =	vst v1  }
0x93: {  	v1 =	vld [tilespmem:s0+$0x70];
	_ =	sdelay $0x4  }
0x94: {  	v2 =	vand.u32 $0xFFFF, v1  }
0x95: {  	v1 =	vshrl.u32 v1, $0x10;
	[tilespmem:$0x3C70] =	vst v2  }
0x96: {  	[tilespmem:$0x3D70] =	vst v1  }
0x97: {  	[tilespmem:s15], [sflag:$0x1] =	stream.indirect.gather [hbm4b:s1+s17], $0x80, s18, s17, $0xb8;
	[tilespmem:$0x1FA00] =	vst v63  }
0x98: {  	_ =	swait.ge [sflag:s28], $0x4000  }
0x99: {  	s4 =	smov.u32 s13;
	[sflag:s28] =	ssyncset.done $0x0  }
0x9a: {  	p0 =	sgt.s32 s13, $0x3;
	s0 =	simm.s32 $0x3;
	[sflag:s28] =	ssyncadd.s32 $0xFFFFC000  }
0x9b: {  	[spmem:s2] =	stream.indirect.scatter.add.f32 [tilespmem:s25], [sflag:$0x3], $0x80, s29, s17, $0xb8;
	[tilespmem:$0x1FA00] =	vst v63  }
0x9c: {  	s4 =	smov.u32 @p0 s0;
	_ =	swait.ge [sflag:s14], $0x4000  }
0x9d: {  	s0 =	sshll.u32 s4, $0x9;
	[sflag:s14] =	ssyncset.done $0x0  }
0x9e: {  	s4 =	sshra.s32 s0, $0x2;
	[sflag:s14] =	ssyncadd.s32 $0xFFFFC000  }
0x9f: {  	v1 =	vld [tilespmem:s4+$0x0];
	_ =	sdelay $0x4  }
0xa0: {  	v2 =	vand.u32 $0xFFFF, v1  }
0xa1: {  	v1 =	vshrl.u32 v1, $0x10;
	[tilespmem:$0x3C80] =	vst v2  }
0xa2: {  	[tilespmem:$0x3D80] =	vst v1  }
0xa3: {  	v1 =	vld [tilespmem:s4+$0x10];
	_ =	sdelay $0x4  }
0xa4: {  	v2 =	vand.u32 $0xFFFF, v1  }
0xa5: {  	v1 =	vshrl.u32 v1, $0x10;
	[tilespmem:$0x3C90] =	vst v2  }
0xa6: {  	[tilespmem:$0x3D90] =	vst v1  }
0xa7: {  	v1 =	vld [tilespmem:s4+$0x20];
	_ =	sdelay $0x4  }
0xa8: {  	v2 =	vand.u32 $0xFFFF, v1  }
0xa9: {  	v1 =	vshrl.u32 v1, $0x10;
	[tilespmem:$0x3CA0] =	vst v2  }
0xaa: {  	[tilespmem:$0x3DA0] =	vst v1  }
0xab: {  	v1 =	vld [tilespmem:s4+$0x30];
	_ =	sdelay $0x4  }
0xac: {  	v2 =	vand.u32 $0xFFFF, v1  }
0xad: {  	v1 =	vshrl.u32 v1, $0x10;
	[tilespmem:$0x3CB0] =	vst v2  }
0xae: {  	[tilespmem:$0x3DB0] =	vst v1  }
0xaf: {  	v1 =	vld [tilespmem:s4+$0x40];
	_ =	sdelay $0x4  }
0xb0: {  	v2 =	vand.u32 $0xFFFF, v1  }
0xb1: {  	v1 =	vshrl.u32 v1, $0x10;
	[tilespmem:$0x3CC0] =	vst v2  }
0xb2: {  	[tilespmem:$0x3DC0] =	vst v1  }
0xb3: {  	v1 =	vld [tilespmem:s4+$0x50];
	_ =	sdelay $0x1  }
0xb4: {  	p0 =	sne.s32 s12, $0x1  }
.Ltmp1:
0xb5: {  	_ = 	snop;
	(pc) =	sbr.rel @!p0 .LBB2_5-.Ltmp1, $4  }
0xb6: {  	_ = 	snop  }
0xb7: {  	v2 =	vand.u32 $0xFFFF, v1  }
0xb8: {  	v1 =	vshrl.u32 v1, $0x10;
	[tilespmem:$0x3CD0] =	vst v2  }
0xb9: {  	s0 =	sadd.s32 $0xFFFFFFFF, s12;
	[tilespmem:$0x3DD0] =	vst v1  }
.LBB2_4:
0xba: {  	p0 =	sne.s32 s0, $0x1;
	s0 =	sadd.s32 $0xFFFFFFFF, s0;
	v1 =	vld [tilespmem:s4+$0x60];
	s31 =	sadd.s32 $0x2, s31  }
0xbb: {  	_ =	sdelay $0x3  }
0xbc: {  	v2 =	vand.u32 $0xFFFF, v1;
	v1 =	vshrl.u32 v1, $0x10  }
0xbd: {  	[tilespmem:$0x3CE0] =	vst v2  }
0xbe: {  	[tilespmem:$0x3DE0] =	vst v1  }
0xbf: {  	v1 =	vld [tilespmem:s4+$0x70];
	_ =	sdelay $0x4  }
0xc0: {  	v2 =	vand.u32 $0xFFFF, v1;
	v1 =	vshrl.u32 v1, $0x10  }
0xc1: {  	[tilespmem:$0x3CF0] =	vst v2  }
0xc2: {  	[tilespmem:$0x3DF0] =	vst v1  }
0xc3: {  	[tilespmem:s25], [sflag:$0x2] =	stream.indirect.gather [hbm4b:s1+s17], $0x80, s19, s17, $0xb8;
	[tilespmem:$0x1FA00] =	vst v63  }
0xc4: {  	_ =	swait.ge [sflag:s16], $0x4000  }
0xc5: {  	[sflag:s16] =	ssyncset.done $0x0  }
0xc6: {  	p1 =	slt.s32 s31, s13;
	s4 =	smov.u32 s13;
	[sflag:s16] =	ssyncadd.s32 $0xFFFFC000  }
0xc7: {  	[spmem:s2] =	stream.indirect.scatter.add.f32 [tilespmem:s15], [sflag:$0x3], $0x80, s26, s17, $0xb8;
	[tilespmem:$0x1FA00] =	vst v63  }
0xc8: {  	s4 =	smov.u32 @p1 s31;
	_ =	swait.ge [sflag:s14], $0x4000  }
0xc9: {  	s4 =	sshll.u32 s4, $0x9;
	[sflag:s14] =	ssyncset.done $0x0  }
0xca: {  	s4 =	sshra.s32 s4, $0x2;
	[sflag:s14] =	ssyncadd.s32 $0xFFFFC000  }
0xcb: {  	v1 =	vld [tilespmem:s4+$0x0];
	_ =	sdelay $0x4  }
0xcc: {  	v2 =	vand.u32 $0xFFFF, v1;
	v1 =	vshrl.u32 v1, $0x10  }
0xcd: {  	[tilespmem:$0x3C00] =	vst v2  }
0xce: {  	[tilespmem:$0x3D00] =	vst v1  }
0xcf: {  	v1 =	vld [tilespmem:s4+$0x10];
	_ =	sdelay $0x4  }
0xd0: {  	v2 =	vand.u32 $0xFFFF, v1;
	v1 =	vshrl.u32 v1, $0x10  }
0xd1: {  	[tilespmem:$0x3C10] =	vst v2  }
0xd2: {  	[tilespmem:$0x3D10] =	vst v1  }
0xd3: {  	v1 =	vld [tilespmem:s4+$0x20];
	_ =	sdelay $0x4  }
0xd4: {  	v2 =	vand.u32 $0xFFFF, v1;
	v1 =	vshrl.u32 v1, $0x10  }
0xd5: {  	[tilespmem:$0x3C20] =	vst v2  }
0xd6: {  	[tilespmem:$0x3D20] =	vst v1  }
0xd7: {  	v1 =	vld [tilespmem:s4+$0x30];
	_ =	sdelay $0x4  }
0xd8: {  	v2 =	vand.u32 $0xFFFF, v1;
	v1 =	vshrl.u32 v1, $0x10  }
0xd9: {  	[tilespmem:$0x3C30] =	vst v2  }
0xda: {  	[tilespmem:$0x3D30] =	vst v1  }
0xdb: {  	v1 =	vld [tilespmem:s4+$0x40];
	_ =	sdelay $0x4  }
0xdc: {  	v2 =	vand.u32 $0xFFFF, v1;
	v1 =	vshrl.u32 v1, $0x10  }
0xdd: {  	[tilespmem:$0x3C40] =	vst v2  }
0xde: {  	[tilespmem:$0x3D40] =	vst v1  }
0xdf: {  	v1 =	vld [tilespmem:s4+$0x50];
	_ =	sdelay $0x4  }
0xe0: {  	v2 =	vand.u32 $0xFFFF, v1;
	v1 =	vshrl.u32 v1, $0x10  }
0xe1: {  	[tilespmem:$0x3C50] =	vst v2  }
0xe2: {  	[tilespmem:$0x3D50] =	vst v1  }
0xe3: {  	v1 =	vld [tilespmem:s4+$0x60];
	_ =	sdelay $0x4  }
0xe4: {  	v2 =	vand.u32 $0xFFFF, v1;
	v1 =	vshrl.u32 v1, $0x10  }
0xe5: {  	[tilespmem:$0x3C60] =	vst v2  }
0xe6: {  	[tilespmem:$0x3D60] =	vst v1  }
0xe7: {  	v1 =	vld [tilespmem:s4+$0x70];
	_ =	sdelay $0x2  }
0xe8: {  	s4 =	sadd.s32 $0x1, s31  }
0xe9: {  	s5 =	smov.u32 s13;
	p1 =	slt.s32 s4, s13  }
0xea: {  	s5 =	smov.u32 @p1 s4;
	v2 =	vand.u32 $0xFFFF, v1;
	v1 =	vshrl.u32 v1, $0x10  }
0xeb: {  	s4 =	sshll.u32 s5, $0x9;
	[tilespmem:$0x3C70] =	vst v2  }
0xec: {  	s4 =	sshra.s32 s4, $0x2;
	[tilespmem:$0x3D70] =	vst v1  }
0xed: {  	[tilespmem:s15], [sflag:$0x1] =	stream.indirect.gather [hbm4b:s1+s17], $0x80, s18, s17, $0xb8;
	[tilespmem:$0x1FA00] =	vst v63  }
0xee: {  	_ =	swait.ge [sflag:s28], $0x4000  }
0xef: {  	[sflag:s28] =	ssyncset.done $0x0  }
0xf0: {  	[sflag:s28] =	ssyncadd.s32 $0xFFFFC000  }
0xf1: {  	[spmem:s2] =	stream.indirect.scatter.add.f32 [tilespmem:s25], [sflag:$0x3], $0x80, s29, s17, $0xb8;
	[tilespmem:$0x1FA00] =	vst v63  }
0xf2: {  	_ =	swait.ge [sflag:s14], $0x4000  }
0xf3: {  	[sflag:s14] =	ssyncset.done $0x0  }
0xf4: {  	[sflag:s14] =	ssyncadd.s32 $0xFFFFC000  }
0xf5: {  	v1 =	vld [tilespmem:s4+$0x0];
	_ =	sdelay $0x4  }
0xf6: {  	v2 =	vand.u32 $0xFFFF, v1;
	v1 =	vshrl.u32 v1, $0x10  }
0xf7: {  	[tilespmem:$0x3C80] =	vst v2  }
0xf8: {  	[tilespmem:$0x3D80] =	vst v1  }
0xf9: {  	v1 =	vld [tilespmem:s4+$0x10];
	_ =	sdelay $0x4  }
0xfa: {  	v2 =	vand.u32 $0xFFFF, v1;
	v1 =	vshrl.u32 v1, $0x10  }
0xfb: {  	[tilespmem:$0x3C90] =	vst v2  }
0xfc: {  	[tilespmem:$0x3D90] =	vst v1  }
0xfd: {  	v1 =	vld [tilespmem:s4+$0x20];
	_ =	sdelay $0x4  }
0xfe: {  	v2 =	vand.u32 $0xFFFF, v1;
	v1 =	vshrl.u32 v1, $0x10  }
0xff: {  	[tilespmem:$0x3CA0] =	vst v2  }
0x100: {  	[tilespmem:$0x3DA0] =	vst v1  }
0x101: {  	v1 =	vld [tilespmem:s4+$0x30];
	_ =	sdelay $0x4  }
0x102: {  	v2 =	vand.u32 $0xFFFF, v1;
	v1 =	vshrl.u32 v1, $0x10  }
0x103: {  	[tilespmem:$0x3CB0] =	vst v2  }
0x104: {  	[tilespmem:$0x3DB0] =	vst v1  }
0x105: {  	v1 =	vld [tilespmem:s4+$0x40];
	_ =	sdelay $0x4  }
0x106: {  	v2 =	vand.u32 $0xFFFF, v1;
	v1 =	vshrl.u32 v1, $0x10  }
0x107: {  	[tilespmem:$0x3CC0] =	vst v2  }
0x108: {  	[tilespmem:$0x3DC0] =	vst v1  }
0x109: {  	v1 =	vld [tilespmem:s4+$0x50];
	_ =	sdelay $0x2  }
.Ltmp2:
0x10a: {  	(pc) =	sbr.rel @p0 .LBB2_4-.Ltmp2, $4  }
0x10b: {  	_ = 	snop  }
0x10c: {  	v2 =	vand.u32 $0xFFFF, v1;
	v1 =	vshrl.u32 v1, $0x10  }
0x10d: {  	[tilespmem:$0x3CD0] =	vst v2  }
0x10e: {  	[tilespmem:$0x3DD0] =	vst v1  }
.LBB2_5:
0x10f: {  	v1 =	vld [tilespmem:s4+$0x60];
	_ =	sdelay $0x4  }
0x110: {  	v2 =	vand.u32 $0xFFFF, v1  }
0x111: {  	v1 =	vshrl.u32 v1, $0x10;
	[tilespmem:$0x3CE0] =	vst v2  }
0x112: {  	[tilespmem:$0x3DE0] =	vst v1  }
0x113: {  	v1 =	vld [tilespmem:s4+$0x70];
	_ =	sdelay $0x4  }
0x114: {  	v2 =	vand.u32 $0xFFFF, v1  }
0x115: {  	v1 =	vshrl.u32 v1, $0x10;
	[tilespmem:$0x3CF0] =	vst v2  }
0x116: {  	[tilespmem:$0x3DF0] =	vst v1  }
0x117: {  	[tilespmem:s25], [sflag:$0x2] =	stream.indirect.gather [hbm4b:s1+s17], $0x80, s19, s17, $0xb8;
	[tilespmem:$0x1FA00] =	vst v63  }
0x118: {  	_ =	swait.ge [sflag:s16], $0x4000  }
0x119: {  	[sflag:s16] =	ssyncset.done $0x0  }
0x11a: {  	[sflag:s16] =	ssyncadd.s32 $0xFFFFC000  }
0x11b: {  	_ =	swait.ge [sflag:s28], $0x4000  }
0x11c: {  	[sflag:s28] =	ssyncset.done $0x0  }
0x11d: {  	[sflag:s28] =	ssyncadd.s32 $0xFFFFC000  }
0x11e: {  	[bflag:$0x0] =	sbarrier.arrive $0xFFFF  }
0x11f: {  	[tilespmem:s15], [sflag:$0x3] =	stream.linear.gather [spmem:s7], $0x4000, $0x38;
	[tilespmem:$0x1FA00] =	vst v63  }
0x120: {  	_ =	swait.ge [sflag:s14], $0x4000  }
0x121: {  	[sflag:s14] =	ssyncset.done $0x0  }
0x122: {  	[sflag:s14] =	ssyncadd.s32 $0xFFFFC000  }
0x123: {  	[hbm4b:s20+s3] =	stream.linear.scatter [tilespmem:s15], [sflag:$0x1], $0x4000, $0x38;
	[tilespmem:$0x1FA00] =	vst v63  }
0x124: {  	_ = 	snop  }
0x125: {  	[tilespmem:s25], [sflag:$0x3] =	stream.linear.gather [spmem:s8], $0x4000, $0x38;
	[tilespmem:$0x1FA00] =	vst v63  }
0x126: {  	_ =	swait.ge [sflag:s14], $0x4000  }
0x127: {  	[sflag:s14] =	ssyncset.done $0x0  }
0x128: {  	[sflag:s14] =	ssyncadd.s32 $0xFFFFC000  }
0x129: {  	[hbm4b:s21+s3] =	stream.linear.scatter [tilespmem:s25], [sflag:$0x2], $0x4000, $0x38;
	[tilespmem:$0x1FA00] =	vst v63  }
0x12a: {  	_ =	swait.ge [sflag:s16], $0x4000  }
0x12b: {  	[sflag:s16] =	ssyncset.done $0x0  }
0x12c: {  	[sflag:s16] =	ssyncadd.s32 $0xFFFFC000  }
0x12d: {  	[tilespmem:s15], [sflag:$0x3] =	stream.linear.gather [spmem:s9], $0x4000, $0x38;
	[tilespmem:$0x1FA00] =	vst v63  }
0x12e: {  	_ =	swait.ge [sflag:s14], $0x4000  }
0x12f: {  	[sflag:s14] =	ssyncset.done $0x0  }
0x130: {  	[sflag:s14] =	ssyncadd.s32 $0xFFFFC000  }
0x131: {  	[hbm4b:s22+s3] =	stream.linear.scatter [tilespmem:s15], [sflag:$0x1], $0x4000, $0x38;
	[tilespmem:$0x1FA00] =	vst v63  }
0x132: {  	_ =	swait.ge [sflag:s28], $0x4000  }
0x133: {  	[sflag:s28] =	ssyncset.done $0x0  }
0x134: {  	[sflag:s28] =	ssyncadd.s32 $0xFFFFC000  }
0x135: {  	[tilespmem:s25], [sflag:$0x3] =	stream.linear.gather [spmem:s10], $0x4000, $0x38;
	[tilespmem:$0x1FA00] =	vst v63  }
0x136: {  	_ =	swait.ge [sflag:s14], $0x4000  }
0x137: {  	[sflag:s14] =	ssyncset.done $0x0  }
0x138: {  	[sflag:s14] =	ssyncadd.s32 $0xFFFFC000  }
0x139: {  	[hbm4b:s23+s3] =	stream.linear.scatter [tilespmem:s25], [sflag:$0x2], $0x4000, $0x38;
	[tilespmem:$0x1FA00] =	vst v63  }
0x13a: {  	_ =	swait.ge [sflag:s16], $0x4000  }
0x13b: {  	[sflag:s16] =	ssyncset.done $0x0  }
0x13c: {  	[sflag:s16] =	ssyncadd.s32 $0xFFFFC000  }
0x13d: {  	[tilespmem:s15], [sflag:$0x3] =	stream.linear.gather [spmem:s11], $0x3C00, $0x38;
	[tilespmem:$0x1FA00] =	vst v63  }
0x13e: {  	_ =	swait.ge [sflag:s14], $0x3C00  }
0x13f: {  	[sflag:s14] =	ssyncset.done $0x0  }
0x140: {  	s30 =	sadd.s32 $0x1, s30;
	[sflag:s14] =	ssyncadd.s32 $0xFFFFC400  }
0x141: {  	[hbm4b:s24+s3] =	stream.linear.scatter [tilespmem:s15], [sflag:$0x1], $0x3C00, $0x38;
	[tilespmem:$0x1FA00] =	vst v63  }
0x142: {  	p0 =	sne.s32 s30, s6;
	_ =	swait.ge [sflag:s28], $0x4000  }
.Ltmp3:
0x143: {  	[sflag:s28] =	ssyncset.done $0x0;
	(pc) =	sbr.rel @p0 .LBB2_1-.Ltmp3, $4  }
0x144: {  	[sflag:s28] =	ssyncadd.s32 $0xFFFFC000  }
0x145: {  	_ =	swait.ge [sflag:s16], $0x3C00  }
0x146: {  	[sflag:s16] =	ssyncset.done $0x0  }
0x147: {  	[sflag:s16] =	ssyncadd.s32 $0xFFFFC400  }
0x148: {  	_ =	sfence.sel $0x180000  }
0x149: {  	[bflag:$0x0] =	sbarrier.arrive $0xFFFF  }
0x14a: {  	_ =	strace $0x9000004A  }
0x14b: {  	s0 =	stileid.u32;
	[bflag:$0x2] =	sbarrier.arrive $0xFFFF  }
0x14c: {  	p0 =	sne.s32 s0, $0x0;
	s0 =	rddreg [dreg:$0x3]  }
0x14d: {  	s0 =	sadd.s32 @!p0 $0x100000, s0  }
0x14e: {  	[sflag:s0] =	ssyncadd.tile.s32 @!p0 $0x1;
	_ =	shalt  }
.Lfunc_end2:
_tile_overlayer_lowered:
.L_overlay_start_2:
0x14f: {  	(tag) =	ssettag $0x2  }
0x150: {  	s0 =	rddreg [dreg:$0x0];
	s2 =	stileid.u32  }
0x151: {  	s1 =	rddreg [dreg:$0x1];
	p0 =	sne.s32 s2, $0x0  }
0x152: {  	s3 =	rddreg [dreg:$0x2];
	[bflag:$0x3] =	sbarrier.arrive $0xFFFF;
	s2 =	simm.s32 @!p0 $0x1C03  }
0x153: {  	[timem:s3], [sflag:s2] =	dma.local @!p0 [hbm:s0], s1  }
0x154: {  	s0 =	simm.s32 @!p0 $0x3  }
0x155: {  	_ =	swait.ge @!p0 [sflag:s0], s1  }
0x156: {  	s1 =	ssub.s32 @!p0 $0x0, s1;
	[sflag:s0] =	ssyncset.done @!p0 $0x0  }
0x157: {  	[sflag:s0] =	ssyncadd.s32 @!p0 s1  }
0x158: {  	[bflag:$0x3] =	sbarrier.arrive $0xFFFF  }
0x159: {  	_ =	shalt  }

// kernel: kernel.7.cloned.1.call-start
scs
__scs_entry_jumppad:
0x0: {  	(pc) =	sbr.rel $0x88, $3  }
0x1: {  	(tag) =	ssettag $0x0;
	lr =	simm.s32 $0x1  }
0x2: {  	[smem:$0x3F9B] =	sst lr;
	_ =	strace $0xD0000000  }
0x3: {  	_ = 	snop  }
0x4: {  	_ = 	snop  }
0x5: {  	_ = 	snop  }
0x6: {  	_ = 	snop  }
0x7: {  	_ = 	snop  }
__scs_overlays_trampoline_lowered:
0x8: {  	[smem:$0x3FAA] =	sst s0  }
0x9: {  	[smem:$0x3FAB] =	sst s1  }
0xa: {  	[smem:$0x3FAC] =	sst s2  }
0xb: {  	[smem:$0x3FAD] =	sst s3  }
0xc: {  	[smem:$0x3FAE] =	sst s4  }
0xd: {  	[smem:$0x3FAF] =	sst s5  }
0xe: {  	[smem:$0x3FB0] =	sst s6  }
0xf: {  	[smem:$0x3FB1] =	sst s7  }
0x10: {  	[smem:$0x3FB2] =	sst s8  }
0x11: {  	[smem:$0x3FB3] =	sst s9;
	s0 =	simm.s32 @!p0 $0x0  }
0x12: {  	s1 =	sld [smem:$0x3F99];
	s0 =	simm.s32 @p0 $0x1  }
0x13: {  	[smem:$0x3FB4] =	sst s0;
	s0 =	simm.s32 @!p1 $0x0  }
0x14: {  	s2 =	sld [smem:$0x3F98];
	s0 =	simm.s32 @p1 $0x1  }
0x15: {  	[smem:$0x3FB5] =	sst s0;
	s0 =	simm.s32 @!p2 $0x0  }
0x16: {  	s3 =	sld [smem:$0x3FDB];
	s0 =	simm.s32 @p2 $0x1  }
0x17: {  	s4 =	simm.s32 $0x1BF5;
	[smem:$0x3FB7] =	sst s0  }
0x18: {  	s0 =	sld [smem:$0x3F9A];
	_ =	swait.ge [sflag:s4], $0x0  }
0x19: {  	s7 =	sld [smem:$0x3F9B]  }
0x1a: {  	s8 =	sadd.s32 $0xFFFFE003, lr  }
0x1b: {  	s9 =	sadd.s32 $0xFFFFFEF7, lr;
	s5 =	simm.s32 $0xFFFFFFFF;
	p2 =	slt.u32 s8, $0xFFFFF086  }
0x1c: {  	p1 =	slt.u32 s9, $0xF7A;
	s5 =	simm.s32 @!p2 $0x0  }
0x1d: {  	s5 =	simm.s32 @p1 $0x1;
	p0 =	seq.s32 s7, s2  }
0x1e: {  	s7 =	smul.u32 @!p0 $0xF7A, s2;
	p2 =	seq.s32 @!p0 s5, $0x0  }
0x1f: {  	s9 =	smul.u32 $0xF7A, s1;
	s8 =	simm.s32 @!p0 $0x1BF5;
	p2 =	por !p2, p0  }
0x20: {  	[sflag:s8] =	ssyncset.s32 @!p0 $0xFFFFF086;
	s6 =	sadd.s32 @!p0 s3, s7;
	s7 =	simm.s32 @!p0 $0x108  }
0x21: {  	s3 =	sadd.s32 s3, s9;
	s6 =	sadd.s32 @!p0 $0x88, s6;
	s7 =	simm.s32 @p2 $0x1082  }
0x22: {  	[simem:s7], [sflag:s8] =	dma.local @!p0 [hbm:s6], $0xF7A  }
0x23: {  	s9 =	sor.u32 $0xD0000000, s2;
	s6 =	simm.s32 $0x108;
	_ =	swait.ge @!p0 [sflag:s8], $0x0  }
0x24: {  	s3 =	sadd.s32 $0x88, s3;
	s6 =	simm.s32 @!p1 $0x1082;
	[sflag:s4] =	ssyncset.s32 $0xFFFFF086  }
0x25: {  	[simem:s6], [sflag:s4] =	dma.local [hbm:s3], $0xF7A  }
0x26: {  	[smem:$0x3F9B] =	sst s1;
	(tag) =	ssettag s2;
	_ =	strace s9  }
0x27: {  	s1 =	sld [smem:$0x3FAB]  }
0x28: {  	s2 =	sld [smem:$0x3FAC]  }
0x29: {  	s4 =	sld [smem:$0x3FAE]  }
0x2a: {  	p0 =	seq.s32 s5, $0x0;
	s5 =	sld [smem:$0x3FAF]  }
0x2b: {  	s6 =	sld [smem:$0x3FB0]  }
0x2c: {  	s7 =	sld [smem:$0x3FB1]  }
0x2d: {  	s3 =	simm.s32 $0x108;
	s8 =	sld [smem:$0x3FB2]  }
0x2e: {  	s3 =	simm.s32 @!p0 $0x1082;
	s9 =	sld [smem:$0x3FB3]  }
0x2f: {  	lr =	sadd.s32 s0, s3;
	s0 =	sld [smem:$0x3FAA]  }
0x30: {  	s3 =	sld [smem:$0x3FAD]  }
0x31: {  	[smem:$0x3FB6] =	sst s10  }
0x32: {  	s10 =	sld [smem:$0x3FB4];
	_ =	sdelay $0x3  }
0x33: {  	p0 =	seq.s32 s10, $0x1;
	s10 =	sld [smem:$0x3FB6];
	_ =	sdelay $0x3  }
0x34: {  	[smem:$0x3FB6] =	sst s10  }
0x35: {  	s10 =	sld [smem:$0x3FB5];
	_ =	sdelay $0x3  }
0x36: {  	p1 =	seq.s32 s10, $0x1;
	s10 =	sld [smem:$0x3FB6];
	_ =	sdelay $0x3  }
0x37: {  	[smem:$0x3FB6] =	sst s10  }
0x38: {  	s10 =	sld [smem:$0x3FB7]  }
0x39: {  	_ = 	snop;
	(pc) =	sbr.ind lr, $3  }
0x3a: {  	_ = 	snop  }
0x3b: {  	_ = 	snop  }
0x3c: {  	p2 =	seq.s32 s10, $0x1;
	s10 =	sld [smem:$0x3FB6]  }
0x3d: {  	_ =	shalt  }
0x3e: {  	_ =	shalt  }
0x3f: {  	_ =	shalt  }
0x40: {  	_ =	shalt  }
0x41: {  	_ =	shalt  }
0x42: {  	_ =	shalt  }
0x43: {  	_ =	shalt  }
0x44: {  	_ =	shalt  }
0x45: {  	_ =	shalt  }
0x46: {  	_ =	shalt  }
0x47: {  	_ =	shalt  }
0x48: {  	_ =	shalt  }
0x49: {  	_ =	shalt  }
0x4a: {  	_ =	shalt  }
0x4b: {  	_ =	shalt  }
0x4c: {  	_ =	shalt  }
0x4d: {  	_ =	shalt  }
0x4e: {  	_ =	shalt  }
0x4f: {  	_ =	shalt  }
0x50: {  	_ =	shalt  }
0x51: {  	_ =	shalt  }
0x52: {  	_ =	shalt  }
0x53: {  	_ =	shalt  }
0x54: {  	_ =	shalt  }
0x55: {  	_ =	shalt  }
0x56: {  	_ =	shalt  }
0x57: {  	_ =	shalt  }
0x58: {  	_ =	shalt  }
0x59: {  	_ =	shalt  }
0x5a: {  	_ =	shalt  }
0x5b: {  	_ =	shalt  }
0x5c: {  	_ =	shalt  }
0x5d: {  	_ =	shalt  }
0x5e: {  	_ =	shalt  }
0x5f: {  	_ =	shalt  }
0x60: {  	_ =	shalt  }
0x61: {  	_ =	shalt  }
0x62: {  	_ =	shalt  }
0x63: {  	_ =	shalt  }
0x64: {  	_ =	shalt  }
0x65: {  	_ =	shalt  }
0x66: {  	_ =	shalt  }
0x67: {  	_ =	shalt  }
0x68: {  	_ =	shalt  }
0x69: {  	_ =	shalt  }
0x6a: {  	_ =	shalt  }
0x6b: {  	_ =	shalt  }
0x6c: {  	_ =	shalt  }
0x6d: {  	_ =	shalt  }
0x6e: {  	_ =	shalt  }
0x6f: {  	_ =	shalt  }
0x70: {  	_ =	shalt  }
0x71: {  	_ =	shalt  }
0x72: {  	_ =	shalt  }
0x73: {  	_ =	shalt  }
0x74: {  	_ =	shalt  }
0x75: {  	_ =	shalt  }
0x76: {  	_ =	shalt  }
0x77: {  	_ =	shalt  }
0x78: {  	_ =	shalt  }
0x79: {  	_ =	shalt  }
0x7a: {  	_ =	shalt  }
0x7b: {  	_ =	shalt  }
0x7c: {  	_ =	shalt  }
0x7d: {  	_ =	shalt  }
0x7e: {  	_ =	shalt  }
0x7f: {  	_ =	shalt  }
0x80: {  	_ =	shalt  }
0x81: {  	_ =	shalt  }
0x82: {  	_ =	shalt  }
0x83: {  	_ =	shalt  }
0x84: {  	_ =	shalt  }
0x85: {  	_ =	shalt  }
0x86: {  	_ =	shalt  }
0x87: {  	_ =	shalt  }
.Lfunc_end0:
.L_simem_size_0:
called_computation_lowered:
.L_overlay_start_0:
0x88: {  	s2 =	sld [smem:$0x3FD9]  }
0x89: {  	s3 =	sld [smem:$0x3FFE];
	_ =	sdelay $0x1  }
0x8a: {  	s1 =	srdreg.scid  }
0x8b: {  	s0 =	sand.u32 $0x1, s1  }
0x8c: {  	s17 =	sshll.u32 s0, $0xA;
	s2 =	sadd.s32 s3, s2  }
0x8d: {  	s2 =	sadd.s32 s2, s17  }
0x8e: {  	[smem:$0x3FC2] =	sst s2  }
0x8f: {  	_ = 	snop  }
0x90: {  	s2 =	sld [smem:$0x3FD0];
	(tm) =	ssettm $0x1  }
0x91: {  	s18 =	sld [smem:$0x3FFB];
	_ =	sdelay $0x3  }
0x92: {  	_ =	strace s18  }
0x93: {  	s3 =	sld [smem:$0x3FFC];
	_ =	sdelay $0x3  }
0x94: {  	_ =	strace s3  }
0x95: {  	s3 =	sld [smem:$0x3FFD];
	_ =	sdelay $0x3  }
0x96: {  	_ =	strace s3  }
0x97: {  	_ =	strace $0x8FFFFFFF  }
0x98: {  	s19 =	sld [smem:$0x3FDB];
	_ =	sdelay $0x1  }
0x99: {  	s4 =	simm.s32 $_scs_section_size  }
0x9a: {  	s5 =	simm.s32 $_size__tile_overlayer_lowered;
	s6 =	simm.s32 $_tile_overlayer_lowered  }
0x9b: {  	s22 =	simm.s32 $0x1BFF;
	s21 =	sshll.u32 s6, $0x1;
	s3 =	sadd.s32 s4, s19  }
0x9c: {  	s7 =	simm.s32 $0x0;
	s20 =	sshll.u32 s5, $0x1;
	s5 =	sadd.s32 s21, s3  }
0x9d: {  	[timem:s7], [sflag:s22] =	dma.local [hbm:s5], s20  }
0x9e: {  	_ =	swait.ge [sflag:s22], s20  }
0x9f: {  	s4 =	ssub.s32 $0x0, s20;
	[sflag:s22] =	ssyncset.done $0x0  }
0xa0: {  	[sflag:s22] =	ssyncadd.s32 s4;
	_ =	sdelay $0x1  }
0xa1: {  	s23 =	simm.s32 $0x1B8B  }
0xa2: {  	_ =	swait.ge [sflag:s23], $0x1  }
0xa3: {  	[sflag:s23] =	ssyncset.done $0x0  }
0xa4: {  	s25 =	simm.s32 $0x1B8E;
	s24 =	sld [smem:$0x3FFE];
	[sflag:s23] =	ssyncadd.s32 $0xFFFFFFFF  }
0xa5: {  	s26 =	simm.s32 $execute0_lowered;
	[smem:$0x3FD2] =	sst s25  }
0xa6: {  	s5 =	sshll.u32 s26, $0x1;
	_ =	strace $0x80000046;
	[dreg:$0x1] =	wrdreg $0xFFFFFFFF  }
0xa7: {  	s28 =	simm.s32 $_size_execute0_lowered;
	s3 =	sadd.s32 s3, s5;
	[dreg:$0x0] =	wrdreg $0x0  }
0xa8: {  	s5 =	sshll.u32 s28, $0x1;
	[dreg:$0x2] =	wrdreg s3  }
0xa9: {  	[dreg:$0x3] =	wrdreg s5  }
0xaa: {  	[dreg:$0x4] =	wrdreg $0xC0  }
0xab: {  	_ =	task [dreg:s7], $0x5FFFF  }
0xac: {  	[dreg:$0x1] =	wrdreg $0xFFFFFFFF  }
0xad: {  	[dreg:$0x0] =	wrdreg $0x60  }
0xae: {  	[dreg:$0x2] =	wrdreg s2  }
0xaf: {  	[dreg:$0x3] =	wrdreg s24  }
0xb0: {  	[dreg:$0x4] =	wrdreg $0xBE000  }
0xb1: {  	[dreg:$0x5] =	wrdreg $0x9  }
0xb2: {  	_ =	task.clear_ibuf [dreg:s7], $0x6FFFF;
	_ =	strace $0x90000046  }
0xb3: {  	s29 =	simm.s32 $0x9;
	_ =	strace $0x80000048  }
0xb4: {  	_ =	swait.ge [sflag:s29], $0x1  }
0xb5: {  	[sflag:s29] =	ssyncadd.s32 $0xFFFFFFFF  }
0xb6: {  	_ =	strace $0x90000048  }
0xb7: {  	_ =	sfence  }
0xb8: {  	s30 =	sld [smem:$0x0];
	_ =	sdelay $0x2  }
0xb9: {  	s31 =	sshll.u32 s1, $0xD;
	s1 =	sshrl.u32 s1, $0x2  }
0xba: {  	s3 =	sand.u32 $0x4000, s31;
	s1 =	sadd.s32 s1, s30  }
0xbb: {  	s0 =	sor.u32 s3, s0;
	s1 =	sshll.u32 s1, $0x11  }
0xbc: {  	s0 =	sor.u32 s1, s0  }
0xbd: {  	s0 =	sadd.s32 $0x8F2B, s0  }
0xbe: {  	[sflag:s0] =	ssyncadd.remote.s32 $0x1  }
0xbf: {  	_ =	sfence.sel $0xFFFF  }
0xc0: {  	[dreg:$0x0] =	wrdreg $0xFFFFFFFF;
	(pc) =	sbr.abs _section_cstart, $3  }
0xc1: {  	[dreg:$0x1] =	wrdreg $0xFFFFFFFF  }
0xc2: {  	_ =	task.clear_ibuf [dreg:s7], $0x2FFFF;
	_ =	strace $0x9FFFFFFF  }
0xc3: {  	(tm) =	ssettm $0x7FFFFFFF  }
tec
execute0_lowered:
.L_overlay_start_1:
0x0: {  	(tag) =	ssettag $0x1  }
0x1: {  	s1 =	rddreg [dreg:$0x0]  }
0x2: {  	s0 =	rddreg [dreg:$0x1];
	s18 =	stileid.u32  }
0x3: {  	s3 =	srdreg.scid;
	s22 =	smul.u32 $0x780, s18  }
0x4: {  	s2 =	rddreg [dreg:$0x2];
	s9 =	smul.u32 $0x278, s18  }
0x5: {  	s19 =	simm.s32 $0x3C80;
	s28 =	simm.s32 $0x2;
	s10 =	smul.u32 $0x4F000, s18  }
0x6: {  	s29 =	simm.s32 $0x3D80;
	s4 =	sand.u32 $0x1, s3;
	s31 =	smul.u32 $0x2780, s18  }
0x7: {  	s30 =	simm.s32 $0x0;
	s3 =	simm.s32 $0x0;
	s5 =	smul.u32 $0x7800, s4  }
0x8: {  	s18 =	simm.s32 $0x3C00;
	[smem:$0x7FF] =	sst s3;
	s6 =	smul.u32 $0x27800, s4  }
0x9: {  	s21 =	ssub.s32 $0x2, s4;
	p0 =	seq.s32 s4, $0x0;
	s4 =	simm.s32 $0x78  }
0xa: {  	_ =	strace $0x80000047;
	s8 =	sshrl.u32 s21, $0x1;
	s4 =	simm.s32 @!p0 $0x28  }
0xb: {  	s14 =	sadd.s32 $0x80, s9;
	s23 =	sshrl.u32 s10, $0x2;
	s15 =	sadd.s32 $0x100, s9  }
0xc: {  	s16 =	sadd.s32 $0x180, s9;
	s17 =	sadd.s32 $0x200, s9;
	s7 =	sadd.s32 s5, s0  }
0xd: {  	s0 =	sadd.s32 s6, s0;
	s5 =	ssub.s32 s21, s8;
	s13 =	sadd.s32 $0xFFFFFFFF, s4  }
0xe: {  	s24 =	sshll.u32 s14, $0x7;
	s25 =	sshll.u32 s15, $0x7;
	s26 =	sshll.u32 s16, $0x7  }
0xf: {  	s11 =	sshll.u32 s17, $0x7;
	s12 =	sshrl.u32 s4, $0x1;
	s21 =	sshll.u32 s14, $0x4  }
0x10: {  	s14 =	simm.s32 $0x3;
	s6 =	sadd.s32 s22, s7;
	s7 =	sadd.s32 s23, s2  }
0x11: {  	s8 =	sadd.s32 s24, s2;
	s9 =	sadd.s32 s25, s2;
	s10 =	sadd.s32 s26, s2  }
0x12: {  	s11 =	sadd.s32 s11, s2;
	s0 =	sadd.s32 $0x10E00, s0;
	s22 =	sshll.u32 s15, $0x4  }
0x13: {  	s23 =	sshll.u32 s16, $0x4;
	s24 =	sshll.u32 s17, $0x4;
	s15 =	simm.s32 $0x3E00  }
0x14: {  	s16 =	simm.s32 $0x1;
	s17 =	simm.s32 $0x80;
	s25 =	simm.s32 $0x7E00  }
0x15: {  	s26 =	simm.s32 $0x3D00;
	s6 =	sadd.s32 $0x1E00, s6;
	s20 =	sadd.s32 s31, s0  }
0x16: {  	s21 =	sadd.s32 s21, s0;
	s22 =	sadd.s32 s22, s0;
	s23 =	sadd.s32 s23, s0  }
0x17: {  	v0 =	vimm.f32 $0.0e+00;
	s24 =	sadd.s32 s24, s0;
	[dreg:$0x4] =	wrdreg s6;
	s6 =	smax.u32 s5, $0x1  }
.LBB2_1:
0x18: {  	s0 =	rddreg [dreg:$0x4]  }
0x19: {  	[tilespmem:s3], [sflag:$0x3] =	stream.linear.gather [hbm4b:s0+s3], $0x3C00, $0x38;
	[tilespmem:$0x1FA00] =	vst v63  }
0x1a: {  	_ =	swait.ge [sflag:s14], $0x3C00  }
0x1b: {  	[sflag:s14] =	ssyncset.done $0x0  }
0x1c: {  	s4 =	simm.s32 $0x200;
	s0 =	simm.s32 $0x0;
	[sflag:s14] =	ssyncadd.s32 $0xFFFFC400  }
.LBB2_2:
0x1d: {  	p0 =	sne.s32 s4, $0xFE00;
	[tilespmem:s0+$0x3E70] =	vst v0  }
0x1e: {  	[tilespmem:s0+$0x3E00] =	vst v0  }
0x1f: {  	[tilespmem:s0+$0x3E10] =	vst v0  }
.Ltmp0:
0x20: {  	[tilespmem:s0+$0x3E20] =	vst v0;
	(pc) =	sbr.rel @p0 .LBB2_2-.Ltmp0, $4  }
0x21: {  	[tilespmem:s0+$0x3E30] =	vst v0  }
0x22: {  	[tilespmem:s0+$0x3E40] =	vst v0  }
0x23: {  	[tilespmem:s0+$0x3E50] =	vst v0  }
0x24: {  	[tilespmem:s0+$0x3E60] =	vst v0;
	s0 =	sshra.s32 s4, $0x2;
	s4 =	sadd.s32 $0x200, s4  }
0x25: {  	[tilespmem:s0+$0x3E70] =	vst v0  }
0x26: {  	[tilespmem:s0+$0x3E00] =	vst v0  }
0x27: {  	[tilespmem:s0+$0x3E10] =	vst v0  }
0x28: {  	[tilespmem:s0+$0x3E20] =	vst v0  }
0x29: {  	[tilespmem:s0+$0x3E30] =	vst v0  }
0x2a: {  	[tilespmem:s0+$0x3E40] =	vst v0  }
0x2b: {  	[tilespmem:s0+$0x3E50] =	vst v0  }
0x2c: {  	[tilespmem:s0+$0x3E60] =	vst v0  }
0x2d: {  	[spmem:s7] =	stream.linear.scatter [tilespmem:s15], [sflag:$0x1], $0x4000, $0x38;
	[tilespmem:$0x1FA00] =	vst v63  }
0x2e: {  	_ = 	snop  }
0x2f: {  	[spmem:s8] =	stream.linear.scatter [tilespmem:s15], [sflag:$0x1], $0x4000, $0x38;
	[tilespmem:$0x1FA00] =	vst v63  }
0x30: {  	_ = 	snop  }
0x31: {  	[spmem:s9] =	stream.linear.scatter [tilespmem:s15], [sflag:$0x1], $0x4000, $0x38;
	[tilespmem:$0x1FA00] =	vst v63  }
0x32: {  	_ = 	snop  }
0x33: {  	[spmem:s10] =	stream.linear.scatter [tilespmem:s15], [sflag:$0x1], $0x4000, $0x38;
	[tilespmem:$0x1FA00] =	vst v63  }
0x34: {  	_ = 	snop  }
0x35: {  	[spmem:s11] =	stream.linear.scatter [tilespmem:s15], [sflag:$0x1], $0x3C00, $0x38;
	[tilespmem:$0x1FA00] =	vst v63  }
0x36: {  	_ =	swait.ge [sflag:s16], $0x4000  }
0x37: {  	[sflag:s16] =	ssyncset.done $0x0  }
0x38: {  	[sflag:s16] =	ssyncadd.s32 $0xFFFFC000  }
0x39: {  	_ =	swait.ge [sflag:s16], $0x4000  }
0x3a: {  	[sflag:s16] =	ssyncset.done $0x0  }
0x3b: {  	[sflag:s16] =	ssyncadd.s32 $0xFFFFC000  }
0x3c: {  	_ =	swait.ge [sflag:s16], $0x4000  }
0x3d: {  	[sflag:s16] =	ssyncset.done $0x0  }
0x3e: {  	[sflag:s16] =	ssyncadd.s32 $0xFFFFC000  }
0x3f: {  	_ =	swait.ge [sflag:s16], $0x4000  }
0x40: {  	[sflag:s16] =	ssyncset.done $0x0  }
0x41: {  	[sflag:s16] =	ssyncadd.s32 $0xFFFFC000  }
0x42: {  	_ =	swait.ge [sflag:s16], $0x3C00  }
0x43: {  	[sflag:s16] =	ssyncset.done $0x0  }
0x44: {  	[sflag:s16] =	ssyncadd.s32 $0xFFFFC400  }
0x45: {  	[bflag:$0x0] =	sbarrier.arrive $0xFFFF  }
0x46: {  	v1 =	vld [tilespmem:$0x0];
	_ =	sdelay $0x1  }
0x47: {  	v2 =	vld [tilespmem:$0x10];
	_ =	sdelay $0x1  }
0x48: {  	v3 =	vld [tilespmem:$0x20]  }
0x49: {  	v4 =	vand.u32 $0xFFFF, v1  }
0x4a: {  	v59 =	vld [tilespmem:$0x30];
	v1 =	vshrl.u32 v1, $0x10;
	[tilespmem:$0x3C00] =	vst v4  }
0x4b: {  	[tilespmem:$0x3D00] =	vst v1;
	v1 =	vand.u32 $0xFFFF, v2  }
0x4c: {  	[tilespmem:$0x3C10] =	vst v1;
	v1 =	vshrl.u32 v2, $0x10;
	v2 =	vld [tilespmem:$0x40]  }
0x4d: {  	[tilespmem:$0x3D10] =	vst v1;
	v1 =	vand.u32 $0xFFFF, v3  }
0x4e: {  	[tilespmem:$0x3C20] =	vst v1;
	v1 =	vshrl.u32 v3, $0x10;
	v3 =	vld [tilespmem:$0x50]  }
0x4f: {  	[tilespmem:$0x3D20] =	vst v1;
	v1 =	vand.u32 $0xFFFF, v59  }
0x50: {  	v60 =	vld [tilespmem:$0x60];
	[tilespmem:$0x3C30] =	vst v1;
	v1 =	vshrl.u32 v59, $0x10  }
0x51: {  	[tilespmem:$0x3D30] =	vst v1;
	v1 =	vand.u32 $0xFFFF, v2  }
0x52: {  	[tilespmem:$0x3C40] =	vst v1;
	v1 =	vshrl.u32 v2, $0x10;
	v2 =	vld [tilespmem:$0x70]  }
0x53: {  	[tilespmem:$0x3D40] =	vst v1;
	v1 =	vand.u32 $0xFFFF, v3  }
0x54: {  	[tilespmem:$0x3C50] =	vst v1;
	v1 =	vshrl.u32 v3, $0x10  }
0x55: {  	[tilespmem:$0x3D50] =	vst v1;
	v1 =	vand.u32 $0xFFFF, v60  }
0x56: {  	[tilespmem:$0x3C60] =	vst v1;
	v1 =	vshrl.u32 v60, $0x10  }
0x57: {  	[tilespmem:$0x3D60] =	vst v1;
	v1 =	vand.u32 $0xFFFF, v2  }
0x58: {  	[tilespmem:$0x3C70] =	vst v1;
	v1 =	vshrl.u32 v2, $0x10  }
0x59: {  	[tilespmem:$0x3D70] =	vst v1  }
0x5a: {  	[tilespmem:s15], [sflag:$0x1] =	stream.indirect.gather [hbm4b:s1+s17], $0x80, s18, s17, $0xb8;
	[tilespmem:$0x1FA00] =	vst v63  }
0x5b: {  	v1 =	vld [tilespmem:$0x80];
	_ =	sdelay $0x1  }
0x5c: {  	v2 =	vld [tilespmem:$0x90];
	_ =	sdelay $0x1  }
0x5d: {  	v3 =	vld [tilespmem:$0xA0]  }
0x5e: {  	v61 =	vand.u32 $0xFFFF, v1  }
0x5f: {  	v62 =	vld [tilespmem:$0xB0];
	v1 =	vshrl.u32 v1, $0x10;
	[tilespmem:$0x3C80] =	vst v61  }
0x60: {  	[tilespmem:$0x3D80] =	vst v1;
	v1 =	vand.u32 $0xFFFF, v2  }
0x61: {  	[tilespmem:$0x3C90] =	vst v1;
	v1 =	vshrl.u32 v2, $0x10;
	v2 =	vld [tilespmem:$0xC0]  }
0x62: {  	[tilespmem:$0x3D90] =	vst v1;
	v1 =	vand.u32 $0xFFFF, v3  }
0x63: {  	[tilespmem:$0x3CA0] =	vst v1;
	v1 =	vshrl.u32 v3, $0x10;
	v3 =	vld [tilespmem:$0xD0]  }
0x64: {  	[tilespmem:$0x3DA0] =	vst v1;
	v1 =	vand.u32 $0xFFFF, v62  }
0x65: {  	v63 =	vld [tilespmem:$0xE0];
	[tilespmem:$0x3CB0] =	vst v1;
	v1 =	vshrl.u32 v62, $0x10  }
0x66: {  	[tilespmem:$0x3DB0] =	vst v1;
	v1 =	vand.u32 $0xFFFF, v2  }
0x67: {  	[tilespmem:$0x3CC0] =	vst v1;
	v1 =	vshrl.u32 v2, $0x10;
	v2 =	vld [tilespmem:$0xF0]  }
0x68: {  	[tilespmem:$0x3DC0] =	vst v1;
	v1 =	vand.u32 $0xFFFF, v3  }
0x69: {  	[tilespmem:$0x3CD0] =	vst v1;
	v1 =	vshrl.u32 v3, $0x10  }
0x6a: {  	[tilespmem:$0x3DD0] =	vst v1;
	v1 =	vand.u32 $0xFFFF, v63  }
0x6b: {  	[tilespmem:$0x3CE0] =	vst v1;
	v1 =	vshrl.u32 v63, $0x10  }
0x6c: {  	[tilespmem:$0x3DE0] =	vst v1;
	v1 =	vand.u32 $0xFFFF, v2  }
0x6d: {  	[tilespmem:$0x3CF0] =	vst v1;
	v1 =	vshrl.u32 v2, $0x10  }
0x6e: {  	[tilespmem:$0x3DF0] =	vst v1  }
0x6f: {  	[tilespmem:s25], [sflag:$0x2] =	stream.indirect.gather [hbm4b:s1+s17], $0x80, s19, s17, $0xb8;
	[tilespmem:$0x1FA00] =	vst v63  }
0x70: {  	_ =	swait.ge [sflag:s16], $0x4000  }
0x71: {  	s31 =	simm.s32 $0x2;
	[sflag:s16] =	ssyncset.done $0x0  }
0x72: {  	p0 =	sgt.s32 s13, $0x2;
	s0 =	smov.u32 s13;
	[sflag:s16] =	ssyncadd.s32 $0xFFFFC000  }
0x73: {  	[spmem:s2] =	stream.indirect.scatter.add.f32 [tilespmem:s15], [sflag:$0x3], $0x80, s26, s17, $0xb8;
	[tilespmem:$0x1FA00] =	vst v63  }
0x74: {  	s0 =	smov.u32 @p0 s31;
	_ =	swait.ge [sflag:s14], $0x4000  }
0x75: {  	s0 =	sshll.u32 s0, $0x9;
	[sflag:s14] =	ssyncset.done $0x0  }
0x76: {  	s0 =	sshra.s32 s0, $0x2;
	[sflag:s14] =	ssyncadd.s32 $0xFFFFC000  }
0x77: {  	v1 =	vld [tilespmem:s0+$0x0];
	_ =	sdelay $0x4  }
0x78: {  	v2 =	vand.u32 $0xFFFF, v1  }
0x79: {  	v1 =	vshrl.u32 v1, $0x10;
	[tilespmem:$0x3C00] =	vst v2  }
0x7a: {  	[tilespmem:$0x3D00] =	vst v1  }
0x7b: {  	v1 =	vld [tilespmem:s0+$0x10];
	_ =	sdelay $0x4  }
0x7c: {  	v2 =	vand.u32 $0xFFFF, v1  }
0x7d: {  	v1 =	vshrl.u32 v1, $0x10;
	[tilespmem:$0x3C10] =	vst v2  }
0x7e: {  	[tilespmem:$0x3D10] =	vst v1  }
0x7f: {  	v1 =	vld [tilespmem:s0+$0x20];
	_ =	sdelay $0x4  }
0x80: {  	v2 =	vand.u32 $0xFFFF, v1  }
0x81: {  	v1 =	vshrl.u32 v1, $0x10;
	[tilespmem:$0x3C20] =	vst v2  }
0x82: {  	[tilespmem:$0x3D20] =	vst v1  }
0x83: {  	v1 =	vld [tilespmem:s0+$0x30];
	_ =	sdelay $0x4  }
0x84: {  	v2 =	vand.u32 $0xFFFF, v1  }
0x85: {  	v1 =	vshrl.u32 v1, $0x10;
	[tilespmem:$0x3C30] =	vst v2  }
0x86: {  	[tilespmem:$0x3D30] =	vst v1  }
0x87: {  	v1 =	vld [tilespmem:s0+$0x40];
	_ =	sdelay $0x4  }
0x88: {  	v2 =	vand.u32 $0xFFFF, v1  }
0x89: {  	v1 =	vshrl.u32 v1, $0x10;
	[tilespmem:$0x3C40] =	vst v2  }
0x8a: {  	[tilespmem:$0x3D40] =	vst v1  }
0x8b: {  	v1 =	vld [tilespmem:s0+$0x50];
	_ =	sdelay $0x4  }
0x8c: {  	v2 =	vand.u32 $0xFFFF, v1  }
0x8d: {  	v1 =	vshrl.u32 v1, $0x10;
	[tilespmem:$0x3C50] =	vst v2  }
0x8e: {  	[tilespmem:$0x3D50] =	vst v1  }
0x8f: {  	v1 =	vld [tilespmem:s0+$0x60];
	_ =	sdelay $0x4  }
0x90: {  	v2 =	vand.u32 $0xFFFF, v1  }
0x91: {  	v1 =	vshrl.u32 v1, $0x10;
	[tilespmem:$0x3C60] =	vst v2  }
0x92: {  	[tilespmem:$0x3D60] =	vst v1  }
0x93: {  	v1 =	vld [tilespmem:s0+$0x70];
	_ =	sdelay $0x4  }
0x94: {  	v2 =	vand.u32 $0xFFFF, v1  }
0x95: {  	v1 =	vshrl.u32 v1, $0x10;
	[tilespmem:$0x3C70] =	vst v2  }
0x96: {  	[tilespmem:$0x3D70] =	vst v1  }
0x97: {  	[tilespmem:s15], [sflag:$0x1] =	stream.indirect.gather [hbm4b:s1+s17], $0x80, s18, s17, $0xb8;
	[tilespmem:$0x1FA00] =	vst v63  }
0x98: {  	_ =	swait.ge [sflag:s28], $0x4000  }
0x99: {  	s4 =	smov.u32 s13;
	[sflag:s28] =	ssyncset.done $0x0  }
0x9a: {  	p0 =	sgt.s32 s13, $0x3;
	s0 =	simm.s32 $0x3;
	[sflag:s28] =	ssyncadd.s32 $0xFFFFC000  }
0x9b: {  	[spmem:s2] =	stream.indirect.scatter.add.f32 [tilespmem:s25], [sflag:$0x3], $0x80, s29, s17, $0xb8;
	[tilespmem:$0x1FA00] =	vst v63  }
0x9c: {  	s4 =	smov.u32 @p0 s0;
	_ =	swait.ge [sflag:s14], $0x4000  }
0x9d: {  	s0 =	sshll.u32 s4, $0x9;
	[sflag:s14] =	ssyncset.done $0x0  }
0x9e: {  	s4 =	sshra.s32 s0, $0x2;
	[sflag:s14] =	ssyncadd.s32 $0xFFFFC000  }
0x9f: {  	v1 =	vld [tilespmem:s4+$0x0];
	_ =	sdelay $0x4  }
0xa0: {  	v2 =	vand.u32 $0xFFFF, v1  }
0xa1: {  	v1 =	vshrl.u32 v1, $0x10;
	[tilespmem:$0x3C80] =	vst v2  }
0xa2: {  	[tilespmem:$0x3D80] =	vst v1  }
0xa3: {  	v1 =	vld [tilespmem:s4+$0x10];
	_ =	sdelay $0x4  }
0xa4: {  	v2 =	vand.u32 $0xFFFF, v1  }
0xa5: {  	v1 =	vshrl.u32 v1, $0x10;
	[tilespmem:$0x3C90] =	vst v2  }
0xa6: {  	[tilespmem:$0x3D90] =	vst v1  }
0xa7: {  	v1 =	vld [tilespmem:s4+$0x20];
	_ =	sdelay $0x4  }
0xa8: {  	v2 =	vand.u32 $0xFFFF, v1  }
0xa9: {  	v1 =	vshrl.u32 v1, $0x10;
	[tilespmem:$0x3CA0] =	vst v2  }
0xaa: {  	[tilespmem:$0x3DA0] =	vst v1  }
0xab: {  	v1 =	vld [tilespmem:s4+$0x30];
	_ =	sdelay $0x4  }
0xac: {  	v2 =	vand.u32 $0xFFFF, v1  }
0xad: {  	v1 =	vshrl.u32 v1, $0x10;
	[tilespmem:$0x3CB0] =	vst v2  }
0xae: {  	[tilespmem:$0x3DB0] =	vst v1  }
0xaf: {  	v1 =	vld [tilespmem:s4+$0x40];
	_ =	sdelay $0x4  }
0xb0: {  	v2 =	vand.u32 $0xFFFF, v1  }
0xb1: {  	v1 =	vshrl.u32 v1, $0x10;
	[tilespmem:$0x3CC0] =	vst v2  }
0xb2: {  	[tilespmem:$0x3DC0] =	vst v1  }
0xb3: {  	v1 =	vld [tilespmem:s4+$0x50];
	_ =	sdelay $0x1  }
0xb4: {  	p0 =	sne.s32 s12, $0x1  }
.Ltmp1:
0xb5: {  	_ = 	snop;
	(pc) =	sbr.rel @!p0 .LBB2_5-.Ltmp1, $4  }
0xb6: {  	_ = 	snop  }
0xb7: {  	v2 =	vand.u32 $0xFFFF, v1  }
0xb8: {  	v1 =	vshrl.u32 v1, $0x10;
	[tilespmem:$0x3CD0] =	vst v2  }
0xb9: {  	s0 =	sadd.s32 $0xFFFFFFFF, s12;
	[tilespmem:$0x3DD0] =	vst v1  }
.LBB2_4:
0xba: {  	p0 =	sne.s32 s0, $0x1;
	s0 =	sadd.s32 $0xFFFFFFFF, s0;
	v1 =	vld [tilespmem:s4+$0x60];
	s31 =	sadd.s32 $0x2, s31  }
0xbb: {  	_ =	sdelay $0x3  }
0xbc: {  	v2 =	vand.u32 $0xFFFF, v1;
	v1 =	vshrl.u32 v1, $0x10  }
0xbd: {  	[tilespmem:$0x3CE0] =	vst v2  }
0xbe: {  	[tilespmem:$0x3DE0] =	vst v1  }
0xbf: {  	v1 =	vld [tilespmem:s4+$0x70];
	_ =	sdelay $0x4  }
0xc0: {  	v2 =	vand.u32 $0xFFFF, v1;
	v1 =	vshrl.u32 v1, $0x10  }
0xc1: {  	[tilespmem:$0x3CF0] =	vst v2  }
0xc2: {  	[tilespmem:$0x3DF0] =	vst v1  }
0xc3: {  	[tilespmem:s25], [sflag:$0x2] =	stream.indirect.gather [hbm4b:s1+s17], $0x80, s19, s17, $0xb8;
	[tilespmem:$0x1FA00] =	vst v63  }
0xc4: {  	_ =	swait.ge [sflag:s16], $0x4000  }
0xc5: {  	[sflag:s16] =	ssyncset.done $0x0  }
0xc6: {  	p1 =	slt.s32 s31, s13;
	s4 =	smov.u32 s13;
	[sflag:s16] =	ssyncadd.s32 $0xFFFFC000  }
0xc7: {  	[spmem:s2] =	stream.indirect.scatter.add.f32 [tilespmem:s15], [sflag:$0x3], $0x80, s26, s17, $0xb8;
	[tilespmem:$0x1FA00] =	vst v63  }
0xc8: {  	s4 =	smov.u32 @p1 s31;
	_ =	swait.ge [sflag:s14], $0x4000  }
0xc9: {  	s4 =	sshll.u32 s4, $0x9;
	[sflag:s14] =	ssyncset.done $0x0  }
0xca: {  	s4 =	sshra.s32 s4, $0x2;
	[sflag:s14] =	ssyncadd.s32 $0xFFFFC000  }
0xcb: {  	v1 =	vld [tilespmem:s4+$0x0];
	_ =	sdelay $0x4  }
0xcc: {  	v2 =	vand.u32 $0xFFFF, v1;
	v1 =	vshrl.u32 v1, $0x10  }
0xcd: {  	[tilespmem:$0x3C00] =	vst v2  }
0xce: {  	[tilespmem:$0x3D00] =	vst v1  }
0xcf: {  	v1 =	vld [tilespmem:s4+$0x10];
	_ =	sdelay $0x4  }
0xd0: {  	v2 =	vand.u32 $0xFFFF, v1;
	v1 =	vshrl.u32 v1, $0x10  }
0xd1: {  	[tilespmem:$0x3C10] =	vst v2  }
0xd2: {  	[tilespmem:$0x3D10] =	vst v1  }
0xd3: {  	v1 =	vld [tilespmem:s4+$0x20];
	_ =	sdelay $0x4  }
0xd4: {  	v2 =	vand.u32 $0xFFFF, v1;
	v1 =	vshrl.u32 v1, $0x10  }
0xd5: {  	[tilespmem:$0x3C20] =	vst v2  }
0xd6: {  	[tilespmem:$0x3D20] =	vst v1  }
0xd7: {  	v1 =	vld [tilespmem:s4+$0x30];
	_ =	sdelay $0x4  }
0xd8: {  	v2 =	vand.u32 $0xFFFF, v1;
	v1 =	vshrl.u32 v1, $0x10  }
0xd9: {  	[tilespmem:$0x3C30] =	vst v2  }
0xda: {  	[tilespmem:$0x3D30] =	vst v1  }
0xdb: {  	v1 =	vld [tilespmem:s4+$0x40];
	_ =	sdelay $0x4  }
0xdc: {  	v2 =	vand.u32 $0xFFFF, v1;
	v1 =	vshrl.u32 v1, $0x10  }
0xdd: {  	[tilespmem:$0x3C40] =	vst v2  }
0xde: {  	[tilespmem:$0x3D40] =	vst v1  }
0xdf: {  	v1 =	vld [tilespmem:s4+$0x50];
	_ =	sdelay $0x4  }
0xe0: {  	v2 =	vand.u32 $0xFFFF, v1;
	v1 =	vshrl.u32 v1, $0x10  }
0xe1: {  	[tilespmem:$0x3C50] =	vst v2  }
0xe2: {  	[tilespmem:$0x3D50] =	vst v1  }
0xe3: {  	v1 =	vld [tilespmem:s4+$0x60];
	_ =	sdelay $0x4  }
0xe4: {  	v2 =	vand.u32 $0xFFFF, v1;
	v1 =	vshrl.u32 v1, $0x10  }
0xe5: {  	[tilespmem:$0x3C60] =	vst v2  }
0xe6: {  	[tilespmem:$0x3D60] =	vst v1  }
0xe7: {  	v1 =	vld [tilespmem:s4+$0x70];
	_ =	sdelay $0x2  }
0xe8: {  	s4 =	sadd.s32 $0x1, s31  }
0xe9: {  	s5 =	smov.u32 s13;
	p1 =	slt.s32 s4, s13  }
0xea: {  	s5 =	smov.u32 @p1 s4;
	v2 =	vand.u32 $0xFFFF, v1;
	v1 =	vshrl.u32 v1, $0x10  }
0xeb: {  	s4 =	sshll.u32 s5, $0x9;
	[tilespmem:$0x3C70] =	vst v2  }
0xec: {  	s4 =	sshra.s32 s4, $0x2;
	[tilespmem:$0x3D70] =	vst v1  }
0xed: {  	[tilespmem:s15], [sflag:$0x1] =	stream.indirect.gather [hbm4b:s1+s17], $0x80, s18, s17, $0xb8;
	[tilespmem:$0x1FA00] =	vst v63  }
0xee: {  	_ =	swait.ge [sflag:s28], $0x4000  }
0xef: {  	[sflag:s28] =	ssyncset.done $0x0  }
0xf0: {  	[sflag:s28] =	ssyncadd.s32 $0xFFFFC000  }
0xf1: {  	[spmem:s2] =	stream.indirect.scatter.add.f32 [tilespmem:s25], [sflag:$0x3], $0x80, s29, s17, $0xb8;
	[tilespmem:$0x1FA00] =	vst v63  }
0xf2: {  	_ =	swait.ge [sflag:s14], $0x4000  }
0xf3: {  	[sflag:s14] =	ssyncset.done $0x0  }
0xf4: {  	[sflag:s14] =	ssyncadd.s32 $0xFFFFC000  }
0xf5: {  	v1 =	vld [tilespmem:s4+$0x0];
	_ =	sdelay $0x4  }
0xf6: {  	v2 =	vand.u32 $0xFFFF, v1;
	v1 =	vshrl.u32 v1, $0x10  }
0xf7: {  	[tilespmem:$0x3C80] =	vst v2  }
0xf8: {  	[tilespmem:$0x3D80] =	vst v1  }
0xf9: {  	v1 =	vld [tilespmem:s4+$0x10];
	_ =	sdelay $0x4  }
0xfa: {  	v2 =	vand.u32 $0xFFFF, v1;
	v1 =	vshrl.u32 v1, $0x10  }
0xfb: {  	[tilespmem:$0x3C90] =	vst v2  }
0xfc: {  	[tilespmem:$0x3D90] =	vst v1  }
0xfd: {  	v1 =	vld [tilespmem:s4+$0x20];
	_ =	sdelay $0x4  }
0xfe: {  	v2 =	vand.u32 $0xFFFF, v1;
	v1 =	vshrl.u32 v1, $0x10  }
0xff: {  	[tilespmem:$0x3CA0] =	vst v2  }
0x100: {  	[tilespmem:$0x3DA0] =	vst v1  }
0x101: {  	v1 =	vld [tilespmem:s4+$0x30];
	_ =	sdelay $0x4  }
0x102: {  	v2 =	vand.u32 $0xFFFF, v1;
	v1 =	vshrl.u32 v1, $0x10  }
0x103: {  	[tilespmem:$0x3CB0] =	vst v2  }
0x104: {  	[tilespmem:$0x3DB0] =	vst v1  }
0x105: {  	v1 =	vld [tilespmem:s4+$0x40];
	_ =	sdelay $0x4  }
0x106: {  	v2 =	vand.u32 $0xFFFF, v1;
	v1 =	vshrl.u32 v1, $0x10  }
0x107: {  	[tilespmem:$0x3CC0] =	vst v2  }
0x108: {  	[tilespmem:$0x3DC0] =	vst v1  }
0x109: {  	v1 =	vld [tilespmem:s4+$0x50];
	_ =	sdelay $0x2  }
.Ltmp2:
0x10a: {  	(pc) =	sbr.rel @p0 .LBB2_4-.Ltmp2, $4  }
0x10b: {  	_ = 	snop  }
0x10c: {  	v2 =	vand.u32 $0xFFFF, v1;
	v1 =	vshrl.u32 v1, $0x10  }
0x10d: {  	[tilespmem:$0x3CD0] =	vst v2  }
0x10e: {  	[tilespmem:$0x3DD0] =	vst v1  }
.LBB2_5:
0x10f: {  	v1 =	vld [tilespmem:s4+$0x60];
	_ =	sdelay $0x4  }
0x110: {  	v2 =	vand.u32 $0xFFFF, v1  }
0x111: {  	v1 =	vshrl.u32 v1, $0x10;
	[tilespmem:$0x3CE0] =	vst v2  }
0x112: {  	[tilespmem:$0x3DE0] =	vst v1  }
0x113: {  	v1 =	vld [tilespmem:s4+$0x70];
	_ =	sdelay $0x4  }
0x114: {  	v2 =	vand.u32 $0xFFFF, v1  }
0x115: {  	v1 =	vshrl.u32 v1, $0x10;
	[tilespmem:$0x3CF0] =	vst v2  }
0x116: {  	[tilespmem:$0x3DF0] =	vst v1  }
0x117: {  	[tilespmem:s25], [sflag:$0x2] =	stream.indirect.gather [hbm4b:s1+s17], $0x80, s19, s17, $0xb8;
	[tilespmem:$0x1FA00] =	vst v63  }
0x118: {  	_ =	swait.ge [sflag:s16], $0x4000  }
0x119: {  	[sflag:s16] =	ssyncset.done $0x0  }
0x11a: {  	[sflag:s16] =	ssyncadd.s32 $0xFFFFC000  }
0x11b: {  	_ =	swait.ge [sflag:s28], $0x4000  }
0x11c: {  	[sflag:s28] =	ssyncset.done $0x0  }
0x11d: {  	[sflag:s28] =	ssyncadd.s32 $0xFFFFC000  }
0x11e: {  	[bflag:$0x0] =	sbarrier.arrive $0xFFFF  }
0x11f: {  	[tilespmem:s15], [sflag:$0x3] =	stream.linear.gather [spmem:s7], $0x4000, $0x38;
	[tilespmem:$0x1FA00] =	vst v63  }
0x120: {  	_ =	swait.ge [sflag:s14], $0x4000  }
0x121: {  	[sflag:s14] =	ssyncset.done $0x0  }
0x122: {  	[sflag:s14] =	ssyncadd.s32 $0xFFFFC000  }
0x123: {  	[hbm4b:s20+s3] =	stream.linear.scatter [tilespmem:s15], [sflag:$0x1], $0x4000, $0x38;
	[tilespmem:$0x1FA00] =	vst v63  }
0x124: {  	_ = 	snop  }
0x125: {  	[tilespmem:s25], [sflag:$0x3] =	stream.linear.gather [spmem:s8], $0x4000, $0x38;
	[tilespmem:$0x1FA00] =	vst v63  }
0x126: {  	_ =	swait.ge [sflag:s14], $0x4000  }
0x127: {  	[sflag:s14] =	ssyncset.done $0x0  }
0x128: {  	[sflag:s14] =	ssyncadd.s32 $0xFFFFC000  }
0x129: {  	[hbm4b:s21+s3] =	stream.linear.scatter [tilespmem:s25], [sflag:$0x2], $0x4000, $0x38;
	[tilespmem:$0x1FA00] =	vst v63  }
0x12a: {  	_ =	swait.ge [sflag:s16], $0x4000  }
0x12b: {  	[sflag:s16] =	ssyncset.done $0x0  }
0x12c: {  	[sflag:s16] =	ssyncadd.s32 $0xFFFFC000  }
0x12d: {  	[tilespmem:s15], [sflag:$0x3] =	stream.linear.gather [spmem:s9], $0x4000, $0x38;
	[tilespmem:$0x1FA00] =	vst v63  }
0x12e: {  	_ =	swait.ge [sflag:s14], $0x4000  }
0x12f: {  	[sflag:s14] =	ssyncset.done $0x0  }
0x130: {  	[sflag:s14] =	ssyncadd.s32 $0xFFFFC000  }
0x131: {  	[hbm4b:s22+s3] =	stream.linear.scatter [tilespmem:s15], [sflag:$0x1], $0x4000, $0x38;
	[tilespmem:$0x1FA00] =	vst v63  }
0x132: {  	_ =	swait.ge [sflag:s28], $0x4000  }
0x133: {  	[sflag:s28] =	ssyncset.done $0x0  }
0x134: {  	[sflag:s28] =	ssyncadd.s32 $0xFFFFC000  }
0x135: {  	[tilespmem:s25], [sflag:$0x3] =	stream.linear.gather [spmem:s10], $0x4000, $0x38;
	[tilespmem:$0x1FA00] =	vst v63  }
0x136: {  	_ =	swait.ge [sflag:s14], $0x4000  }
0x137: {  	[sflag:s14] =	ssyncset.done $0x0  }
0x138: {  	[sflag:s14] =	ssyncadd.s32 $0xFFFFC000  }
0x139: {  	[hbm4b:s23+s3] =	stream.linear.scatter [tilespmem:s25], [sflag:$0x2], $0x4000, $0x38;
	[tilespmem:$0x1FA00] =	vst v63  }
0x13a: {  	_ =	swait.ge [sflag:s16], $0x4000  }
0x13b: {  	[sflag:s16] =	ssyncset.done $0x0  }
0x13c: {  	[sflag:s16] =	ssyncadd.s32 $0xFFFFC000  }
0x13d: {  	[tilespmem:s15], [sflag:$0x3] =	stream.linear.gather [spmem:s11], $0x3C00, $0x38;
	[tilespmem:$0x1FA00] =	vst v63  }
0x13e: {  	_ =	swait.ge [sflag:s14], $0x3C00  }
0x13f: {  	[sflag:s14] =	ssyncset.done $0x0  }
0x140: {  	s30 =	sadd.s32 $0x1, s30;
	[sflag:s14] =	ssyncadd.s32 $0xFFFFC400  }
0x141: {  	[hbm4b:s24+s3] =	stream.linear.scatter [tilespmem:s15], [sflag:$0x1], $0x3C00, $0x38;
	[tilespmem:$0x1FA00] =	vst v63  }
0x142: {  	p0 =	sne.s32 s30, s6;
	_ =	swait.ge [sflag:s28], $0x4000  }
.Ltmp3:
0x143: {  	[sflag:s28] =	ssyncset.done $0x0;
	(pc) =	sbr.rel @p0 .LBB2_1-.Ltmp3, $4  }
0x144: {  	[sflag:s28] =	ssyncadd.s32 $0xFFFFC000  }
0x145: {  	_ =	swait.ge [sflag:s16], $0x3C00  }
0x146: {  	[sflag:s16] =	ssyncset.done $0x0  }
0x147: {  	[sflag:s16] =	ssyncadd.s32 $0xFFFFC400  }
0x148: {  	_ =	sfence.sel $0x180000  }
0x149: {  	[bflag:$0x0] =	sbarrier.arrive $0xFFFF  }
0x14a: {  	_ =	strace $0x90000047  }
0x14b: {  	s0 =	stileid.u32;
	[bflag:$0x2] =	sbarrier.arrive $0xFFFF  }
0x14c: {  	p0 =	sne.s32 s0, $0x0;
	s0 =	rddreg [dreg:$0x3]  }
0x14d: {  	s0 =	sadd.s32 @!p0 $0x100000, s0  }
0x14e: {  	[sflag:s0] =	ssyncadd.tile.s32 @!p0 $0x1;
	_ =	shalt  }
.Lfunc_end2:
_tile_overlayer_lowered:
.L_overlay_start_2:
0x14f: {  	(tag) =	ssettag $0x2  }
0x150: {  	s0 =	rddreg [dreg:$0x0];
	s2 =	stileid.u32  }
0x151: {  	s1 =	rddreg [dreg:$0x1];
	p0 =	sne.s32 s2, $0x0  }
0x152: {  	s3 =	rddreg [dreg:$0x2];
	[bflag:$0x3] =	sbarrier.arrive $0xFFFF;
	s2 =	simm.s32 @!p0 $0x1C03  }
0x153: {  	[timem:s3], [sflag:s2] =	dma.local @!p0 [hbm:s0], s1  }
0x154: {  	s0 =	simm.s32 @!p0 $0x3  }
0x155: {  	_ =	swait.ge @!p0 [sflag:s0], s1  }
0x156: {  	s1 =	ssub.s32 @!p0 $0x0, s1;
	[sflag:s0] =	ssyncset.done @!p0 $0x0  }
0x157: {  	[sflag:s0] =	ssyncadd.s32 @!p0 s1  }
0x158: {  	[bflag:$0x3] =	sbarrier.arrive $0xFFFF  }
0x159: {  	_ =	shalt  }

</sc_bundles>
